<compile_context>
chip_gen: v7x
topology: tpu7x:2x2x1
jax: 0.10.2.dev20260603
libtpu: 0.0.44.dev20260713+nightly
codegen_flags: <defaults>
</compile_context>

<pallas_src>
import functools

import jax
import jax.numpy as jnp
from jax import lax
from jax.experimental import pallas as pl
from jax.experimental.pallas import tpu as pltpu
from jax.experimental.pallas import tpu_sc as plsc

N = 10000
E = 160000
D = 128
DE = 16

NC = 2
NS = 16
NW = NC * NS

NCH0 = 40
NCH1 = 40
CHUNK = 128
E0 = NS * NCH0 * CHUNK
NCHMAX = max(NCH0, NCH1)
NROWS_X = E0 // CHUNK + 15 * NCH1 + NCHMAX
NROWS_X = max((NROWS_X + 7) // 8 * 8, 1296)
EPADX = NROWS_X * CHUNK

CHUNKE = 125
NCHE = 40
EPTE = NCHE * CHUNKE

NPAD = 10112
ROWS_PT = NPAD // NS


def _tc1_body(xa_ref, xs_ref,
              wse1, wde1, wse2, wde2, wse3, wde3,
              s1, d1, s2, d2, s3, d3):
    xa = xa_ref[...]
    xs = xs_ref[...]
    dot = functools.partial(jnp.dot, preferred_element_type=jnp.float32)
    s1[...] = dot(xa, wse1[...])
    d1[...] = dot(xa, wde1[...])
    s2[...] = dot(xa, wse2[...])
    d2[...] = dot(xs, wde2[...])
    s3[...] = dot(xs, wse3[...])
    d3[...] = dot(xa, wde3[...])


def _tc2_body(a1, b1, a2, b2, a3, b3, xa_ref, xs_ref,
              wm1, we1, ws1, wm2, we2, ws2, wm3, we3, ws3,
              nap, nsta):
    xa = xa_ref[...]
    xs = xs_ref[...]
    dot = functools.partial(jnp.dot, preferred_element_type=jnp.float32)

    def dstd(a, b, wm, we, ws, x):
        a32 = a[0].astype(jnp.float32) + a[1].astype(jnp.float32)
        acc = dot(a32, wm[...]) + dot(b[0] + b[1], we[...])
        return jnp.maximum(acc + dot(x, ws[...]), 0.0)

    d_apap = dstd(a1[...], b1[...], wm1, we1, ws1, xa)
    d_apsta = dstd(a2[...], b2[...], wm2, we2, ws2, xs)
    d_staap = dstd(a3[...], b3[...], wm3, we3, ws3, xa)
    nap[...] = 0.5 * (d_apap + d_staap)
    nsta[...] = d_apsta


def _tc3_body(sg1, dg1, e1, sg2, dg2, e2, sg3, dg3, e3,
              wee1, wee2, wee3, o1, o2, o3):
    dot = functools.partial(jnp.dot, preferred_element_type=jnp.float32)
    o1[...] = jnp.maximum(sg1[...] + dg1[...] + dot(e1[...], wee1[...]), 0.0)
    o2[...] = jnp.maximum(sg2[...] + dg2[...] + dot(e2[...], wee2[...]), 0.0)
    o3[...] = jnp.maximum(sg3[...] + dg3[...] + dot(e3[...], wee3[...]), 0.0)


def kernel(x_ap, x_sta, edge_index_apap, edge_index_apsta, edge_index_staap,
           e_apap, e_apsta, e_staap,
           W_msg_apap, W_e_apap, W_self_apap, W_se_apap, W_de_apap, W_ee_apap,
           W_msg_apsta, W_e_apsta, W_self_apsta, W_se_apsta, W_de_apsta, W_ee_apsta,
           W_msg_staap, W_e_staap, W_self_staap, W_se_staap, W_de_staap, W_ee_staap):
    f32 = jnp.float32

    nb = 10
    blk = N // nb
    row_spec = pl.BlockSpec((blk, D), lambda i: (i, 0))
    w_spec = pl.BlockSpec((D, DE), lambda i: (0, 0))
    out16 = pl.BlockSpec((blk, DE), lambda i: (i, 0))
    s1, d1, s2, d2, s3, d3 = pl.pallas_call(
        _tc1_body,
        grid=(nb,),
        in_specs=[row_spec, row_spec] + [w_spec] * 6,
        out_specs=[out16] * 6,
        out_shape=[jax.ShapeDtypeStruct((N, DE), f32)] * 6,
    )(x_ap, x_sta,
      W_se_apap, W_de_apap, W_se_apsta, W_de_apsta, W_se_staap, W_de_staap)

    pad_n = EPADX - E

    pad_src = (jnp.arange(pad_n, dtype=jnp.int32) * 53) % N
    pad_dst = N + (jnp.arange(pad_n, dtype=jnp.int32) % (NPAD - N))

    def prep_idx_x(ei):
        src = jnp.concatenate([ei[0], pad_src])
        dst = jnp.concatenate([ei[1], pad_dst])
        return src.reshape(NROWS_X, CHUNK), dst.reshape(NROWS_X, CHUNK)

    def prep_idx_e(ei):
        return (ei[0].reshape(NW, NCHE, CHUNKE),
                ei[1].reshape(NW, NCHE, CHUNKE))

    sx1, dx1 = prep_idx_x(edge_index_apap)
    sx2, dx2 = prep_idx_x(edge_index_apsta)
    sx3, dx3 = prep_idx_x(edge_index_staap)
    se1, de1 = prep_idx_e(edge_index_apap)
    se2, de2 = prep_idx_e(edge_index_apsta)
    se3, de3 = prep_idx_e(edge_index_staap)
    zeros_a = jnp.zeros((ROWS_PT, D), f32)
    zeros_b = jnp.zeros((ROWS_PT, DE), f32)

    mesh = plsc.VectorSubcoreMesh(core_axis_name="c", subcore_axis_name="s")

    def make_p1():
        def body(xa, xs, si1, di1, si2, di2, si3, di3, za,
                 a1_out, a2_out, a3_out,
                 a_acc, src_v, dst_v, xb, gx0, gx1, tx0, tx1):
            gxs = (gx0, gx1)
            txs = (tx0, tx1)
            c = lax.axis_index("c")
            s = lax.axis_index("s")
            row0 = s * ROWS_PT
            rowbase = jnp.where(c == 0, s * NCH0, E0 // CHUNK + s * NCH1)
            nch = jnp.where(c == 0, NCH0, NCH1)

            def do_rel(x_src, src_i, dst_i, a_out):
                pltpu.sync_copy(src_i.at[pl.ds(rowbase, NCHMAX)], src_v)
                pltpu.sync_copy(dst_i.at[pl.ds(rowbase, NCHMAX)], dst_v)
                pltpu.sync_copy(za, a_acc.at[pl.ds(row0, ROWS_PT)])
                plsc.subcore_barrier()

                def gather(j, b):
                    return pltpu.make_async_copy(
                        x_src.at[src_v.at[j]], xb.at[b], gxs[b])

                def scat(j, b):
                    return pltpu.make_async_copy(
                        xb.at[b], a_acc.at[dst_v.at[j]], txs[b])

                gather(0, 0).start()

                @pl.loop(0, nch, step=2)
                def _(j):
                    for b in (0, 1):
                        jj = j + b
                        gather(jj, b).wait()

                        @pl.when(jj > 0)
                        def _():
                            scat(jj - 1, 1 - b).wait()

                        scat(jj, b).start(add=True)

                        @pl.when(jj + 1 < nch)
                        def _():
                            gather(jj + 1, 1 - b).start()

                scat(nch - 1, 1).wait()
                plsc.subcore_barrier()
                pltpu.sync_copy(a_acc.at[pl.ds(row0, ROWS_PT)],
                                a_out.at[c, pl.ds(row0, ROWS_PT)])

            do_rel(xa, si1, di1, a1_out)
            do_rel(xa, si2, di2, a2_out)
            do_rel(xs, si3, di3, a3_out)

        bf16 = jnp.bfloat16
        return pl.kernel(
            body,
            out_type=[jax.ShapeDtypeStruct((NC, NPAD, D), bf16)] * 3,
            mesh=mesh,
            compiler_params=pltpu.CompilerParams(use_tc_tiling_on_sc=False),
            scratch_types=[
                pltpu.VMEM_SHARED((NPAD, D), bf16),
                pltpu.VMEM((NCHMAX, CHUNK), jnp.int32),
                pltpu.VMEM((NCHMAX, CHUNK), jnp.int32),
                pltpu.VMEM((2, CHUNK, D), bf16),
            ] + [pltpu.SemaphoreType.DMA] * 4,
        )

    def make_p2():
        def body(st1, dt1, ep1, st2, dt2, ep2, st3, dt3, ep3,
                 si1, di1, si2, di2, si3, di3, zb,
                 b1_out, b2_out, b3_out, sg1_o, dg1_o, sg2_o, dg2_o, sg3_o, dg3_o,
                 b_acc, src_v, dst_v, eb, sb, db, ge, gs, gd, te, ts, td):
            c = lax.axis_index("c")
            s = lax.axis_index("s")
            wid = c * NS + s
            row0 = s * ROWS_PT

            def do_rel(s_tab, d_tab, e_raw, src_i, dst_i, b_out, sg_out, dg_out):
                pltpu.sync_copy(src_i.at[wid], src_v)
                pltpu.sync_copy(dst_i.at[wid], dst_v)
                pltpu.sync_copy(zb, b_acc.at[pl.ds(row0, ROWS_PT)])
                plsc.subcore_barrier()

                def gathers(j, b):
                    erow = wid * EPTE + j * CHUNKE
                    return (
                        pltpu.make_async_copy(
                            e_raw.at[pl.ds(erow, CHUNKE)], eb.at[b], ge),
                        pltpu.make_async_copy(
                            s_tab.at[src_v.at[j]], sb.at[b], gs),
                        pltpu.make_async_copy(
                            d_tab.at[dst_v.at[j]], db.at[b], gd),
                    )

                def stores(j, b):
                    erow = wid * EPTE + j * CHUNKE
                    return (
                        (pltpu.make_async_copy(
                            eb.at[b], b_acc.at[dst_v.at[j]], te), True),
                        (pltpu.make_async_copy(
                            sb.at[b], sg_out.at[pl.ds(erow, CHUNKE)], ts), False),
                        (pltpu.make_async_copy(
                            db.at[b], dg_out.at[pl.ds(erow, CHUNKE)], td), False),
                    )

                for dsc in gathers(0, 0):
                    dsc.start()

                @pl.loop(0, NCHE, step=2)
                def _(j):
                    for b in (0, 1):
                        jj = j + b
                        for dsc in gathers(jj, b):
                            dsc.wait()

                        @pl.when(jj > 0)
                        def _():
                            for dsc, _add in stores(jj - 1, 1 - b):
                                dsc.wait()

                        for dsc, _add in stores(jj, b):
                            dsc.start(add=_add)

                        @pl.when(jj + 1 < NCHE)
                        def _():
                            for dsc in gathers(jj + 1, 1 - b):
                                dsc.start()

                for dsc, _add in stores(NCHE - 1, (NCHE - 1) & 1):
                    dsc.wait()
                plsc.subcore_barrier()
                pltpu.sync_copy(b_acc.at[pl.ds(row0, ROWS_PT)],
                                b_out.at[c, pl.ds(row0, ROWS_PT)])

            do_rel(st1, dt1, ep1, si1, di1, b1_out, sg1_o, dg1_o)
            do_rel(st2, dt2, ep2, si2, di2, b2_out, sg2_o, dg2_o)
            do_rel(st3, dt3, ep3, si3, di3, b3_out, sg3_o, dg3_o)

        return pl.kernel(
            body,
            out_type=[jax.ShapeDtypeStruct((NC, NPAD, DE), f32)] * 3
                     + [jax.ShapeDtypeStruct((E, DE), f32)] * 6,
            mesh=mesh,
            compiler_params=pltpu.CompilerParams(use_tc_tiling_on_sc=False),
            scratch_types=[
                pltpu.VMEM_SHARED((NPAD, DE), f32),
                pltpu.VMEM((NCHE, CHUNKE), jnp.int32),
                pltpu.VMEM((NCHE, CHUNKE), jnp.int32),
                pltpu.VMEM((2, CHUNKE, DE), f32),
                pltpu.VMEM((2, CHUNKE, DE), f32),
                pltpu.VMEM((2, CHUNKE, DE), f32),
            ] + [pltpu.SemaphoreType.DMA] * 6,
        )

    a1o, a2o, a3o = make_p1()(x_ap.astype(jnp.bfloat16),
                              x_sta.astype(jnp.bfloat16),
                              sx1, dx1, sx2, dx2, sx3, dx3,
                              jnp.zeros((ROWS_PT, D), jnp.bfloat16))
    (b1o, b2o, b3o, sg1, dg1, sg2, dg2, sg3, dg3) = make_p2()(
        s1, d1, e_apap, s2, d2, e_apsta, s3, d3, e_staap,
        se1, de1, se2, de2, se3, de3, zeros_b)

    a_spec = pl.BlockSpec((NC, blk, D), lambda i: (0, i, 0))
    b_spec = pl.BlockSpec((NC, blk, DE), lambda i: (0, i, 0))
    wdd = pl.BlockSpec((D, D), lambda i: (0, 0))
    wed = pl.BlockSpec((DE, D), lambda i: (0, 0))
    outD = pl.BlockSpec((blk, D), lambda i: (i, 0))
    nap, nsta = pl.pallas_call(
        _tc2_body,
        grid=(nb,),
        in_specs=[a_spec, b_spec, a_spec, b_spec, a_spec, b_spec,
                  row_spec, row_spec,
                  wdd, wed, wdd, wdd, wed, wdd, wdd, wed, wdd],
        out_specs=[outD, outD],
        out_shape=[jax.ShapeDtypeStruct((N, D), f32)] * 2,
    )(a1o, b1o, a2o, b2o, a3o, b3o, x_ap, x_sta,
      W_msg_apap, W_e_apap, W_self_apap,
      W_msg_apsta, W_e_apsta, W_self_apsta,
      W_msg_staap, W_e_staap, W_self_staap)

    E8 = E // 8
    eb = 2000
    neb = E8 // eb
    eg_spec = pl.BlockSpec((eb, D), lambda i: (i, 0))
    wee_spec = pl.BlockSpec((D, D), lambda i: (0, 0))
    eye8 = jnp.eye(8, dtype=f32)
    pk = lambda a: a.reshape(E8, D)
    eo1, eo2, eo3 = pl.pallas_call(
        _tc3_body,
        grid=(neb,),
        in_specs=[eg_spec] * 9 + [wee_spec] * 3,
        out_specs=[eg_spec] * 3,
        out_shape=[jax.ShapeDtypeStruct((E8, D), f32)] * 3,
    )(pk(sg1), pk(dg1), pk(e_apap), pk(sg2), pk(dg2), pk(e_apsta),
      pk(sg3), pk(dg3), pk(e_staap),
      jnp.kron(eye8, W_ee_apap), jnp.kron(eye8, W_ee_apsta),
      jnp.kron(eye8, W_ee_staap))

    return (nap, nsta, eo1.reshape(E, DE), eo2.reshape(E, DE),
            eo3.reshape(E, DE))

# --- scband reference (transcript-rebuilt; emitter-appended) ---
"""Pipeline reference for scband-ehetero-graph-conv-14817637171462 (READ-ONLY COPY).

The authoritative reference and input builder live on the scoring server;
editing this copy changes nothing except your own understanding.
"""

import jax, jax.numpy as jnp
import numpy as np

N_AP = 10000
N_STA = 10000
E = 160000
D = 128
DE = 16
RELS = ("apap", "apsta", "staap")


def setup_inputs(seed: int = 0):
    key = jax.random.key(seed)
    ks = jax.random.split(key, 32)
    inp = {}
    inp["x_ap"] = jax.random.normal(ks[0], (N_AP, D), dtype=jnp.float32)
    inp["x_sta"] = jax.random.normal(ks[1], (N_STA, D), dtype=jnp.float32)
    inp["edge_index_apap"] = jax.random.randint(ks[2], (2, E), 0, N_AP, dtype=jnp.int32)
    inp["edge_index_apsta"] = jax.random.randint(ks[3], (2, E), 0, N_AP, dtype=jnp.int32)
    inp["edge_index_staap"] = jax.random.randint(ks[4], (2, E), 0, N_STA, dtype=jnp.int32)
    inp["e_apap"] = jax.random.normal(ks[5], (E, DE), dtype=jnp.float32)
    inp["e_apsta"] = jax.random.normal(ks[6], (E, DE), dtype=jnp.float32)
    inp["e_staap"] = jax.random.normal(ks[7], (E, DE), dtype=jnp.float32)
    i = 8
    for rel in RELS:
        inp["W_msg_" + rel] = jax.random.normal(ks[i], (D, D), dtype=jnp.float32) / np.sqrt(D); i += 1
        inp["W_e_" + rel] = jax.random.normal(ks[i], (DE, D), dtype=jnp.float32) / np.sqrt(DE); i += 1
        inp["W_self_" + rel] = jax.random.normal(ks[i], (D, D), dtype=jnp.float32) / np.sqrt(D); i += 1
        inp["W_se_" + rel] = jax.random.normal(ks[i], (D, DE), dtype=jnp.float32) / np.sqrt(D); i += 1
        inp["W_de_" + rel] = jax.random.normal(ks[i], (D, DE), dtype=jnp.float32) / np.sqrt(D); i += 1
        inp["W_ee_" + rel] = jax.random.normal(ks[i], (DE, DE), dtype=jnp.float32) / np.sqrt(DE); i += 1
    return inp


def _edge_conv(h, src, dst, num_nodes, e, W_msg, W_e, W_self, W_se, W_de, W_ee):
    # per-edge-type module: edge-aware graph conv on the homogeneous relation graph
    m = h[src] @ W_msg + e @ W_e                                  # gather + per-edge message
    agg = jnp.zeros((num_nodes, W_msg.shape[1]), dtype=h.dtype).at[dst].add(m)  # scatter-add
    dstdata = jax.nn.relu(agg + h @ W_self)
    e_out = jax.nn.relu(h[src] @ W_se + h[dst] @ W_de + e @ W_ee)  # updated edge features
    return dstdata, e_out


def reference(x_ap, x_sta, edge_index_apap, edge_index_apsta, edge_index_staap,
              e_apap, e_apsta, e_staap,
              W_msg_apap, W_e_apap, W_self_apap, W_se_apap, W_de_apap, W_ee_apap,
              W_msg_apsta, W_e_apsta, W_self_apsta, W_se_apsta, W_de_apsta, W_ee_apsta,
              W_msg_staap, W_e_staap, W_self_staap, W_se_staap, W_de_staap, W_ee_staap):
    # --- relation ap -> ap (stype == dtype: h_n = n_inputs['ap']) ---
    src, dst = edge_index_apap[0], edge_index_apap[1]
    d_apap, e_out_apap = _edge_conv(x_ap, src, dst, N_AP, e_apap,
                                    W_msg_apap, W_e_apap, W_self_apap, W_se_apap, W_de_apap, W_ee_apap)
    # --- relation ap -> sta (stype != dtype: h_n = cat([src, dst]); dgl.to_homogeneous offsets dst ids) ---
    h = jnp.concatenate([x_ap, x_sta], axis=0)
    src = edge_index_apsta[0]
    dst = edge_index_apsta[1] + N_AP
    d_full, e_out_apsta = _edge_conv(h, src, dst, N_AP + N_STA, e_apsta,
                                     W_msg_apsta, W_e_apsta, W_self_apsta, W_se_apsta, W_de_apsta, W_ee_apsta)
    d_apsta = d_full[N_AP:]  # dstdata = dstdata[n_inputs[stype].shape[0]:]
    # --- relation sta -> ap ---
    h = jnp.concatenate([x_sta, x_ap], axis=0)
    src = edge_index_staap[0]
    dst = edge_index_staap[1] + N_STA
    d_full, e_out_staap = _edge_conv(h, src, dst, N_STA + N_AP, e_staap,
                                     W_msg_staap, W_e_staap, W_self_staap, W_se_staap, W_de_staap, W_ee_staap)
    d_staap = d_full[N_STA:]
    # --- per-dst-ntype mean over stacked relation outputs ---
    n_ap = jnp.mean(jnp.stack([d_apap, d_staap]), axis=0)
    n_sta = jnp.mean(jnp.stack([d_apsta]), axis=0)
    return (n_ap, n_sta, e_out_apap, e_out_apsta, e_out_staap)

if __name__ == "__main__":
    import jax
    _d = setup_inputs()
    print(jax.jit(kernel)(*tuple(_d.values())))

</pallas_src>

<mosaic_0001>
#map = affine_map<(d0, d1) -> (0, 0)>
#map1 = affine_map<(d0, d1) -> (0, 0, 0)>
module attributes {stable_mosaic.version = 14 : i64} {
  func.func @body(%arg0: i32, %arg1: i32, %arg2: memref<10000x128xbf16, #tpu.memory_space<hbm>>, %arg3: memref<10000x128xbf16, #tpu.memory_space<hbm>>, %arg4: memref<1296x128xi32, #tpu.memory_space<hbm>>, %arg5: memref<1296x128xi32, #tpu.memory_space<hbm>>, %arg6: memref<1296x128xi32, #tpu.memory_space<hbm>>, %arg7: memref<1296x128xi32, #tpu.memory_space<hbm>>, %arg8: memref<1296x128xi32, #tpu.memory_space<hbm>>, %arg9: memref<1296x128xi32, #tpu.memory_space<hbm>>, %arg10: memref<632x128xbf16, #tpu.memory_space<hbm>>, %arg11: memref<2x10112x128xbf16, #tpu.memory_space<hbm>>, %arg12: memref<2x10112x128xbf16, #tpu.memory_space<hbm>>, %arg13: memref<2x10112x128xbf16, #tpu.memory_space<hbm>>, %arg14: memref<10112x128xbf16, #tpu.memory_space<vmem_shared>>, %arg15: memref<40x128xi32, #tpu.memory_space<vmem>>, %arg16: memref<40x128xi32, #tpu.memory_space<vmem>>, %arg17: memref<2x128x128xbf16, #tpu.memory_space<vmem>>, %arg18: memref<!tpu.dma_semaphore, #tpu.memory_space<semaphore_mem>>, %arg19: memref<!tpu.dma_semaphore, #tpu.memory_space<semaphore_mem>>, %arg20: memref<!tpu.dma_semaphore, #tpu.memory_space<semaphore_mem>>, %arg21: memref<!tpu.dma_semaphore, #tpu.memory_space<semaphore_mem>>) attributes {dimension_semantics = [#tpu.dimension_semantics<core_parallel>, #tpu.dimension_semantics<subcore_parallel>], iteration_bounds = array<i64: 2, 16>, scalar_prefetch = 0 : i64, scratch_operands = 8 : i64, tpu.core_type = #tpu.core_type<sc_vector_subcore>, window_params = [{transform_indices = #map}, {transform_indices = #map}, {transform_indices = #map}, {transform_indices = #map}, {transform_indices = #map}, {transform_indices = #map}, {transform_indices = #map}, {transform_indices = #map}, {transform_indices = #map}, {transform_indices = #map1}, {transform_indices = #map1}, {transform_indices = #map1}]} {
    %mul3A = arith.constant 632 : i32
    %mul3A_0 = arith.muli %arg1, %mul3A : i32
    %eq3A = arith.constant 0 : i32
    %eq3A_1 = arith.cmpi eq, %arg0, %eq3A : i32
    %mul3A_2 = arith.constant 40 : i32
    %mul3A_3 = arith.muli %arg1, %mul3A_2 : i32
    %mul3A_4 = arith.constant 40 : i32
    %mul3A_5 = arith.muli %arg1, %mul3A_4 : i32
    %add3A = arith.constant 640 : i32
    %add3A_6 = arith.addi %add3A, %mul3A_5 : i32
    %select_n3A = arith.select %eq3A_1, %mul3A_3, %add3A_6 : i32
    %eq3A_7 = arith.constant 0 : i32
    %eq3A_8 = arith.cmpi eq, %arg0, %eq3A_7 : i32
    %jit3A = arith.constant 40 : i32
    %jit3A_9 = arith.constant 40 : i32
    %select_n3A_10 = arith.select %eq3A_8, %jit3A, %jit3A_9 : i32
    "tpu.region"() ({
      %run_scoped3A = tpu.sem_alloc : memref<!tpu.dma_semaphore, #tpu.memory_space<semaphore_mem>>
      %dma_start3A_143 = arith.constant 0 : i32
      %dma_start3A_144 = tpu.memref_slice %arg4[%select_n3A, %dma_start3A_143] : memref<1296x128xi32, #tpu.memory_space<hbm>> -> memref<40x128xi32, #tpu.memory_space<hbm>>
      %dma_start3A_145 = arith.constant 0 : i32
      %dma_start3A_146 = tpu.memref_slice %arg4[%select_n3A, %dma_start3A_145] : memref<1296x128xi32, #tpu.memory_space<hbm>> -> memref<40x128xi32, #tpu.memory_space<hbm>>
      tpu.enqueue_dma source(%dma_start3A_146 : memref<40x128xi32, #tpu.memory_space<hbm>>) target(%arg15 : memref<40x128xi32, #tpu.memory_space<vmem>>) target_semaphore(%run_scoped3A : memref<!tpu.dma_semaphore, #tpu.memory_space<semaphore_mem>>)
      %dma_wait3A_147 = arith.constant 0 : i32
      %dma_wait3A_148 = tpu.memref_slice %arg4[%select_n3A, %dma_wait3A_147] : memref<1296x128xi32, #tpu.memory_space<hbm>> -> memref<40x128xi32, #tpu.memory_space<hbm>>
      %dma_wait3A_149 = arith.constant 0 : i32
      %dma_wait3A_150 = tpu.memref_slice %arg4[%select_n3A, %dma_wait3A_149] : memref<1296x128xi32, #tpu.memory_space<hbm>> -> memref<40x128xi32, #tpu.memory_space<hbm>>
      tpu.wait_dma2 semaphore(%run_scoped3A : memref<!tpu.dma_semaphore, #tpu.memory_space<semaphore_mem>>) src(%dma_wait3A_150 : memref<40x128xi32, #tpu.memory_space<hbm>>) dst(%arg15 : memref<40x128xi32, #tpu.memory_space<vmem>>)
      tpu.yield
    }) : () -> ()
    "tpu.region"() ({
      %run_scoped3A = tpu.sem_alloc : memref<!tpu.dma_semaphore, #tpu.memory_space<semaphore_mem>>
      %dma_start3A_143 = arith.constant 0 : i32
      %dma_start3A_144 = tpu.memref_slice %arg5[%select_n3A, %dma_start3A_143] : memref<1296x128xi32, #tpu.memory_space<hbm>> -> memref<40x128xi32, #tpu.memory_space<hbm>>
      %dma_start3A_145 = arith.constant 0 : i32
      %dma_start3A_146 = tpu.memref_slice %arg5[%select_n3A, %dma_start3A_145] : memref<1296x128xi32, #tpu.memory_space<hbm>> -> memref<40x128xi32, #tpu.memory_space<hbm>>
      tpu.enqueue_dma source(%dma_start3A_146 : memref<40x128xi32, #tpu.memory_space<hbm>>) target(%arg16 : memref<40x128xi32, #tpu.memory_space<vmem>>) target_semaphore(%run_scoped3A : memref<!tpu.dma_semaphore, #tpu.memory_space<semaphore_mem>>)
      %dma_wait3A_147 = arith.constant 0 : i32
      %dma_wait3A_148 = tpu.memref_slice %arg5[%select_n3A, %dma_wait3A_147] : memref<1296x128xi32, #tpu.memory_space<hbm>> -> memref<40x128xi32, #tpu.memory_space<hbm>>
      %dma_wait3A_149 = arith.constant 0 : i32
      %dma_wait3A_150 = tpu.memref_slice %arg5[%select_n3A, %dma_wait3A_149] : memref<1296x128xi32, #tpu.memory_space<hbm>> -> memref<40x128xi32, #tpu.memory_space<hbm>>
      tpu.wait_dma2 semaphore(%run_scoped3A : memref<!tpu.dma_semaphore, #tpu.memory_space<semaphore_mem>>) src(%dma_wait3A_150 : memref<40x128xi32, #tpu.memory_space<hbm>>) dst(%arg16 : memref<40x128xi32, #tpu.memory_space<vmem>>)
      tpu.yield
    }) : () -> ()
    "tpu.region"() ({
      %run_scoped3A = tpu.sem_alloc : memref<!tpu.dma_semaphore, #tpu.memory_space<semaphore_mem>>
      %dma_start3A_143 = arith.constant 0 : i32
      %dma_start3A_144 = tpu.memref_slice %arg14[%mul3A_0, %dma_start3A_143] : memref<10112x128xbf16, #tpu.memory_space<vmem_shared>> -> memref<632x128xbf16, #tpu.memory_space<vmem_shared>>
      tpu.enqueue_dma source(%arg10 : memref<632x128xbf16, #tpu.memory_space<hbm>>) target(%dma_start3A_144 : memref<632x128xbf16, #tpu.memory_space<vmem_shared>>) target_semaphore(%run_scoped3A : memref<!tpu.dma_semaphore, #tpu.memory_space<semaphore_mem>>)
      %dma_wait3A_145 = arith.constant 0 : i32
      %dma_wait3A_146 = tpu.memref_slice %arg14[%mul3A_0, %dma_wait3A_145] : memref<10112x128xbf16, #tpu.memory_space<vmem_shared>> -> memref<632x128xbf16, #tpu.memory_space<vmem_shared>>
      tpu.wait_dma2 semaphore(%run_scoped3A : memref<!tpu.dma_semaphore, #tpu.memory_space<semaphore_mem>>) src(%arg10 : memref<632x128xbf16, #tpu.memory_space<hbm>>) dst(%dma_wait3A_146 : memref<632x128xbf16, #tpu.memory_space<vmem_shared>>)
      tpu.yield
    }) : () -> ()
    %barrier3A = arith.constant 0 : index
    tpu.barrier barrier_id(%barrier3A)
    %dma_start3A = arith.constant 0 : i32
    %dma_start3A_11 = arith.constant 0 : i32
    %dma_start3A_12 = arith.constant 0 : i32
    %dma_start3A_13 = arith.constant 0 : i32
    %dma_start3A_14 = tpu.memref_slice %arg17[%dma_start3A_11, %dma_start3A_12, %dma_start3A_13] : memref<2x128x128xbf16, #tpu.memory_space<vmem>> -> memref<1x128x128xbf16, #tpu.memory_space<vmem>>
    %dma_start3A_15 = tpu.memref_squeeze %dma_start3A_14 : memref<1x128x128xbf16, #tpu.memory_space<vmem>> -> memref<128x128xbf16, #tpu.memory_space<vmem>>
    %dma_start3A_16 = arith.constant 0 : i32
    %dma_start3A_17 = tpu.memref_slice %arg15[%dma_start3A, %dma_start3A_16] : memref<40x128xi32, #tpu.memory_space<vmem>> -> memref<1x128xi32, #tpu.memory_space<vmem>>
    %dma_start3A_18 = tpu.memref_squeeze %dma_start3A_17 : memref<1x128xi32, #tpu.memory_space<vmem>> -> memref<128xi32, #tpu.memory_space<vmem>>
    %dma_start3A_19 = arith.constant 0 : i32
    %dma_start3A_20 = arith.constant 0 : i32
    %dma_start3A_21 = tpu.memref_slice %arg2[%dma_start3A_19, %dma_start3A_20] : memref<10000x128xbf16, #tpu.memory_space<hbm>> -> memref<10000x128xbf16, #tpu.memory_space<hbm>>
    tpu.enqueue_indirect_dma source(%dma_start3A_21 : memref<10000x128xbf16, #tpu.memory_space<hbm>>) target(%dma_start3A_15 : memref<128x128xbf16, #tpu.memory_space<vmem>>) offsets(%dma_start3A_18 : memref<128xi32, #tpu.memory_space<vmem>>) semaphore(%arg18 : memref<!tpu.dma_semaphore, #tpu.memory_space<semaphore_mem>>)
    %sub3A = arith.constant 0 : i32
    %sub3A_22 = arith.subi %select_n3A_10, %sub3A : i32
    %sub3A_23 = arith.constant 2 : i32
    %sub3A_24 = arith.constant 1 : i32
    %sub3A_25 = arith.subi %sub3A_23, %sub3A_24 : i32
    %add3A_26 = arith.addi %sub3A_22, %sub3A_25 : i32
    %div3A = arith.constant 2 : i32
    %div3A_27 = arith.divsi %add3A_26, %div3A : i32
    %while3A = arith.constant 2 : i32
    %while3A_28 = arith.constant 0 : i32
    %while3A_29 = arith.constant 0 : i32
    %while3A_30 = arith.subi %div3A_27, %while3A_29 : i32
    %while3A_31 = arith.addi %while3A_29, %while3A_30 : i32
    %while3A_32 = arith.constant 1 : i32
    %while3A_33 = arith.divsi %while3A_30, %while3A_32 : i32
    %while3A_34 = arith.muli %while3A_33, %while3A_32 : i32
    %while3A_35 = arith.addi %while3A_29, %while3A_34 : i32
    %while3A_36 = arith.constant 1 : i32
    scf.for %while3A_143 = %while3A_29 to %while3A_35 step %while3A_36  : i32 {
      %mul3A_144 = arith.muli %while3A_143, %while3A : i32
      %add3A_145 = arith.addi %while3A_28, %mul3A_144 : i32
      %add3A_146 = arith.constant 0 : i32
      %add3A_147 = arith.addi %add3A_145, %add3A_146 : i32
      %dma_wait3A_148 = arith.constant 0 : i32
      %dma_wait3A_149 = arith.constant 0 : i32
      %dma_wait3A_150 = arith.constant 0 : i32
      %dma_wait3A_151 = tpu.memref_slice %arg17[%dma_wait3A_148, %dma_wait3A_149, %dma_wait3A_150] : memref<2x128x128xbf16, #tpu.memory_space<vmem>> -> memref<1x128x128xbf16, #tpu.memory_space<vmem>>
      %dma_wait3A_152 = tpu.memref_squeeze %dma_wait3A_151 : memref<1x128x128xbf16, #tpu.memory_space<vmem>> -> memref<128x128xbf16, #tpu.memory_space<vmem>>
      %dma_wait3A_153 = arith.constant 0 : i32
      %dma_wait3A_154 = tpu.memref_slice %arg15[%add3A_147, %dma_wait3A_153] : memref<40x128xi32, #tpu.memory_space<vmem>> -> memref<1x128xi32, #tpu.memory_space<vmem>>
      %dma_wait3A_155 = tpu.memref_squeeze %dma_wait3A_154 : memref<1x128xi32, #tpu.memory_space<vmem>> -> memref<128xi32, #tpu.memory_space<vmem>>
      %dma_wait3A_156 = arith.constant 0 : i32
      %dma_wait3A_157 = arith.constant 0 : i32
      %dma_wait3A_158 = tpu.memref_slice %arg2[%dma_wait3A_156, %dma_wait3A_157] : memref<10000x128xbf16, #tpu.memory_space<hbm>> -> memref<10000x128xbf16, #tpu.memory_space<hbm>>
      tpu.wait_indirect_dma semaphore(%arg18 : memref<!tpu.dma_semaphore, #tpu.memory_space<semaphore_mem>>) src(%dma_wait3A_158 : memref<10000x128xbf16, #tpu.memory_space<hbm>>) dst(%dma_wait3A_152 : memref<128x128xbf16, #tpu.memory_space<vmem>>)
      %gt3A = arith.constant 0 : i32
      %gt3A_159 = arith.cmpi sgt, %add3A_147, %gt3A : i32
      %convert_element_type3A = arith.extui %gt3A_159 : i1 to i32
      %cond3A = arith.constant 0 : i32
      %cond3A_160 = arith.cmpi ne, %convert_element_type3A, %cond3A : i32
      scf.if %cond3A_160 {
        %sub3A_212 = arith.constant 1 : i32
        %sub3A_213 = arith.subi %add3A_147, %sub3A_212 : i32
        %dma_wait3A_214 = arith.constant 1 : i32
        %dma_wait3A_215 = arith.constant 0 : i32
        %dma_wait3A_216 = arith.constant 0 : i32
        %dma_wait3A_217 = tpu.memref_slice %arg17[%dma_wait3A_214, %dma_wait3A_215, %dma_wait3A_216] : memref<2x128x128xbf16, #tpu.memory_space<vmem>> -> memref<1x128x128xbf16, #tpu.memory_space<vmem>>
        %dma_wait3A_218 = tpu.memref_squeeze %dma_wait3A_217 : memref<1x128x128xbf16, #tpu.memory_space<vmem>> -> memref<128x128xbf16, #tpu.memory_space<vmem>>
        %dma_wait3A_219 = arith.constant 0 : i32
        %dma_wait3A_220 = tpu.memref_slice %arg16[%sub3A_213, %dma_wait3A_219] : memref<40x128xi32, #tpu.memory_space<vmem>> -> memref<1x128xi32, #tpu.memory_space<vmem>>
        %dma_wait3A_221 = tpu.memref_squeeze %dma_wait3A_220 : memref<1x128xi32, #tpu.memory_space<vmem>> -> memref<128xi32, #tpu.memory_space<vmem>>
        %dma_wait3A_222 = arith.constant 0 : i32
        %dma_wait3A_223 = arith.constant 0 : i32
        %dma_wait3A_224 = tpu.memref_slice %arg14[%dma_wait3A_222, %dma_wait3A_223] : memref<10112x128xbf16, #tpu.memory_space<vmem_shared>> -> memref<10112x128xbf16, #tpu.memory_space<vmem_shared>>
        tpu.wait_indirect_dma semaphore(%arg21 : memref<!tpu.dma_semaphore, #tpu.memory_space<semaphore_mem>>) src(%dma_wait3A_218 : memref<128x128xbf16, #tpu.memory_space<vmem>>) dst(%dma_wait3A_224 : memref<10112x128xbf16, #tpu.memory_space<vmem_shared>>)
      } else {
      }
      %dma_start3A_161 = arith.constant 0 : i32
      %dma_start3A_162 = arith.constant 0 : i32
      %dma_start3A_163 = arith.constant 0 : i32
      %dma_start3A_164 = tpu.memref_slice %arg17[%dma_start3A_161, %dma_start3A_162, %dma_start3A_163] : memref<2x128x128xbf16, #tpu.memory_space<vmem>> -> memref<1x128x128xbf16, #tpu.memory_space<vmem>>
      %dma_start3A_165 = tpu.memref_squeeze %dma_start3A_164 : memref<1x128x128xbf16, #tpu.memory_space<vmem>> -> memref<128x128xbf16, #tpu.memory_space<vmem>>
      %dma_start3A_166 = arith.constant 0 : i32
      %dma_start3A_167 = tpu.memref_slice %arg16[%add3A_147, %dma_start3A_166] : memref<40x128xi32, #tpu.memory_space<vmem>> -> memref<1x128xi32, #tpu.memory_space<vmem>>
      %dma_start3A_168 = tpu.memref_squeeze %dma_start3A_167 : memref<1x128xi32, #tpu.memory_space<vmem>> -> memref<128xi32, #tpu.memory_space<vmem>>
      %dma_start3A_169 = arith.constant 0 : i32
      %dma_start3A_170 = arith.constant 0 : i32
      %dma_start3A_171 = tpu.memref_slice %arg14[%dma_start3A_169, %dma_start3A_170] : memref<10112x128xbf16, #tpu.memory_space<vmem_shared>> -> memref<10112x128xbf16, #tpu.memory_space<vmem_shared>>
      tpu.enqueue_indirect_dma source(%dma_start3A_165 : memref<128x128xbf16, #tpu.memory_space<vmem>>) target(%dma_start3A_171 : memref<10112x128xbf16, #tpu.memory_space<vmem_shared>>) offsets(%dma_start3A_168 : memref<128xi32, #tpu.memory_space<vmem>>) semaphore(%arg20 : memref<!tpu.dma_semaphore, #tpu.memory_space<semaphore_mem>>) {add = true}
      %add3A_172 = arith.constant 1 : i32
      %add3A_173 = arith.addi %add3A_147, %add3A_172 : i32
      %lt3A = arith.cmpi slt, %add3A_173, %select_n3A_10 : i32
      %convert_element_type3A_174 = arith.extui %lt3A : i1 to i32
      %cond3A_175 = arith.constant 0 : i32
      %cond3A_176 = arith.cmpi ne, %convert_element_type3A_174, %cond3A_175 : i32
      scf.if %cond3A_176 {
        %add3A_212 = arith.constant 1 : i32
        %add3A_213 = arith.addi %add3A_147, %add3A_212 : i32
        %dma_start3A_214 = arith.constant 1 : i32
        %dma_start3A_215 = arith.constant 0 : i32
        %dma_start3A_216 = arith.constant 0 : i32
        %dma_start3A_217 = tpu.memref_slice %arg17[%dma_start3A_214, %dma_start3A_215, %dma_start3A_216] : memref<2x128x128xbf16, #tpu.memory_space<vmem>> -> memref<1x128x128xbf16, #tpu.memory_space<vmem>>
        %dma_start3A_218 = tpu.memref_squeeze %dma_start3A_217 : memref<1x128x128xbf16, #tpu.memory_space<vmem>> -> memref<128x128xbf16, #tpu.memory_space<vmem>>
        %dma_start3A_219 = arith.constant 0 : i32
        %dma_start3A_220 = tpu.memref_slice %arg15[%add3A_213, %dma_start3A_219] : memref<40x128xi32, #tpu.memory_space<vmem>> -> memref<1x128xi32, #tpu.memory_space<vmem>>
        %dma_start3A_221 = tpu.memref_squeeze %dma_start3A_220 : memref<1x128xi32, #tpu.memory_space<vmem>> -> memref<128xi32, #tpu.memory_space<vmem>>
        %dma_start3A_222 = arith.constant 0 : i32
        %dma_start3A_223 = arith.constant 0 : i32
        %dma_start3A_224 = tpu.memref_slice %arg2[%dma_start3A_222, %dma_start3A_223] : memref<10000x128xbf16, #tpu.memory_space<hbm>> -> memref<10000x128xbf16, #tpu.memory_space<hbm>>
        tpu.enqueue_indirect_dma source(%dma_start3A_224 : memref<10000x128xbf16, #tpu.memory_space<hbm>>) target(%dma_start3A_218 : memref<128x128xbf16, #tpu.memory_space<vmem>>) offsets(%dma_start3A_221 : memref<128xi32, #tpu.memory_space<vmem>>) semaphore(%arg19 : memref<!tpu.dma_semaphore, #tpu.memory_space<semaphore_mem>>)
      } else {
      }
      %add3A_177 = arith.constant 1 : i32
      %add3A_178 = arith.addi %add3A_145, %add3A_177 : i32
      %dma_wait3A_179 = arith.constant 1 : i32
      %dma_wait3A_180 = arith.constant 0 : i32
      %dma_wait3A_181 = arith.constant 0 : i32
      %dma_wait3A_182 = tpu.memref_slice %arg17[%dma_wait3A_179, %dma_wait3A_180, %dma_wait3A_181] : memref<2x128x128xbf16, #tpu.memory_space<vmem>> -> memref<1x128x128xbf16, #tpu.memory_space<vmem>>
      %dma_wait3A_183 = tpu.memref_squeeze %dma_wait3A_182 : memref<1x128x128xbf16, #tpu.memory_space<vmem>> -> memref<128x128xbf16, #tpu.memory_space<vmem>>
      %dma_wait3A_184 = arith.constant 0 : i32
      %dma_wait3A_185 = tpu.memref_slice %arg15[%add3A_178, %dma_wait3A_184] : memref<40x128xi32, #tpu.memory_space<vmem>> -> memref<1x128xi32, #tpu.memory_space<vmem>>
      %dma_wait3A_186 = tpu.memref_squeeze %dma_wait3A_185 : memref<1x128xi32, #tpu.memory_space<vmem>> -> memref<128xi32, #tpu.memory_space<vmem>>
      %dma_wait3A_187 = arith.constant 0 : i32
      %dma_wait3A_188 = arith.constant 0 : i32
      %dma_wait3A_189 = tpu.memref_slice %arg2[%dma_wait3A_187, %dma_wait3A_188] : memref<10000x128xbf16, #tpu.memory_space<hbm>> -> memref<10000x128xbf16, #tpu.memory_space<hbm>>
      tpu.wait_indirect_dma semaphore(%arg19 : memref<!tpu.dma_semaphore, #tpu.memory_space<semaphore_mem>>) src(%dma_wait3A_189 : memref<10000x128xbf16, #tpu.memory_space<hbm>>) dst(%dma_wait3A_183 : memref<128x128xbf16, #tpu.memory_space<vmem>>)
      %gt3A_190 = arith.constant 0 : i32
      %gt3A_191 = arith.cmpi sgt, %add3A_178, %gt3A_190 : i32
      %convert_element_type3A_192 = arith.extui %gt3A_191 : i1 to i32
      %cond3A_193 = arith.constant 0 : i32
      %cond3A_194 = arith.cmpi ne, %convert_element_type3A_192, %cond3A_193 : i32
      scf.if %cond3A_194 {
        %sub3A_212 = arith.constant 1 : i32
        %sub3A_213 = arith.subi %add3A_178, %sub3A_212 : i32
        %dma_wait3A_214 = arith.constant 0 : i32
        %dma_wait3A_215 = arith.constant 0 : i32
        %dma_wait3A_216 = arith.constant 0 : i32
        %dma_wait3A_217 = tpu.memref_slice %arg17[%dma_wait3A_214, %dma_wait3A_215, %dma_wait3A_216] : memref<2x128x128xbf16, #tpu.memory_space<vmem>> -> memref<1x128x128xbf16, #tpu.memory_space<vmem>>
        %dma_wait3A_218 = tpu.memref_squeeze %dma_wait3A_217 : memref<1x128x128xbf16, #tpu.memory_space<vmem>> -> memref<128x128xbf16, #tpu.memory_space<vmem>>
        %dma_wait3A_219 = arith.constant 0 : i32
        %dma_wait3A_220 = tpu.memref_slice %arg16[%sub3A_213, %dma_wait3A_219] : memref<40x128xi32, #tpu.memory_space<vmem>> -> memref<1x128xi32, #tpu.memory_space<vmem>>
        %dma_wait3A_221 = tpu.memref_squeeze %dma_wait3A_220 : memref<1x128xi32, #tpu.memory_space<vmem>> -> memref<128xi32, #tpu.memory_space<vmem>>
        %dma_wait3A_222 = arith.constant 0 : i32
        %dma_wait3A_223 = arith.constant 0 : i32
        %dma_wait3A_224 = tpu.memref_slice %arg14[%dma_wait3A_222, %dma_wait3A_223] : memref<10112x128xbf16, #tpu.memory_space<vmem_shared>> -> memref<10112x128xbf16, #tpu.memory_space<vmem_shared>>
        tpu.wait_indirect_dma semaphore(%arg20 : memref<!tpu.dma_semaphore, #tpu.memory_space<semaphore_mem>>) src(%dma_wait3A_218 : memref<128x128xbf16, #tpu.memory_space<vmem>>) dst(%dma_wait3A_224 : memref<10112x128xbf16, #tpu.memory_space<vmem_shared>>)
      } else {
      }
      %dma_start3A_195 = arith.constant 1 : i32
      %dma_start3A_196 = arith.constant 0 : i32
      %dma_start3A_197 = arith.constant 0 : i32
      %dma_start3A_198 = tpu.memref_slice %arg17[%dma_start3A_195, %dma_start3A_196, %dma_start3A_197] : memref<2x128x128xbf16, #tpu.memory_space<vmem>> -> memref<1x128x128xbf16, #tpu.memory_space<vmem>>
      %dma_start3A_199 = tpu.memref_squeeze %dma_start3A_198 : memref<1x128x128xbf16, #tpu.memory_space<vmem>> -> memref<128x128xbf16, #tpu.memory_space<vmem>>
      %dma_start3A_200 = arith.constant 0 : i32
      %dma_start3A_201 = tpu.memref_slice %arg16[%add3A_178, %dma_start3A_200] : memref<40x128xi32, #tpu.memory_space<vmem>> -> memref<1x128xi32, #tpu.memory_space<vmem>>
      %dma_start3A_202 = tpu.memref_squeeze %dma_start3A_201 : memref<1x128xi32, #tpu.memory_space<vmem>> -> memref<128xi32, #tpu.memory_space<vmem>>
      %dma_start3A_203 = arith.constant 0 : i32
      %dma_start3A_204 = arith.constant 0 : i32
      %dma_start3A_205 = tpu.memref_slice %arg14[%dma_start3A_203, %dma_start3A_204] : memref<10112x128xbf16, #tpu.memory_space<vmem_shared>> -> memref<10112x128xbf16, #tpu.memory_space<vmem_shared>>
      tpu.enqueue_indirect_dma source(%dma_start3A_199 : memref<128x128xbf16, #tpu.memory_space<vmem>>) target(%dma_start3A_205 : memref<10112x128xbf16, #tpu.memory_space<vmem_shared>>) offsets(%dma_start3A_202 : memref<128xi32, #tpu.memory_space<vmem>>) semaphore(%arg21 : memref<!tpu.dma_semaphore, #tpu.memory_space<semaphore_mem>>) {add = true}
      %add3A_206 = arith.constant 1 : i32
      %add3A_207 = arith.addi %add3A_178, %add3A_206 : i32
      %lt3A_208 = arith.cmpi slt, %add3A_207, %select_n3A_10 : i32
      %convert_element_type3A_209 = arith.extui %lt3A_208 : i1 to i32
      %cond3A_210 = arith.constant 0 : i32
      %cond3A_211 = arith.cmpi ne, %convert_element_type3A_209, %cond3A_210 : i32
      scf.if %cond3A_211 {
        %add3A_212 = arith.constant 1 : i32
        %add3A_213 = arith.addi %add3A_178, %add3A_212 : i32
        %dma_start3A_214 = arith.constant 0 : i32
        %dma_start3A_215 = arith.constant 0 : i32
        %dma_start3A_216 = arith.constant 0 : i32
        %dma_start3A_217 = tpu.memref_slice %arg17[%dma_start3A_214, %dma_start3A_215, %dma_start3A_216] : memref<2x128x128xbf16, #tpu.memory_space<vmem>> -> memref<1x128x128xbf16, #tpu.memory_space<vmem>>
        %dma_start3A_218 = tpu.memref_squeeze %dma_start3A_217 : memref<1x128x128xbf16, #tpu.memory_space<vmem>> -> memref<128x128xbf16, #tpu.memory_space<vmem>>
        %dma_start3A_219 = arith.constant 0 : i32
        %dma_start3A_220 = tpu.memref_slice %arg15[%add3A_213, %dma_start3A_219] : memref<40x128xi32, #tpu.memory_space<vmem>> -> memref<1x128xi32, #tpu.memory_space<vmem>>
        %dma_start3A_221 = tpu.memref_squeeze %dma_start3A_220 : memref<1x128xi32, #tpu.memory_space<vmem>> -> memref<128xi32, #tpu.memory_space<vmem>>
        %dma_start3A_222 = arith.constant 0 : i32
        %dma_start3A_223 = arith.constant 0 : i32
        %dma_start3A_224 = tpu.memref_slice %arg2[%dma_start3A_222, %dma_start3A_223] : memref<10000x128xbf16, #tpu.memory_space<hbm>> -> memref<10000x128xbf16, #tpu.memory_space<hbm>>
        tpu.enqueue_indirect_dma source(%dma_start3A_224 : memref<10000x128xbf16, #tpu.memory_space<hbm>>) target(%dma_start3A_218 : memref<128x128xbf16, #tpu.memory_space<vmem>>) offsets(%dma_start3A_221 : memref<128xi32, #tpu.memory_space<vmem>>) semaphore(%arg18 : memref<!tpu.dma_semaphore, #tpu.memory_space<semaphore_mem>>)
      } else {
      }
    }
    %while3A_37 = arith.constant 1 : i32
    scf.for %while3A_143 = %while3A_35 to %while3A_31 step %while3A_37  : i32 {
      %mul3A_144 = arith.muli %while3A_143, %while3A : i32
      %add3A_145 = arith.addi %while3A_28, %mul3A_144 : i32
      %add3A_146 = arith.constant 0 : i32
      %add3A_147 = arith.addi %add3A_145, %add3A_146 : i32
      %dma_wait3A_148 = arith.constant 0 : i32
      %dma_wait3A_149 = arith.constant 0 : i32
      %dma_wait3A_150 = arith.constant 0 : i32
      %dma_wait3A_151 = tpu.memref_slice %arg17[%dma_wait3A_148, %dma_wait3A_149, %dma_wait3A_150] : memref<2x128x128xbf16, #tpu.memory_space<vmem>> -> memref<1x128x128xbf16, #tpu.memory_space<vmem>>
      %dma_wait3A_152 = tpu.memref_squeeze %dma_wait3A_151 : memref<1x128x128xbf16, #tpu.memory_space<vmem>> -> memref<128x128xbf16, #tpu.memory_space<vmem>>
      %dma_wait3A_153 = arith.constant 0 : i32
      %dma_wait3A_154 = tpu.memref_slice %arg15[%add3A_147, %dma_wait3A_153] : memref<40x128xi32, #tpu.memory_space<vmem>> -> memref<1x128xi32, #tpu.memory_space<vmem>>
      %dma_wait3A_155 = tpu.memref_squeeze %dma_wait3A_154 : memref<1x128xi32, #tpu.memory_space<vmem>> -> memref<128xi32, #tpu.memory_space<vmem>>
      %dma_wait3A_156 = arith.constant 0 : i32
      %dma_wait3A_157 = arith.constant 0 : i32
      %dma_wait3A_158 = tpu.memref_slice %arg2[%dma_wait3A_156, %dma_wait3A_157] : memref<10000x128xbf16, #tpu.memory_space<hbm>> -> memref<10000x128xbf16, #tpu.memory_space<hbm>>
      tpu.wait_indirect_dma semaphore(%arg18 : memref<!tpu.dma_semaphore, #tpu.memory_space<semaphore_mem>>) src(%dma_wait3A_158 : memref<10000x128xbf16, #tpu.memory_space<hbm>>) dst(%dma_wait3A_152 : memref<128x128xbf16, #tpu.memory_space<vmem>>)
      %gt3A = arith.constant 0 : i32
      %gt3A_159 = arith.cmpi sgt, %add3A_147, %gt3A : i32
      %convert_element_type3A = arith.extui %gt3A_159 : i1 to i32
      %cond3A = arith.constant 0 : i32
      %cond3A_160 = arith.cmpi ne, %convert_element_type3A, %cond3A : i32
      scf.if %cond3A_160 {
        %sub3A_212 = arith.constant 1 : i32
        %sub3A_213 = arith.subi %add3A_147, %sub3A_212 : i32
        %dma_wait3A_214 = arith.constant 1 : i32
        %dma_wait3A_215 = arith.constant 0 : i32
        %dma_wait3A_216 = arith.constant 0 : i32
        %dma_wait3A_217 = tpu.memref_slice %arg17[%dma_wait3A_214, %dma_wait3A_215, %dma_wait3A_216] : memref<2x128x128xbf16, #tpu.memory_space<vmem>> -> memref<1x128x128xbf16, #tpu.memory_space<vmem>>
        %dma_wait3A_218 = tpu.memref_squeeze %dma_wait3A_217 : memref<1x128x128xbf16, #tpu.memory_space<vmem>> -> memref<128x128xbf16, #tpu.memory_space<vmem>>
        %dma_wait3A_219 = arith.constant 0 : i32
        %dma_wait3A_220 = tpu.memref_slice %arg16[%sub3A_213, %dma_wait3A_219] : memref<40x128xi32, #tpu.memory_space<vmem>> -> memref<1x128xi32, #tpu.memory_space<vmem>>
        %dma_wait3A_221 = tpu.memref_squeeze %dma_wait3A_220 : memref<1x128xi32, #tpu.memory_space<vmem>> -> memref<128xi32, #tpu.memory_space<vmem>>
        %dma_wait3A_222 = arith.constant 0 : i32
        %dma_wait3A_223 = arith.constant 0 : i32
        %dma_wait3A_224 = tpu.memref_slice %arg14[%dma_wait3A_222, %dma_wait3A_223] : memref<10112x128xbf16, #tpu.memory_space<vmem_shared>> -> memref<10112x128xbf16, #tpu.memory_space<vmem_shared>>
        tpu.wait_indirect_dma semaphore(%arg21 : memref<!tpu.dma_semaphore, #tpu.memory_space<semaphore_mem>>) src(%dma_wait3A_218 : memref<128x128xbf16, #tpu.memory_space<vmem>>) dst(%dma_wait3A_224 : memref<10112x128xbf16, #tpu.memory_space<vmem_shared>>)
      } else {
      }
      %dma_start3A_161 = arith.constant 0 : i32
      %dma_start3A_162 = arith.constant 0 : i32
      %dma_start3A_163 = arith.constant 0 : i32
      %dma_start3A_164 = tpu.memref_slice %arg17[%dma_start3A_161, %dma_start3A_162, %dma_start3A_163] : memref<2x128x128xbf16, #tpu.memory_space<vmem>> -> memref<1x128x128xbf16, #tpu.memory_space<vmem>>
      %dma_start3A_165 = tpu.memref_squeeze %dma_start3A_164 : memref<1x128x128xbf16, #tpu.memory_space<vmem>> -> memref<128x128xbf16, #tpu.memory_space<vmem>>
      %dma_start3A_166 = arith.constant 0 : i32
      %dma_start3A_167 = tpu.memref_slice %arg16[%add3A_147, %dma_start3A_166] : memref<40x128xi32, #tpu.memory_space<vmem>> -> memref<1x128xi32, #tpu.memory_space<vmem>>
      %dma_start3A_168 = tpu.memref_squeeze %dma_start3A_167 : memref<1x128xi32, #tpu.memory_space<vmem>> -> memref<128xi32, #tpu.memory_space<vmem>>
      %dma_start3A_169 = arith.constant 0 : i32
      %dma_start3A_170 = arith.constant 0 : i32
      %dma_start3A_171 = tpu.memref_slice %arg14[%dma_start3A_169, %dma_start3A_170] : memref<10112x128xbf16, #tpu.memory_space<vmem_shared>> -> memref<10112x128xbf16, #tpu.memory_space<vmem_shared>>
      tpu.enqueue_indirect_dma source(%dma_start3A_165 : memref<128x128xbf16, #tpu.memory_space<vmem>>) target(%dma_start3A_171 : memref<10112x128xbf16, #tpu.memory_space<vmem_shared>>) offsets(%dma_start3A_168 : memref<128xi32, #tpu.memory_space<vmem>>) semaphore(%arg20 : memref<!tpu.dma_semaphore, #tpu.memory_space<semaphore_mem>>) {add = true}
      %add3A_172 = arith.constant 1 : i32
      %add3A_173 = arith.addi %add3A_147, %add3A_172 : i32
      %lt3A = arith.cmpi slt, %add3A_173, %select_n3A_10 : i32
      %convert_element_type3A_174 = arith.extui %lt3A : i1 to i32
      %cond3A_175 = arith.constant 0 : i32
      %cond3A_176 = arith.cmpi ne, %convert_element_type3A_174, %cond3A_175 : i32
      scf.if %cond3A_176 {
        %add3A_212 = arith.constant 1 : i32
        %add3A_213 = arith.addi %add3A_147, %add3A_212 : i32
        %dma_start3A_214 = arith.constant 1 : i32
        %dma_start3A_215 = arith.constant 0 : i32
        %dma_start3A_216 = arith.constant 0 : i32
        %dma_start3A_217 = tpu.memref_slice %arg17[%dma_start3A_214, %dma_start3A_215, %dma_start3A_216] : memref<2x128x128xbf16, #tpu.memory_space<vmem>> -> memref<1x128x128xbf16, #tpu.memory_space<vmem>>
        %dma_start3A_218 = tpu.memref_squeeze %dma_start3A_217 : memref<1x128x128xbf16, #tpu.memory_space<vmem>> -> memref<128x128xbf16, #tpu.memory_space<vmem>>
        %dma_start3A_219 = arith.constant 0 : i32
        %dma_start3A_220 = tpu.memref_slice %arg15[%add3A_213, %dma_start3A_219] : memref<40x128xi32, #tpu.memory_space<vmem>> -> memref<1x128xi32, #tpu.memory_space<vmem>>
        %dma_start3A_221 = tpu.memref_squeeze %dma_start3A_220 : memref<1x128xi32, #tpu.memory_space<vmem>> -> memref<128xi32, #tpu.memory_space<vmem>>
        %dma_start3A_222 = arith.constant 0 : i32
        %dma_start3A_223 = arith.constant 0 : i32
        %dma_start3A_224 = tpu.memref_slice %arg2[%dma_start3A_222, %dma_start3A_223] : memref<10000x128xbf16, #tpu.memory_space<hbm>> -> memref<10000x128xbf16, #tpu.memory_space<hbm>>
        tpu.enqueue_indirect_dma source(%dma_start3A_224 : memref<10000x128xbf16, #tpu.memory_space<hbm>>) target(%dma_start3A_218 : memref<128x128xbf16, #tpu.memory_space<vmem>>) offsets(%dma_start3A_221 : memref<128xi32, #tpu.memory_space<vmem>>) semaphore(%arg19 : memref<!tpu.dma_semaphore, #tpu.memory_space<semaphore_mem>>)
      } else {
      }
      %add3A_177 = arith.constant 1 : i32
      %add3A_178 = arith.addi %add3A_145, %add3A_177 : i32
      %dma_wait3A_179 = arith.constant 1 : i32
      %dma_wait3A_180 = arith.constant 0 : i32
      %dma_wait3A_181 = arith.constant 0 : i32
      %dma_wait3A_182 = tpu.memref_slice %arg17[%dma_wait3A_179, %dma_wait3A_180, %dma_wait3A_181] : memref<2x128x128xbf16, #tpu.memory_space<vmem>> -> memref<1x128x128xbf16, #tpu.memory_space<vmem>>
      %dma_wait3A_183 = tpu.memref_squeeze %dma_wait3A_182 : memref<1x128x128xbf16, #tpu.memory_space<vmem>> -> memref<128x128xbf16, #tpu.memory_space<vmem>>
      %dma_wait3A_184 = arith.constant 0 : i32
      %dma_wait3A_185 = tpu.memref_slice %arg15[%add3A_178, %dma_wait3A_184] : memref<40x128xi32, #tpu.memory_space<vmem>> -> memref<1x128xi32, #tpu.memory_space<vmem>>
      %dma_wait3A_186 = tpu.memref_squeeze %dma_wait3A_185 : memref<1x128xi32, #tpu.memory_space<vmem>> -> memref<128xi32, #tpu.memory_space<vmem>>
      %dma_wait3A_187 = arith.constant 0 : i32
      %dma_wait3A_188 = arith.constant 0 : i32
      %dma_wait3A_189 = tpu.memref_slice %arg2[%dma_wait3A_187, %dma_wait3A_188] : memref<10000x128xbf16, #tpu.memory_space<hbm>> -> memref<10000x128xbf16, #tpu.memory_space<hbm>>
      tpu.wait_indirect_dma semaphore(%arg19 : memref<!tpu.dma_semaphore, #tpu.memory_space<semaphore_mem>>) src(%dma_wait3A_189 : memref<10000x128xbf16, #tpu.memory_space<hbm>>) dst(%dma_wait3A_183 : memref<128x128xbf16, #tpu.memory_space<vmem>>)
      %gt3A_190 = arith.constant 0 : i32
      %gt3A_191 = arith.cmpi sgt, %add3A_178, %gt3A_190 : i32
      %convert_element_type3A_192 = arith.extui %gt3A_191 : i1 to i32
      %cond3A_193 = arith.constant 0 : i32
      %cond3A_194 = arith.cmpi ne, %convert_element_type3A_192, %cond3A_193 : i32
      scf.if %cond3A_194 {
        %sub3A_212 = arith.constant 1 : i32
        %sub3A_213 = arith.subi %add3A_178, %sub3A_212 : i32
        %dma_wait3A_214 = arith.constant 0 : i32
        %dma_wait3A_215 = arith.constant 0 : i32
        %dma_wait3A_216 = arith.constant 0 : i32
        %dma_wait3A_217 = tpu.memref_slice %arg17[%dma_wait3A_214, %dma_wait3A_215, %dma_wait3A_216] : memref<2x128x128xbf16, #tpu.memory_space<vmem>> -> memref<1x128x128xbf16, #tpu.memory_space<vmem>>
        %dma_wait3A_218 = tpu.memref_squeeze %dma_wait3A_217 : memref<1x128x128xbf16, #tpu.memory_space<vmem>> -> memref<128x128xbf16, #tpu.memory_space<vmem>>
        %dma_wait3A_219 = arith.constant 0 : i32
        %dma_wait3A_220 = tpu.memref_slice %arg16[%sub3A_213, %dma_wait3A_219] : memref<40x128xi32, #tpu.memory_space<vmem>> -> memref<1x128xi32, #tpu.memory_space<vmem>>
        %dma_wait3A_221 = tpu.memref_squeeze %dma_wait3A_220 : memref<1x128xi32, #tpu.memory_space<vmem>> -> memref<128xi32, #tpu.memory_space<vmem>>
        %dma_wait3A_222 = arith.constant 0 : i32
        %dma_wait3A_223 = arith.constant 0 : i32
        %dma_wait3A_224 = tpu.memref_slice %arg14[%dma_wait3A_222, %dma_wait3A_223] : memref<10112x128xbf16, #tpu.memory_space<vmem_shared>> -> memref<10112x128xbf16, #tpu.memory_space<vmem_shared>>
        tpu.wait_indirect_dma semaphore(%arg20 : memref<!tpu.dma_semaphore, #tpu.memory_space<semaphore_mem>>) src(%dma_wait3A_218 : memref<128x128xbf16, #tpu.memory_space<vmem>>) dst(%dma_wait3A_224 : memref<10112x128xbf16, #tpu.memory_space<vmem_shared>>)
      } else {
      }
      %dma_start3A_195 = arith.constant 1 : i32
      %dma_start3A_196 = arith.constant 0 : i32
      %dma_start3A_197 = arith.constant 0 : i32
      %dma_start3A_198 = tpu.memref_slice %arg17[%dma_start3A_195, %dma_start3A_196, %dma_start3A_197] : memref<2x128x128xbf16, #tpu.memory_space<vmem>> -> memref<1x128x128xbf16, #tpu.memory_space<vmem>>
      %dma_start3A_199 = tpu.memref_squeeze %dma_start3A_198 : memref<1x128x128xbf16, #tpu.memory_space<vmem>> -> memref<128x128xbf16, #tpu.memory_space<vmem>>
      %dma_start3A_200 = arith.constant 0 : i32
      %dma_start3A_201 = tpu.memref_slice %arg16[%add3A_178, %dma_start3A_200] : memref<40x128xi32, #tpu.memory_space<vmem>> -> memref<1x128xi32, #tpu.memory_space<vmem>>
      %dma_start3A_202 = tpu.memref_squeeze %dma_start3A_201 : memref<1x128xi32, #tpu.memory_space<vmem>> -> memref<128xi32, #tpu.memory_space<vmem>>
      %dma_start3A_203 = arith.constant 0 : i32
      %dma_start3A_204 = arith.constant 0 : i32
      %dma_start3A_205 = tpu.memref_slice %arg14[%dma_start3A_203, %dma_start3A_204] : memref<10112x128xbf16, #tpu.memory_space<vmem_shared>> -> memref<10112x128xbf16, #tpu.memory_space<vmem_shared>>
      tpu.enqueue_indirect_dma source(%dma_start3A_199 : memref<128x128xbf16, #tpu.memory_space<vmem>>) target(%dma_start3A_205 : memref<10112x128xbf16, #tpu.memory_space<vmem_shared>>) offsets(%dma_start3A_202 : memref<128xi32, #tpu.memory_space<vmem>>) semaphore(%arg21 : memref<!tpu.dma_semaphore, #tpu.memory_space<semaphore_mem>>) {add = true}
      %add3A_206 = arith.constant 1 : i32
      %add3A_207 = arith.addi %add3A_178, %add3A_206 : i32
      %lt3A_208 = arith.cmpi slt, %add3A_207, %select_n3A_10 : i32
      %convert_element_type3A_209 = arith.extui %lt3A_208 : i1 to i32
      %cond3A_210 = arith.constant 0 : i32
      %cond3A_211 = arith.cmpi ne, %convert_element_type3A_209, %cond3A_210 : i32
      scf.if %cond3A_211 {
        %add3A_212 = arith.constant 1 : i32
        %add3A_213 = arith.addi %add3A_178, %add3A_212 : i32
        %dma_start3A_214 = arith.constant 0 : i32
        %dma_start3A_215 = arith.constant 0 : i32
        %dma_start3A_216 = arith.constant 0 : i32
        %dma_start3A_217 = tpu.memref_slice %arg17[%dma_start3A_214, %dma_start3A_215, %dma_start3A_216] : memref<2x128x128xbf16, #tpu.memory_space<vmem>> -> memref<1x128x128xbf16, #tpu.memory_space<vmem>>
        %dma_start3A_218 = tpu.memref_squeeze %dma_start3A_217 : memref<1x128x128xbf16, #tpu.memory_space<vmem>> -> memref<128x128xbf16, #tpu.memory_space<vmem>>
        %dma_start3A_219 = arith.constant 0 : i32
        %dma_start3A_220 = tpu.memref_slice %arg15[%add3A_213, %dma_start3A_219] : memref<40x128xi32, #tpu.memory_space<vmem>> -> memref<1x128xi32, #tpu.memory_space<vmem>>
        %dma_start3A_221 = tpu.memref_squeeze %dma_start3A_220 : memref<1x128xi32, #tpu.memory_space<vmem>> -> memref<128xi32, #tpu.memory_space<vmem>>
        %dma_start3A_222 = arith.constant 0 : i32
        %dma_start3A_223 = arith.constant 0 : i32
        %dma_start3A_224 = tpu.memref_slice %arg2[%dma_start3A_222, %dma_start3A_223] : memref<10000x128xbf16, #tpu.memory_space<hbm>> -> memref<10000x128xbf16, #tpu.memory_space<hbm>>
        tpu.enqueue_indirect_dma source(%dma_start3A_224 : memref<10000x128xbf16, #tpu.memory_space<hbm>>) target(%dma_start3A_218 : memref<128x128xbf16, #tpu.memory_space<vmem>>) offsets(%dma_start3A_221 : memref<128xi32, #tpu.memory_space<vmem>>) semaphore(%arg18 : memref<!tpu.dma_semaphore, #tpu.memory_space<semaphore_mem>>)
      } else {
      }
    }
    %sub3A_38 = arith.constant 1 : i32
    %sub3A_39 = arith.subi %select_n3A_10, %sub3A_38 : i32
    %dma_wait3A = arith.constant 1 : i32
    %dma_wait3A_40 = arith.constant 0 : i32
    %dma_wait3A_41 = arith.constant 0 : i32
    %dma_wait3A_42 = tpu.memref_slice %arg17[%dma_wait3A, %dma_wait3A_40, %dma_wait3A_41] : memref<2x128x128xbf16, #tpu.memory_space<vmem>> -> memref<1x128x128xbf16, #tpu.memory_space<vmem>>
    %dma_wait3A_43 = tpu.memref_squeeze %dma_wait3A_42 : memref<1x128x128xbf16, #tpu.memory_space<vmem>> -> memref<128x128xbf16, #tpu.memory_space<vmem>>
    %dma_wait3A_44 = arith.constant 0 : i32
    %dma_wait3A_45 = tpu.memref_slice %arg16[%sub3A_39, %dma_wait3A_44] : memref<40x128xi32, #tpu.memory_space<vmem>> -> memref<1x128xi32, #tpu.memory_space<vmem>>
    %dma_wait3A_46 = tpu.memref_squeeze %dma_wait3A_45 : memref<1x128xi32, #tpu.memory_space<vmem>> -> memref<128xi32, #tpu.memory_space<vmem>>
    %dma_wait3A_47 = arith.constant 0 : i32
    %dma_wait3A_48 = arith.constant 0 : i32
    %dma_wait3A_49 = tpu.memref_slice %arg14[%dma_wait3A_47, %dma_wait3A_48] : memref<10112x128xbf16, #tpu.memory_space<vmem_shared>> -> memref<10112x128xbf16, #tpu.memory_space<vmem_shared>>
    tpu.wait_indirect_dma semaphore(%arg21 : memref<!tpu.dma_semaphore, #tpu.memory_space<semaphore_mem>>) src(%dma_wait3A_43 : memref<128x128xbf16, #tpu.memory_space<vmem>>) dst(%dma_wait3A_49 : memref<10112x128xbf16, #tpu.memory_space<vmem_shared>>)
    %barrier3A_50 = arith.constant 0 : index
    tpu.barrier barrier_id(%barrier3A_50)
    "tpu.region"() ({
      %run_scoped3A = tpu.sem_alloc : memref<!tpu.dma_semaphore, #tpu.memory_space<semaphore_mem>>
      %dma_start3A_143 = arith.constant 0 : i32
      %dma_start3A_144 = tpu.memref_slice %arg11[%arg0, %mul3A_0, %dma_start3A_143] : memref<2x10112x128xbf16, #tpu.memory_space<hbm>> -> memref<1x632x128xbf16, #tpu.memory_space<hbm>>
      %dma_start3A_145 = tpu.memref_squeeze %dma_start3A_144 : memref<1x632x128xbf16, #tpu.memory_space<hbm>> -> memref<632x128xbf16, #tpu.memory_space<hbm>>
      %dma_start3A_146 = arith.constant 0 : i32
      %dma_start3A_147 = tpu.memref_slice %arg14[%mul3A_0, %dma_start3A_146] : memref<10112x128xbf16, #tpu.memory_space<vmem_shared>> -> memref<632x128xbf16, #tpu.memory_space<vmem_shared>>
      tpu.enqueue_dma source(%dma_start3A_147 : memref<632x128xbf16, #tpu.memory_space<vmem_shared>>) target(%dma_start3A_145 : memref<632x128xbf16, #tpu.memory_space<hbm>>) target_semaphore(%run_scoped3A : memref<!tpu.dma_semaphore, #tpu.memory_space<semaphore_mem>>)
      %dma_wait3A_148 = arith.constant 0 : i32
      %dma_wait3A_149 = tpu.memref_slice %arg11[%arg0, %mul3A_0, %dma_wait3A_148] : memref<2x10112x128xbf16, #tpu.memory_space<hbm>> -> memref<1x632x128xbf16, #tpu.memory_space<hbm>>
      %dma_wait3A_150 = tpu.memref_squeeze %dma_wait3A_149 : memref<1x632x128xbf16, #tpu.memory_space<hbm>> -> memref<632x128xbf16, #tpu.memory_space<hbm>>
      %dma_wait3A_151 = arith.constant 0 : i32
      %dma_wait3A_152 = tpu.memref_slice %arg14[%mul3A_0, %dma_wait3A_151] : memref<10112x128xbf16, #tpu.memory_space<vmem_shared>> -> memref<632x128xbf16, #tpu.memory_space<vmem_shared>>
      tpu.wait_dma2 semaphore(%run_scoped3A : memref<!tpu.dma_semaphore, #tpu.memory_space<semaphore_mem>>) src(%dma_wait3A_152 : memref<632x128xbf16, #tpu.memory_space<vmem_shared>>) dst(%dma_wait3A_150 : memref<632x128xbf16, #tpu.memory_space<hbm>>)
      tpu.yield
    }) : () -> ()
    "tpu.region"() ({
      %run_scoped3A = tpu.sem_alloc : memref<!tpu.dma_semaphore, #tpu.memory_space<semaphore_mem>>
      %dma_start3A_143 = arith.constant 0 : i32
      %dma_start3A_144 = tpu.memref_slice %arg6[%select_n3A, %dma_start3A_143] : memref<1296x128xi32, #tpu.memory_space<hbm>> -> memref<40x128xi32, #tpu.memory_space<hbm>>
      %dma_start3A_145 = arith.constant 0 : i32
      %dma_start3A_146 = tpu.memref_slice %arg6[%select_n3A, %dma_start3A_145] : memref<1296x128xi32, #tpu.memory_space<hbm>> -> memref<40x128xi32, #tpu.memory_space<hbm>>
      tpu.enqueue_dma source(%dma_start3A_146 : memref<40x128xi32, #tpu.memory_space<hbm>>) target(%arg15 : memref<40x128xi32, #tpu.memory_space<vmem>>) target_semaphore(%run_scoped3A : memref<!tpu.dma_semaphore, #tpu.memory_space<semaphore_mem>>)
      %dma_wait3A_147 = arith.constant 0 : i32
      %dma_wait3A_148 = tpu.memref_slice %arg6[%select_n3A, %dma_wait3A_147] : memref<1296x128xi32, #tpu.memory_space<hbm>> -> memref<40x128xi32, #tpu.memory_space<hbm>>
      %dma_wait3A_149 = arith.constant 0 : i32
      %dma_wait3A_150 = tpu.memref_slice %arg6[%select_n3A, %dma_wait3A_149] : memref<1296x128xi32, #tpu.memory_space<hbm>> -> memref<40x128xi32, #tpu.memory_space<hbm>>
      tpu.wait_dma2 semaphore(%run_scoped3A : memref<!tpu.dma_semaphore, #tpu.memory_space<semaphore_mem>>) src(%dma_wait3A_150 : memref<40x128xi32, #tpu.memory_space<hbm>>) dst(%arg15 : memref<40x128xi32, #tpu.memory_space<vmem>>)
      tpu.yield
    }) : () -> ()
    "tpu.region"() ({
      %run_scoped3A = tpu.sem_alloc : memref<!tpu.dma_semaphore, #tpu.memory_space<semaphore_mem>>
      %dma_start3A_143 = arith.constant 0 : i32
      %dma_start3A_144 = tpu.memref_slice %arg7[%select_n3A, %dma_start3A_143] : memref<1296x128xi32, #tpu.memory_space<hbm>> -> memref<40x128xi32, #tpu.memory_space<hbm>>
      %dma_start3A_145 = arith.constant 0 : i32
      %dma_start3A_146 = tpu.memref_slice %arg7[%select_n3A, %dma_start3A_145] : memref<1296x128xi32, #tpu.memory_space<hbm>> -> memref<40x128xi32, #tpu.memory_space<hbm>>
      tpu.enqueue_dma source(%dma_start3A_146 : memref<40x128xi32, #tpu.memory_space<hbm>>) target(%arg16 : memref<40x128xi32, #tpu.memory_space<vmem>>) target_semaphore(%run_scoped3A : memref<!tpu.dma_semaphore, #tpu.memory_space<semaphore_mem>>)
      %dma_wait3A_147 = arith.constant 0 : i32
      %dma_wait3A_148 = tpu.memref_slice %arg7[%select_n3A, %dma_wait3A_147] : memref<1296x128xi32, #tpu.memory_space<hbm>> -> memref<40x128xi32, #tpu.memory_space<hbm>>
      %dma_wait3A_149 = arith.constant 0 : i32
      %dma_wait3A_150 = tpu.memref_slice %arg7[%select_n3A, %dma_wait3A_149] : memref<1296x128xi32, #tpu.memory_space<hbm>> -> memref<40x128xi32, #tpu.memory_space<hbm>>
      tpu.wait_dma2 semaphore(%run_scoped3A : memref<!tpu.dma_semaphore, #tpu.memory_space<semaphore_mem>>) src(%dma_wait3A_150 : memref<40x128xi32, #tpu.memory_space<hbm>>) dst(%arg16 : memref<40x128xi32, #tpu.memory_space<vmem>>)
      tpu.yield
    }) : () -> ()
    "tpu.region"() ({
      %run_scoped3A = tpu.sem_alloc : memref<!tpu.dma_semaphore, #tpu.memory_space<semaphore_mem>>
      %dma_start3A_143 = arith.constant 0 : i32
      %dma_start3A_144 = tpu.memref_slice %arg14[%mul3A_0, %dma_start3A_143] : memref<10112x128xbf16, #tpu.memory_space<vmem_shared>> -> memref<632x128xbf16, #tpu.memory_space<vmem_shared>>
      tpu.enqueue_dma source(%arg10 : memref<632x128xbf16, #tpu.memory_space<hbm>>) target(%dma_start3A_144 : memref<632x128xbf16, #tpu.memory_space<vmem_shared>>) target_semaphore(%run_scoped3A : memref<!tpu.dma_semaphore, #tpu.memory_space<semaphore_mem>>)
      %dma_wait3A_145 = arith.constant 0 : i32
      %dma_wait3A_146 = tpu.memref_slice %arg14[%mul3A_0, %dma_wait3A_145] : memref<10112x128xbf16, #tpu.memory_space<vmem_shared>> -> memref<632x128xbf16, #tpu.memory_space<vmem_shared>>
      tpu.wait_dma2 semaphore(%run_scoped3A : memref<!tpu.dma_semaphore, #tpu.memory_space<semaphore_mem>>) src(%arg10 : memref<632x128xbf16, #tpu.memory_space<hbm>>) dst(%dma_wait3A_146 : memref<632x128xbf16, #tpu.memory_space<vmem_shared>>)
      tpu.yield
    }) : () -> ()
    %barrier3A_51 = arith.constant 0 : index
    tpu.barrier barrier_id(%barrier3A_51)
    %dma_start3A_52 = arith.constant 0 : i32
    %dma_start3A_53 = arith.constant 0 : i32
    %dma_start3A_54 = arith.constant 0 : i32
    %dma_start3A_55 = arith.constant 0 : i32
    %dma_start3A_56 = tpu.memref_slice %arg17[%dma_start3A_53, %dma_start3A_54, %dma_start3A_55] : memref<2x128x128xbf16, #tpu.memory_space<vmem>> -> memref<1x128x128xbf16, #tpu.memory_space<vmem>>
    %dma_start3A_57 = tpu.memref_squeeze %dma_start3A_56 : memref<1x128x128xbf16, #tpu.memory_space<vmem>> -> memref<128x128xbf16, #tpu.memory_space<vmem>>
    %dma_start3A_58 = arith.constant 0 : i32
    %dma_start3A_59 = tpu.memref_slice %arg15[%dma_start3A_52, %dma_start3A_58] : memref<40x128xi32, #tpu.memory_space<vmem>> -> memref<1x128xi32, #tpu.memory_space<vmem>>
    %dma_start3A_60 = tpu.memref_squeeze %dma_start3A_59 : memref<1x128xi32, #tpu.memory_space<vmem>> -> memref<128xi32, #tpu.memory_space<vmem>>
    %dma_start3A_61 = arith.constant 0 : i32
    %dma_start3A_62 = arith.constant 0 : i32
    %dma_start3A_63 = tpu.memref_slice %arg2[%dma_start3A_61, %dma_start3A_62] : memref<10000x128xbf16, #tpu.memory_space<hbm>> -> memref<10000x128xbf16, #tpu.memory_space<hbm>>
    tpu.enqueue_indirect_dma source(%dma_start3A_63 : memref<10000x128xbf16, #tpu.memory_space<hbm>>) target(%dma_start3A_57 : memref<128x128xbf16, #tpu.memory_space<vmem>>) offsets(%dma_start3A_60 : memref<128xi32, #tpu.memory_space<vmem>>) semaphore(%arg18 : memref<!tpu.dma_semaphore, #tpu.memory_space<semaphore_mem>>)
    %sub3A_64 = arith.constant 0 : i32
    %sub3A_65 = arith.subi %select_n3A_10, %sub3A_64 : i32
    %sub3A_66 = arith.constant 2 : i32
    %sub3A_67 = arith.constant 1 : i32
    %sub3A_68 = arith.subi %sub3A_66, %sub3A_67 : i32
    %add3A_69 = arith.addi %sub3A_65, %sub3A_68 : i32
    %div3A_70 = arith.constant 2 : i32
    %div3A_71 = arith.divsi %add3A_69, %div3A_70 : i32
    %while3A_72 = arith.constant 2 : i32
    %while3A_73 = arith.constant 0 : i32
    %while3A_74 = arith.constant 0 : i32
    %while3A_75 = arith.subi %div3A_71, %while3A_74 : i32
    %while3A_76 = arith.addi %while3A_74, %while3A_75 : i32
    %while3A_77 = arith.constant 1 : i32
    %while3A_78 = arith.divsi %while3A_75, %while3A_77 : i32
    %while3A_79 = arith.muli %while3A_78, %while3A_77 : i32
    %while3A_80 = arith.addi %while3A_74, %while3A_79 : i32
    %while3A_81 = arith.constant 1 : i32
    scf.for %while3A_143 = %while3A_74 to %while3A_80 step %while3A_81  : i32 {
      %mul3A_144 = arith.muli %while3A_143, %while3A_72 : i32
      %add3A_145 = arith.addi %while3A_73, %mul3A_144 : i32
      %add3A_146 = arith.constant 0 : i32
      %add3A_147 = arith.addi %add3A_145, %add3A_146 : i32
      %dma_wait3A_148 = arith.constant 0 : i32
      %dma_wait3A_149 = arith.constant 0 : i32
      %dma_wait3A_150 = arith.constant 0 : i32
      %dma_wait3A_151 = tpu.memref_slice %arg17[%dma_wait3A_148, %dma_wait3A_149, %dma_wait3A_150] : memref<2x128x128xbf16, #tpu.memory_space<vmem>> -> memref<1x128x128xbf16, #tpu.memory_space<vmem>>
      %dma_wait3A_152 = tpu.memref_squeeze %dma_wait3A_151 : memref<1x128x128xbf16, #tpu.memory_space<vmem>> -> memref<128x128xbf16, #tpu.memory_space<vmem>>
      %dma_wait3A_153 = arith.constant 0 : i32
      %dma_wait3A_154 = tpu.memref_slice %arg15[%add3A_147, %dma_wait3A_153] : memref<40x128xi32, #tpu.memory_space<vmem>> -> memref<1x128xi32, #tpu.memory_space<vmem>>
      %dma_wait3A_155 = tpu.memref_squeeze %dma_wait3A_154 : memref<1x128xi32, #tpu.memory_space<vmem>> -> memref<128xi32, #tpu.memory_space<vmem>>
      %dma_wait3A_156 = arith.constant 0 : i32
      %dma_wait3A_157 = arith.constant 0 : i32
      %dma_wait3A_158 = tpu.memref_slice %arg2[%dma_wait3A_156, %dma_wait3A_157] : memref<10000x128xbf16, #tpu.memory_space<hbm>> -> memref<10000x128xbf16, #tpu.memory_space<hbm>>
      tpu.wait_indirect_dma semaphore(%arg18 : memref<!tpu.dma_semaphore, #tpu.memory_space<semaphore_mem>>) src(%dma_wait3A_158 : memref<10000x128xbf16, #tpu.memory_space<hbm>>) dst(%dma_wait3A_152 : memref<128x128xbf16, #tpu.memory_space<vmem>>)
      %gt3A = arith.constant 0 : i32
      %gt3A_159 = arith.cmpi sgt, %add3A_147, %gt3A : i32
      %convert_element_type3A = arith.extui %gt3A_159 : i1 to i32
      %cond3A = arith.constant 0 : i32
      %cond3A_160 = arith.cmpi ne, %convert_element_type3A, %cond3A : i32
      scf.if %cond3A_160 {
        %sub3A_212 = arith.constant 1 : i32
        %sub3A_213 = arith.subi %add3A_147, %sub3A_212 : i32
        %dma_wait3A_214 = arith.constant 1 : i32
        %dma_wait3A_215 = arith.constant 0 : i32
        %dma_wait3A_216 = arith.constant 0 : i32
        %dma_wait3A_217 = tpu.memref_slice %arg17[%dma_wait3A_214, %dma_wait3A_215, %dma_wait3A_216] : memref<2x128x128xbf16, #tpu.memory_space<vmem>> -> memref<1x128x128xbf16, #tpu.memory_space<vmem>>
        %dma_wait3A_218 = tpu.memref_squeeze %dma_wait3A_217 : memref<1x128x128xbf16, #tpu.memory_space<vmem>> -> memref<128x128xbf16, #tpu.memory_space<vmem>>
        %dma_wait3A_219 = arith.constant 0 : i32
        %dma_wait3A_220 = tpu.memref_slice %arg16[%sub3A_213, %dma_wait3A_219] : memref<40x128xi32, #tpu.memory_space<vmem>> -> memref<1x128xi32, #tpu.memory_space<vmem>>
        %dma_wait3A_221 = tpu.memref_squeeze %dma_wait3A_220 : memref<1x128xi32, #tpu.memory_space<vmem>> -> memref<128xi32, #tpu.memory_space<vmem>>
        %dma_wait3A_222 = arith.constant 0 : i32
        %dma_wait3A_223 = arith.constant 0 : i32
        %dma_wait3A_224 = tpu.memref_slice %arg14[%dma_wait3A_222, %dma_wait3A_223] : memref<10112x128xbf16, #tpu.memory_space<vmem_shared>> -> memref<10112x128xbf16, #tpu.memory_space<vmem_shared>>
        tpu.wait_indirect_dma semaphore(%arg21 : memref<!tpu.dma_semaphore, #tpu.memory_space<semaphore_mem>>) src(%dma_wait3A_218 : memref<128x128xbf16, #tpu.memory_space<vmem>>) dst(%dma_wait3A_224 : memref<10112x128xbf16, #tpu.memory_space<vmem_shared>>)
      } else {
      }
      %dma_start3A_161 = arith.constant 0 : i32
      %dma_start3A_162 = arith.constant 0 : i32
      %dma_start3A_163 = arith.constant 0 : i32
      %dma_start3A_164 = tpu.memref_slice %arg17[%dma_start3A_161, %dma_start3A_162, %dma_start3A_163] : memref<2x128x128xbf16, #tpu.memory_space<vmem>> -> memref<1x128x128xbf16, #tpu.memory_space<vmem>>
      %dma_start3A_165 = tpu.memref_squeeze %dma_start3A_164 : memref<1x128x128xbf16, #tpu.memory_space<vmem>> -> memref<128x128xbf16, #tpu.memory_space<vmem>>
      %dma_start3A_166 = arith.constant 0 : i32
      %dma_start3A_167 = tpu.memref_slice %arg16[%add3A_147, %dma_start3A_166] : memref<40x128xi32, #tpu.memory_space<vmem>> -> memref<1x128xi32, #tpu.memory_space<vmem>>
      %dma_start3A_168 = tpu.memref_squeeze %dma_start3A_167 : memref<1x128xi32, #tpu.memory_space<vmem>> -> memref<128xi32, #tpu.memory_space<vmem>>
      %dma_start3A_169 = arith.constant 0 : i32
      %dma_start3A_170 = arith.constant 0 : i32
      %dma_start3A_171 = tpu.memref_slice %arg14[%dma_start3A_169, %dma_start3A_170] : memref<10112x128xbf16, #tpu.memory_space<vmem_shared>> -> memref<10112x128xbf16, #tpu.memory_space<vmem_shared>>
      tpu.enqueue_indirect_dma source(%dma_start3A_165 : memref<128x128xbf16, #tpu.memory_space<vmem>>) target(%dma_start3A_171 : memref<10112x128xbf16, #tpu.memory_space<vmem_shared>>) offsets(%dma_start3A_168 : memref<128xi32, #tpu.memory_space<vmem>>) semaphore(%arg20 : memref<!tpu.dma_semaphore, #tpu.memory_space<semaphore_mem>>) {add = true}
      %add3A_172 = arith.constant 1 : i32
      %add3A_173 = arith.addi %add3A_147, %add3A_172 : i32
      %lt3A = arith.cmpi slt, %add3A_173, %select_n3A_10 : i32
      %convert_element_type3A_174 = arith.extui %lt3A : i1 to i32
      %cond3A_175 = arith.constant 0 : i32
      %cond3A_176 = arith.cmpi ne, %convert_element_type3A_174, %cond3A_175 : i32
      scf.if %cond3A_176 {
        %add3A_212 = arith.constant 1 : i32
        %add3A_213 = arith.addi %add3A_147, %add3A_212 : i32
        %dma_start3A_214 = arith.constant 1 : i32
        %dma_start3A_215 = arith.constant 0 : i32
        %dma_start3A_216 = arith.constant 0 : i32
        %dma_start3A_217 = tpu.memref_slice %arg17[%dma_start3A_214, %dma_start3A_215, %dma_start3A_216] : memref<2x128x128xbf16, #tpu.memory_space<vmem>> -> memref<1x128x128xbf16, #tpu.memory_space<vmem>>
        %dma_start3A_218 = tpu.memref_squeeze %dma_start3A_217 : memref<1x128x128xbf16, #tpu.memory_space<vmem>> -> memref<128x128xbf16, #tpu.memory_space<vmem>>
        %dma_start3A_219 = arith.constant 0 : i32
        %dma_start3A_220 = tpu.memref_slice %arg15[%add3A_213, %dma_start3A_219] : memref<40x128xi32, #tpu.memory_space<vmem>> -> memref<1x128xi32, #tpu.memory_space<vmem>>
        %dma_start3A_221 = tpu.memref_squeeze %dma_start3A_220 : memref<1x128xi32, #tpu.memory_space<vmem>> -> memref<128xi32, #tpu.memory_space<vmem>>
        %dma_start3A_222 = arith.constant 0 : i32
        %dma_start3A_223 = arith.constant 0 : i32
        %dma_start3A_224 = tpu.memref_slice %arg2[%dma_start3A_222, %dma_start3A_223] : memref<10000x128xbf16, #tpu.memory_space<hbm>> -> memref<10000x128xbf16, #tpu.memory_space<hbm>>
        tpu.enqueue_indirect_dma source(%dma_start3A_224 : memref<10000x128xbf16, #tpu.memory_space<hbm>>) target(%dma_start3A_218 : memref<128x128xbf16, #tpu.memory_space<vmem>>) offsets(%dma_start3A_221 : memref<128xi32, #tpu.memory_space<vmem>>) semaphore(%arg19 : memref<!tpu.dma_semaphore, #tpu.memory_space<semaphore_mem>>)
      } else {
      }
      %add3A_177 = arith.constant 1 : i32
      %add3A_178 = arith.addi %add3A_145, %add3A_177 : i32
      %dma_wait3A_179 = arith.constant 1 : i32
      %dma_wait3A_180 = arith.constant 0 : i32
      %dma_wait3A_181 = arith.constant 0 : i32
      %dma_wait3A_182 = tpu.memref_slice %arg17[%dma_wait3A_179, %dma_wait3A_180, %dma_wait3A_181] : memref<2x128x128xbf16, #tpu.memory_space<vmem>> -> memref<1x128x128xbf16, #tpu.memory_space<vmem>>
      %dma_wait3A_183 = tpu.memref_squeeze %dma_wait3A_182 : memref<1x128x128xbf16, #tpu.memory_space<vmem>> -> memref<128x128xbf16, #tpu.memory_space<vmem>>
      %dma_wait3A_184 = arith.constant 0 : i32
      %dma_wait3A_185 = tpu.memref_slice %arg15[%add3A_178, %dma_wait3A_184] : memref<40x128xi32, #tpu.memory_space<vmem>> -> memref<1x128xi32, #tpu.memory_space<vmem>>
      %dma_wait3A_186 = tpu.memref_squeeze %dma_wait3A_185 : memref<1x128xi32, #tpu.memory_space<vmem>> -> memref<128xi32, #tpu.memory_space<vmem>>
      %dma_wait3A_187 = arith.constant 0 : i32
      %dma_wait3A_188 = arith.constant 0 : i32
      %dma_wait3A_189 = tpu.memref_slice %arg2[%dma_wait3A_187, %dma_wait3A_188] : memref<10000x128xbf16, #tpu.memory_space<hbm>> -> memref<10000x128xbf16, #tpu.memory_space<hbm>>
      tpu.wait_indirect_dma semaphore(%arg19 : memref<!tpu.dma_semaphore, #tpu.memory_space<semaphore_mem>>) src(%dma_wait3A_189 : memref<10000x128xbf16, #tpu.memory_space<hbm>>) dst(%dma_wait3A_183 : memref<128x128xbf16, #tpu.memory_space<vmem>>)
      %gt3A_190 = arith.constant 0 : i32
      %gt3A_191 = arith.cmpi sgt, %add3A_178, %gt3A_190 : i32
      %convert_element_type3A_192 = arith.extui %gt3A_191 : i1 to i32
      %cond3A_193 = arith.constant 0 : i32
      %cond3A_194 = arith.cmpi ne, %convert_element_type3A_192, %cond3A_193 : i32
      scf.if %cond3A_194 {
        %sub3A_212 = arith.constant 1 : i32
        %sub3A_213 = arith.subi %add3A_178, %sub3A_212 : i32
        %dma_wait3A_214 = arith.constant 0 : i32
        %dma_wait3A_215 = arith.constant 0 : i32
        %dma_wait3A_216 = arith.constant 0 : i32
        %dma_wait3A_217 = tpu.memref_slice %arg17[%dma_wait3A_214, %dma_wait3A_215, %dma_wait3A_216] : memref<2x128x128xbf16, #tpu.memory_space<vmem>> -> memref<1x128x128xbf16, #tpu.memory_space<vmem>>
        %dma_wait3A_218 = tpu.memref_squeeze %dma_wait3A_217 : memref<1x128x128xbf16, #tpu.memory_space<vmem>> -> memref<128x128xbf16, #tpu.memory_space<vmem>>
        %dma_wait3A_219 = arith.constant 0 : i32
        %dma_wait3A_220 = tpu.memref_slice %arg16[%sub3A_213, %dma_wait3A_219] : memref<40x128xi32, #tpu.memory_space<vmem>> -> memref<1x128xi32, #tpu.memory_space<vmem>>
        %dma_wait3A_221 = tpu.memref_squeeze %dma_wait3A_220 : memref<1x128xi32, #tpu.memory_space<vmem>> -> memref<128xi32, #tpu.memory_space<vmem>>
        %dma_wait3A_222 = arith.constant 0 : i32
        %dma_wait3A_223 = arith.constant 0 : i32
        %dma_wait3A_224 = tpu.memref_slice %arg14[%dma_wait3A_222, %dma_wait3A_223] : memref<10112x128xbf16, #tpu.memory_space<vmem_shared>> -> memref<10112x128xbf16, #tpu.memory_space<vmem_shared>>
        tpu.wait_indirect_dma semaphore(%arg20 : memref<!tpu.dma_semaphore, #tpu.memory_space<semaphore_mem>>) src(%dma_wait3A_218 : memref<128x128xbf16, #tpu.memory_space<vmem>>) dst(%dma_wait3A_224 : memref<10112x128xbf16, #tpu.memory_space<vmem_shared>>)
      } else {
      }
      %dma_start3A_195 = arith.constant 1 : i32
      %dma_start3A_196 = arith.constant 0 : i32
      %dma_start3A_197 = arith.constant 0 : i32
      %dma_start3A_198 = tpu.memref_slice %arg17[%dma_start3A_195, %dma_start3A_196, %dma_start3A_197] : memref<2x128x128xbf16, #tpu.memory_space<vmem>> -> memref<1x128x128xbf16, #tpu.memory_space<vmem>>
      %dma_start3A_199 = tpu.memref_squeeze %dma_start3A_198 : memref<1x128x128xbf16, #tpu.memory_space<vmem>> -> memref<128x128xbf16, #tpu.memory_space<vmem>>
      %dma_start3A_200 = arith.constant 0 : i32
      %dma_start3A_201 = tpu.memref_slice %arg16[%add3A_178, %dma_start3A_200] : memref<40x128xi32, #tpu.memory_space<vmem>> -> memref<1x128xi32, #tpu.memory_space<vmem>>
      %dma_start3A_202 = tpu.memref_squeeze %dma_start3A_201 : memref<1x128xi32, #tpu.memory_space<vmem>> -> memref<128xi32, #tpu.memory_space<vmem>>
      %dma_start3A_203 = arith.constant 0 : i32
      %dma_start3A_204 = arith.constant 0 : i32
      %dma_start3A_205 = tpu.memref_slice %arg14[%dma_start3A_203, %dma_start3A_204] : memref<10112x128xbf16, #tpu.memory_space<vmem_shared>> -> memref<10112x128xbf16, #tpu.memory_space<vmem_shared>>
      tpu.enqueue_indirect_dma source(%dma_start3A_199 : memref<128x128xbf16, #tpu.memory_space<vmem>>) target(%dma_start3A_205 : memref<10112x128xbf16, #tpu.memory_space<vmem_shared>>) offsets(%dma_start3A_202 : memref<128xi32, #tpu.memory_space<vmem>>) semaphore(%arg21 : memref<!tpu.dma_semaphore, #tpu.memory_space<semaphore_mem>>) {add = true}
      %add3A_206 = arith.constant 1 : i32
      %add3A_207 = arith.addi %add3A_178, %add3A_206 : i32
      %lt3A_208 = arith.cmpi slt, %add3A_207, %select_n3A_10 : i32
      %convert_element_type3A_209 = arith.extui %lt3A_208 : i1 to i32
      %cond3A_210 = arith.constant 0 : i32
      %cond3A_211 = arith.cmpi ne, %convert_element_type3A_209, %cond3A_210 : i32
      scf.if %cond3A_211 {
        %add3A_212 = arith.constant 1 : i32
        %add3A_213 = arith.addi %add3A_178, %add3A_212 : i32
        %dma_start3A_214 = arith.constant 0 : i32
        %dma_start3A_215 = arith.constant 0 : i32
        %dma_start3A_216 = arith.constant 0 : i32
        %dma_start3A_217 = tpu.memref_slice %arg17[%dma_start3A_214, %dma_start3A_215, %dma_start3A_216] : memref<2x128x128xbf16, #tpu.memory_space<vmem>> -> memref<1x128x128xbf16, #tpu.memory_space<vmem>>
        %dma_start3A_218 = tpu.memref_squeeze %dma_start3A_217 : memref<1x128x128xbf16, #tpu.memory_space<vmem>> -> memref<128x128xbf16, #tpu.memory_space<vmem>>
        %dma_start3A_219 = arith.constant 0 : i32
        %dma_start3A_220 = tpu.memref_slice %arg15[%add3A_213, %dma_start3A_219] : memref<40x128xi32, #tpu.memory_space<vmem>> -> memref<1x128xi32, #tpu.memory_space<vmem>>
        %dma_start3A_221 = tpu.memref_squeeze %dma_start3A_220 : memref<1x128xi32, #tpu.memory_space<vmem>> -> memref<128xi32, #tpu.memory_space<vmem>>
        %dma_start3A_222 = arith.constant 0 : i32
        %dma_start3A_223 = arith.constant 0 : i32
        %dma_start3A_224 = tpu.memref_slice %arg2[%dma_start3A_222, %dma_start3A_223] : memref<10000x128xbf16, #tpu.memory_space<hbm>> -> memref<10000x128xbf16, #tpu.memory_space<hbm>>
        tpu.enqueue_indirect_dma source(%dma_start3A_224 : memref<10000x128xbf16, #tpu.memory_space<hbm>>) target(%dma_start3A_218 : memref<128x128xbf16, #tpu.memory_space<vmem>>) offsets(%dma_start3A_221 : memref<128xi32, #tpu.memory_space<vmem>>) semaphore(%arg18 : memref<!tpu.dma_semaphore, #tpu.memory_space<semaphore_mem>>)
      } else {
      }
    }
    %while3A_82 = arith.constant 1 : i32
    scf.for %while3A_143 = %while3A_80 to %while3A_76 step %while3A_82  : i32 {
      %mul3A_144 = arith.muli %while3A_143, %while3A_72 : i32
      %add3A_145 = arith.addi %while3A_73, %mul3A_144 : i32
      %add3A_146 = arith.constant 0 : i32
      %add3A_147 = arith.addi %add3A_145, %add3A_146 : i32
      %dma_wait3A_148 = arith.constant 0 : i32
      %dma_wait3A_149 = arith.constant 0 : i32
      %dma_wait3A_150 = arith.constant 0 : i32
      %dma_wait3A_151 = tpu.memref_slice %arg17[%dma_wait3A_148, %dma_wait3A_149, %dma_wait3A_150] : memref<2x128x128xbf16, #tpu.memory_space<vmem>> -> memref<1x128x128xbf16, #tpu.memory_space<vmem>>
      %dma_wait3A_152 = tpu.memref_squeeze %dma_wait3A_151 : memref<1x128x128xbf16, #tpu.memory_space<vmem>> -> memref<128x128xbf16, #tpu.memory_space<vmem>>
      %dma_wait3A_153 = arith.constant 0 : i32
      %dma_wait3A_154 = tpu.memref_slice %arg15[%add3A_147, %dma_wait3A_153] : memref<40x128xi32, #tpu.memory_space<vmem>> -> memref<1x128xi32, #tpu.memory_space<vmem>>
      %dma_wait3A_155 = tpu.memref_squeeze %dma_wait3A_154 : memref<1x128xi32, #tpu.memory_space<vmem>> -> memref<128xi32, #tpu.memory_space<vmem>>
      %dma_wait3A_156 = arith.constant 0 : i32
      %dma_wait3A_157 = arith.constant 0 : i32
      %dma_wait3A_158 = tpu.memref_slice %arg2[%dma_wait3A_156, %dma_wait3A_157] : memref<10000x128xbf16, #tpu.memory_space<hbm>> -> memref<10000x128xbf16, #tpu.memory_space<hbm>>
      tpu.wait_indirect_dma semaphore(%arg18 : memref<!tpu.dma_semaphore, #tpu.memory_space<semaphore_mem>>) src(%dma_wait3A_158 : memref<10000x128xbf16, #tpu.memory_space<hbm>>) dst(%dma_wait3A_152 : memref<128x128xbf16, #tpu.memory_space<vmem>>)
      %gt3A = arith.constant 0 : i32
      %gt3A_159 = arith.cmpi sgt, %add3A_147, %gt3A : i32
      %convert_element_type3A = arith.extui %gt3A_159 : i1 to i32
      %cond3A = arith.constant 0 : i32
      %cond3A_160 = arith.cmpi ne, %convert_element_type3A, %cond3A : i32
      scf.if %cond3A_160 {
        %sub3A_212 = arith.constant 1 : i32
        %sub3A_213 = arith.subi %add3A_147, %sub3A_212 : i32
        %dma_wait3A_214 = arith.constant 1 : i32
        %dma_wait3A_215 = arith.constant 0 : i32
        %dma_wait3A_216 = arith.constant 0 : i32
        %dma_wait3A_217 = tpu.memref_slice %arg17[%dma_wait3A_214, %dma_wait3A_215, %dma_wait3A_216] : memref<2x128x128xbf16, #tpu.memory_space<vmem>> -> memref<1x128x128xbf16, #tpu.memory_space<vmem>>
        %dma_wait3A_218 = tpu.memref_squeeze %dma_wait3A_217 : memref<1x128x128xbf16, #tpu.memory_space<vmem>> -> memref<128x128xbf16, #tpu.memory_space<vmem>>
        %dma_wait3A_219 = arith.constant 0 : i32
        %dma_wait3A_220 = tpu.memref_slice %arg16[%sub3A_213, %dma_wait3A_219] : memref<40x128xi32, #tpu.memory_space<vmem>> -> memref<1x128xi32, #tpu.memory_space<vmem>>
        %dma_wait3A_221 = tpu.memref_squeeze %dma_wait3A_220 : memref<1x128xi32, #tpu.memory_space<vmem>> -> memref<128xi32, #tpu.memory_space<vmem>>
        %dma_wait3A_222 = arith.constant 0 : i32
        %dma_wait3A_223 = arith.constant 0 : i32
        %dma_wait3A_224 = tpu.memref_slice %arg14[%dma_wait3A_222, %dma_wait3A_223] : memref<10112x128xbf16, #tpu.memory_space<vmem_shared>> -> memref<10112x128xbf16, #tpu.memory_space<vmem_shared>>
        tpu.wait_indirect_dma semaphore(%arg21 : memref<!tpu.dma_semaphore, #tpu.memory_space<semaphore_mem>>) src(%dma_wait3A_218 : memref<128x128xbf16, #tpu.memory_space<vmem>>) dst(%dma_wait3A_224 : memref<10112x128xbf16, #tpu.memory_space<vmem_shared>>)
      } else {
      }
      %dma_start3A_161 = arith.constant 0 : i32
      %dma_start3A_162 = arith.constant 0 : i32
      %dma_start3A_163 = arith.constant 0 : i32
      %dma_start3A_164 = tpu.memref_slice %arg17[%dma_start3A_161, %dma_start3A_162, %dma_start3A_163] : memref<2x128x128xbf16, #tpu.memory_space<vmem>> -> memref<1x128x128xbf16, #tpu.memory_space<vmem>>
      %dma_start3A_165 = tpu.memref_squeeze %dma_start3A_164 : memref<1x128x128xbf16, #tpu.memory_space<vmem>> -> memref<128x128xbf16, #tpu.memory_space<vmem>>
      %dma_start3A_166 = arith.constant 0 : i32
      %dma_start3A_167 = tpu.memref_slice %arg16[%add3A_147, %dma_start3A_166] : memref<40x128xi32, #tpu.memory_space<vmem>> -> memref<1x128xi32, #tpu.memory_space<vmem>>
      %dma_start3A_168 = tpu.memref_squeeze %dma_start3A_167 : memref<1x128xi32, #tpu.memory_space<vmem>> -> memref<128xi32, #tpu.memory_space<vmem>>
      %dma_start3A_169 = arith.constant 0 : i32
      %dma_start3A_170 = arith.constant 0 : i32
      %dma_start3A_171 = tpu.memref_slice %arg14[%dma_start3A_169, %dma_start3A_170] : memref<10112x128xbf16, #tpu.memory_space<vmem_shared>> -> memref<10112x128xbf16, #tpu.memory_space<vmem_shared>>
      tpu.enqueue_indirect_dma source(%dma_start3A_165 : memref<128x128xbf16, #tpu.memory_space<vmem>>) target(%dma_start3A_171 : memref<10112x128xbf16, #tpu.memory_space<vmem_shared>>) offsets(%dma_start3A_168 : memref<128xi32, #tpu.memory_space<vmem>>) semaphore(%arg20 : memref<!tpu.dma_semaphore, #tpu.memory_space<semaphore_mem>>) {add = true}
      %add3A_172 = arith.constant 1 : i32
      %add3A_173 = arith.addi %add3A_147, %add3A_172 : i32
      %lt3A = arith.cmpi slt, %add3A_173, %select_n3A_10 : i32
      %convert_element_type3A_174 = arith.extui %lt3A : i1 to i32
      %cond3A_175 = arith.constant 0 : i32
      %cond3A_176 = arith.cmpi ne, %convert_element_type3A_174, %cond3A_175 : i32
      scf.if %cond3A_176 {
        %add3A_212 = arith.constant 1 : i32
        %add3A_213 = arith.addi %add3A_147, %add3A_212 : i32
        %dma_start3A_214 = arith.constant 1 : i32
        %dma_start3A_215 = arith.constant 0 : i32
        %dma_start3A_216 = arith.constant 0 : i32
        %dma_start3A_217 = tpu.memref_slice %arg17[%dma_start3A_214, %dma_start3A_215, %dma_start3A_216] : memref<2x128x128xbf16, #tpu.memory_space<vmem>> -> memref<1x128x128xbf16, #tpu.memory_space<vmem>>
        %dma_start3A_218 = tpu.memref_squeeze %dma_start3A_217 : memref<1x128x128xbf16, #tpu.memory_space<vmem>> -> memref<128x128xbf16, #tpu.memory_space<vmem>>
        %dma_start3A_219 = arith.constant 0 : i32
        %dma_start3A_220 = tpu.memref_slice %arg15[%add3A_213, %dma_start3A_219] : memref<40x128xi32, #tpu.memory_space<vmem>> -> memref<1x128xi32, #tpu.memory_space<vmem>>
        %dma_start3A_221 = tpu.memref_squeeze %dma_start3A_220 : memref<1x128xi32, #tpu.memory_space<vmem>> -> memref<128xi32, #tpu.memory_space<vmem>>
        %dma_start3A_222 = arith.constant 0 : i32
        %dma_start3A_223 = arith.constant 0 : i32
        %dma_start3A_224 = tpu.memref_slice %arg2[%dma_start3A_222, %dma_start3A_223] : memref<10000x128xbf16, #tpu.memory_space<hbm>> -> memref<10000x128xbf16, #tpu.memory_space<hbm>>
        tpu.enqueue_indirect_dma source(%dma_start3A_224 : memref<10000x128xbf16, #tpu.memory_space<hbm>>) target(%dma_start3A_218 : memref<128x128xbf16, #tpu.memory_space<vmem>>) offsets(%dma_start3A_221 : memref<128xi32, #tpu.memory_space<vmem>>) semaphore(%arg19 : memref<!tpu.dma_semaphore, #tpu.memory_space<semaphore_mem>>)
      } else {
      }
      %add3A_177 = arith.constant 1 : i32
      %add3A_178 = arith.addi %add3A_145, %add3A_177 : i32
      %dma_wait3A_179 = arith.constant 1 : i32
      %dma_wait3A_180 = arith.constant 0 : i32
      %dma_wait3A_181 = arith.constant 0 : i32
      %dma_wait3A_182 = tpu.memref_slice %arg17[%dma_wait3A_179, %dma_wait3A_180, %dma_wait3A_181] : memref<2x128x128xbf16, #tpu.memory_space<vmem>> -> memref<1x128x128xbf16, #tpu.memory_space<vmem>>
      %dma_wait3A_183 = tpu.memref_squeeze %dma_wait3A_182 : memref<1x128x128xbf16, #tpu.memory_space<vmem>> -> memref<128x128xbf16, #tpu.memory_space<vmem>>
      %dma_wait3A_184 = arith.constant 0 : i32
      %dma_wait3A_185 = tpu.memref_slice %arg15[%add3A_178, %dma_wait3A_184] : memref<40x128xi32, #tpu.memory_space<vmem>> -> memref<1x128xi32, #tpu.memory_space<vmem>>
      %dma_wait3A_186 = tpu.memref_squeeze %dma_wait3A_185 : memref<1x128xi32, #tpu.memory_space<vmem>> -> memref<128xi32, #tpu.memory_space<vmem>>
      %dma_wait3A_187 = arith.constant 0 : i32
      %dma_wait3A_188 = arith.constant 0 : i32
      %dma_wait3A_189 = tpu.memref_slice %arg2[%dma_wait3A_187, %dma_wait3A_188] : memref<10000x128xbf16, #tpu.memory_space<hbm>> -> memref<10000x128xbf16, #tpu.memory_space<hbm>>
      tpu.wait_indirect_dma semaphore(%arg19 : memref<!tpu.dma_semaphore, #tpu.memory_space<semaphore_mem>>) src(%dma_wait3A_189 : memref<10000x128xbf16, #tpu.memory_space<hbm>>) dst(%dma_wait3A_183 : memref<128x128xbf16, #tpu.memory_space<vmem>>)
      %gt3A_190 = arith.constant 0 : i32
      %gt3A_191 = arith.cmpi sgt, %add3A_178, %gt3A_190 : i32
      %convert_element_type3A_192 = arith.extui %gt3A_191 : i1 to i32
      %cond3A_193 = arith.constant 0 : i32
      %cond3A_194 = arith.cmpi ne, %convert_element_type3A_192, %cond3A_193 : i32
      scf.if %cond3A_194 {
        %sub3A_212 = arith.constant 1 : i32
        %sub3A_213 = arith.subi %add3A_178, %sub3A_212 : i32
        %dma_wait3A_214 = arith.constant 0 : i32
        %dma_wait3A_215 = arith.constant 0 : i32
        %dma_wait3A_216 = arith.constant 0 : i32
        %dma_wait3A_217 = tpu.memref_slice %arg17[%dma_wait3A_214, %dma_wait3A_215, %dma_wait3A_216] : memref<2x128x128xbf16, #tpu.memory_space<vmem>> -> memref<1x128x128xbf16, #tpu.memory_space<vmem>>
        %dma_wait3A_218 = tpu.memref_squeeze %dma_wait3A_217 : memref<1x128x128xbf16, #tpu.memory_space<vmem>> -> memref<128x128xbf16, #tpu.memory_space<vmem>>
        %dma_wait3A_219 = arith.constant 0 : i32
        %dma_wait3A_220 = tpu.memref_slice %arg16[%sub3A_213, %dma_wait3A_219] : memref<40x128xi32, #tpu.memory_space<vmem>> -> memref<1x128xi32, #tpu.memory_space<vmem>>
        %dma_wait3A_221 = tpu.memref_squeeze %dma_wait3A_220 : memref<1x128xi32, #tpu.memory_space<vmem>> -> memref<128xi32, #tpu.memory_space<vmem>>
        %dma_wait3A_222 = arith.constant 0 : i32
        %dma_wait3A_223 = arith.constant 0 : i32
        %dma_wait3A_224 = tpu.memref_slice %arg14[%dma_wait3A_222, %dma_wait3A_223] : memref<10112x128xbf16, #tpu.memory_space<vmem_shared>> -> memref<10112x128xbf16, #tpu.memory_space<vmem_shared>>
        tpu.wait_indirect_dma semaphore(%arg20 : memref<!tpu.dma_semaphore, #tpu.memory_space<semaphore_mem>>) src(%dma_wait3A_218 : memref<128x128xbf16, #tpu.memory_space<vmem>>) dst(%dma_wait3A_224 : memref<10112x128xbf16, #tpu.memory_space<vmem_shared>>)
      } else {
      }
      %dma_start3A_195 = arith.constant 1 : i32
      %dma_start3A_196 = arith.constant 0 : i32
      %dma_start3A_197 = arith.constant 0 : i32
      %dma_start3A_198 = tpu.memref_slice %arg17[%dma_start3A_195, %dma_start3A_196, %dma_start3A_197] : memref<2x128x128xbf16, #tpu.memory_space<vmem>> -> memref<1x128x128xbf16, #tpu.memory_space<vmem>>
      %dma_start3A_199 = tpu.memref_squeeze %dma_start3A_198 : memref<1x128x128xbf16, #tpu.memory_space<vmem>> -> memref<128x128xbf16, #tpu.memory_space<vmem>>
      %dma_start3A_200 = arith.constant 0 : i32
      %dma_start3A_201 = tpu.memref_slice %arg16[%add3A_178, %dma_start3A_200] : memref<40x128xi32, #tpu.memory_space<vmem>> -> memref<1x128xi32, #tpu.memory_space<vmem>>
      %dma_start3A_202 = tpu.memref_squeeze %dma_start3A_201 : memref<1x128xi32, #tpu.memory_space<vmem>> -> memref<128xi32, #tpu.memory_space<vmem>>
      %dma_start3A_203 = arith.constant 0 : i32
      %dma_start3A_204 = arith.constant 0 : i32
      %dma_start3A_205 = tpu.memref_slice %arg14[%dma_start3A_203, %dma_start3A_204] : memref<10112x128xbf16, #tpu.memory_space<vmem_shared>> -> memref<10112x128xbf16, #tpu.memory_space<vmem_shared>>
      tpu.enqueue_indirect_dma source(%dma_start3A_199 : memref<128x128xbf16, #tpu.memory_space<vmem>>) target(%dma_start3A_205 : memref<10112x128xbf16, #tpu.memory_space<vmem_shared>>) offsets(%dma_start3A_202 : memref<128xi32, #tpu.memory_space<vmem>>) semaphore(%arg21 : memref<!tpu.dma_semaphore, #tpu.memory_space<semaphore_mem>>) {add = true}
      %add3A_206 = arith.constant 1 : i32
      %add3A_207 = arith.addi %add3A_178, %add3A_206 : i32
      %lt3A_208 = arith.cmpi slt, %add3A_207, %select_n3A_10 : i32
      %convert_element_type3A_209 = arith.extui %lt3A_208 : i1 to i32
      %cond3A_210 = arith.constant 0 : i32
      %cond3A_211 = arith.cmpi ne, %convert_element_type3A_209, %cond3A_210 : i32
      scf.if %cond3A_211 {
        %add3A_212 = arith.constant 1 : i32
        %add3A_213 = arith.addi %add3A_178, %add3A_212 : i32
        %dma_start3A_214 = arith.constant 0 : i32
        %dma_start3A_215 = arith.constant 0 : i32
        %dma_start3A_216 = arith.constant 0 : i32
        %dma_start3A_217 = tpu.memref_slice %arg17[%dma_start3A_214, %dma_start3A_215, %dma_start3A_216] : memref<2x128x128xbf16, #tpu.memory_space<vmem>> -> memref<1x128x128xbf16, #tpu.memory_space<vmem>>
        %dma_start3A_218 = tpu.memref_squeeze %dma_start3A_217 : memref<1x128x128xbf16, #tpu.memory_space<vmem>> -> memref<128x128xbf16, #tpu.memory_space<vmem>>
        %dma_start3A_219 = arith.constant 0 : i32
        %dma_start3A_220 = tpu.memref_slice %arg15[%add3A_213, %dma_start3A_219] : memref<40x128xi32, #tpu.memory_space<vmem>> -> memref<1x128xi32, #tpu.memory_space<vmem>>
        %dma_start3A_221 = tpu.memref_squeeze %dma_start3A_220 : memref<1x128xi32, #tpu.memory_space<vmem>> -> memref<128xi32, #tpu.memory_space<vmem>>
        %dma_start3A_222 = arith.constant 0 : i32
        %dma_start3A_223 = arith.constant 0 : i32
        %dma_start3A_224 = tpu.memref_slice %arg2[%dma_start3A_222, %dma_start3A_223] : memref<10000x128xbf16, #tpu.memory_space<hbm>> -> memref<10000x128xbf16, #tpu.memory_space<hbm>>
        tpu.enqueue_indirect_dma source(%dma_start3A_224 : memref<10000x128xbf16, #tpu.memory_space<hbm>>) target(%dma_start3A_218 : memref<128x128xbf16, #tpu.memory_space<vmem>>) offsets(%dma_start3A_221 : memref<128xi32, #tpu.memory_space<vmem>>) semaphore(%arg18 : memref<!tpu.dma_semaphore, #tpu.memory_space<semaphore_mem>>)
      } else {
      }
    }
    %sub3A_83 = arith.constant 1 : i32
    %sub3A_84 = arith.subi %select_n3A_10, %sub3A_83 : i32
    %dma_wait3A_85 = arith.constant 1 : i32
    %dma_wait3A_86 = arith.constant 0 : i32
    %dma_wait3A_87 = arith.constant 0 : i32
    %dma_wait3A_88 = tpu.memref_slice %arg17[%dma_wait3A_85, %dma_wait3A_86, %dma_wait3A_87] : memref<2x128x128xbf16, #tpu.memory_space<vmem>> -> memref<1x128x128xbf16, #tpu.memory_space<vmem>>
    %dma_wait3A_89 = tpu.memref_squeeze %dma_wait3A_88 : memref<1x128x128xbf16, #tpu.memory_space<vmem>> -> memref<128x128xbf16, #tpu.memory_space<vmem>>
    %dma_wait3A_90 = arith.constant 0 : i32
    %dma_wait3A_91 = tpu.memref_slice %arg16[%sub3A_84, %dma_wait3A_90] : memref<40x128xi32, #tpu.memory_space<vmem>> -> memref<1x128xi32, #tpu.memory_space<vmem>>
    %dma_wait3A_92 = tpu.memref_squeeze %dma_wait3A_91 : memref<1x128xi32, #tpu.memory_space<vmem>> -> memref<128xi32, #tpu.memory_space<vmem>>
    %dma_wait3A_93 = arith.constant 0 : i32
    %dma_wait3A_94 = arith.constant 0 : i32
    %dma_wait3A_95 = tpu.memref_slice %arg14[%dma_wait3A_93, %dma_wait3A_94] : memref<10112x128xbf16, #tpu.memory_space<vmem_shared>> -> memref<10112x128xbf16, #tpu.memory_space<vmem_shared>>
    tpu.wait_indirect_dma semaphore(%arg21 : memref<!tpu.dma_semaphore, #tpu.memory_space<semaphore_mem>>) src(%dma_wait3A_89 : memref<128x128xbf16, #tpu.memory_space<vmem>>) dst(%dma_wait3A_95 : memref<10112x128xbf16, #tpu.memory_space<vmem_shared>>)
    %barrier3A_96 = arith.constant 0 : index
    tpu.barrier barrier_id(%barrier3A_96)
    "tpu.region"() ({
      %run_scoped3A = tpu.sem_alloc : memref<!tpu.dma_semaphore, #tpu.memory_space<semaphore_mem>>
      %dma_start3A_143 = arith.constant 0 : i32
      %dma_start3A_144 = tpu.memref_slice %arg12[%arg0, %mul3A_0, %dma_start3A_143] : memref<2x10112x128xbf16, #tpu.memory_space<hbm>> -> memref<1x632x128xbf16, #tpu.memory_space<hbm>>
      %dma_start3A_145 = tpu.memref_squeeze %dma_start3A_144 : memref<1x632x128xbf16, #tpu.memory_space<hbm>> -> memref<632x128xbf16, #tpu.memory_space<hbm>>
      %dma_start3A_146 = arith.constant 0 : i32
      %dma_start3A_147 = tpu.memref_slice %arg14[%mul3A_0, %dma_start3A_146] : memref<10112x128xbf16, #tpu.memory_space<vmem_shared>> -> memref<632x128xbf16, #tpu.memory_space<vmem_shared>>
      tpu.enqueue_dma source(%dma_start3A_147 : memref<632x128xbf16, #tpu.memory_space<vmem_shared>>) target(%dma_start3A_145 : memref<632x128xbf16, #tpu.memory_space<hbm>>) target_semaphore(%run_scoped3A : memref<!tpu.dma_semaphore, #tpu.memory_space<semaphore_mem>>)
      %dma_wait3A_148 = arith.constant 0 : i32
      %dma_wait3A_149 = tpu.memref_slice %arg12[%arg0, %mul3A_0, %dma_wait3A_148] : memref<2x10112x128xbf16, #tpu.memory_space<hbm>> -> memref<1x632x128xbf16, #tpu.memory_space<hbm>>
      %dma_wait3A_150 = tpu.memref_squeeze %dma_wait3A_149 : memref<1x632x128xbf16, #tpu.memory_space<hbm>> -> memref<632x128xbf16, #tpu.memory_space<hbm>>
      %dma_wait3A_151 = arith.constant 0 : i32
      %dma_wait3A_152 = tpu.memref_slice %arg14[%mul3A_0, %dma_wait3A_151] : memref<10112x128xbf16, #tpu.memory_space<vmem_shared>> -> memref<632x128xbf16, #tpu.memory_space<vmem_shared>>
      tpu.wait_dma2 semaphore(%run_scoped3A : memref<!tpu.dma_semaphore, #tpu.memory_space<semaphore_mem>>) src(%dma_wait3A_152 : memref<632x128xbf16, #tpu.memory_space<vmem_shared>>) dst(%dma_wait3A_150 : memref<632x128xbf16, #tpu.memory_space<hbm>>)
      tpu.yield
    }) : () -> ()
    "tpu.region"() ({
      %run_scoped3A = tpu.sem_alloc : memref<!tpu.dma_semaphore, #tpu.memory_space<semaphore_mem>>
      %dma_start3A_143 = arith.constant 0 : i32
      %dma_start3A_144 = tpu.memref_slice %arg8[%select_n3A, %dma_start3A_143] : memref<1296x128xi32, #tpu.memory_space<hbm>> -> memref<40x128xi32, #tpu.memory_space<hbm>>
      %dma_start3A_145 = arith.constant 0 : i32
      %dma_start3A_146 = tpu.memref_slice %arg8[%select_n3A, %dma_start3A_145] : memref<1296x128xi32, #tpu.memory_space<hbm>> -> memref<40x128xi32, #tpu.memory_space<hbm>>
      tpu.enqueue_dma source(%dma_start3A_146 : memref<40x128xi32, #tpu.memory_space<hbm>>) target(%arg15 : memref<40x128xi32, #tpu.memory_space<vmem>>) target_semaphore(%run_scoped3A : memref<!tpu.dma_semaphore, #tpu.memory_space<semaphore_mem>>)
      %dma_wait3A_147 = arith.constant 0 : i32
      %dma_wait3A_148 = tpu.memref_slice %arg8[%select_n3A, %dma_wait3A_147] : memref<1296x128xi32, #tpu.memory_space<hbm>> -> memref<40x128xi32, #tpu.memory_space<hbm>>
      %dma_wait3A_149 = arith.constant 0 : i32
      %dma_wait3A_150 = tpu.memref_slice %arg8[%select_n3A, %dma_wait3A_149] : memref<1296x128xi32, #tpu.memory_space<hbm>> -> memref<40x128xi32, #tpu.memory_space<hbm>>
      tpu.wait_dma2 semaphore(%run_scoped3A : memref<!tpu.dma_semaphore, #tpu.memory_space<semaphore_mem>>) src(%dma_wait3A_150 : memref<40x128xi32, #tpu.memory_space<hbm>>) dst(%arg15 : memref<40x128xi32, #tpu.memory_space<vmem>>)
      tpu.yield
    }) : () -> ()
    "tpu.region"() ({
      %run_scoped3A = tpu.sem_alloc : memref<!tpu.dma_semaphore, #tpu.memory_space<semaphore_mem>>
      %dma_start3A_143 = arith.constant 0 : i32
      %dma_start3A_144 = tpu.memref_slice %arg9[%select_n3A, %dma_start3A_143] : memref<1296x128xi32, #tpu.memory_space<hbm>> -> memref<40x128xi32, #tpu.memory_space<hbm>>
      %dma_start3A_145 = arith.constant 0 : i32
      %dma_start3A_146 = tpu.memref_slice %arg9[%select_n3A, %dma_start3A_145] : memref<1296x128xi32, #tpu.memory_space<hbm>> -> memref<40x128xi32, #tpu.memory_space<hbm>>
      tpu.enqueue_dma source(%dma_start3A_146 : memref<40x128xi32, #tpu.memory_space<hbm>>) target(%arg16 : memref<40x128xi32, #tpu.memory_space<vmem>>) target_semaphore(%run_scoped3A : memref<!tpu.dma_semaphore, #tpu.memory_space<semaphore_mem>>)
      %dma_wait3A_147 = arith.constant 0 : i32
      %dma_wait3A_148 = tpu.memref_slice %arg9[%select_n3A, %dma_wait3A_147] : memref<1296x128xi32, #tpu.memory_space<hbm>> -> memref<40x128xi32, #tpu.memory_space<hbm>>
      %dma_wait3A_149 = arith.constant 0 : i32
      %dma_wait3A_150 = tpu.memref_slice %arg9[%select_n3A, %dma_wait3A_149] : memref<1296x128xi32, #tpu.memory_space<hbm>> -> memref<40x128xi32, #tpu.memory_space<hbm>>
      tpu.wait_dma2 semaphore(%run_scoped3A : memref<!tpu.dma_semaphore, #tpu.memory_space<semaphore_mem>>) src(%dma_wait3A_150 : memref<40x128xi32, #tpu.memory_space<hbm>>) dst(%arg16 : memref<40x128xi32, #tpu.memory_space<vmem>>)
      tpu.yield
    }) : () -> ()
    "tpu.region"() ({
      %run_scoped3A = tpu.sem_alloc : memref<!tpu.dma_semaphore, #tpu.memory_space<semaphore_mem>>
      %dma_start3A_143 = arith.constant 0 : i32
      %dma_start3A_144 = tpu.memref_slice %arg14[%mul3A_0, %dma_start3A_143] : memref<10112x128xbf16, #tpu.memory_space<vmem_shared>> -> memref<632x128xbf16, #tpu.memory_space<vmem_shared>>
      tpu.enqueue_dma source(%arg10 : memref<632x128xbf16, #tpu.memory_space<hbm>>) target(%dma_start3A_144 : memref<632x128xbf16, #tpu.memory_space<vmem_shared>>) target_semaphore(%run_scoped3A : memref<!tpu.dma_semaphore, #tpu.memory_space<semaphore_mem>>)
      %dma_wait3A_145 = arith.constant 0 : i32
      %dma_wait3A_146 = tpu.memref_slice %arg14[%mul3A_0, %dma_wait3A_145] : memref<10112x128xbf16, #tpu.memory_space<vmem_shared>> -> memref<632x128xbf16, #tpu.memory_space<vmem_shared>>
      tpu.wait_dma2 semaphore(%run_scoped3A : memref<!tpu.dma_semaphore, #tpu.memory_space<semaphore_mem>>) src(%arg10 : memref<632x128xbf16, #tpu.memory_space<hbm>>) dst(%dma_wait3A_146 : memref<632x128xbf16, #tpu.memory_space<vmem_shared>>)
      tpu.yield
    }) : () -> ()
    %barrier3A_97 = arith.constant 0 : index
    tpu.barrier barrier_id(%barrier3A_97)
    %dma_start3A_98 = arith.constant 0 : i32
    %dma_start3A_99 = arith.constant 0 : i32
    %dma_start3A_100 = arith.constant 0 : i32
    %dma_start3A_101 = arith.constant 0 : i32
    %dma_start3A_102 = tpu.memref_slice %arg17[%dma_start3A_99, %dma_start3A_100, %dma_start3A_101] : memref<2x128x128xbf16, #tpu.memory_space<vmem>> -> memref<1x128x128xbf16, #tpu.memory_space<vmem>>
    %dma_start3A_103 = tpu.memref_squeeze %dma_start3A_102 : memref<1x128x128xbf16, #tpu.memory_space<vmem>> -> memref<128x128xbf16, #tpu.memory_space<vmem>>
    %dma_start3A_104 = arith.constant 0 : i32
    %dma_start3A_105 = tpu.memref_slice %arg15[%dma_start3A_98, %dma_start3A_104] : memref<40x128xi32, #tpu.memory_space<vmem>> -> memref<1x128xi32, #tpu.memory_space<vmem>>
    %dma_start3A_106 = tpu.memref_squeeze %dma_start3A_105 : memref<1x128xi32, #tpu.memory_space<vmem>> -> memref<128xi32, #tpu.memory_space<vmem>>
    %dma_start3A_107 = arith.constant 0 : i32
    %dma_start3A_108 = arith.constant 0 : i32
    %dma_start3A_109 = tpu.memref_slice %arg3[%dma_start3A_107, %dma_start3A_108] : memref<10000x128xbf16, #tpu.memory_space<hbm>> -> memref<10000x128xbf16, #tpu.memory_space<hbm>>
    tpu.enqueue_indirect_dma source(%dma_start3A_109 : memref<10000x128xbf16, #tpu.memory_space<hbm>>) target(%dma_start3A_103 : memref<128x128xbf16, #tpu.memory_space<vmem>>) offsets(%dma_start3A_106 : memref<128xi32, #tpu.memory_space<vmem>>) semaphore(%arg18 : memref<!tpu.dma_semaphore, #tpu.memory_space<semaphore_mem>>)
    %sub3A_110 = arith.constant 0 : i32
    %sub3A_111 = arith.subi %select_n3A_10, %sub3A_110 : i32
    %sub3A_112 = arith.constant 2 : i32
    %sub3A_113 = arith.constant 1 : i32
    %sub3A_114 = arith.subi %sub3A_112, %sub3A_113 : i32
    %add3A_115 = arith.addi %sub3A_111, %sub3A_114 : i32
    %div3A_116 = arith.constant 2 : i32
    %div3A_117 = arith.divsi %add3A_115, %div3A_116 : i32
    %while3A_118 = arith.constant 2 : i32
    %while3A_119 = arith.constant 0 : i32
    %while3A_120 = arith.constant 0 : i32
    %while3A_121 = arith.subi %div3A_117, %while3A_120 : i32
    %while3A_122 = arith.addi %while3A_120, %while3A_121 : i32
    %while3A_123 = arith.constant 1 : i32
    %while3A_124 = arith.divsi %while3A_121, %while3A_123 : i32
    %while3A_125 = arith.muli %while3A_124, %while3A_123 : i32
    %while3A_126 = arith.addi %while3A_120, %while3A_125 : i32
    %while3A_127 = arith.constant 1 : i32
    scf.for %while3A_143 = %while3A_120 to %while3A_126 step %while3A_127  : i32 {
      %mul3A_144 = arith.muli %while3A_143, %while3A_118 : i32
      %add3A_145 = arith.addi %while3A_119, %mul3A_144 : i32
      %add3A_146 = arith.constant 0 : i32
      %add3A_147 = arith.addi %add3A_145, %add3A_146 : i32
      %dma_wait3A_148 = arith.constant 0 : i32
      %dma_wait3A_149 = arith.constant 0 : i32
      %dma_wait3A_150 = arith.constant 0 : i32
      %dma_wait3A_151 = tpu.memref_slice %arg17[%dma_wait3A_148, %dma_wait3A_149, %dma_wait3A_150] : memref<2x128x128xbf16, #tpu.memory_space<vmem>> -> memref<1x128x128xbf16, #tpu.memory_space<vmem>>
      %dma_wait3A_152 = tpu.memref_squeeze %dma_wait3A_151 : memref<1x128x128xbf16, #tpu.memory_space<vmem>> -> memref<128x128xbf16, #tpu.memory_space<vmem>>
      %dma_wait3A_153 = arith.constant 0 : i32
      %dma_wait3A_154 = tpu.memref_slice %arg15[%add3A_147, %dma_wait3A_153] : memref<40x128xi32, #tpu.memory_space<vmem>> -> memref<1x128xi32, #tpu.memory_space<vmem>>
      %dma_wait3A_155 = tpu.memref_squeeze %dma_wait3A_154 : memref<1x128xi32, #tpu.memory_space<vmem>> -> memref<128xi32, #tpu.memory_space<vmem>>
      %dma_wait3A_156 = arith.constant 0 : i32
      %dma_wait3A_157 = arith.constant 0 : i32
      %dma_wait3A_158 = tpu.memref_slice %arg3[%dma_wait3A_156, %dma_wait3A_157] : memref<10000x128xbf16, #tpu.memory_space<hbm>> -> memref<10000x128xbf16, #tpu.memory_space<hbm>>
      tpu.wait_indirect_dma semaphore(%arg18 : memref<!tpu.dma_semaphore, #tpu.memory_space<semaphore_mem>>) src(%dma_wait3A_158 : memref<10000x128xbf16, #tpu.memory_space<hbm>>) dst(%dma_wait3A_152 : memref<128x128xbf16, #tpu.memory_space<vmem>>)
      %gt3A = arith.constant 0 : i32
      %gt3A_159 = arith.cmpi sgt, %add3A_147, %gt3A : i32
      %convert_element_type3A = arith.extui %gt3A_159 : i1 to i32
      %cond3A = arith.constant 0 : i32
      %cond3A_160 = arith.cmpi ne, %convert_element_type3A, %cond3A : i32
      scf.if %cond3A_160 {
        %sub3A_212 = arith.constant 1 : i32
        %sub3A_213 = arith.subi %add3A_147, %sub3A_212 : i32
        %dma_wait3A_214 = arith.constant 1 : i32
        %dma_wait3A_215 = arith.constant 0 : i32
        %dma_wait3A_216 = arith.constant 0 : i32
        %dma_wait3A_217 = tpu.memref_slice %arg17[%dma_wait3A_214, %dma_wait3A_215, %dma_wait3A_216] : memref<2x128x128xbf16, #tpu.memory_space<vmem>> -> memref<1x128x128xbf16, #tpu.memory_space<vmem>>
        %dma_wait3A_218 = tpu.memref_squeeze %dma_wait3A_217 : memref<1x128x128xbf16, #tpu.memory_space<vmem>> -> memref<128x128xbf16, #tpu.memory_space<vmem>>
        %dma_wait3A_219 = arith.constant 0 : i32
        %dma_wait3A_220 = tpu.memref_slice %arg16[%sub3A_213, %dma_wait3A_219] : memref<40x128xi32, #tpu.memory_space<vmem>> -> memref<1x128xi32, #tpu.memory_space<vmem>>
        %dma_wait3A_221 = tpu.memref_squeeze %dma_wait3A_220 : memref<1x128xi32, #tpu.memory_space<vmem>> -> memref<128xi32, #tpu.memory_space<vmem>>
        %dma_wait3A_222 = arith.constant 0 : i32
        %dma_wait3A_223 = arith.constant 0 : i32
        %dma_wait3A_224 = tpu.memref_slice %arg14[%dma_wait3A_222, %dma_wait3A_223] : memref<10112x128xbf16, #tpu.memory_space<vmem_shared>> -> memref<10112x128xbf16, #tpu.memory_space<vmem_shared>>
        tpu.wait_indirect_dma semaphore(%arg21 : memref<!tpu.dma_semaphore, #tpu.memory_space<semaphore_mem>>) src(%dma_wait3A_218 : memref<128x128xbf16, #tpu.memory_space<vmem>>) dst(%dma_wait3A_224 : memref<10112x128xbf16, #tpu.memory_space<vmem_shared>>)
      } else {
      }
      %dma_start3A_161 = arith.constant 0 : i32
      %dma_start3A_162 = arith.constant 0 : i32
      %dma_start3A_163 = arith.constant 0 : i32
      %dma_start3A_164 = tpu.memref_slice %arg17[%dma_start3A_161, %dma_start3A_162, %dma_start3A_163] : memref<2x128x128xbf16, #tpu.memory_space<vmem>> -> memref<1x128x128xbf16, #tpu.memory_space<vmem>>
      %dma_start3A_165 = tpu.memref_squeeze %dma_start3A_164 : memref<1x128x128xbf16, #tpu.memory_space<vmem>> -> memref<128x128xbf16, #tpu.memory_space<vmem>>
      %dma_start3A_166 = arith.constant 0 : i32
      %dma_start3A_167 = tpu.memref_slice %arg16[%add3A_147, %dma_start3A_166] : memref<40x128xi32, #tpu.memory_space<vmem>> -> memref<1x128xi32, #tpu.memory_space<vmem>>
      %dma_start3A_168 = tpu.memref_squeeze %dma_start3A_167 : memref<1x128xi32, #tpu.memory_space<vmem>> -> memref<128xi32, #tpu.memory_space<vmem>>
      %dma_start3A_169 = arith.constant 0 : i32
      %dma_start3A_170 = arith.constant 0 : i32
      %dma_start3A_171 = tpu.memref_slice %arg14[%dma_start3A_169, %dma_start3A_170] : memref<10112x128xbf16, #tpu.memory_space<vmem_shared>> -> memref<10112x128xbf16, #tpu.memory_space<vmem_shared>>
      tpu.enqueue_indirect_dma source(%dma_start3A_165 : memref<128x128xbf16, #tpu.memory_space<vmem>>) target(%dma_start3A_171 : memref<10112x128xbf16, #tpu.memory_space<vmem_shared>>) offsets(%dma_start3A_168 : memref<128xi32, #tpu.memory_space<vmem>>) semaphore(%arg20 : memref<!tpu.dma_semaphore, #tpu.memory_space<semaphore_mem>>) {add = true}
      %add3A_172 = arith.constant 1 : i32
      %add3A_173 = arith.addi %add3A_147, %add3A_172 : i32
      %lt3A = arith.cmpi slt, %add3A_173, %select_n3A_10 : i32
      %convert_element_type3A_174 = arith.extui %lt3A : i1 to i32
      %cond3A_175 = arith.constant 0 : i32
      %cond3A_176 = arith.cmpi ne, %convert_element_type3A_174, %cond3A_175 : i32
      scf.if %cond3A_176 {
        %add3A_212 = arith.constant 1 : i32
        %add3A_213 = arith.addi %add3A_147, %add3A_212 : i32
        %dma_start3A_214 = arith.constant 1 : i32
        %dma_start3A_215 = arith.constant 0 : i32
        %dma_start3A_216 = arith.constant 0 : i32
        %dma_start3A_217 = tpu.memref_slice %arg17[%dma_start3A_214, %dma_start3A_215, %dma_start3A_216] : memref<2x128x128xbf16, #tpu.memory_space<vmem>> -> memref<1x128x128xbf16, #tpu.memory_space<vmem>>
        %dma_start3A_218 = tpu.memref_squeeze %dma_start3A_217 : memref<1x128x128xbf16, #tpu.memory_space<vmem>> -> memref<128x128xbf16, #tpu.memory_space<vmem>>
        %dma_start3A_219 = arith.constant 0 : i32
        %dma_start3A_220 = tpu.memref_slice %arg15[%add3A_213, %dma_start3A_219] : memref<40x128xi32, #tpu.memory_space<vmem>> -> memref<1x128xi32, #tpu.memory_space<vmem>>
        %dma_start3A_221 = tpu.memref_squeeze %dma_start3A_220 : memref<1x128xi32, #tpu.memory_space<vmem>> -> memref<128xi32, #tpu.memory_space<vmem>>
        %dma_start3A_222 = arith.constant 0 : i32
        %dma_start3A_223 = arith.constant 0 : i32
        %dma_start3A_224 = tpu.memref_slice %arg3[%dma_start3A_222, %dma_start3A_223] : memref<10000x128xbf16, #tpu.memory_space<hbm>> -> memref<10000x128xbf16, #tpu.memory_space<hbm>>
        tpu.enqueue_indirect_dma source(%dma_start3A_224 : memref<10000x128xbf16, #tpu.memory_space<hbm>>) target(%dma_start3A_218 : memref<128x128xbf16, #tpu.memory_space<vmem>>) offsets(%dma_start3A_221 : memref<128xi32, #tpu.memory_space<vmem>>) semaphore(%arg19 : memref<!tpu.dma_semaphore, #tpu.memory_space<semaphore_mem>>)
      } else {
      }
      %add3A_177 = arith.constant 1 : i32
      %add3A_178 = arith.addi %add3A_145, %add3A_177 : i32
      %dma_wait3A_179 = arith.constant 1 : i32
      %dma_wait3A_180 = arith.constant 0 : i32
      %dma_wait3A_181 = arith.constant 0 : i32
      %dma_wait3A_182 = tpu.memref_slice %arg17[%dma_wait3A_179, %dma_wait3A_180, %dma_wait3A_181] : memref<2x128x128xbf16, #tpu.memory_space<vmem>> -> memref<1x128x128xbf16, #tpu.memory_space<vmem>>
      %dma_wait3A_183 = tpu.memref_squeeze %dma_wait3A_182 : memref<1x128x128xbf16, #tpu.memory_space<vmem>> -> memref<128x128xbf16, #tpu.memory_space<vmem>>
      %dma_wait3A_184 = arith.constant 0 : i32
      %dma_wait3A_185 = tpu.memref_slice %arg15[%add3A_178, %dma_wait3A_184] : memref<40x128xi32, #tpu.memory_space<vmem>> -> memref<1x128xi32, #tpu.memory_space<vmem>>
      %dma_wait3A_186 = tpu.memref_squeeze %dma_wait3A_185 : memref<1x128xi32, #tpu.memory_space<vmem>> -> memref<128xi32, #tpu.memory_space<vmem>>
      %dma_wait3A_187 = arith.constant 0 : i32
      %dma_wait3A_188 = arith.constant 0 : i32
      %dma_wait3A_189 = tpu.memref_slice %arg3[%dma_wait3A_187, %dma_wait3A_188] : memref<10000x128xbf16, #tpu.memory_space<hbm>> -> memref<10000x128xbf16, #tpu.memory_space<hbm>>
      tpu.wait_indirect_dma semaphore(%arg19 : memref<!tpu.dma_semaphore, #tpu.memory_space<semaphore_mem>>) src(%dma_wait3A_189 : memref<10000x128xbf16, #tpu.memory_space<hbm>>) dst(%dma_wait3A_183 : memref<128x128xbf16, #tpu.memory_space<vmem>>)
      %gt3A_190 = arith.constant 0 : i32
      %gt3A_191 = arith.cmpi sgt, %add3A_178, %gt3A_190 : i32
      %convert_element_type3A_192 = arith.extui %gt3A_191 : i1 to i32
      %cond3A_193 = arith.constant 0 : i32
      %cond3A_194 = arith.cmpi ne, %convert_element_type3A_192, %cond3A_193 : i32
      scf.if %cond3A_194 {
        %sub3A_212 = arith.constant 1 : i32
        %sub3A_213 = arith.subi %add3A_178, %sub3A_212 : i32
        %dma_wait3A_214 = arith.constant 0 : i32
        %dma_wait3A_215 = arith.constant 0 : i32
        %dma_wait3A_216 = arith.constant 0 : i32
        %dma_wait3A_217 = tpu.memref_slice %arg17[%dma_wait3A_214, %dma_wait3A_215, %dma_wait3A_216] : memref<2x128x128xbf16, #tpu.memory_space<vmem>> -> memref<1x128x128xbf16, #tpu.memory_space<vmem>>
        %dma_wait3A_218 = tpu.memref_squeeze %dma_wait3A_217 : memref<1x128x128xbf16, #tpu.memory_space<vmem>> -> memref<128x128xbf16, #tpu.memory_space<vmem>>
        %dma_wait3A_219 = arith.constant 0 : i32
        %dma_wait3A_220 = tpu.memref_slice %arg16[%sub3A_213, %dma_wait3A_219] : memref<40x128xi32, #tpu.memory_space<vmem>> -> memref<1x128xi32, #tpu.memory_space<vmem>>
        %dma_wait3A_221 = tpu.memref_squeeze %dma_wait3A_220 : memref<1x128xi32, #tpu.memory_space<vmem>> -> memref<128xi32, #tpu.memory_space<vmem>>
        %dma_wait3A_222 = arith.constant 0 : i32
        %dma_wait3A_223 = arith.constant 0 : i32
        %dma_wait3A_224 = tpu.memref_slice %arg14[%dma_wait3A_222, %dma_wait3A_223] : memref<10112x128xbf16, #tpu.memory_space<vmem_shared>> -> memref<10112x128xbf16, #tpu.memory_space<vmem_shared>>
        tpu.wait_indirect_dma semaphore(%arg20 : memref<!tpu.dma_semaphore, #tpu.memory_space<semaphore_mem>>) src(%dma_wait3A_218 : memref<128x128xbf16, #tpu.memory_space<vmem>>) dst(%dma_wait3A_224 : memref<10112x128xbf16, #tpu.memory_space<vmem_shared>>)
      } else {
      }
      %dma_start3A_195 = arith.constant 1 : i32
      %dma_start3A_196 = arith.constant 0 : i32
      %dma_start3A_197 = arith.constant 0 : i32
      %dma_start3A_198 = tpu.memref_slice %arg17[%dma_start3A_195, %dma_start3A_196, %dma_start3A_197] : memref<2x128x128xbf16, #tpu.memory_space<vmem>> -> memref<1x128x128xbf16, #tpu.memory_space<vmem>>
      %dma_start3A_199 = tpu.memref_squeeze %dma_start3A_198 : memref<1x128x128xbf16, #tpu.memory_space<vmem>> -> memref<128x128xbf16, #tpu.memory_space<vmem>>
      %dma_start3A_200 = arith.constant 0 : i32
      %dma_start3A_201 = tpu.memref_slice %arg16[%add3A_178, %dma_start3A_200] : memref<40x128xi32, #tpu.memory_space<vmem>> -> memref<1x128xi32, #tpu.memory_space<vmem>>
      %dma_start3A_202 = tpu.memref_squeeze %dma_start3A_201 : memref<1x128xi32, #tpu.memory_space<vmem>> -> memref<128xi32, #tpu.memory_space<vmem>>
      %dma_start3A_203 = arith.constant 0 : i32
      %dma_start3A_204 = arith.constant 0 : i32
      %dma_start3A_205 = tpu.memref_slice %arg14[%dma_start3A_203, %dma_start3A_204] : memref<10112x128xbf16, #tpu.memory_space<vmem_shared>> -> memref<10112x128xbf16, #tpu.memory_space<vmem_shared>>
      tpu.enqueue_indirect_dma source(%dma_start3A_199 : memref<128x128xbf16, #tpu.memory_space<vmem>>) target(%dma_start3A_205 : memref<10112x128xbf16, #tpu.memory_space<vmem_shared>>) offsets(%dma_start3A_202 : memref<128xi32, #tpu.memory_space<vmem>>) semaphore(%arg21 : memref<!tpu.dma_semaphore, #tpu.memory_space<semaphore_mem>>) {add = true}
      %add3A_206 = arith.constant 1 : i32
      %add3A_207 = arith.addi %add3A_178, %add3A_206 : i32
      %lt3A_208 = arith.cmpi slt, %add3A_207, %select_n3A_10 : i32
      %convert_element_type3A_209 = arith.extui %lt3A_208 : i1 to i32
      %cond3A_210 = arith.constant 0 : i32
      %cond3A_211 = arith.cmpi ne, %convert_element_type3A_209, %cond3A_210 : i32
      scf.if %cond3A_211 {
        %add3A_212 = arith.constant 1 : i32
        %add3A_213 = arith.addi %add3A_178, %add3A_212 : i32
        %dma_start3A_214 = arith.constant 0 : i32
        %dma_start3A_215 = arith.constant 0 : i32
        %dma_start3A_216 = arith.constant 0 : i32
        %dma_start3A_217 = tpu.memref_slice %arg17[%dma_start3A_214, %dma_start3A_215, %dma_start3A_216] : memref<2x128x128xbf16, #tpu.memory_space<vmem>> -> memref<1x128x128xbf16, #tpu.memory_space<vmem>>
        %dma_start3A_218 = tpu.memref_squeeze %dma_start3A_217 : memref<1x128x128xbf16, #tpu.memory_space<vmem>> -> memref<128x128xbf16, #tpu.memory_space<vmem>>
        %dma_start3A_219 = arith.constant 0 : i32
        %dma_start3A_220 = tpu.memref_slice %arg15[%add3A_213, %dma_start3A_219] : memref<40x128xi32, #tpu.memory_space<vmem>> -> memref<1x128xi32, #tpu.memory_space<vmem>>
        %dma_start3A_221 = tpu.memref_squeeze %dma_start3A_220 : memref<1x128xi32, #tpu.memory_space<vmem>> -> memref<128xi32, #tpu.memory_space<vmem>>
        %dma_start3A_222 = arith.constant 0 : i32
        %dma_start3A_223 = arith.constant 0 : i32
        %dma_start3A_224 = tpu.memref_slice %arg3[%dma_start3A_222, %dma_start3A_223] : memref<10000x128xbf16, #tpu.memory_space<hbm>> -> memref<10000x128xbf16, #tpu.memory_space<hbm>>
        tpu.enqueue_indirect_dma source(%dma_start3A_224 : memref<10000x128xbf16, #tpu.memory_space<hbm>>) target(%dma_start3A_218 : memref<128x128xbf16, #tpu.memory_space<vmem>>) offsets(%dma_start3A_221 : memref<128xi32, #tpu.memory_space<vmem>>) semaphore(%arg18 : memref<!tpu.dma_semaphore, #tpu.memory_space<semaphore_mem>>)
      } else {
      }
    }
    %while3A_128 = arith.constant 1 : i32
    scf.for %while3A_143 = %while3A_126 to %while3A_122 step %while3A_128  : i32 {
      %mul3A_144 = arith.muli %while3A_143, %while3A_118 : i32
      %add3A_145 = arith.addi %while3A_119, %mul3A_144 : i32
      %add3A_146 = arith.constant 0 : i32
      %add3A_147 = arith.addi %add3A_145, %add3A_146 : i32
      %dma_wait3A_148 = arith.constant 0 : i32
      %dma_wait3A_149 = arith.constant 0 : i32
      %dma_wait3A_150 = arith.constant 0 : i32
      %dma_wait3A_151 = tpu.memref_slice %arg17[%dma_wait3A_148, %dma_wait3A_149, %dma_wait3A_150] : memref<2x128x128xbf16, #tpu.memory_space<vmem>> -> memref<1x128x128xbf16, #tpu.memory_space<vmem>>
      %dma_wait3A_152 = tpu.memref_squeeze %dma_wait3A_151 : memref<1x128x128xbf16, #tpu.memory_space<vmem>> -> memref<128x128xbf16, #tpu.memory_space<vmem>>
      %dma_wait3A_153 = arith.constant 0 : i32
      %dma_wait3A_154 = tpu.memref_slice %arg15[%add3A_147, %dma_wait3A_153] : memref<40x128xi32, #tpu.memory_space<vmem>> -> memref<1x128xi32, #tpu.memory_space<vmem>>
      %dma_wait3A_155 = tpu.memref_squeeze %dma_wait3A_154 : memref<1x128xi32, #tpu.memory_space<vmem>> -> memref<128xi32, #tpu.memory_space<vmem>>
      %dma_wait3A_156 = arith.constant 0 : i32
      %dma_wait3A_157 = arith.constant 0 : i32
      %dma_wait3A_158 = tpu.memref_slice %arg3[%dma_wait3A_156, %dma_wait3A_157] : memref<10000x128xbf16, #tpu.memory_space<hbm>> -> memref<10000x128xbf16, #tpu.memory_space<hbm>>
      tpu.wait_indirect_dma semaphore(%arg18 : memref<!tpu.dma_semaphore, #tpu.memory_space<semaphore_mem>>) src(%dma_wait3A_158 : memref<10000x128xbf16, #tpu.memory_space<hbm>>) dst(%dma_wait3A_152 : memref<128x128xbf16, #tpu.memory_space<vmem>>)
      %gt3A = arith.constant 0 : i32
      %gt3A_159 = arith.cmpi sgt, %add3A_147, %gt3A : i32
      %convert_element_type3A = arith.extui %gt3A_159 : i1 to i32
      %cond3A = arith.constant 0 : i32
      %cond3A_160 = arith.cmpi ne, %convert_element_type3A, %cond3A : i32
      scf.if %cond3A_160 {
        %sub3A_212 = arith.constant 1 : i32
        %sub3A_213 = arith.subi %add3A_147, %sub3A_212 : i32
        %dma_wait3A_214 = arith.constant 1 : i32
        %dma_wait3A_215 = arith.constant 0 : i32
        %dma_wait3A_216 = arith.constant 0 : i32
        %dma_wait3A_217 = tpu.memref_slice %arg17[%dma_wait3A_214, %dma_wait3A_215, %dma_wait3A_216] : memref<2x128x128xbf16, #tpu.memory_space<vmem>> -> memref<1x128x128xbf16, #tpu.memory_space<vmem>>
        %dma_wait3A_218 = tpu.memref_squeeze %dma_wait3A_217 : memref<1x128x128xbf16, #tpu.memory_space<vmem>> -> memref<128x128xbf16, #tpu.memory_space<vmem>>
        %dma_wait3A_219 = arith.constant 0 : i32
        %dma_wait3A_220 = tpu.memref_slice %arg16[%sub3A_213, %dma_wait3A_219] : memref<40x128xi32, #tpu.memory_space<vmem>> -> memref<1x128xi32, #tpu.memory_space<vmem>>
        %dma_wait3A_221 = tpu.memref_squeeze %dma_wait3A_220 : memref<1x128xi32, #tpu.memory_space<vmem>> -> memref<128xi32, #tpu.memory_space<vmem>>
        %dma_wait3A_222 = arith.constant 0 : i32
        %dma_wait3A_223 = arith.constant 0 : i32
        %dma_wait3A_224 = tpu.memref_slice %arg14[%dma_wait3A_222, %dma_wait3A_223] : memref<10112x128xbf16, #tpu.memory_space<vmem_shared>> -> memref<10112x128xbf16, #tpu.memory_space<vmem_shared>>
        tpu.wait_indirect_dma semaphore(%arg21 : memref<!tpu.dma_semaphore, #tpu.memory_space<semaphore_mem>>) src(%dma_wait3A_218 : memref<128x128xbf16, #tpu.memory_space<vmem>>) dst(%dma_wait3A_224 : memref<10112x128xbf16, #tpu.memory_space<vmem_shared>>)
      } else {
      }
      %dma_start3A_161 = arith.constant 0 : i32
      %dma_start3A_162 = arith.constant 0 : i32
      %dma_start3A_163 = arith.constant 0 : i32
      %dma_start3A_164 = tpu.memref_slice %arg17[%dma_start3A_161, %dma_start3A_162, %dma_start3A_163] : memref<2x128x128xbf16, #tpu.memory_space<vmem>> -> memref<1x128x128xbf16, #tpu.memory_space<vmem>>
      %dma_start3A_165 = tpu.memref_squeeze %dma_start3A_164 : memref<1x128x128xbf16, #tpu.memory_space<vmem>> -> memref<128x128xbf16, #tpu.memory_space<vmem>>
      %dma_start3A_166 = arith.constant 0 : i32
      %dma_start3A_167 = tpu.memref_slice %arg16[%add3A_147, %dma_start3A_166] : memref<40x128xi32, #tpu.memory_space<vmem>> -> memref<1x128xi32, #tpu.memory_space<vmem>>
      %dma_start3A_168 = tpu.memref_squeeze %dma_start3A_167 : memref<1x128xi32, #tpu.memory_space<vmem>> -> memref<128xi32, #tpu.memory_space<vmem>>
      %dma_start3A_169 = arith.constant 0 : i32
      %dma_start3A_170 = arith.constant 0 : i32
      %dma_start3A_171 = tpu.memref_slice %arg14[%dma_start3A_169, %dma_start3A_170] : memref<10112x128xbf16, #tpu.memory_space<vmem_shared>> -> memref<10112x128xbf16, #tpu.memory_space<vmem_shared>>
      tpu.enqueue_indirect_dma source(%dma_start3A_165 : memref<128x128xbf16, #tpu.memory_space<vmem>>) target(%dma_start3A_171 : memref<10112x128xbf16, #tpu.memory_space<vmem_shared>>) offsets(%dma_start3A_168 : memref<128xi32, #tpu.memory_space<vmem>>) semaphore(%arg20 : memref<!tpu.dma_semaphore, #tpu.memory_space<semaphore_mem>>) {add = true}
      %add3A_172 = arith.constant 1 : i32
      %add3A_173 = arith.addi %add3A_147, %add3A_172 : i32
      %lt3A = arith.cmpi slt, %add3A_173, %select_n3A_10 : i32
      %convert_element_type3A_174 = arith.extui %lt3A : i1 to i32
      %cond3A_175 = arith.constant 0 : i32
      %cond3A_176 = arith.cmpi ne, %convert_element_type3A_174, %cond3A_175 : i32
      scf.if %cond3A_176 {
        %add3A_212 = arith.constant 1 : i32
        %add3A_213 = arith.addi %add3A_147, %add3A_212 : i32
        %dma_start3A_214 = arith.constant 1 : i32
        %dma_start3A_215 = arith.constant 0 : i32
        %dma_start3A_216 = arith.constant 0 : i32
        %dma_start3A_217 = tpu.memref_slice %arg17[%dma_start3A_214, %dma_start3A_215, %dma_start3A_216] : memref<2x128x128xbf16, #tpu.memory_space<vmem>> -> memref<1x128x128xbf16, #tpu.memory_space<vmem>>
        %dma_start3A_218 = tpu.memref_squeeze %dma_start3A_217 : memref<1x128x128xbf16, #tpu.memory_space<vmem>> -> memref<128x128xbf16, #tpu.memory_space<vmem>>
        %dma_start3A_219 = arith.constant 0 : i32
        %dma_start3A_220 = tpu.memref_slice %arg15[%add3A_213, %dma_start3A_219] : memref<40x128xi32, #tpu.memory_space<vmem>> -> memref<1x128xi32, #tpu.memory_space<vmem>>
        %dma_start3A_221 = tpu.memref_squeeze %dma_start3A_220 : memref<1x128xi32, #tpu.memory_space<vmem>> -> memref<128xi32, #tpu.memory_space<vmem>>
        %dma_start3A_222 = arith.constant 0 : i32
        %dma_start3A_223 = arith.constant 0 : i32
        %dma_start3A_224 = tpu.memref_slice %arg3[%dma_start3A_222, %dma_start3A_223] : memref<10000x128xbf16, #tpu.memory_space<hbm>> -> memref<10000x128xbf16, #tpu.memory_space<hbm>>
        tpu.enqueue_indirect_dma source(%dma_start3A_224 : memref<10000x128xbf16, #tpu.memory_space<hbm>>) target(%dma_start3A_218 : memref<128x128xbf16, #tpu.memory_space<vmem>>) offsets(%dma_start3A_221 : memref<128xi32, #tpu.memory_space<vmem>>) semaphore(%arg19 : memref<!tpu.dma_semaphore, #tpu.memory_space<semaphore_mem>>)
      } else {
      }
      %add3A_177 = arith.constant 1 : i32
      %add3A_178 = arith.addi %add3A_145, %add3A_177 : i32
      %dma_wait3A_179 = arith.constant 1 : i32
      %dma_wait3A_180 = arith.constant 0 : i32
      %dma_wait3A_181 = arith.constant 0 : i32
      %dma_wait3A_182 = tpu.memref_slice %arg17[%dma_wait3A_179, %dma_wait3A_180, %dma_wait3A_181] : memref<2x128x128xbf16, #tpu.memory_space<vmem>> -> memref<1x128x128xbf16, #tpu.memory_space<vmem>>
      %dma_wait3A_183 = tpu.memref_squeeze %dma_wait3A_182 : memref<1x128x128xbf16, #tpu.memory_space<vmem>> -> memref<128x128xbf16, #tpu.memory_space<vmem>>
      %dma_wait3A_184 = arith.constant 0 : i32
      %dma_wait3A_185 = tpu.memref_slice %arg15[%add3A_178, %dma_wait3A_184] : memref<40x128xi32, #tpu.memory_space<vmem>> -> memref<1x128xi32, #tpu.memory_space<vmem>>
      %dma_wait3A_186 = tpu.memref_squeeze %dma_wait3A_185 : memref<1x128xi32, #tpu.memory_space<vmem>> -> memref<128xi32, #tpu.memory_space<vmem>>
      %dma_wait3A_187 = arith.constant 0 : i32
      %dma_wait3A_188 = arith.constant 0 : i32
      %dma_wait3A_189 = tpu.memref_slice %arg3[%dma_wait3A_187, %dma_wait3A_188] : memref<10000x128xbf16, #tpu.memory_space<hbm>> -> memref<10000x128xbf16, #tpu.memory_space<hbm>>
      tpu.wait_indirect_dma semaphore(%arg19 : memref<!tpu.dma_semaphore, #tpu.memory_space<semaphore_mem>>) src(%dma_wait3A_189 : memref<10000x128xbf16, #tpu.memory_space<hbm>>) dst(%dma_wait3A_183 : memref<128x128xbf16, #tpu.memory_space<vmem>>)
      %gt3A_190 = arith.constant 0 : i32
      %gt3A_191 = arith.cmpi sgt, %add3A_178, %gt3A_190 : i32
      %convert_element_type3A_192 = arith.extui %gt3A_191 : i1 to i32
      %cond3A_193 = arith.constant 0 : i32
      %cond3A_194 = arith.cmpi ne, %convert_element_type3A_192, %cond3A_193 : i32
      scf.if %cond3A_194 {
        %sub3A_212 = arith.constant 1 : i32
        %sub3A_213 = arith.subi %add3A_178, %sub3A_212 : i32
        %dma_wait3A_214 = arith.constant 0 : i32
        %dma_wait3A_215 = arith.constant 0 : i32
        %dma_wait3A_216 = arith.constant 0 : i32
        %dma_wait3A_217 = tpu.memref_slice %arg17[%dma_wait3A_214, %dma_wait3A_215, %dma_wait3A_216] : memref<2x128x128xbf16, #tpu.memory_space<vmem>> -> memref<1x128x128xbf16, #tpu.memory_space<vmem>>
        %dma_wait3A_218 = tpu.memref_squeeze %dma_wait3A_217 : memref<1x128x128xbf16, #tpu.memory_space<vmem>> -> memref<128x128xbf16, #tpu.memory_space<vmem>>
        %dma_wait3A_219 = arith.constant 0 : i32
        %dma_wait3A_220 = tpu.memref_slice %arg16[%sub3A_213, %dma_wait3A_219] : memref<40x128xi32, #tpu.memory_space<vmem>> -> memref<1x128xi32, #tpu.memory_space<vmem>>
        %dma_wait3A_221 = tpu.memref_squeeze %dma_wait3A_220 : memref<1x128xi32, #tpu.memory_space<vmem>> -> memref<128xi32, #tpu.memory_space<vmem>>
        %dma_wait3A_222 = arith.constant 0 : i32
        %dma_wait3A_223 = arith.constant 0 : i32
        %dma_wait3A_224 = tpu.memref_slice %arg14[%dma_wait3A_222, %dma_wait3A_223] : memref<10112x128xbf16, #tpu.memory_space<vmem_shared>> -> memref<10112x128xbf16, #tpu.memory_space<vmem_shared>>
        tpu.wait_indirect_dma semaphore(%arg20 : memref<!tpu.dma_semaphore, #tpu.memory_space<semaphore_mem>>) src(%dma_wait3A_218 : memref<128x128xbf16, #tpu.memory_space<vmem>>) dst(%dma_wait3A_224 : memref<10112x128xbf16, #tpu.memory_space<vmem_shared>>)
      } else {
      }
      %dma_start3A_195 = arith.constant 1 : i32
      %dma_start3A_196 = arith.constant 0 : i32
      %dma_start3A_197 = arith.constant 0 : i32
      %dma_start3A_198 = tpu.memref_slice %arg17[%dma_start3A_195, %dma_start3A_196, %dma_start3A_197] : memref<2x128x128xbf16, #tpu.memory_space<vmem>> -> memref<1x128x128xbf16, #tpu.memory_space<vmem>>
      %dma_start3A_199 = tpu.memref_squeeze %dma_start3A_198 : memref<1x128x128xbf16, #tpu.memory_space<vmem>> -> memref<128x128xbf16, #tpu.memory_space<vmem>>
      %dma_start3A_200 = arith.constant 0 : i32
      %dma_start3A_201 = tpu.memref_slice %arg16[%add3A_178, %dma_start3A_200] : memref<40x128xi32, #tpu.memory_space<vmem>> -> memref<1x128xi32, #tpu.memory_space<vmem>>
      %dma_start3A_202 = tpu.memref_squeeze %dma_start3A_201 : memref<1x128xi32, #tpu.memory_space<vmem>> -> memref<128xi32, #tpu.memory_space<vmem>>
      %dma_start3A_203 = arith.constant 0 : i32
      %dma_start3A_204 = arith.constant 0 : i32
      %dma_start3A_205 = tpu.memref_slice %arg14[%dma_start3A_203, %dma_start3A_204] : memref<10112x128xbf16, #tpu.memory_space<vmem_shared>> -> memref<10112x128xbf16, #tpu.memory_space<vmem_shared>>
      tpu.enqueue_indirect_dma source(%dma_start3A_199 : memref<128x128xbf16, #tpu.memory_space<vmem>>) target(%dma_start3A_205 : memref<10112x128xbf16, #tpu.memory_space<vmem_shared>>) offsets(%dma_start3A_202 : memref<128xi32, #tpu.memory_space<vmem>>) semaphore(%arg21 : memref<!tpu.dma_semaphore, #tpu.memory_space<semaphore_mem>>) {add = true}
      %add3A_206 = arith.constant 1 : i32
      %add3A_207 = arith.addi %add3A_178, %add3A_206 : i32
      %lt3A_208 = arith.cmpi slt, %add3A_207, %select_n3A_10 : i32
      %convert_element_type3A_209 = arith.extui %lt3A_208 : i1 to i32
      %cond3A_210 = arith.constant 0 : i32
      %cond3A_211 = arith.cmpi ne, %convert_element_type3A_209, %cond3A_210 : i32
      scf.if %cond3A_211 {
        %add3A_212 = arith.constant 1 : i32
        %add3A_213 = arith.addi %add3A_178, %add3A_212 : i32
        %dma_start3A_214 = arith.constant 0 : i32
        %dma_start3A_215 = arith.constant 0 : i32
        %dma_start3A_216 = arith.constant 0 : i32
        %dma_start3A_217 = tpu.memref_slice %arg17[%dma_start3A_214, %dma_start3A_215, %dma_start3A_216] : memref<2x128x128xbf16, #tpu.memory_space<vmem>> -> memref<1x128x128xbf16, #tpu.memory_space<vmem>>
        %dma_start3A_218 = tpu.memref_squeeze %dma_start3A_217 : memref<1x128x128xbf16, #tpu.memory_space<vmem>> -> memref<128x128xbf16, #tpu.memory_space<vmem>>
        %dma_start3A_219 = arith.constant 0 : i32
        %dma_start3A_220 = tpu.memref_slice %arg15[%add3A_213, %dma_start3A_219] : memref<40x128xi32, #tpu.memory_space<vmem>> -> memref<1x128xi32, #tpu.memory_space<vmem>>
        %dma_start3A_221 = tpu.memref_squeeze %dma_start3A_220 : memref<1x128xi32, #tpu.memory_space<vmem>> -> memref<128xi32, #tpu.memory_space<vmem>>
        %dma_start3A_222 = arith.constant 0 : i32
        %dma_start3A_223 = arith.constant 0 : i32
        %dma_start3A_224 = tpu.memref_slice %arg3[%dma_start3A_222, %dma_start3A_223] : memref<10000x128xbf16, #tpu.memory_space<hbm>> -> memref<10000x128xbf16, #tpu.memory_space<hbm>>
        tpu.enqueue_indirect_dma source(%dma_start3A_224 : memref<10000x128xbf16, #tpu.memory_space<hbm>>) target(%dma_start3A_218 : memref<128x128xbf16, #tpu.memory_space<vmem>>) offsets(%dma_start3A_221 : memref<128xi32, #tpu.memory_space<vmem>>) semaphore(%arg18 : memref<!tpu.dma_semaphore, #tpu.memory_space<semaphore_mem>>)
      } else {
      }
    }
    %sub3A_129 = arith.constant 1 : i32
    %sub3A_130 = arith.subi %select_n3A_10, %sub3A_129 : i32
    %dma_wait3A_131 = arith.constant 1 : i32
    %dma_wait3A_132 = arith.constant 0 : i32
    %dma_wait3A_133 = arith.constant 0 : i32
    %dma_wait3A_134 = tpu.memref_slice %arg17[%dma_wait3A_131, %dma_wait3A_132, %dma_wait3A_133] : memref<2x128x128xbf16, #tpu.memory_space<vmem>> -> memref<1x128x128xbf16, #tpu.memory_space<vmem>>
    %dma_wait3A_135 = tpu.memref_squeeze %dma_wait3A_134 : memref<1x128x128xbf16, #tpu.memory_space<vmem>> -> memref<128x128xbf16, #tpu.memory_space<vmem>>
    %dma_wait3A_136 = arith.constant 0 : i32
    %dma_wait3A_137 = tpu.memref_slice %arg16[%sub3A_130, %dma_wait3A_136] : memref<40x128xi32, #tpu.memory_space<vmem>> -> memref<1x128xi32, #tpu.memory_space<vmem>>
    %dma_wait3A_138 = tpu.memref_squeeze %dma_wait3A_137 : memref<1x128xi32, #tpu.memory_space<vmem>> -> memref<128xi32, #tpu.memory_space<vmem>>
    %dma_wait3A_139 = arith.constant 0 : i32
    %dma_wait3A_140 = arith.constant 0 : i32
    %dma_wait3A_141 = tpu.memref_slice %arg14[%dma_wait3A_139, %dma_wait3A_140] : memref<10112x128xbf16, #tpu.memory_space<vmem_shared>> -> memref<10112x128xbf16, #tpu.memory_space<vmem_shared>>
    tpu.wait_indirect_dma semaphore(%arg21 : memref<!tpu.dma_semaphore, #tpu.memory_space<semaphore_mem>>) src(%dma_wait3A_135 : memref<128x128xbf16, #tpu.memory_space<vmem>>) dst(%dma_wait3A_141 : memref<10112x128xbf16, #tpu.memory_space<vmem_shared>>)
    %barrier3A_142 = arith.constant 0 : index
    tpu.barrier barrier_id(%barrier3A_142)
    "tpu.region"() ({
      %run_scoped3A = tpu.sem_alloc : memref<!tpu.dma_semaphore, #tpu.memory_space<semaphore_mem>>
      %dma_start3A_143 = arith.constant 0 : i32
      %dma_start3A_144 = tpu.memref_slice %arg13[%arg0, %mul3A_0, %dma_start3A_143] : memref<2x10112x128xbf16, #tpu.memory_space<hbm>> -> memref<1x632x128xbf16, #tpu.memory_space<hbm>>
      %dma_start3A_145 = tpu.memref_squeeze %dma_start3A_144 : memref<1x632x128xbf16, #tpu.memory_space<hbm>> -> memref<632x128xbf16, #tpu.memory_space<hbm>>
      %dma_start3A_146 = arith.constant 0 : i32
      %dma_start3A_147 = tpu.memref_slice %arg14[%mul3A_0, %dma_start3A_146] : memref<10112x128xbf16, #tpu.memory_space<vmem_shared>> -> memref<632x128xbf16, #tpu.memory_space<vmem_shared>>
      tpu.enqueue_dma source(%dma_start3A_147 : memref<632x128xbf16, #tpu.memory_space<vmem_shared>>) target(%dma_start3A_145 : memref<632x128xbf16, #tpu.memory_space<hbm>>) target_semaphore(%run_scoped3A : memref<!tpu.dma_semaphore, #tpu.memory_space<semaphore_mem>>)
      %dma_wait3A_148 = arith.constant 0 : i32
      %dma_wait3A_149 = tpu.memref_slice %arg13[%arg0, %mul3A_0, %dma_wait3A_148] : memref<2x10112x128xbf16, #tpu.memory_space<hbm>> -> memref<1x632x128xbf16, #tpu.memory_space<hbm>>
      %dma_wait3A_150 = tpu.memref_squeeze %dma_wait3A_149 : memref<1x632x128xbf16, #tpu.memory_space<hbm>> -> memref<632x128xbf16, #tpu.memory_space<hbm>>
      %dma_wait3A_151 = arith.constant 0 : i32
      %dma_wait3A_152 = tpu.memref_slice %arg14[%mul3A_0, %dma_wait3A_151] : memref<10112x128xbf16, #tpu.memory_space<vmem_shared>> -> memref<632x128xbf16, #tpu.memory_space<vmem_shared>>
      tpu.wait_dma2 semaphore(%run_scoped3A : memref<!tpu.dma_semaphore, #tpu.memory_space<semaphore_mem>>) src(%dma_wait3A_152 : memref<632x128xbf16, #tpu.memory_space<vmem_shared>>) dst(%dma_wait3A_150 : memref<632x128xbf16, #tpu.memory_space<hbm>>)
      tpu.yield
    }) : () -> ()
    return
  }
}

#map = affine_map<(d0, d1) -> (0, 0)>
#map1 = affine_map<(d0, d1) -> (0, 0, 0)>
module attributes {stable_mosaic.version = 14 : i64} {
  func.func @body(%arg0: i32, %arg1: i32, %arg2: memref<10000x16xf32, #tpu.memory_space<hbm>>, %arg3: memref<10000x16xf32, #tpu.memory_space<hbm>>, %arg4: memref<160000x16xf32, #tpu.memory_space<hbm>>, %arg5: memref<10000x16xf32, #tpu.memory_space<hbm>>, %arg6: memref<10000x16xf32, #tpu.memory_space<hbm>>, %arg7: memref<160000x16xf32, #tpu.memory_space<hbm>>, %arg8: memref<10000x16xf32, #tpu.memory_space<hbm>>, %arg9: memref<10000x16xf32, #tpu.memory_space<hbm>>, %arg10: memref<160000x16xf32, #tpu.memory_space<hbm>>, %arg11: memref<32x40x125xi32, #tpu.memory_space<hbm>>, %arg12: memref<32x40x125xi32, #tpu.memory_space<hbm>>, %arg13: memref<32x40x125xi32, #tpu.memory_space<hbm>>, %arg14: memref<32x40x125xi32, #tpu.memory_space<hbm>>, %arg15: memref<32x40x125xi32, #tpu.memory_space<hbm>>, %arg16: memref<32x40x125xi32, #tpu.memory_space<hbm>>, %arg17: memref<632x16xf32, #tpu.memory_space<hbm>>, %arg18: memref<2x10112x16xf32, #tpu.memory_space<hbm>>, %arg19: memref<2x10112x16xf32, #tpu.memory_space<hbm>>, %arg20: memref<2x10112x16xf32, #tpu.memory_space<hbm>>, %arg21: memref<160000x16xf32, #tpu.memory_space<hbm>>, %arg22: memref<160000x16xf32, #tpu.memory_space<hbm>>, %arg23: memref<160000x16xf32, #tpu.memory_space<hbm>>, %arg24: memref<160000x16xf32, #tpu.memory_space<hbm>>, %arg25: memref<160000x16xf32, #tpu.memory_space<hbm>>, %arg26: memref<160000x16xf32, #tpu.memory_space<hbm>>, %arg27: memref<10112x16xf32, #tpu.memory_space<vmem_shared>>, %arg28: memref<40x125xi32, #tpu.memory_space<vmem>>, %arg29: memref<40x125xi32, #tpu.memory_space<vmem>>, %arg30: memref<2x125x16xf32, #tpu.memory_space<vmem>>, %arg31: memref<2x125x16xf32, #tpu.memory_space<vmem>>, %arg32: memref<2x125x16xf32, #tpu.memory_space<vmem>>, %arg33: memref<!tpu.dma_semaphore, #tpu.memory_space<semaphore_mem>>, %arg34: memref<!tpu.dma_semaphore, #tpu.memory_space<semaphore_mem>>, %arg35: memref<!tpu.dma_semaphore, #tpu.memory_space<semaphore_mem>>, %arg36: memref<!tpu.dma_semaphore, #tpu.memory_space<semaphore_mem>>, %arg37: memref<!tpu.dma_semaphore, #tpu.memory_space<semaphore_mem>>, %arg38: memref<!tpu.dma_semaphore, #tpu.memory_space<semaphore_mem>>) attributes {dimension_semantics = [#tpu.dimension_semantics<core_parallel>, #tpu.dimension_semantics<subcore_parallel>], iteration_bounds = array<i64: 2, 16>, scalar_prefetch = 0 : i64, scratch_operands = 12 : i64, tpu.core_type = #tpu.core_type<sc_vector_subcore>, window_params = [{transform_indices = #map}, {transform_indices = #map}, {transform_indices = #map}, {transform_indices = #map}, {transform_indices = #map}, {transform_indices = #map}, {transform_indices = #map}, {transform_indices = #map}, {transform_indices = #map}, {transform_indices = #map1}, {transform_indices = #map1}, {transform_indices = #map1}, {transform_indices = #map1}, {transform_indices = #map1}, {transform_indices = #map1}, {transform_indices = #map}, {transform_indices = #map1}, {transform_indices = #map1}, {transform_indices = #map1}, {transform_indices = #map}, {transform_indices = #map}, {transform_indices = #map}, {transform_indices = #map}, {transform_indices = #map}, {transform_indices = #map}]} {
    %mul3A = arith.constant 16 : i32
    %mul3A_0 = arith.muli %arg0, %mul3A : i32
    %add3A = arith.addi %mul3A_0, %arg1 : i32
    %mul3A_1 = arith.constant 632 : i32
    %mul3A_2 = arith.muli %arg1, %mul3A_1 : i32
    "tpu.region"() ({
      %run_scoped3A = tpu.sem_alloc : memref<!tpu.dma_semaphore, #tpu.memory_space<semaphore_mem>>
      %dma_start3A_269 = arith.constant 0 : i32
      %dma_start3A_270 = arith.constant 0 : i32
      %dma_start3A_271 = tpu.memref_slice %arg11[%add3A, %dma_start3A_269, %dma_start3A_270] : memref<32x40x125xi32, #tpu.memory_space<hbm>> -> memref<1x40x125xi32, #tpu.memory_space<hbm>>
      %dma_start3A_272 = tpu.memref_squeeze %dma_start3A_271 : memref<1x40x125xi32, #tpu.memory_space<hbm>> -> memref<40x125xi32, #tpu.memory_space<hbm>>
      %dma_start3A_273 = arith.constant 0 : i32
      %dma_start3A_274 = arith.constant 0 : i32
      %dma_start3A_275 = tpu.memref_slice %arg11[%add3A, %dma_start3A_273, %dma_start3A_274] : memref<32x40x125xi32, #tpu.memory_space<hbm>> -> memref<1x40x125xi32, #tpu.memory_space<hbm>>
      %dma_start3A_276 = tpu.memref_squeeze %dma_start3A_275 : memref<1x40x125xi32, #tpu.memory_space<hbm>> -> memref<40x125xi32, #tpu.memory_space<hbm>>
      tpu.enqueue_dma source(%dma_start3A_276 : memref<40x125xi32, #tpu.memory_space<hbm>>) target(%arg28 : memref<40x125xi32, #tpu.memory_space<vmem>>) target_semaphore(%run_scoped3A : memref<!tpu.dma_semaphore, #tpu.memory_space<semaphore_mem>>)
      %dma_wait3A_277 = arith.constant 0 : i32
      %dma_wait3A_278 = arith.constant 0 : i32
      %dma_wait3A_279 = tpu.memref_slice %arg11[%add3A, %dma_wait3A_277, %dma_wait3A_278] : memref<32x40x125xi32, #tpu.memory_space<hbm>> -> memref<1x40x125xi32, #tpu.memory_space<hbm>>
      %dma_wait3A_280 = tpu.memref_squeeze %dma_wait3A_279 : memref<1x40x125xi32, #tpu.memory_space<hbm>> -> memref<40x125xi32, #tpu.memory_space<hbm>>
      %dma_wait3A_281 = arith.constant 0 : i32
      %dma_wait3A_282 = arith.constant 0 : i32
      %dma_wait3A_283 = tpu.memref_slice %arg11[%add3A, %dma_wait3A_281, %dma_wait3A_282] : memref<32x40x125xi32, #tpu.memory_space<hbm>> -> memref<1x40x125xi32, #tpu.memory_space<hbm>>
      %dma_wait3A_284 = tpu.memref_squeeze %dma_wait3A_283 : memref<1x40x125xi32, #tpu.memory_space<hbm>> -> memref<40x125xi32, #tpu.memory_space<hbm>>
      tpu.wait_dma2 semaphore(%run_scoped3A : memref<!tpu.dma_semaphore, #tpu.memory_space<semaphore_mem>>) src(%dma_wait3A_284 : memref<40x125xi32, #tpu.memory_space<hbm>>) dst(%arg28 : memref<40x125xi32, #tpu.memory_space<vmem>>)
      tpu.yield
    }) : () -> ()
    "tpu.region"() ({
      %run_scoped3A = tpu.sem_alloc : memref<!tpu.dma_semaphore, #tpu.memory_space<semaphore_mem>>
      %dma_start3A_269 = arith.constant 0 : i32
      %dma_start3A_270 = arith.constant 0 : i32
      %dma_start3A_271 = tpu.memref_slice %arg12[%add3A, %dma_start3A_269, %dma_start3A_270] : memref<32x40x125xi32, #tpu.memory_space<hbm>> -> memref<1x40x125xi32, #tpu.memory_space<hbm>>
      %dma_start3A_272 = tpu.memref_squeeze %dma_start3A_271 : memref<1x40x125xi32, #tpu.memory_space<hbm>> -> memref<40x125xi32, #tpu.memory_space<hbm>>
      %dma_start3A_273 = arith.constant 0 : i32
      %dma_start3A_274 = arith.constant 0 : i32
      %dma_start3A_275 = tpu.memref_slice %arg12[%add3A, %dma_start3A_273, %dma_start3A_274] : memref<32x40x125xi32, #tpu.memory_space<hbm>> -> memref<1x40x125xi32, #tpu.memory_space<hbm>>
      %dma_start3A_276 = tpu.memref_squeeze %dma_start3A_275 : memref<1x40x125xi32, #tpu.memory_space<hbm>> -> memref<40x125xi32, #tpu.memory_space<hbm>>
      tpu.enqueue_dma source(%dma_start3A_276 : memref<40x125xi32, #tpu.memory_space<hbm>>) target(%arg29 : memref<40x125xi32, #tpu.memory_space<vmem>>) target_semaphore(%run_scoped3A : memref<!tpu.dma_semaphore, #tpu.memory_space<semaphore_mem>>)
      %dma_wait3A_277 = arith.constant 0 : i32
      %dma_wait3A_278 = arith.constant 0 : i32
      %dma_wait3A_279 = tpu.memref_slice %arg12[%add3A, %dma_wait3A_277, %dma_wait3A_278] : memref<32x40x125xi32, #tpu.memory_space<hbm>> -> memref<1x40x125xi32, #tpu.memory_space<hbm>>
      %dma_wait3A_280 = tpu.memref_squeeze %dma_wait3A_279 : memref<1x40x125xi32, #tpu.memory_space<hbm>> -> memref<40x125xi32, #tpu.memory_space<hbm>>
      %dma_wait3A_281 = arith.constant 0 : i32
      %dma_wait3A_282 = arith.constant 0 : i32
      %dma_wait3A_283 = tpu.memref_slice %arg12[%add3A, %dma_wait3A_281, %dma_wait3A_282] : memref<32x40x125xi32, #tpu.memory_space<hbm>> -> memref<1x40x125xi32, #tpu.memory_space<hbm>>
      %dma_wait3A_284 = tpu.memref_squeeze %dma_wait3A_283 : memref<1x40x125xi32, #tpu.memory_space<hbm>> -> memref<40x125xi32, #tpu.memory_space<hbm>>
      tpu.wait_dma2 semaphore(%run_scoped3A : memref<!tpu.dma_semaphore, #tpu.memory_space<semaphore_mem>>) src(%dma_wait3A_284 : memref<40x125xi32, #tpu.memory_space<hbm>>) dst(%arg29 : memref<40x125xi32, #tpu.memory_space<vmem>>)
      tpu.yield
    }) : () -> ()
    "tpu.region"() ({
      %run_scoped3A = tpu.sem_alloc : memref<!tpu.dma_semaphore, #tpu.memory_space<semaphore_mem>>
      %dma_start3A_269 = arith.constant 0 : i32
      %dma_start3A_270 = tpu.memref_slice %arg27[%mul3A_2, %dma_start3A_269] : memref<10112x16xf32, #tpu.memory_space<vmem_shared>> -> memref<632x16xf32, #tpu.memory_space<vmem_shared>>
      tpu.enqueue_dma source(%arg17 : memref<632x16xf32, #tpu.memory_space<hbm>>) target(%dma_start3A_270 : memref<632x16xf32, #tpu.memory_space<vmem_shared>>) target_semaphore(%run_scoped3A : memref<!tpu.dma_semaphore, #tpu.memory_space<semaphore_mem>>)
      %dma_wait3A_271 = arith.constant 0 : i32
      %dma_wait3A_272 = tpu.memref_slice %arg27[%mul3A_2, %dma_wait3A_271] : memref<10112x16xf32, #tpu.memory_space<vmem_shared>> -> memref<632x16xf32, #tpu.memory_space<vmem_shared>>
      tpu.wait_dma2 semaphore(%run_scoped3A : memref<!tpu.dma_semaphore, #tpu.memory_space<semaphore_mem>>) src(%arg17 : memref<632x16xf32, #tpu.memory_space<hbm>>) dst(%dma_wait3A_272 : memref<632x16xf32, #tpu.memory_space<vmem_shared>>)
      tpu.yield
    }) : () -> ()
    %barrier3A = arith.constant 0 : index
    tpu.barrier barrier_id(%barrier3A)
    %mul3A_3 = arith.constant 5000 : i32
    %mul3A_4 = arith.muli %add3A, %mul3A_3 : i32
    %add3A_5 = arith.constant 0 : i32
    %add3A_6 = arith.addi %mul3A_4, %add3A_5 : i32
    %dma_start3A = arith.constant 0 : i32
    %dma_start3A_7 = arith.constant 0 : i32
    %dma_start3A_8 = arith.constant 0 : i32
    %dma_start3A_9 = tpu.memref_slice %arg30[%dma_start3A, %dma_start3A_7, %dma_start3A_8] : memref<2x125x16xf32, #tpu.memory_space<vmem>> -> memref<1x125x16xf32, #tpu.memory_space<vmem>>
    %dma_start3A_10 = tpu.memref_squeeze %dma_start3A_9 : memref<1x125x16xf32, #tpu.memory_space<vmem>> -> memref<125x16xf32, #tpu.memory_space<vmem>>
    %dma_start3A_11 = arith.constant 0 : i32
    %dma_start3A_12 = tpu.memref_slice %arg4[%add3A_6, %dma_start3A_11] : memref<160000x16xf32, #tpu.memory_space<hbm>> -> memref<125x16xf32, #tpu.memory_space<hbm>>
    %dma_start3A_13 = arith.constant 0 : i32
    %dma_start3A_14 = arith.constant 0 : i32
    %dma_start3A_15 = tpu.memref_slice %arg30[%dma_start3A, %dma_start3A_13, %dma_start3A_14] : memref<2x125x16xf32, #tpu.memory_space<vmem>> -> memref<1x125x16xf32, #tpu.memory_space<vmem>>
    %dma_start3A_16 = tpu.memref_squeeze %dma_start3A_15 : memref<1x125x16xf32, #tpu.memory_space<vmem>> -> memref<125x16xf32, #tpu.memory_space<vmem>>
    %dma_start3A_17 = arith.constant 0 : i32
    %dma_start3A_18 = tpu.memref_slice %arg4[%add3A_6, %dma_start3A_17] : memref<160000x16xf32, #tpu.memory_space<hbm>> -> memref<125x16xf32, #tpu.memory_space<hbm>>
    tpu.enqueue_dma source(%dma_start3A_18 : memref<125x16xf32, #tpu.memory_space<hbm>>) target(%dma_start3A_16 : memref<125x16xf32, #tpu.memory_space<vmem>>) target_semaphore(%arg33 : memref<!tpu.dma_semaphore, #tpu.memory_space<semaphore_mem>>)
    %dma_start3A_19 = arith.constant 0 : i32
    %dma_start3A_20 = arith.constant 0 : i32
    %dma_start3A_21 = arith.constant 0 : i32
    %dma_start3A_22 = arith.constant 0 : i32
    %dma_start3A_23 = tpu.memref_slice %arg31[%dma_start3A_20, %dma_start3A_21, %dma_start3A_22] : memref<2x125x16xf32, #tpu.memory_space<vmem>> -> memref<1x125x16xf32, #tpu.memory_space<vmem>>
    %dma_start3A_24 = tpu.memref_squeeze %dma_start3A_23 : memref<1x125x16xf32, #tpu.memory_space<vmem>> -> memref<125x16xf32, #tpu.memory_space<vmem>>
    %dma_start3A_25 = arith.constant 0 : i32
    %dma_start3A_26 = tpu.memref_slice %arg28[%dma_start3A_19, %dma_start3A_25] : memref<40x125xi32, #tpu.memory_space<vmem>> -> memref<1x125xi32, #tpu.memory_space<vmem>>
    %dma_start3A_27 = tpu.memref_squeeze %dma_start3A_26 : memref<1x125xi32, #tpu.memory_space<vmem>> -> memref<125xi32, #tpu.memory_space<vmem>>
    %dma_start3A_28 = arith.constant 0 : i32
    %dma_start3A_29 = arith.constant 0 : i32
    %dma_start3A_30 = tpu.memref_slice %arg2[%dma_start3A_28, %dma_start3A_29] : memref<10000x16xf32, #tpu.memory_space<hbm>> -> memref<10000x16xf32, #tpu.memory_space<hbm>>
    tpu.enqueue_indirect_dma source(%dma_start3A_30 : memref<10000x16xf32, #tpu.memory_space<hbm>>) target(%dma_start3A_24 : memref<125x16xf32, #tpu.memory_space<vmem>>) offsets(%dma_start3A_27 : memref<125xi32, #tpu.memory_space<vmem>>) semaphore(%arg34 : memref<!tpu.dma_semaphore, #tpu.memory_space<semaphore_mem>>)
    %dma_start3A_31 = arith.constant 0 : i32
    %dma_start3A_32 = arith.constant 0 : i32
    %dma_start3A_33 = arith.constant 0 : i32
    %dma_start3A_34 = arith.constant 0 : i32
    %dma_start3A_35 = tpu.memref_slice %arg32[%dma_start3A_32, %dma_start3A_33, %dma_start3A_34] : memref<2x125x16xf32, #tpu.memory_space<vmem>> -> memref<1x125x16xf32, #tpu.memory_space<vmem>>
    %dma_start3A_36 = tpu.memref_squeeze %dma_start3A_35 : memref<1x125x16xf32, #tpu.memory_space<vmem>> -> memref<125x16xf32, #tpu.memory_space<vmem>>
    %dma_start3A_37 = arith.constant 0 : i32
    %dma_start3A_38 = tpu.memref_slice %arg29[%dma_start3A_31, %dma_start3A_37] : memref<40x125xi32, #tpu.memory_space<vmem>> -> memref<1x125xi32, #tpu.memory_space<vmem>>
    %dma_start3A_39 = tpu.memref_squeeze %dma_start3A_38 : memref<1x125xi32, #tpu.memory_space<vmem>> -> memref<125xi32, #tpu.memory_space<vmem>>
    %dma_start3A_40 = arith.constant 0 : i32
    %dma_start3A_41 = arith.constant 0 : i32
    %dma_start3A_42 = tpu.memref_slice %arg3[%dma_start3A_40, %dma_start3A_41] : memref<10000x16xf32, #tpu.memory_space<hbm>> -> memref<10000x16xf32, #tpu.memory_space<hbm>>
    tpu.enqueue_indirect_dma source(%dma_start3A_42 : memref<10000x16xf32, #tpu.memory_space<hbm>>) target(%dma_start3A_36 : memref<125x16xf32, #tpu.memory_space<vmem>>) offsets(%dma_start3A_39 : memref<125xi32, #tpu.memory_space<vmem>>) semaphore(%arg35 : memref<!tpu.dma_semaphore, #tpu.memory_space<semaphore_mem>>)
    %scan3A = arith.constant 0 : i32
    %scan3A_43 = arith.constant 20 : i32
    %scan3A_44 = arith.addi %scan3A, %scan3A_43 : i32
    %scan3A_45 = arith.constant 1 : i32
    scf.for %scan3A_269 = %scan3A to %scan3A_44 step %scan3A_45  : i32 {
      %mul3A_270 = arith.constant 2 : i32
      %mul3A_271 = arith.muli %scan3A_269, %mul3A_270 : i32
      %add3A_272 = arith.constant 0 : i32
      %add3A_273 = arith.addi %add3A_272, %mul3A_271 : i32
      %add3A_274 = arith.constant 0 : i32
      %add3A_275 = arith.addi %add3A_273, %add3A_274 : i32
      %mul3A_276 = arith.constant 5000 : i32
      %mul3A_277 = arith.muli %add3A, %mul3A_276 : i32
      %mul3A_278 = arith.constant 125 : i32
      %mul3A_279 = arith.muli %add3A_275, %mul3A_278 : i32
      %add3A_280 = arith.addi %mul3A_277, %mul3A_279 : i32
      %dma_wait3A_281 = arith.constant 0 : i32
      %dma_wait3A_282 = arith.constant 0 : i32
      %dma_wait3A_283 = arith.constant 0 : i32
      %dma_wait3A_284 = tpu.memref_slice %arg30[%dma_wait3A_281, %dma_wait3A_282, %dma_wait3A_283] : memref<2x125x16xf32, #tpu.memory_space<vmem>> -> memref<1x125x16xf32, #tpu.memory_space<vmem>>
      %dma_wait3A_285 = tpu.memref_squeeze %dma_wait3A_284 : memref<1x125x16xf32, #tpu.memory_space<vmem>> -> memref<125x16xf32, #tpu.memory_space<vmem>>
      %dma_wait3A_286 = arith.constant 0 : i32
      %dma_wait3A_287 = tpu.memref_slice %arg4[%add3A_280, %dma_wait3A_286] : memref<160000x16xf32, #tpu.memory_space<hbm>> -> memref<125x16xf32, #tpu.memory_space<hbm>>
      %dma_wait3A_288 = arith.constant 0 : i32
      %dma_wait3A_289 = arith.constant 0 : i32
      %dma_wait3A_290 = tpu.memref_slice %arg30[%dma_wait3A_281, %dma_wait3A_288, %dma_wait3A_289] : memref<2x125x16xf32, #tpu.memory_space<vmem>> -> memref<1x125x16xf32, #tpu.memory_space<vmem>>
      %dma_wait3A_291 = tpu.memref_squeeze %dma_wait3A_290 : memref<1x125x16xf32, #tpu.memory_space<vmem>> -> memref<125x16xf32, #tpu.memory_space<vmem>>
      %dma_wait3A_292 = arith.constant 0 : i32
      %dma_wait3A_293 = tpu.memref_slice %arg4[%add3A_280, %dma_wait3A_292] : memref<160000x16xf32, #tpu.memory_space<hbm>> -> memref<125x16xf32, #tpu.memory_space<hbm>>
      tpu.wait_dma2 semaphore(%arg33 : memref<!tpu.dma_semaphore, #tpu.memory_space<semaphore_mem>>) src(%dma_wait3A_293 : memref<125x16xf32, #tpu.memory_space<hbm>>) dst(%dma_wait3A_291 : memref<125x16xf32, #tpu.memory_space<vmem>>)
      %dma_wait3A_294 = arith.constant 0 : i32
      %dma_wait3A_295 = arith.constant 0 : i32
      %dma_wait3A_296 = arith.constant 0 : i32
      %dma_wait3A_297 = tpu.memref_slice %arg31[%dma_wait3A_294, %dma_wait3A_295, %dma_wait3A_296] : memref<2x125x16xf32, #tpu.memory_space<vmem>> -> memref<1x125x16xf32, #tpu.memory_space<vmem>>
      %dma_wait3A_298 = tpu.memref_squeeze %dma_wait3A_297 : memref<1x125x16xf32, #tpu.memory_space<vmem>> -> memref<125x16xf32, #tpu.memory_space<vmem>>
      %dma_wait3A_299 = arith.constant 0 : i32
      %dma_wait3A_300 = tpu.memref_slice %arg28[%add3A_275, %dma_wait3A_299] : memref<40x125xi32, #tpu.memory_space<vmem>> -> memref<1x125xi32, #tpu.memory_space<vmem>>
      %dma_wait3A_301 = tpu.memref_squeeze %dma_wait3A_300 : memref<1x125xi32, #tpu.memory_space<vmem>> -> memref<125xi32, #tpu.memory_space<vmem>>
      %dma_wait3A_302 = arith.constant 0 : i32
      %dma_wait3A_303 = arith.constant 0 : i32
      %dma_wait3A_304 = tpu.memref_slice %arg2[%dma_wait3A_302, %dma_wait3A_303] : memref<10000x16xf32, #tpu.memory_space<hbm>> -> memref<10000x16xf32, #tpu.memory_space<hbm>>
      tpu.wait_indirect_dma semaphore(%arg34 : memref<!tpu.dma_semaphore, #tpu.memory_space<semaphore_mem>>) src(%dma_wait3A_304 : memref<10000x16xf32, #tpu.memory_space<hbm>>) dst(%dma_wait3A_298 : memref<125x16xf32, #tpu.memory_space<vmem>>)
      %dma_wait3A_305 = arith.constant 0 : i32
      %dma_wait3A_306 = arith.constant 0 : i32
      %dma_wait3A_307 = arith.constant 0 : i32
      %dma_wait3A_308 = tpu.memref_slice %arg32[%dma_wait3A_305, %dma_wait3A_306, %dma_wait3A_307] : memref<2x125x16xf32, #tpu.memory_space<vmem>> -> memref<1x125x16xf32, #tpu.memory_space<vmem>>
      %dma_wait3A_309 = tpu.memref_squeeze %dma_wait3A_308 : memref<1x125x16xf32, #tpu.memory_space<vmem>> -> memref<125x16xf32, #tpu.memory_space<vmem>>
      %dma_wait3A_310 = arith.constant 0 : i32
      %dma_wait3A_311 = tpu.memref_slice %arg29[%add3A_275, %dma_wait3A_310] : memref<40x125xi32, #tpu.memory_space<vmem>> -> memref<1x125xi32, #tpu.memory_space<vmem>>
      %dma_wait3A_312 = tpu.memref_squeeze %dma_wait3A_311 : memref<1x125xi32, #tpu.memory_space<vmem>> -> memref<125xi32, #tpu.memory_space<vmem>>
      %dma_wait3A_313 = arith.constant 0 : i32
      %dma_wait3A_314 = arith.constant 0 : i32
      %dma_wait3A_315 = tpu.memref_slice %arg3[%dma_wait3A_313, %dma_wait3A_314] : memref<10000x16xf32, #tpu.memory_space<hbm>> -> memref<10000x16xf32, #tpu.memory_space<hbm>>
      tpu.wait_indirect_dma semaphore(%arg35 : memref<!tpu.dma_semaphore, #tpu.memory_space<semaphore_mem>>) src(%dma_wait3A_315 : memref<10000x16xf32, #tpu.memory_space<hbm>>) dst(%dma_wait3A_309 : memref<125x16xf32, #tpu.memory_space<vmem>>)
      %gt3A = arith.constant 0 : i32
      %gt3A_316 = arith.cmpi sgt, %add3A_275, %gt3A : i32
      %convert_element_type3A = arith.extui %gt3A_316 : i1 to i32
      %cond3A = arith.constant 0 : i32
      %cond3A_317 = arith.cmpi ne, %convert_element_type3A, %cond3A : i32
      scf.if %cond3A_317 {
        %sub3A = arith.constant 1 : i32
        %sub3A_462 = arith.subi %add3A_275, %sub3A : i32
        %mul3A_463 = arith.constant 5000 : i32
        %mul3A_464 = arith.muli %add3A, %mul3A_463 : i32
        %mul3A_465 = arith.constant 125 : i32
        %mul3A_466 = arith.muli %sub3A_462, %mul3A_465 : i32
        %add3A_467 = arith.addi %mul3A_464, %mul3A_466 : i32
        %dma_wait3A_468 = arith.constant 1 : i32
        %dma_wait3A_469 = arith.constant 0 : i32
        %dma_wait3A_470 = arith.constant 0 : i32
        %dma_wait3A_471 = tpu.memref_slice %arg30[%dma_wait3A_468, %dma_wait3A_469, %dma_wait3A_470] : memref<2x125x16xf32, #tpu.memory_space<vmem>> -> memref<1x125x16xf32, #tpu.memory_space<vmem>>
        %dma_wait3A_472 = tpu.memref_squeeze %dma_wait3A_471 : memref<1x125x16xf32, #tpu.memory_space<vmem>> -> memref<125x16xf32, #tpu.memory_space<vmem>>
        %dma_wait3A_473 = arith.constant 0 : i32
        %dma_wait3A_474 = tpu.memref_slice %arg29[%sub3A_462, %dma_wait3A_473] : memref<40x125xi32, #tpu.memory_space<vmem>> -> memref<1x125xi32, #tpu.memory_space<vmem>>
        %dma_wait3A_475 = tpu.memref_squeeze %dma_wait3A_474 : memref<1x125xi32, #tpu.memory_space<vmem>> -> memref<125xi32, #tpu.memory_space<vmem>>
        %dma_wait3A_476 = arith.constant 0 : i32
        %dma_wait3A_477 = arith.constant 0 : i32
        %dma_wait3A_478 = tpu.memref_slice %arg27[%dma_wait3A_476, %dma_wait3A_477] : memref<10112x16xf32, #tpu.memory_space<vmem_shared>> -> memref<10112x16xf32, #tpu.memory_space<vmem_shared>>
        tpu.wait_indirect_dma semaphore(%arg36 : memref<!tpu.dma_semaphore, #tpu.memory_space<semaphore_mem>>) src(%dma_wait3A_472 : memref<125x16xf32, #tpu.memory_space<vmem>>) dst(%dma_wait3A_478 : memref<10112x16xf32, #tpu.memory_space<vmem_shared>>)
        %dma_wait3A_479 = arith.constant 1 : i32
        %dma_wait3A_480 = arith.constant 0 : i32
        %dma_wait3A_481 = arith.constant 0 : i32
        %dma_wait3A_482 = tpu.memref_slice %arg31[%dma_wait3A_479, %dma_wait3A_480, %dma_wait3A_481] : memref<2x125x16xf32, #tpu.memory_space<vmem>> -> memref<1x125x16xf32, #tpu.memory_space<vmem>>
        %dma_wait3A_483 = tpu.memref_squeeze %dma_wait3A_482 : memref<1x125x16xf32, #tpu.memory_space<vmem>> -> memref<125x16xf32, #tpu.memory_space<vmem>>
        %dma_wait3A_484 = arith.constant 0 : i32
        %dma_wait3A_485 = tpu.memref_slice %arg21[%add3A_467, %dma_wait3A_484] : memref<160000x16xf32, #tpu.memory_space<hbm>> -> memref<125x16xf32, #tpu.memory_space<hbm>>
        %dma_wait3A_486 = arith.constant 0 : i32
        %dma_wait3A_487 = tpu.memref_slice %arg21[%add3A_467, %dma_wait3A_486] : memref<160000x16xf32, #tpu.memory_space<hbm>> -> memref<125x16xf32, #tpu.memory_space<hbm>>
        %dma_wait3A_488 = arith.constant 0 : i32
        %dma_wait3A_489 = arith.constant 0 : i32
        %dma_wait3A_490 = tpu.memref_slice %arg31[%dma_wait3A_479, %dma_wait3A_488, %dma_wait3A_489] : memref<2x125x16xf32, #tpu.memory_space<vmem>> -> memref<1x125x16xf32, #tpu.memory_space<vmem>>
        %dma_wait3A_491 = tpu.memref_squeeze %dma_wait3A_490 : memref<1x125x16xf32, #tpu.memory_space<vmem>> -> memref<125x16xf32, #tpu.memory_space<vmem>>
        tpu.wait_dma2 semaphore(%arg37 : memref<!tpu.dma_semaphore, #tpu.memory_space<semaphore_mem>>) src(%dma_wait3A_491 : memref<125x16xf32, #tpu.memory_space<vmem>>) dst(%dma_wait3A_487 : memref<125x16xf32, #tpu.memory_space<hbm>>)
        %dma_wait3A_492 = arith.constant 1 : i32
        %dma_wait3A_493 = arith.constant 0 : i32
        %dma_wait3A_494 = arith.constant 0 : i32
        %dma_wait3A_495 = tpu.memref_slice %arg32[%dma_wait3A_492, %dma_wait3A_493, %dma_wait3A_494] : memref<2x125x16xf32, #tpu.memory_space<vmem>> -> memref<1x125x16xf32, #tpu.memory_space<vmem>>
        %dma_wait3A_496 = tpu.memref_squeeze %dma_wait3A_495 : memref<1x125x16xf32, #tpu.memory_space<vmem>> -> memref<125x16xf32, #tpu.memory_space<vmem>>
        %dma_wait3A_497 = arith.constant 0 : i32
        %dma_wait3A_498 = tpu.memref_slice %arg22[%add3A_467, %dma_wait3A_497] : memref<160000x16xf32, #tpu.memory_space<hbm>> -> memref<125x16xf32, #tpu.memory_space<hbm>>
        %dma_wait3A_499 = arith.constant 0 : i32
        %dma_wait3A_500 = tpu.memref_slice %arg22[%add3A_467, %dma_wait3A_499] : memref<160000x16xf32, #tpu.memory_space<hbm>> -> memref<125x16xf32, #tpu.memory_space<hbm>>
        %dma_wait3A_501 = arith.constant 0 : i32
        %dma_wait3A_502 = arith.constant 0 : i32
        %dma_wait3A_503 = tpu.memref_slice %arg32[%dma_wait3A_492, %dma_wait3A_501, %dma_wait3A_502] : memref<2x125x16xf32, #tpu.memory_space<vmem>> -> memref<1x125x16xf32, #tpu.memory_space<vmem>>
        %dma_wait3A_504 = tpu.memref_squeeze %dma_wait3A_503 : memref<1x125x16xf32, #tpu.memory_space<vmem>> -> memref<125x16xf32, #tpu.memory_space<vmem>>
        tpu.wait_dma2 semaphore(%arg38 : memref<!tpu.dma_semaphore, #tpu.memory_space<semaphore_mem>>) src(%dma_wait3A_504 : memref<125x16xf32, #tpu.memory_space<vmem>>) dst(%dma_wait3A_500 : memref<125x16xf32, #tpu.memory_space<hbm>>)
      } else {
      }
      %mul3A_318 = arith.constant 5000 : i32
      %mul3A_319 = arith.muli %add3A, %mul3A_318 : i32
      %mul3A_320 = arith.constant 125 : i32
      %mul3A_321 = arith.muli %add3A_275, %mul3A_320 : i32
      %add3A_322 = arith.addi %mul3A_319, %mul3A_321 : i32
      %dma_start3A_323 = arith.constant 0 : i32
      %dma_start3A_324 = arith.constant 0 : i32
      %dma_start3A_325 = arith.constant 0 : i32
      %dma_start3A_326 = tpu.memref_slice %arg30[%dma_start3A_323, %dma_start3A_324, %dma_start3A_325] : memref<2x125x16xf32, #tpu.memory_space<vmem>> -> memref<1x125x16xf32, #tpu.memory_space<vmem>>
      %dma_start3A_327 = tpu.memref_squeeze %dma_start3A_326 : memref<1x125x16xf32, #tpu.memory_space<vmem>> -> memref<125x16xf32, #tpu.memory_space<vmem>>
      %dma_start3A_328 = arith.constant 0 : i32
      %dma_start3A_329 = tpu.memref_slice %arg29[%add3A_275, %dma_start3A_328] : memref<40x125xi32, #tpu.memory_space<vmem>> -> memref<1x125xi32, #tpu.memory_space<vmem>>
      %dma_start3A_330 = tpu.memref_squeeze %dma_start3A_329 : memref<1x125xi32, #tpu.memory_space<vmem>> -> memref<125xi32, #tpu.memory_space<vmem>>
      %dma_start3A_331 = arith.constant 0 : i32
      %dma_start3A_332 = arith.constant 0 : i32
      %dma_start3A_333 = tpu.memref_slice %arg27[%dma_start3A_331, %dma_start3A_332] : memref<10112x16xf32, #tpu.memory_space<vmem_shared>> -> memref<10112x16xf32, #tpu.memory_space<vmem_shared>>
      tpu.enqueue_indirect_dma source(%dma_start3A_327 : memref<125x16xf32, #tpu.memory_space<vmem>>) target(%dma_start3A_333 : memref<10112x16xf32, #tpu.memory_space<vmem_shared>>) offsets(%dma_start3A_330 : memref<125xi32, #tpu.memory_space<vmem>>) semaphore(%arg36 : memref<!tpu.dma_semaphore, #tpu.memory_space<semaphore_mem>>) {add = true}
      %dma_start3A_334 = arith.constant 0 : i32
      %dma_start3A_335 = arith.constant 0 : i32
      %dma_start3A_336 = arith.constant 0 : i32
      %dma_start3A_337 = tpu.memref_slice %arg31[%dma_start3A_334, %dma_start3A_335, %dma_start3A_336] : memref<2x125x16xf32, #tpu.memory_space<vmem>> -> memref<1x125x16xf32, #tpu.memory_space<vmem>>
      %dma_start3A_338 = tpu.memref_squeeze %dma_start3A_337 : memref<1x125x16xf32, #tpu.memory_space<vmem>> -> memref<125x16xf32, #tpu.memory_space<vmem>>
      %dma_start3A_339 = arith.constant 0 : i32
      %dma_start3A_340 = tpu.memref_slice %arg21[%add3A_322, %dma_start3A_339] : memref<160000x16xf32, #tpu.memory_space<hbm>> -> memref<125x16xf32, #tpu.memory_space<hbm>>
      %dma_start3A_341 = arith.constant 0 : i32
      %dma_start3A_342 = tpu.memref_slice %arg21[%add3A_322, %dma_start3A_341] : memref<160000x16xf32, #tpu.memory_space<hbm>> -> memref<125x16xf32, #tpu.memory_space<hbm>>
      %dma_start3A_343 = arith.constant 0 : i32
      %dma_start3A_344 = arith.constant 0 : i32
      %dma_start3A_345 = tpu.memref_slice %arg31[%dma_start3A_334, %dma_start3A_343, %dma_start3A_344] : memref<2x125x16xf32, #tpu.memory_space<vmem>> -> memref<1x125x16xf32, #tpu.memory_space<vmem>>
      %dma_start3A_346 = tpu.memref_squeeze %dma_start3A_345 : memref<1x125x16xf32, #tpu.memory_space<vmem>> -> memref<125x16xf32, #tpu.memory_space<vmem>>
      tpu.enqueue_dma source(%dma_start3A_346 : memref<125x16xf32, #tpu.memory_space<vmem>>) target(%dma_start3A_342 : memref<125x16xf32, #tpu.memory_space<hbm>>) target_semaphore(%arg37 : memref<!tpu.dma_semaphore, #tpu.memory_space<semaphore_mem>>)
      %dma_start3A_347 = arith.constant 0 : i32
      %dma_start3A_348 = arith.constant 0 : i32
      %dma_start3A_349 = arith.constant 0 : i32
      %dma_start3A_350 = tpu.memref_slice %arg32[%dma_start3A_347, %dma_start3A_348, %dma_start3A_349] : memref<2x125x16xf32, #tpu.memory_space<vmem>> -> memref<1x125x16xf32, #tpu.memory_space<vmem>>
      %dma_start3A_351 = tpu.memref_squeeze %dma_start3A_350 : memref<1x125x16xf32, #tpu.memory_space<vmem>> -> memref<125x16xf32, #tpu.memory_space<vmem>>
      %dma_start3A_352 = arith.constant 0 : i32
      %dma_start3A_353 = tpu.memref_slice %arg22[%add3A_322, %dma_start3A_352] : memref<160000x16xf32, #tpu.memory_space<hbm>> -> memref<125x16xf32, #tpu.memory_space<hbm>>
      %dma_start3A_354 = arith.constant 0 : i32
      %dma_start3A_355 = tpu.memref_slice %arg22[%add3A_322, %dma_start3A_354] : memref<160000x16xf32, #tpu.memory_space<hbm>> -> memref<125x16xf32, #tpu.memory_space<hbm>>
      %dma_start3A_356 = arith.constant 0 : i32
      %dma_start3A_357 = arith.constant 0 : i32
      %dma_start3A_358 = tpu.memref_slice %arg32[%dma_start3A_347, %dma_start3A_356, %dma_start3A_357] : memref<2x125x16xf32, #tpu.memory_space<vmem>> -> memref<1x125x16xf32, #tpu.memory_space<vmem>>
      %dma_start3A_359 = tpu.memref_squeeze %dma_start3A_358 : memref<1x125x16xf32, #tpu.memory_space<vmem>> -> memref<125x16xf32, #tpu.memory_space<vmem>>
      tpu.enqueue_dma source(%dma_start3A_359 : memref<125x16xf32, #tpu.memory_space<vmem>>) target(%dma_start3A_355 : memref<125x16xf32, #tpu.memory_space<hbm>>) target_semaphore(%arg38 : memref<!tpu.dma_semaphore, #tpu.memory_space<semaphore_mem>>)
      %add3A_360 = arith.constant 1 : i32
      %add3A_361 = arith.addi %add3A_275, %add3A_360 : i32
      %lt3A = arith.constant 40 : i32
      %lt3A_362 = arith.cmpi slt, %add3A_361, %lt3A : i32
      %convert_element_type3A_363 = arith.extui %lt3A_362 : i1 to i32
      %cond3A_364 = arith.constant 0 : i32
      %cond3A_365 = arith.cmpi ne, %convert_element_type3A_363, %cond3A_364 : i32
      scf.if %cond3A_365 {
        %add3A_462 = arith.constant 1 : i32
        %add3A_463 = arith.addi %add3A_275, %add3A_462 : i32
        %mul3A_464 = arith.constant 5000 : i32
        %mul3A_465 = arith.muli %add3A, %mul3A_464 : i32
        %mul3A_466 = arith.constant 125 : i32
        %mul3A_467 = arith.muli %add3A_463, %mul3A_466 : i32
        %add3A_468 = arith.addi %mul3A_465, %mul3A_467 : i32
        %dma_start3A_469 = arith.constant 1 : i32
        %dma_start3A_470 = arith.constant 0 : i32
        %dma_start3A_471 = arith.constant 0 : i32
        %dma_start3A_472 = tpu.memref_slice %arg30[%dma_start3A_469, %dma_start3A_470, %dma_start3A_471] : memref<2x125x16xf32, #tpu.memory_space<vmem>> -> memref<1x125x16xf32, #tpu.memory_space<vmem>>
        %dma_start3A_473 = tpu.memref_squeeze %dma_start3A_472 : memref<1x125x16xf32, #tpu.memory_space<vmem>> -> memref<125x16xf32, #tpu.memory_space<vmem>>
        %dma_start3A_474 = arith.constant 0 : i32
        %dma_start3A_475 = tpu.memref_slice %arg4[%add3A_468, %dma_start3A_474] : memref<160000x16xf32, #tpu.memory_space<hbm>> -> memref<125x16xf32, #tpu.memory_space<hbm>>
        %dma_start3A_476 = arith.constant 0 : i32
        %dma_start3A_477 = arith.constant 0 : i32
        %dma_start3A_478 = tpu.memref_slice %arg30[%dma_start3A_469, %dma_start3A_476, %dma_start3A_477] : memref<2x125x16xf32, #tpu.memory_space<vmem>> -> memref<1x125x16xf32, #tpu.memory_space<vmem>>
        %dma_start3A_479 = tpu.memref_squeeze %dma_start3A_478 : memref<1x125x16xf32, #tpu.memory_space<vmem>> -> memref<125x16xf32, #tpu.memory_space<vmem>>
        %dma_start3A_480 = arith.constant 0 : i32
        %dma_start3A_481 = tpu.memref_slice %arg4[%add3A_468, %dma_start3A_480] : memref<160000x16xf32, #tpu.memory_space<hbm>> -> memref<125x16xf32, #tpu.memory_space<hbm>>
        tpu.enqueue_dma source(%dma_start3A_481 : memref<125x16xf32, #tpu.memory_space<hbm>>) target(%dma_start3A_479 : memref<125x16xf32, #tpu.memory_space<vmem>>) target_semaphore(%arg33 : memref<!tpu.dma_semaphore, #tpu.memory_space<semaphore_mem>>)
        %dma_start3A_482 = arith.constant 1 : i32
        %dma_start3A_483 = arith.constant 0 : i32
        %dma_start3A_484 = arith.constant 0 : i32
        %dma_start3A_485 = tpu.memref_slice %arg31[%dma_start3A_482, %dma_start3A_483, %dma_start3A_484] : memref<2x125x16xf32, #tpu.memory_space<vmem>> -> memref<1x125x16xf32, #tpu.memory_space<vmem>>
        %dma_start3A_486 = tpu.memref_squeeze %dma_start3A_485 : memref<1x125x16xf32, #tpu.memory_space<vmem>> -> memref<125x16xf32, #tpu.memory_space<vmem>>
        %dma_start3A_487 = arith.constant 0 : i32
        %dma_start3A_488 = tpu.memref_slice %arg28[%add3A_463, %dma_start3A_487] : memref<40x125xi32, #tpu.memory_space<vmem>> -> memref<1x125xi32, #tpu.memory_space<vmem>>
        %dma_start3A_489 = tpu.memref_squeeze %dma_start3A_488 : memref<1x125xi32, #tpu.memory_space<vmem>> -> memref<125xi32, #tpu.memory_space<vmem>>
        %dma_start3A_490 = arith.constant 0 : i32
        %dma_start3A_491 = arith.constant 0 : i32
        %dma_start3A_492 = tpu.memref_slice %arg2[%dma_start3A_490, %dma_start3A_491] : memref<10000x16xf32, #tpu.memory_space<hbm>> -> memref<10000x16xf32, #tpu.memory_space<hbm>>
        tpu.enqueue_indirect_dma source(%dma_start3A_492 : memref<10000x16xf32, #tpu.memory_space<hbm>>) target(%dma_start3A_486 : memref<125x16xf32, #tpu.memory_space<vmem>>) offsets(%dma_start3A_489 : memref<125xi32, #tpu.memory_space<vmem>>) semaphore(%arg34 : memref<!tpu.dma_semaphore, #tpu.memory_space<semaphore_mem>>)
        %dma_start3A_493 = arith.constant 1 : i32
        %dma_start3A_494 = arith.constant 0 : i32
        %dma_start3A_495 = arith.constant 0 : i32
        %dma_start3A_496 = tpu.memref_slice %arg32[%dma_start3A_493, %dma_start3A_494, %dma_start3A_495] : memref<2x125x16xf32, #tpu.memory_space<vmem>> -> memref<1x125x16xf32, #tpu.memory_space<vmem>>
        %dma_start3A_497 = tpu.memref_squeeze %dma_start3A_496 : memref<1x125x16xf32, #tpu.memory_space<vmem>> -> memref<125x16xf32, #tpu.memory_space<vmem>>
        %dma_start3A_498 = arith.constant 0 : i32
        %dma_start3A_499 = tpu.memref_slice %arg29[%add3A_463, %dma_start3A_498] : memref<40x125xi32, #tpu.memory_space<vmem>> -> memref<1x125xi32, #tpu.memory_space<vmem>>
        %dma_start3A_500 = tpu.memref_squeeze %dma_start3A_499 : memref<1x125xi32, #tpu.memory_space<vmem>> -> memref<125xi32, #tpu.memory_space<vmem>>
        %dma_start3A_501 = arith.constant 0 : i32
        %dma_start3A_502 = arith.constant 0 : i32
        %dma_start3A_503 = tpu.memref_slice %arg3[%dma_start3A_501, %dma_start3A_502] : memref<10000x16xf32, #tpu.memory_space<hbm>> -> memref<10000x16xf32, #tpu.memory_space<hbm>>
        tpu.enqueue_indirect_dma source(%dma_start3A_503 : memref<10000x16xf32, #tpu.memory_space<hbm>>) target(%dma_start3A_497 : memref<125x16xf32, #tpu.memory_space<vmem>>) offsets(%dma_start3A_500 : memref<125xi32, #tpu.memory_space<vmem>>) semaphore(%arg35 : memref<!tpu.dma_semaphore, #tpu.memory_space<semaphore_mem>>)
      } else {
      }
      %add3A_366 = arith.constant 1 : i32
      %add3A_367 = arith.addi %add3A_273, %add3A_366 : i32
      %mul3A_368 = arith.constant 5000 : i32
      %mul3A_369 = arith.muli %add3A, %mul3A_368 : i32
      %mul3A_370 = arith.constant 125 : i32
      %mul3A_371 = arith.muli %add3A_367, %mul3A_370 : i32
      %add3A_372 = arith.addi %mul3A_369, %mul3A_371 : i32
      %dma_wait3A_373 = arith.constant 1 : i32
      %dma_wait3A_374 = arith.constant 0 : i32
      %dma_wait3A_375 = arith.constant 0 : i32
      %dma_wait3A_376 = tpu.memref_slice %arg30[%dma_wait3A_373, %dma_wait3A_374, %dma_wait3A_375] : memref<2x125x16xf32, #tpu.memory_space<vmem>> -> memref<1x125x16xf32, #tpu.memory_space<vmem>>
      %dma_wait3A_377 = tpu.memref_squeeze %dma_wait3A_376 : memref<1x125x16xf32, #tpu.memory_space<vmem>> -> memref<125x16xf32, #tpu.memory_space<vmem>>
      %dma_wait3A_378 = arith.constant 0 : i32
      %dma_wait3A_379 = tpu.memref_slice %arg4[%add3A_372, %dma_wait3A_378] : memref<160000x16xf32, #tpu.memory_space<hbm>> -> memref<125x16xf32, #tpu.memory_space<hbm>>
      %dma_wait3A_380 = arith.constant 0 : i32
      %dma_wait3A_381 = arith.constant 0 : i32
      %dma_wait3A_382 = tpu.memref_slice %arg30[%dma_wait3A_373, %dma_wait3A_380, %dma_wait3A_381] : memref<2x125x16xf32, #tpu.memory_space<vmem>> -> memref<1x125x16xf32, #tpu.memory_space<vmem>>
      %dma_wait3A_383 = tpu.memref_squeeze %dma_wait3A_382 : memref<1x125x16xf32, #tpu.memory_space<vmem>> -> memref<125x16xf32, #tpu.memory_space<vmem>>
      %dma_wait3A_384 = arith.constant 0 : i32
      %dma_wait3A_385 = tpu.memref_slice %arg4[%add3A_372, %dma_wait3A_384] : memref<160000x16xf32, #tpu.memory_space<hbm>> -> memref<125x16xf32, #tpu.memory_space<hbm>>
      tpu.wait_dma2 semaphore(%arg33 : memref<!tpu.dma_semaphore, #tpu.memory_space<semaphore_mem>>) src(%dma_wait3A_385 : memref<125x16xf32, #tpu.memory_space<hbm>>) dst(%dma_wait3A_383 : memref<125x16xf32, #tpu.memory_space<vmem>>)
      %dma_wait3A_386 = arith.constant 1 : i32
      %dma_wait3A_387 = arith.constant 0 : i32
      %dma_wait3A_388 = arith.constant 0 : i32
      %dma_wait3A_389 = tpu.memref_slice %arg31[%dma_wait3A_386, %dma_wait3A_387, %dma_wait3A_388] : memref<2x125x16xf32, #tpu.memory_space<vmem>> -> memref<1x125x16xf32, #tpu.memory_space<vmem>>
      %dma_wait3A_390 = tpu.memref_squeeze %dma_wait3A_389 : memref<1x125x16xf32, #tpu.memory_space<vmem>> -> memref<125x16xf32, #tpu.memory_space<vmem>>
      %dma_wait3A_391 = arith.constant 0 : i32
      %dma_wait3A_392 = tpu.memref_slice %arg28[%add3A_367, %dma_wait3A_391] : memref<40x125xi32, #tpu.memory_space<vmem>> -> memref<1x125xi32, #tpu.memory_space<vmem>>
      %dma_wait3A_393 = tpu.memref_squeeze %dma_wait3A_392 : memref<1x125xi32, #tpu.memory_space<vmem>> -> memref<125xi32, #tpu.memory_space<vmem>>
      %dma_wait3A_394 = arith.constant 0 : i32
      %dma_wait3A_395 = arith.constant 0 : i32
      %dma_wait3A_396 = tpu.memref_slice %arg2[%dma_wait3A_394, %dma_wait3A_395] : memref<10000x16xf32, #tpu.memory_space<hbm>> -> memref<10000x16xf32, #tpu.memory_space<hbm>>
      tpu.wait_indirect_dma semaphore(%arg34 : memref<!tpu.dma_semaphore, #tpu.memory_space<semaphore_mem>>) src(%dma_wait3A_396 : memref<10000x16xf32, #tpu.memory_space<hbm>>) dst(%dma_wait3A_390 : memref<125x16xf32, #tpu.memory_space<vmem>>)
      %dma_wait3A_397 = arith.constant 1 : i32
      %dma_wait3A_398 = arith.constant 0 : i32
      %dma_wait3A_399 = arith.constant 0 : i32
      %dma_wait3A_400 = tpu.memref_slice %arg32[%dma_wait3A_397, %dma_wait3A_398, %dma_wait3A_399] : memref<2x125x16xf32, #tpu.memory_space<vmem>> -> memref<1x125x16xf32, #tpu.memory_space<vmem>>
      %dma_wait3A_401 = tpu.memref_squeeze %dma_wait3A_400 : memref<1x125x16xf32, #tpu.memory_space<vmem>> -> memref<125x16xf32, #tpu.memory_space<vmem>>
      %dma_wait3A_402 = arith.constant 0 : i32
      %dma_wait3A_403 = tpu.memref_slice %arg29[%add3A_367, %dma_wait3A_402] : memref<40x125xi32, #tpu.memory_space<vmem>> -> memref<1x125xi32, #tpu.memory_space<vmem>>
      %dma_wait3A_404 = tpu.memref_squeeze %dma_wait3A_403 : memref<1x125xi32, #tpu.memory_space<vmem>> -> memref<125xi32, #tpu.memory_space<vmem>>
      %dma_wait3A_405 = arith.constant 0 : i32
      %dma_wait3A_406 = arith.constant 0 : i32
      %dma_wait3A_407 = tpu.memref_slice %arg3[%dma_wait3A_405, %dma_wait3A_406] : memref<10000x16xf32, #tpu.memory_space<hbm>> -> memref<10000x16xf32, #tpu.memory_space<hbm>>
      tpu.wait_indirect_dma semaphore(%arg35 : memref<!tpu.dma_semaphore, #tpu.memory_space<semaphore_mem>>) src(%dma_wait3A_407 : memref<10000x16xf32, #tpu.memory_space<hbm>>) dst(%dma_wait3A_401 : memref<125x16xf32, #tpu.memory_space<vmem>>)
      %gt3A_408 = arith.constant 0 : i32
      %gt3A_409 = arith.cmpi sgt, %add3A_367, %gt3A_408 : i32
      %convert_element_type3A_410 = arith.extui %gt3A_409 : i1 to i32
      %cond3A_411 = arith.constant 0 : i32
      %cond3A_412 = arith.cmpi ne, %convert_element_type3A_410, %cond3A_411 : i32
      scf.if %cond3A_412 {
        %sub3A = arith.constant 1 : i32
        %sub3A_462 = arith.subi %add3A_367, %sub3A : i32
        %mul3A_463 = arith.constant 5000 : i32
        %mul3A_464 = arith.muli %add3A, %mul3A_463 : i32
        %mul3A_465 = arith.constant 125 : i32
        %mul3A_466 = arith.muli %sub3A_462, %mul3A_465 : i32
        %add3A_467 = arith.addi %mul3A_464, %mul3A_466 : i32
        %dma_wait3A_468 = arith.constant 0 : i32
        %dma_wait3A_469 = arith.constant 0 : i32
        %dma_wait3A_470 = arith.constant 0 : i32
        %dma_wait3A_471 = tpu.memref_slice %arg30[%dma_wait3A_468, %dma_wait3A_469, %dma_wait3A_470] : memref<2x125x16xf32, #tpu.memory_space<vmem>> -> memref<1x125x16xf32, #tpu.memory_space<vmem>>
        %dma_wait3A_472 = tpu.memref_squeeze %dma_wait3A_471 : memref<1x125x16xf32, #tpu.memory_space<vmem>> -> memref<125x16xf32, #tpu.memory_space<vmem>>
        %dma_wait3A_473 = arith.constant 0 : i32
        %dma_wait3A_474 = tpu.memref_slice %arg29[%sub3A_462, %dma_wait3A_473] : memref<40x125xi32, #tpu.memory_space<vmem>> -> memref<1x125xi32, #tpu.memory_space<vmem>>
        %dma_wait3A_475 = tpu.memref_squeeze %dma_wait3A_474 : memref<1x125xi32, #tpu.memory_space<vmem>> -> memref<125xi32, #tpu.memory_space<vmem>>
        %dma_wait3A_476 = arith.constant 0 : i32
        %dma_wait3A_477 = arith.constant 0 : i32
        %dma_wait3A_478 = tpu.memref_slice %arg27[%dma_wait3A_476, %dma_wait3A_477] : memref<10112x16xf32, #tpu.memory_space<vmem_shared>> -> memref<10112x16xf32, #tpu.memory_space<vmem_shared>>
        tpu.wait_indirect_dma semaphore(%arg36 : memref<!tpu.dma_semaphore, #tpu.memory_space<semaphore_mem>>) src(%dma_wait3A_472 : memref<125x16xf32, #tpu.memory_space<vmem>>) dst(%dma_wait3A_478 : memref<10112x16xf32, #tpu.memory_space<vmem_shared>>)
        %dma_wait3A_479 = arith.constant 0 : i32
        %dma_wait3A_480 = arith.constant 0 : i32
        %dma_wait3A_481 = arith.constant 0 : i32
        %dma_wait3A_482 = tpu.memref_slice %arg31[%dma_wait3A_479, %dma_wait3A_480, %dma_wait3A_481] : memref<2x125x16xf32, #tpu.memory_space<vmem>> -> memref<1x125x16xf32, #tpu.memory_space<vmem>>
        %dma_wait3A_483 = tpu.memref_squeeze %dma_wait3A_482 : memref<1x125x16xf32, #tpu.memory_space<vmem>> -> memref<125x16xf32, #tpu.memory_space<vmem>>
        %dma_wait3A_484 = arith.constant 0 : i32
        %dma_wait3A_485 = tpu.memref_slice %arg21[%add3A_467, %dma_wait3A_484] : memref<160000x16xf32, #tpu.memory_space<hbm>> -> memref<125x16xf32, #tpu.memory_space<hbm>>
        %dma_wait3A_486 = arith.constant 0 : i32
        %dma_wait3A_487 = tpu.memref_slice %arg21[%add3A_467, %dma_wait3A_486] : memref<160000x16xf32, #tpu.memory_space<hbm>> -> memref<125x16xf32, #tpu.memory_space<hbm>>
        %dma_wait3A_488 = arith.constant 0 : i32
        %dma_wait3A_489 = arith.constant 0 : i32
        %dma_wait3A_490 = tpu.memref_slice %arg31[%dma_wait3A_479, %dma_wait3A_488, %dma_wait3A_489] : memref<2x125x16xf32, #tpu.memory_space<vmem>> -> memref<1x125x16xf32, #tpu.memory_space<vmem>>
        %dma_wait3A_491 = tpu.memref_squeeze %dma_wait3A_490 : memref<1x125x16xf32, #tpu.memory_space<vmem>> -> memref<125x16xf32, #tpu.memory_space<vmem>>
        tpu.wait_dma2 semaphore(%arg37 : memref<!tpu.dma_semaphore, #tpu.memory_space<semaphore_mem>>) src(%dma_wait3A_491 : memref<125x16xf32, #tpu.memory_space<vmem>>) dst(%dma_wait3A_487 : memref<125x16xf32, #tpu.memory_space<hbm>>)
        %dma_wait3A_492 = arith.constant 0 : i32
        %dma_wait3A_493 = arith.constant 0 : i32
        %dma_wait3A_494 = arith.constant 0 : i32
        %dma_wait3A_495 = tpu.memref_slice %arg32[%dma_wait3A_492, %dma_wait3A_493, %dma_wait3A_494] : memref<2x125x16xf32, #tpu.memory_space<vmem>> -> memref<1x125x16xf32, #tpu.memory_space<vmem>>
        %dma_wait3A_496 = tpu.memref_squeeze %dma_wait3A_495 : memref<1x125x16xf32, #tpu.memory_space<vmem>> -> memref<125x16xf32, #tpu.memory_space<vmem>>
        %dma_wait3A_497 = arith.constant 0 : i32
        %dma_wait3A_498 = tpu.memref_slice %arg22[%add3A_467, %dma_wait3A_497] : memref<160000x16xf32, #tpu.memory_space<hbm>> -> memref<125x16xf32, #tpu.memory_space<hbm>>
        %dma_wait3A_499 = arith.constant 0 : i32
        %dma_wait3A_500 = tpu.memref_slice %arg22[%add3A_467, %dma_wait3A_499] : memref<160000x16xf32, #tpu.memory_space<hbm>> -> memref<125x16xf32, #tpu.memory_space<hbm>>
        %dma_wait3A_501 = arith.constant 0 : i32
        %dma_wait3A_502 = arith.constant 0 : i32
        %dma_wait3A_503 = tpu.memref_slice %arg32[%dma_wait3A_492, %dma_wait3A_501, %dma_wait3A_502] : memref<2x125x16xf32, #tpu.memory_space<vmem>> -> memref<1x125x16xf32, #tpu.memory_space<vmem>>
        %dma_wait3A_504 = tpu.memref_squeeze %dma_wait3A_503 : memref<1x125x16xf32, #tpu.memory_space<vmem>> -> memref<125x16xf32, #tpu.memory_space<vmem>>
        tpu.wait_dma2 semaphore(%arg38 : memref<!tpu.dma_semaphore, #tpu.memory_space<semaphore_mem>>) src(%dma_wait3A_504 : memref<125x16xf32, #tpu.memory_space<vmem>>) dst(%dma_wait3A_500 : memref<125x16xf32, #tpu.memory_space<hbm>>)
      } else {
      }
      %mul3A_413 = arith.constant 5000 : i32
      %mul3A_414 = arith.muli %add3A, %mul3A_413 : i32
      %mul3A_415 = arith.constant 125 : i32
      %mul3A_416 = arith.muli %add3A_367, %mul3A_415 : i32
      %add3A_417 = arith.addi %mul3A_414, %mul3A_416 : i32
      %dma_start3A_418 = arith.constant 1 : i32
      %dma_start3A_419 = arith.constant 0 : i32
      %dma_start3A_420 = arith.constant 0 : i32
      %dma_start3A_421 = tpu.memref_slice %arg30[%dma_start3A_418, %dma_start3A_419, %dma_start3A_420] : memref<2x125x16xf32, #tpu.memory_space<vmem>> -> memref<1x125x16xf32, #tpu.memory_space<vmem>>
      %dma_start3A_422 = tpu.memref_squeeze %dma_start3A_421 : memref<1x125x16xf32, #tpu.memory_space<vmem>> -> memref<125x16xf32, #tpu.memory_space<vmem>>
      %dma_start3A_423 = arith.constant 0 : i32
      %dma_start3A_424 = tpu.memref_slice %arg29[%add3A_367, %dma_start3A_423] : memref<40x125xi32, #tpu.memory_space<vmem>> -> memref<1x125xi32, #tpu.memory_space<vmem>>
      %dma_start3A_425 = tpu.memref_squeeze %dma_start3A_424 : memref<1x125xi32, #tpu.memory_space<vmem>> -> memref<125xi32, #tpu.memory_space<vmem>>
      %dma_start3A_426 = arith.constant 0 : i32
      %dma_start3A_427 = arith.constant 0 : i32
      %dma_start3A_428 = tpu.memref_slice %arg27[%dma_start3A_426, %dma_start3A_427] : memref<10112x16xf32, #tpu.memory_space<vmem_shared>> -> memref<10112x16xf32, #tpu.memory_space<vmem_shared>>
      tpu.enqueue_indirect_dma source(%dma_start3A_422 : memref<125x16xf32, #tpu.memory_space<vmem>>) target(%dma_start3A_428 : memref<10112x16xf32, #tpu.memory_space<vmem_shared>>) offsets(%dma_start3A_425 : memref<125xi32, #tpu.memory_space<vmem>>) semaphore(%arg36 : memref<!tpu.dma_semaphore, #tpu.memory_space<semaphore_mem>>) {add = true}
      %dma_start3A_429 = arith.constant 1 : i32
      %dma_start3A_430 = arith.constant 0 : i32
      %dma_start3A_431 = arith.constant 0 : i32
      %dma_start3A_432 = tpu.memref_slice %arg31[%dma_start3A_429, %dma_start3A_430, %dma_start3A_431] : memref<2x125x16xf32, #tpu.memory_space<vmem>> -> memref<1x125x16xf32, #tpu.memory_space<vmem>>
      %dma_start3A_433 = tpu.memref_squeeze %dma_start3A_432 : memref<1x125x16xf32, #tpu.memory_space<vmem>> -> memref<125x16xf32, #tpu.memory_space<vmem>>
      %dma_start3A_434 = arith.constant 0 : i32
      %dma_start3A_435 = tpu.memref_slice %arg21[%add3A_417, %dma_start3A_434] : memref<160000x16xf32, #tpu.memory_space<hbm>> -> memref<125x16xf32, #tpu.memory_space<hbm>>
      %dma_start3A_436 = arith.constant 0 : i32
      %dma_start3A_437 = tpu.memref_slice %arg21[%add3A_417, %dma_start3A_436] : memref<160000x16xf32, #tpu.memory_space<hbm>> -> memref<125x16xf32, #tpu.memory_space<hbm>>
      %dma_start3A_438 = arith.constant 0 : i32
      %dma_start3A_439 = arith.constant 0 : i32
      %dma_start3A_440 = tpu.memref_slice %arg31[%dma_start3A_429, %dma_start3A_438, %dma_start3A_439] : memref<2x125x16xf32, #tpu.memory_space<vmem>> -> memref<1x125x16xf32, #tpu.memory_space<vmem>>
      %dma_start3A_441 = tpu.memref_squeeze %dma_start3A_440 : memref<1x125x16xf32, #tpu.memory_space<vmem>> -> memref<125x16xf32, #tpu.memory_space<vmem>>
      tpu.enqueue_dma source(%dma_start3A_441 : memref<125x16xf32, #tpu.memory_space<vmem>>) target(%dma_start3A_437 : memref<125x16xf32, #tpu.memory_space<hbm>>) target_semaphore(%arg37 : memref<!tpu.dma_semaphore, #tpu.memory_space<semaphore_mem>>)
      %dma_start3A_442 = arith.constant 1 : i32
      %dma_start3A_443 = arith.constant 0 : i32
      %dma_start3A_444 = arith.constant 0 : i32
      %dma_start3A_445 = tpu.memref_slice %arg32[%dma_start3A_442, %dma_start3A_443, %dma_start3A_444] : memref<2x125x16xf32, #tpu.memory_space<vmem>> -> memref<1x125x16xf32, #tpu.memory_space<vmem>>
      %dma_start3A_446 = tpu.memref_squeeze %dma_start3A_445 : memref<1x125x16xf32, #tpu.memory_space<vmem>> -> memref<125x16xf32, #tpu.memory_space<vmem>>
      %dma_start3A_447 = arith.constant 0 : i32
      %dma_start3A_448 = tpu.memref_slice %arg22[%add3A_417, %dma_start3A_447] : memref<160000x16xf32, #tpu.memory_space<hbm>> -> memref<125x16xf32, #tpu.memory_space<hbm>>
      %dma_start3A_449 = arith.constant 0 : i32
      %dma_start3A_450 = tpu.memref_slice %arg22[%add3A_417, %dma_start3A_449] : memref<160000x16xf32, #tpu.memory_space<hbm>> -> memref<125x16xf32, #tpu.memory_space<hbm>>
      %dma_start3A_451 = arith.constant 0 : i32
      %dma_start3A_452 = arith.constant 0 : i32
      %dma_start3A_453 = tpu.memref_slice %arg32[%dma_start3A_442, %dma_start3A_451, %dma_start3A_452] : memref<2x125x16xf32, #tpu.memory_space<vmem>> -> memref<1x125x16xf32, #tpu.memory_space<vmem>>
      %dma_start3A_454 = tpu.memref_squeeze %dma_start3A_453 : memref<1x125x16xf32, #tpu.memory_space<vmem>> -> memref<125x16xf32, #tpu.memory_space<vmem>>
      tpu.enqueue_dma source(%dma_start3A_454 : memref<125x16xf32, #tpu.memory_space<vmem>>) target(%dma_start3A_450 : memref<125x16xf32, #tpu.memory_space<hbm>>) target_semaphore(%arg38 : memref<!tpu.dma_semaphore, #tpu.memory_space<semaphore_mem>>)
      %add3A_455 = arith.constant 1 : i32
      %add3A_456 = arith.addi %add3A_367, %add3A_455 : i32
      %lt3A_457 = arith.constant 40 : i32
      %lt3A_458 = arith.cmpi slt, %add3A_456, %lt3A_457 : i32
      %convert_element_type3A_459 = arith.extui %lt3A_458 : i1 to i32
      %cond3A_460 = arith.constant 0 : i32
      %cond3A_461 = arith.cmpi ne, %convert_element_type3A_459, %cond3A_460 : i32
      scf.if %cond3A_461 {
        %add3A_462 = arith.constant 1 : i32
        %add3A_463 = arith.addi %add3A_367, %add3A_462 : i32
        %mul3A_464 = arith.constant 5000 : i32
        %mul3A_465 = arith.muli %add3A, %mul3A_464 : i32
        %mul3A_466 = arith.constant 125 : i32
        %mul3A_467 = arith.muli %add3A_463, %mul3A_466 : i32
        %add3A_468 = arith.addi %mul3A_465, %mul3A_467 : i32
        %dma_start3A_469 = arith.constant 0 : i32
        %dma_start3A_470 = arith.constant 0 : i32
        %dma_start3A_471 = arith.constant 0 : i32
        %dma_start3A_472 = tpu.memref_slice %arg30[%dma_start3A_469, %dma_start3A_470, %dma_start3A_471] : memref<2x125x16xf32, #tpu.memory_space<vmem>> -> memref<1x125x16xf32, #tpu.memory_space<vmem>>
        %dma_start3A_473 = tpu.memref_squeeze %dma_start3A_472 : memref<1x125x16xf32, #tpu.memory_space<vmem>> -> memref<125x16xf32, #tpu.memory_space<vmem>>
        %dma_start3A_474 = arith.constant 0 : i32
        %dma_start3A_475 = tpu.memref_slice %arg4[%add3A_468, %dma_start3A_474] : memref<160000x16xf32, #tpu.memory_space<hbm>> -> memref<125x16xf32, #tpu.memory_space<hbm>>
        %dma_start3A_476 = arith.constant 0 : i32
        %dma_start3A_477 = arith.constant 0 : i32
        %dma_start3A_478 = tpu.memref_slice %arg30[%dma_start3A_469, %dma_start3A_476, %dma_start3A_477] : memref<2x125x16xf32, #tpu.memory_space<vmem>> -> memref<1x125x16xf32, #tpu.memory_space<vmem>>
        %dma_start3A_479 = tpu.memref_squeeze %dma_start3A_478 : memref<1x125x16xf32, #tpu.memory_space<vmem>> -> memref<125x16xf32, #tpu.memory_space<vmem>>
        %dma_start3A_480 = arith.constant 0 : i32
        %dma_start3A_481 = tpu.memref_slice %arg4[%add3A_468, %dma_start3A_480] : memref<160000x16xf32, #tpu.memory_space<hbm>> -> memref<125x16xf32, #tpu.memory_space<hbm>>
        tpu.enqueue_dma source(%dma_start3A_481 : memref<125x16xf32, #tpu.memory_space<hbm>>) target(%dma_start3A_479 : memref<125x16xf32, #tpu.memory_space<vmem>>) target_semaphore(%arg33 : memref<!tpu.dma_semaphore, #tpu.memory_space<semaphore_mem>>)
        %dma_start3A_482 = arith.constant 0 : i32
        %dma_start3A_483 = arith.constant 0 : i32
        %dma_start3A_484 = arith.constant 0 : i32
        %dma_start3A_485 = tpu.memref_slice %arg31[%dma_start3A_482, %dma_start3A_483, %dma_start3A_484] : memref<2x125x16xf32, #tpu.memory_space<vmem>> -> memref<1x125x16xf32, #tpu.memory_space<vmem>>
        %dma_start3A_486 = tpu.memref_squeeze %dma_start3A_485 : memref<1x125x16xf32, #tpu.memory_space<vmem>> -> memref<125x16xf32, #tpu.memory_space<vmem>>
        %dma_start3A_487 = arith.constant 0 : i32
        %dma_start3A_488 = tpu.memref_slice %arg28[%add3A_463, %dma_start3A_487] : memref<40x125xi32, #tpu.memory_space<vmem>> -> memref<1x125xi32, #tpu.memory_space<vmem>>
        %dma_start3A_489 = tpu.memref_squeeze %dma_start3A_488 : memref<1x125xi32, #tpu.memory_space<vmem>> -> memref<125xi32, #tpu.memory_space<vmem>>
        %dma_start3A_490 = arith.constant 0 : i32
        %dma_start3A_491 = arith.constant 0 : i32
        %dma_start3A_492 = tpu.memref_slice %arg2[%dma_start3A_490, %dma_start3A_491] : memref<10000x16xf32, #tpu.memory_space<hbm>> -> memref<10000x16xf32, #tpu.memory_space<hbm>>
        tpu.enqueue_indirect_dma source(%dma_start3A_492 : memref<10000x16xf32, #tpu.memory_space<hbm>>) target(%dma_start3A_486 : memref<125x16xf32, #tpu.memory_space<vmem>>) offsets(%dma_start3A_489 : memref<125xi32, #tpu.memory_space<vmem>>) semaphore(%arg34 : memref<!tpu.dma_semaphore, #tpu.memory_space<semaphore_mem>>)
        %dma_start3A_493 = arith.constant 0 : i32
        %dma_start3A_494 = arith.constant 0 : i32
        %dma_start3A_495 = arith.constant 0 : i32
        %dma_start3A_496 = tpu.memref_slice %arg32[%dma_start3A_493, %dma_start3A_494, %dma_start3A_495] : memref<2x125x16xf32, #tpu.memory_space<vmem>> -> memref<1x125x16xf32, #tpu.memory_space<vmem>>
        %dma_start3A_497 = tpu.memref_squeeze %dma_start3A_496 : memref<1x125x16xf32, #tpu.memory_space<vmem>> -> memref<125x16xf32, #tpu.memory_space<vmem>>
        %dma_start3A_498 = arith.constant 0 : i32
        %dma_start3A_499 = tpu.memref_slice %arg29[%add3A_463, %dma_start3A_498] : memref<40x125xi32, #tpu.memory_space<vmem>> -> memref<1x125xi32, #tpu.memory_space<vmem>>
        %dma_start3A_500 = tpu.memref_squeeze %dma_start3A_499 : memref<1x125xi32, #tpu.memory_space<vmem>> -> memref<125xi32, #tpu.memory_space<vmem>>
        %dma_start3A_501 = arith.constant 0 : i32
        %dma_start3A_502 = arith.constant 0 : i32
        %dma_start3A_503 = tpu.memref_slice %arg3[%dma_start3A_501, %dma_start3A_502] : memref<10000x16xf32, #tpu.memory_space<hbm>> -> memref<10000x16xf32, #tpu.memory_space<hbm>>
        tpu.enqueue_indirect_dma source(%dma_start3A_503 : memref<10000x16xf32, #tpu.memory_space<hbm>>) target(%dma_start3A_497 : memref<125x16xf32, #tpu.memory_space<vmem>>) offsets(%dma_start3A_500 : memref<125xi32, #tpu.memory_space<vmem>>) semaphore(%arg35 : memref<!tpu.dma_semaphore, #tpu.memory_space<semaphore_mem>>)
      } else {
      }
    }
    %scan3A_46 = arith.constant 20 : i32
    %mul3A_47 = arith.constant 5000 : i32
    %mul3A_48 = arith.muli %add3A, %mul3A_47 : i32
    %add3A_49 = arith.constant 4875 : i32
    %add3A_50 = arith.addi %mul3A_48, %add3A_49 : i32
    %dma_wait3A = arith.constant 1 : i32
    %dma_wait3A_51 = arith.constant 39 : i32
    %dma_wait3A_52 = arith.constant 0 : i32
    %dma_wait3A_53 = arith.constant 0 : i32
    %dma_wait3A_54 = tpu.memref_slice %arg30[%dma_wait3A, %dma_wait3A_52, %dma_wait3A_53] : memref<2x125x16xf32, #tpu.memory_space<vmem>> -> memref<1x125x16xf32, #tpu.memory_space<vmem>>
    %dma_wait3A_55 = tpu.memref_squeeze %dma_wait3A_54 : memref<1x125x16xf32, #tpu.memory_space<vmem>> -> memref<125x16xf32, #tpu.memory_space<vmem>>
    %dma_wait3A_56 = arith.constant 0 : i32
    %dma_wait3A_57 = tpu.memref_slice %arg29[%dma_wait3A_51, %dma_wait3A_56] : memref<40x125xi32, #tpu.memory_space<vmem>> -> memref<1x125xi32, #tpu.memory_space<vmem>>
    %dma_wait3A_58 = tpu.memref_squeeze %dma_wait3A_57 : memref<1x125xi32, #tpu.memory_space<vmem>> -> memref<125xi32, #tpu.memory_space<vmem>>
    %dma_wait3A_59 = arith.constant 0 : i32
    %dma_wait3A_60 = arith.constant 0 : i32
    %dma_wait3A_61 = tpu.memref_slice %arg27[%dma_wait3A_59, %dma_wait3A_60] : memref<10112x16xf32, #tpu.memory_space<vmem_shared>> -> memref<10112x16xf32, #tpu.memory_space<vmem_shared>>
    tpu.wait_indirect_dma semaphore(%arg36 : memref<!tpu.dma_semaphore, #tpu.memory_space<semaphore_mem>>) src(%dma_wait3A_55 : memref<125x16xf32, #tpu.memory_space<vmem>>) dst(%dma_wait3A_61 : memref<10112x16xf32, #tpu.memory_space<vmem_shared>>)
    %dma_wait3A_62 = arith.constant 1 : i32
    %dma_wait3A_63 = arith.constant 0 : i32
    %dma_wait3A_64 = arith.constant 0 : i32
    %dma_wait3A_65 = tpu.memref_slice %arg31[%dma_wait3A_62, %dma_wait3A_63, %dma_wait3A_64] : memref<2x125x16xf32, #tpu.memory_space<vmem>> -> memref<1x125x16xf32, #tpu.memory_space<vmem>>
    %dma_wait3A_66 = tpu.memref_squeeze %dma_wait3A_65 : memref<1x125x16xf32, #tpu.memory_space<vmem>> -> memref<125x16xf32, #tpu.memory_space<vmem>>
    %dma_wait3A_67 = arith.constant 0 : i32
    %dma_wait3A_68 = tpu.memref_slice %arg21[%add3A_50, %dma_wait3A_67] : memref<160000x16xf32, #tpu.memory_space<hbm>> -> memref<125x16xf32, #tpu.memory_space<hbm>>
    %dma_wait3A_69 = arith.constant 0 : i32
    %dma_wait3A_70 = tpu.memref_slice %arg21[%add3A_50, %dma_wait3A_69] : memref<160000x16xf32, #tpu.memory_space<hbm>> -> memref<125x16xf32, #tpu.memory_space<hbm>>
    %dma_wait3A_71 = arith.constant 0 : i32
    %dma_wait3A_72 = arith.constant 0 : i32
    %dma_wait3A_73 = tpu.memref_slice %arg31[%dma_wait3A_62, %dma_wait3A_71, %dma_wait3A_72] : memref<2x125x16xf32, #tpu.memory_space<vmem>> -> memref<1x125x16xf32, #tpu.memory_space<vmem>>
    %dma_wait3A_74 = tpu.memref_squeeze %dma_wait3A_73 : memref<1x125x16xf32, #tpu.memory_space<vmem>> -> memref<125x16xf32, #tpu.memory_space<vmem>>
    tpu.wait_dma2 semaphore(%arg37 : memref<!tpu.dma_semaphore, #tpu.memory_space<semaphore_mem>>) src(%dma_wait3A_74 : memref<125x16xf32, #tpu.memory_space<vmem>>) dst(%dma_wait3A_70 : memref<125x16xf32, #tpu.memory_space<hbm>>)
    %dma_wait3A_75 = arith.constant 1 : i32
    %dma_wait3A_76 = arith.constant 0 : i32
    %dma_wait3A_77 = arith.constant 0 : i32
    %dma_wait3A_78 = tpu.memref_slice %arg32[%dma_wait3A_75, %dma_wait3A_76, %dma_wait3A_77] : memref<2x125x16xf32, #tpu.memory_space<vmem>> -> memref<1x125x16xf32, #tpu.memory_space<vmem>>
    %dma_wait3A_79 = tpu.memref_squeeze %dma_wait3A_78 : memref<1x125x16xf32, #tpu.memory_space<vmem>> -> memref<125x16xf32, #tpu.memory_space<vmem>>
    %dma_wait3A_80 = arith.constant 0 : i32
    %dma_wait3A_81 = tpu.memref_slice %arg22[%add3A_50, %dma_wait3A_80] : memref<160000x16xf32, #tpu.memory_space<hbm>> -> memref<125x16xf32, #tpu.memory_space<hbm>>
    %dma_wait3A_82 = arith.constant 0 : i32
    %dma_wait3A_83 = tpu.memref_slice %arg22[%add3A_50, %dma_wait3A_82] : memref<160000x16xf32, #tpu.memory_space<hbm>> -> memref<125x16xf32, #tpu.memory_space<hbm>>
    %dma_wait3A_84 = arith.constant 0 : i32
    %dma_wait3A_85 = arith.constant 0 : i32
    %dma_wait3A_86 = tpu.memref_slice %arg32[%dma_wait3A_75, %dma_wait3A_84, %dma_wait3A_85] : memref<2x125x16xf32, #tpu.memory_space<vmem>> -> memref<1x125x16xf32, #tpu.memory_space<vmem>>
    %dma_wait3A_87 = tpu.memref_squeeze %dma_wait3A_86 : memref<1x125x16xf32, #tpu.memory_space<vmem>> -> memref<125x16xf32, #tpu.memory_space<vmem>>
    tpu.wait_dma2 semaphore(%arg38 : memref<!tpu.dma_semaphore, #tpu.memory_space<semaphore_mem>>) src(%dma_wait3A_87 : memref<125x16xf32, #tpu.memory_space<vmem>>) dst(%dma_wait3A_83 : memref<125x16xf32, #tpu.memory_space<hbm>>)
    %barrier3A_88 = arith.constant 0 : index
    tpu.barrier barrier_id(%barrier3A_88)
    "tpu.region"() ({
      %run_scoped3A = tpu.sem_alloc : memref<!tpu.dma_semaphore, #tpu.memory_space<semaphore_mem>>
      %dma_start3A_269 = arith.constant 0 : i32
      %dma_start3A_270 = tpu.memref_slice %arg18[%arg0, %mul3A_2, %dma_start3A_269] : memref<2x10112x16xf32, #tpu.memory_space<hbm>> -> memref<1x632x16xf32, #tpu.memory_space<hbm>>
      %dma_start3A_271 = tpu.memref_squeeze %dma_start3A_270 : memref<1x632x16xf32, #tpu.memory_space<hbm>> -> memref<632x16xf32, #tpu.memory_space<hbm>>
      %dma_start3A_272 = arith.constant 0 : i32
      %dma_start3A_273 = tpu.memref_slice %arg27[%mul3A_2, %dma_start3A_272] : memref<10112x16xf32, #tpu.memory_space<vmem_shared>> -> memref<632x16xf32, #tpu.memory_space<vmem_shared>>
      tpu.enqueue_dma source(%dma_start3A_273 : memref<632x16xf32, #tpu.memory_space<vmem_shared>>) target(%dma_start3A_271 : memref<632x16xf32, #tpu.memory_space<hbm>>) target_semaphore(%run_scoped3A : memref<!tpu.dma_semaphore, #tpu.memory_space<semaphore_mem>>)
      %dma_wait3A_274 = arith.constant 0 : i32
      %dma_wait3A_275 = tpu.memref_slice %arg18[%arg0, %mul3A_2, %dma_wait3A_274] : memref<2x10112x16xf32, #tpu.memory_space<hbm>> -> memref<1x632x16xf32, #tpu.memory_space<hbm>>
      %dma_wait3A_276 = tpu.memref_squeeze %dma_wait3A_275 : memref<1x632x16xf32, #tpu.memory_space<hbm>> -> memref<632x16xf32, #tpu.memory_space<hbm>>
      %dma_wait3A_277 = arith.constant 0 : i32
      %dma_wait3A_278 = tpu.memref_slice %arg27[%mul3A_2, %dma_wait3A_277] : memref<10112x16xf32, #tpu.memory_space<vmem_shared>> -> memref<632x16xf32, #tpu.memory_space<vmem_shared>>
      tpu.wait_dma2 semaphore(%run_scoped3A : memref<!tpu.dma_semaphore, #tpu.memory_space<semaphore_mem>>) src(%dma_wait3A_278 : memref<632x16xf32, #tpu.memory_space<vmem_shared>>) dst(%dma_wait3A_276 : memref<632x16xf32, #tpu.memory_space<hbm>>)
      tpu.yield
    }) : () -> ()
    "tpu.region"() ({
      %run_scoped3A = tpu.sem_alloc : memref<!tpu.dma_semaphore, #tpu.memory_space<semaphore_mem>>
      %dma_start3A_269 = arith.constant 0 : i32
      %dma_start3A_270 = arith.constant 0 : i32
      %dma_start3A_271 = tpu.memref_slice %arg13[%add3A, %dma_start3A_269, %dma_start3A_270] : memref<32x40x125xi32, #tpu.memory_space<hbm>> -> memref<1x40x125xi32, #tpu.memory_space<hbm>>
      %dma_start3A_272 = tpu.memref_squeeze %dma_start3A_271 : memref<1x40x125xi32, #tpu.memory_space<hbm>> -> memref<40x125xi32, #tpu.memory_space<hbm>>
      %dma_start3A_273 = arith.constant 0 : i32
      %dma_start3A_274 = arith.constant 0 : i32
      %dma_start3A_275 = tpu.memref_slice %arg13[%add3A, %dma_start3A_273, %dma_start3A_274] : memref<32x40x125xi32, #tpu.memory_space<hbm>> -> memref<1x40x125xi32, #tpu.memory_space<hbm>>
      %dma_start3A_276 = tpu.memref_squeeze %dma_start3A_275 : memref<1x40x125xi32, #tpu.memory_space<hbm>> -> memref<40x125xi32, #tpu.memory_space<hbm>>
      tpu.enqueue_dma source(%dma_start3A_276 : memref<40x125xi32, #tpu.memory_space<hbm>>) target(%arg28 : memref<40x125xi32, #tpu.memory_space<vmem>>) target_semaphore(%run_scoped3A : memref<!tpu.dma_semaphore, #tpu.memory_space<semaphore_mem>>)
      %dma_wait3A_277 = arith.constant 0 : i32
      %dma_wait3A_278 = arith.constant 0 : i32
      %dma_wait3A_279 = tpu.memref_slice %arg13[%add3A, %dma_wait3A_277, %dma_wait3A_278] : memref<32x40x125xi32, #tpu.memory_space<hbm>> -> memref<1x40x125xi32, #tpu.memory_space<hbm>>
      %dma_wait3A_280 = tpu.memref_squeeze %dma_wait3A_279 : memref<1x40x125xi32, #tpu.memory_space<hbm>> -> memref<40x125xi32, #tpu.memory_space<hbm>>
      %dma_wait3A_281 = arith.constant 0 : i32
      %dma_wait3A_282 = arith.constant 0 : i32
      %dma_wait3A_283 = tpu.memref_slice %arg13[%add3A, %dma_wait3A_281, %dma_wait3A_282] : memref<32x40x125xi32, #tpu.memory_space<hbm>> -> memref<1x40x125xi32, #tpu.memory_space<hbm>>
      %dma_wait3A_284 = tpu.memref_squeeze %dma_wait3A_283 : memref<1x40x125xi32, #tpu.memory_space<hbm>> -> memref<40x125xi32, #tpu.memory_space<hbm>>
      tpu.wait_dma2 semaphore(%run_scoped3A : memref<!tpu.dma_semaphore, #tpu.memory_space<semaphore_mem>>) src(%dma_wait3A_284 : memref<40x125xi32, #tpu.memory_space<hbm>>) dst(%arg28 : memref<40x125xi32, #tpu.memory_space<vmem>>)
      tpu.yield
    }) : () -> ()
    "tpu.region"() ({
      %run_scoped3A = tpu.sem_alloc : memref<!tpu.dma_semaphore, #tpu.memory_space<semaphore_mem>>
      %dma_start3A_269 = arith.constant 0 : i32
      %dma_start3A_270 = arith.constant 0 : i32
      %dma_start3A_271 = tpu.memref_slice %arg14[%add3A, %dma_start3A_269, %dma_start3A_270] : memref<32x40x125xi32, #tpu.memory_space<hbm>> -> memref<1x40x125xi32, #tpu.memory_space<hbm>>
      %dma_start3A_272 = tpu.memref_squeeze %dma_start3A_271 : memref<1x40x125xi32, #tpu.memory_space<hbm>> -> memref<40x125xi32, #tpu.memory_space<hbm>>
      %dma_start3A_273 = arith.constant 0 : i32
      %dma_start3A_274 = arith.constant 0 : i32
      %dma_start3A_275 = tpu.memref_slice %arg14[%add3A, %dma_start3A_273, %dma_start3A_274] : memref<32x40x125xi32, #tpu.memory_space<hbm>> -> memref<1x40x125xi32, #tpu.memory_space<hbm>>
      %dma_start3A_276 = tpu.memref_squeeze %dma_start3A_275 : memref<1x40x125xi32, #tpu.memory_space<hbm>> -> memref<40x125xi32, #tpu.memory_space<hbm>>
      tpu.enqueue_dma source(%dma_start3A_276 : memref<40x125xi32, #tpu.memory_space<hbm>>) target(%arg29 : memref<40x125xi32, #tpu.memory_space<vmem>>) target_semaphore(%run_scoped3A : memref<!tpu.dma_semaphore, #tpu.memory_space<semaphore_mem>>)
      %dma_wait3A_277 = arith.constant 0 : i32
      %dma_wait3A_278 = arith.constant 0 : i32
      %dma_wait3A_279 = tpu.memref_slice %arg14[%add3A, %dma_wait3A_277, %dma_wait3A_278] : memref<32x40x125xi32, #tpu.memory_space<hbm>> -> memref<1x40x125xi32, #tpu.memory_space<hbm>>
      %dma_wait3A_280 = tpu.memref_squeeze %dma_wait3A_279 : memref<1x40x125xi32, #tpu.memory_space<hbm>> -> memref<40x125xi32, #tpu.memory_space<hbm>>
      %dma_wait3A_281 = arith.constant 0 : i32
      %dma_wait3A_282 = arith.constant 0 : i32
      %dma_wait3A_283 = tpu.memref_slice %arg14[%add3A, %dma_wait3A_281, %dma_wait3A_282] : memref<32x40x125xi32, #tpu.memory_space<hbm>> -> memref<1x40x125xi32, #tpu.memory_space<hbm>>
      %dma_wait3A_284 = tpu.memref_squeeze %dma_wait3A_283 : memref<1x40x125xi32, #tpu.memory_space<hbm>> -> memref<40x125xi32, #tpu.memory_space<hbm>>
      tpu.wait_dma2 semaphore(%run_scoped3A : memref<!tpu.dma_semaphore, #tpu.memory_space<semaphore_mem>>) src(%dma_wait3A_284 : memref<40x125xi32, #tpu.memory_space<hbm>>) dst(%arg29 : memref<40x125xi32, #tpu.memory_space<vmem>>)
      tpu.yield
    }) : () -> ()
    "tpu.region"() ({
      %run_scoped3A = tpu.sem_alloc : memref<!tpu.dma_semaphore, #tpu.memory_space<semaphore_mem>>
      %dma_start3A_269 = arith.constant 0 : i32
      %dma_start3A_270 = tpu.memref_slice %arg27[%mul3A_2, %dma_start3A_269] : memref<10112x16xf32, #tpu.memory_space<vmem_shared>> -> memref<632x16xf32, #tpu.memory_space<vmem_shared>>
      tpu.enqueue_dma source(%arg17 : memref<632x16xf32, #tpu.memory_space<hbm>>) target(%dma_start3A_270 : memref<632x16xf32, #tpu.memory_space<vmem_shared>>) target_semaphore(%run_scoped3A : memref<!tpu.dma_semaphore, #tpu.memory_space<semaphore_mem>>)
      %dma_wait3A_271 = arith.constant 0 : i32
      %dma_wait3A_272 = tpu.memref_slice %arg27[%mul3A_2, %dma_wait3A_271] : memref<10112x16xf32, #tpu.memory_space<vmem_shared>> -> memref<632x16xf32, #tpu.memory_space<vmem_shared>>
      tpu.wait_dma2 semaphore(%run_scoped3A : memref<!tpu.dma_semaphore, #tpu.memory_space<semaphore_mem>>) src(%arg17 : memref<632x16xf32, #tpu.memory_space<hbm>>) dst(%dma_wait3A_272 : memref<632x16xf32, #tpu.memory_space<vmem_shared>>)
      tpu.yield
    }) : () -> ()
    %barrier3A_89 = arith.constant 0 : index
    tpu.barrier barrier_id(%barrier3A_89)
    %mul3A_90 = arith.constant 5000 : i32
    %mul3A_91 = arith.muli %add3A, %mul3A_90 : i32
    %add3A_92 = arith.constant 0 : i32
    %add3A_93 = arith.addi %mul3A_91, %add3A_92 : i32
    %dma_start3A_94 = arith.constant 0 : i32
    %dma_start3A_95 = arith.constant 0 : i32
    %dma_start3A_96 = arith.constant 0 : i32
    %dma_start3A_97 = tpu.memref_slice %arg30[%dma_start3A_94, %dma_start3A_95, %dma_start3A_96] : memref<2x125x16xf32, #tpu.memory_space<vmem>> -> memref<1x125x16xf32, #tpu.memory_space<vmem>>
    %dma_start3A_98 = tpu.memref_squeeze %dma_start3A_97 : memref<1x125x16xf32, #tpu.memory_space<vmem>> -> memref<125x16xf32, #tpu.memory_space<vmem>>
    %dma_start3A_99 = arith.constant 0 : i32
    %dma_start3A_100 = tpu.memref_slice %arg7[%add3A_93, %dma_start3A_99] : memref<160000x16xf32, #tpu.memory_space<hbm>> -> memref<125x16xf32, #tpu.memory_space<hbm>>
    %dma_start3A_101 = arith.constant 0 : i32
    %dma_start3A_102 = arith.constant 0 : i32
    %dma_start3A_103 = tpu.memref_slice %arg30[%dma_start3A_94, %dma_start3A_101, %dma_start3A_102] : memref<2x125x16xf32, #tpu.memory_space<vmem>> -> memref<1x125x16xf32, #tpu.memory_space<vmem>>
    %dma_start3A_104 = tpu.memref_squeeze %dma_start3A_103 : memref<1x125x16xf32, #tpu.memory_space<vmem>> -> memref<125x16xf32, #tpu.memory_space<vmem>>
    %dma_start3A_105 = arith.constant 0 : i32
    %dma_start3A_106 = tpu.memref_slice %arg7[%add3A_93, %dma_start3A_105] : memref<160000x16xf32, #tpu.memory_space<hbm>> -> memref<125x16xf32, #tpu.memory_space<hbm>>
    tpu.enqueue_dma source(%dma_start3A_106 : memref<125x16xf32, #tpu.memory_space<hbm>>) target(%dma_start3A_104 : memref<125x16xf32, #tpu.memory_space<vmem>>) target_semaphore(%arg33 : memref<!tpu.dma_semaphore, #tpu.memory_space<semaphore_mem>>)
    %dma_start3A_107 = arith.constant 0 : i32
    %dma_start3A_108 = arith.constant 0 : i32
    %dma_start3A_109 = arith.constant 0 : i32
    %dma_start3A_110 = arith.constant 0 : i32
    %dma_start3A_111 = tpu.memref_slice %arg31[%dma_start3A_108, %dma_start3A_109, %dma_start3A_110] : memref<2x125x16xf32, #tpu.memory_space<vmem>> -> memref<1x125x16xf32, #tpu.memory_space<vmem>>
    %dma_start3A_112 = tpu.memref_squeeze %dma_start3A_111 : memref<1x125x16xf32, #tpu.memory_space<vmem>> -> memref<125x16xf32, #tpu.memory_space<vmem>>
    %dma_start3A_113 = arith.constant 0 : i32
    %dma_start3A_114 = tpu.memref_slice %arg28[%dma_start3A_107, %dma_start3A_113] : memref<40x125xi32, #tpu.memory_space<vmem>> -> memref<1x125xi32, #tpu.memory_space<vmem>>
    %dma_start3A_115 = tpu.memref_squeeze %dma_start3A_114 : memref<1x125xi32, #tpu.memory_space<vmem>> -> memref<125xi32, #tpu.memory_space<vmem>>
    %dma_start3A_116 = arith.constant 0 : i32
    %dma_start3A_117 = arith.constant 0 : i32
    %dma_start3A_118 = tpu.memref_slice %arg5[%dma_start3A_116, %dma_start3A_117] : memref<10000x16xf32, #tpu.memory_space<hbm>> -> memref<10000x16xf32, #tpu.memory_space<hbm>>
    tpu.enqueue_indirect_dma source(%dma_start3A_118 : memref<10000x16xf32, #tpu.memory_space<hbm>>) target(%dma_start3A_112 : memref<125x16xf32, #tpu.memory_space<vmem>>) offsets(%dma_start3A_115 : memref<125xi32, #tpu.memory_space<vmem>>) semaphore(%arg34 : memref<!tpu.dma_semaphore, #tpu.memory_space<semaphore_mem>>)
    %dma_start3A_119 = arith.constant 0 : i32
    %dma_start3A_120 = arith.constant 0 : i32
    %dma_start3A_121 = arith.constant 0 : i32
    %dma_start3A_122 = arith.constant 0 : i32
    %dma_start3A_123 = tpu.memref_slice %arg32[%dma_start3A_120, %dma_start3A_121, %dma_start3A_122] : memref<2x125x16xf32, #tpu.memory_space<vmem>> -> memref<1x125x16xf32, #tpu.memory_space<vmem>>
    %dma_start3A_124 = tpu.memref_squeeze %dma_start3A_123 : memref<1x125x16xf32, #tpu.memory_space<vmem>> -> memref<125x16xf32, #tpu.memory_space<vmem>>
    %dma_start3A_125 = arith.constant 0 : i32
    %dma_start3A_126 = tpu.memref_slice %arg29[%dma_start3A_119, %dma_start3A_125] : memref<40x125xi32, #tpu.memory_space<vmem>> -> memref<1x125xi32, #tpu.memory_space<vmem>>
    %dma_start3A_127 = tpu.memref_squeeze %dma_start3A_126 : memref<1x125xi32, #tpu.memory_space<vmem>> -> memref<125xi32, #tpu.memory_space<vmem>>
    %dma_start3A_128 = arith.constant 0 : i32
    %dma_start3A_129 = arith.constant 0 : i32
    %dma_start3A_130 = tpu.memref_slice %arg6[%dma_start3A_128, %dma_start3A_129] : memref<10000x16xf32, #tpu.memory_space<hbm>> -> memref<10000x16xf32, #tpu.memory_space<hbm>>
    tpu.enqueue_indirect_dma source(%dma_start3A_130 : memref<10000x16xf32, #tpu.memory_space<hbm>>) target(%dma_start3A_124 : memref<125x16xf32, #tpu.memory_space<vmem>>) offsets(%dma_start3A_127 : memref<125xi32, #tpu.memory_space<vmem>>) semaphore(%arg35 : memref<!tpu.dma_semaphore, #tpu.memory_space<semaphore_mem>>)
    %scan3A_131 = arith.constant 0 : i32
    %scan3A_132 = arith.constant 20 : i32
    %scan3A_133 = arith.addi %scan3A_131, %scan3A_132 : i32
    %scan3A_134 = arith.constant 1 : i32
    scf.for %scan3A_269 = %scan3A_131 to %scan3A_133 step %scan3A_134  : i32 {
      %mul3A_270 = arith.constant 2 : i32
      %mul3A_271 = arith.muli %scan3A_269, %mul3A_270 : i32
      %add3A_272 = arith.constant 0 : i32
      %add3A_273 = arith.addi %add3A_272, %mul3A_271 : i32
      %add3A_274 = arith.constant 0 : i32
      %add3A_275 = arith.addi %add3A_273, %add3A_274 : i32
      %mul3A_276 = arith.constant 5000 : i32
      %mul3A_277 = arith.muli %add3A, %mul3A_276 : i32
      %mul3A_278 = arith.constant 125 : i32
      %mul3A_279 = arith.muli %add3A_275, %mul3A_278 : i32
      %add3A_280 = arith.addi %mul3A_277, %mul3A_279 : i32
      %dma_wait3A_281 = arith.constant 0 : i32
      %dma_wait3A_282 = arith.constant 0 : i32
      %dma_wait3A_283 = arith.constant 0 : i32
      %dma_wait3A_284 = tpu.memref_slice %arg30[%dma_wait3A_281, %dma_wait3A_282, %dma_wait3A_283] : memref<2x125x16xf32, #tpu.memory_space<vmem>> -> memref<1x125x16xf32, #tpu.memory_space<vmem>>
      %dma_wait3A_285 = tpu.memref_squeeze %dma_wait3A_284 : memref<1x125x16xf32, #tpu.memory_space<vmem>> -> memref<125x16xf32, #tpu.memory_space<vmem>>
      %dma_wait3A_286 = arith.constant 0 : i32
      %dma_wait3A_287 = tpu.memref_slice %arg7[%add3A_280, %dma_wait3A_286] : memref<160000x16xf32, #tpu.memory_space<hbm>> -> memref<125x16xf32, #tpu.memory_space<hbm>>
      %dma_wait3A_288 = arith.constant 0 : i32
      %dma_wait3A_289 = arith.constant 0 : i32
      %dma_wait3A_290 = tpu.memref_slice %arg30[%dma_wait3A_281, %dma_wait3A_288, %dma_wait3A_289] : memref<2x125x16xf32, #tpu.memory_space<vmem>> -> memref<1x125x16xf32, #tpu.memory_space<vmem>>
      %dma_wait3A_291 = tpu.memref_squeeze %dma_wait3A_290 : memref<1x125x16xf32, #tpu.memory_space<vmem>> -> memref<125x16xf32, #tpu.memory_space<vmem>>
      %dma_wait3A_292 = arith.constant 0 : i32
      %dma_wait3A_293 = tpu.memref_slice %arg7[%add3A_280, %dma_wait3A_292] : memref<160000x16xf32, #tpu.memory_space<hbm>> -> memref<125x16xf32, #tpu.memory_space<hbm>>
      tpu.wait_dma2 semaphore(%arg33 : memref<!tpu.dma_semaphore, #tpu.memory_space<semaphore_mem>>) src(%dma_wait3A_293 : memref<125x16xf32, #tpu.memory_space<hbm>>) dst(%dma_wait3A_291 : memref<125x16xf32, #tpu.memory_space<vmem>>)
      %dma_wait3A_294 = arith.constant 0 : i32
      %dma_wait3A_295 = arith.constant 0 : i32
      %dma_wait3A_296 = arith.constant 0 : i32
      %dma_wait3A_297 = tpu.memref_slice %arg31[%dma_wait3A_294, %dma_wait3A_295, %dma_wait3A_296] : memref<2x125x16xf32, #tpu.memory_space<vmem>> -> memref<1x125x16xf32, #tpu.memory_space<vmem>>
      %dma_wait3A_298 = tpu.memref_squeeze %dma_wait3A_297 : memref<1x125x16xf32, #tpu.memory_space<vmem>> -> memref<125x16xf32, #tpu.memory_space<vmem>>
      %dma_wait3A_299 = arith.constant 0 : i32
      %dma_wait3A_300 = tpu.memref_slice %arg28[%add3A_275, %dma_wait3A_299] : memref<40x125xi32, #tpu.memory_space<vmem>> -> memref<1x125xi32, #tpu.memory_space<vmem>>
      %dma_wait3A_301 = tpu.memref_squeeze %dma_wait3A_300 : memref<1x125xi32, #tpu.memory_space<vmem>> -> memref<125xi32, #tpu.memory_space<vmem>>
      %dma_wait3A_302 = arith.constant 0 : i32
      %dma_wait3A_303 = arith.constant 0 : i32
      %dma_wait3A_304 = tpu.memref_slice %arg5[%dma_wait3A_302, %dma_wait3A_303] : memref<10000x16xf32, #tpu.memory_space<hbm>> -> memref<10000x16xf32, #tpu.memory_space<hbm>>
      tpu.wait_indirect_dma semaphore(%arg34 : memref<!tpu.dma_semaphore, #tpu.memory_space<semaphore_mem>>) src(%dma_wait3A_304 : memref<10000x16xf32, #tpu.memory_space<hbm>>) dst(%dma_wait3A_298 : memref<125x16xf32, #tpu.memory_space<vmem>>)
      %dma_wait3A_305 = arith.constant 0 : i32
      %dma_wait3A_306 = arith.constant 0 : i32
      %dma_wait3A_307 = arith.constant 0 : i32
      %dma_wait3A_308 = tpu.memref_slice %arg32[%dma_wait3A_305, %dma_wait3A_306, %dma_wait3A_307] : memref<2x125x16xf32, #tpu.memory_space<vmem>> -> memref<1x125x16xf32, #tpu.memory_space<vmem>>
      %dma_wait3A_309 = tpu.memref_squeeze %dma_wait3A_308 : memref<1x125x16xf32, #tpu.memory_space<vmem>> -> memref<125x16xf32, #tpu.memory_space<vmem>>
      %dma_wait3A_310 = arith.constant 0 : i32
      %dma_wait3A_311 = tpu.memref_slice %arg29[%add3A_275, %dma_wait3A_310] : memref<40x125xi32, #tpu.memory_space<vmem>> -> memref<1x125xi32, #tpu.memory_space<vmem>>
      %dma_wait3A_312 = tpu.memref_squeeze %dma_wait3A_311 : memref<1x125xi32, #tpu.memory_space<vmem>> -> memref<125xi32, #tpu.memory_space<vmem>>
      %dma_wait3A_313 = arith.constant 0 : i32
      %dma_wait3A_314 = arith.constant 0 : i32
      %dma_wait3A_315 = tpu.memref_slice %arg6[%dma_wait3A_313, %dma_wait3A_314] : memref<10000x16xf32, #tpu.memory_space<hbm>> -> memref<10000x16xf32, #tpu.memory_space<hbm>>
      tpu.wait_indirect_dma semaphore(%arg35 : memref<!tpu.dma_semaphore, #tpu.memory_space<semaphore_mem>>) src(%dma_wait3A_315 : memref<10000x16xf32, #tpu.memory_space<hbm>>) dst(%dma_wait3A_309 : memref<125x16xf32, #tpu.memory_space<vmem>>)
      %gt3A = arith.constant 0 : i32
      %gt3A_316 = arith.cmpi sgt, %add3A_275, %gt3A : i32
      %convert_element_type3A = arith.extui %gt3A_316 : i1 to i32
      %cond3A = arith.constant 0 : i32
      %cond3A_317 = arith.cmpi ne, %convert_element_type3A, %cond3A : i32
      scf.if %cond3A_317 {
        %sub3A = arith.constant 1 : i32
        %sub3A_462 = arith.subi %add3A_275, %sub3A : i32
        %mul3A_463 = arith.constant 5000 : i32
        %mul3A_464 = arith.muli %add3A, %mul3A_463 : i32
        %mul3A_465 = arith.constant 125 : i32
        %mul3A_466 = arith.muli %sub3A_462, %mul3A_465 : i32
        %add3A_467 = arith.addi %mul3A_464, %mul3A_466 : i32
        %dma_wait3A_468 = arith.constant 1 : i32
        %dma_wait3A_469 = arith.constant 0 : i32
        %dma_wait3A_470 = arith.constant 0 : i32
        %dma_wait3A_471 = tpu.memref_slice %arg30[%dma_wait3A_468, %dma_wait3A_469, %dma_wait3A_470] : memref<2x125x16xf32, #tpu.memory_space<vmem>> -> memref<1x125x16xf32, #tpu.memory_space<vmem>>
        %dma_wait3A_472 = tpu.memref_squeeze %dma_wait3A_471 : memref<1x125x16xf32, #tpu.memory_space<vmem>> -> memref<125x16xf32, #tpu.memory_space<vmem>>
        %dma_wait3A_473 = arith.constant 0 : i32
        %dma_wait3A_474 = tpu.memref_slice %arg29[%sub3A_462, %dma_wait3A_473] : memref<40x125xi32, #tpu.memory_space<vmem>> -> memref<1x125xi32, #tpu.memory_space<vmem>>
        %dma_wait3A_475 = tpu.memref_squeeze %dma_wait3A_474 : memref<1x125xi32, #tpu.memory_space<vmem>> -> memref<125xi32, #tpu.memory_space<vmem>>
        %dma_wait3A_476 = arith.constant 0 : i32
        %dma_wait3A_477 = arith.constant 0 : i32
        %dma_wait3A_478 = tpu.memref_slice %arg27[%dma_wait3A_476, %dma_wait3A_477] : memref<10112x16xf32, #tpu.memory_space<vmem_shared>> -> memref<10112x16xf32, #tpu.memory_space<vmem_shared>>
        tpu.wait_indirect_dma semaphore(%arg36 : memref<!tpu.dma_semaphore, #tpu.memory_space<semaphore_mem>>) src(%dma_wait3A_472 : memref<125x16xf32, #tpu.memory_space<vmem>>) dst(%dma_wait3A_478 : memref<10112x16xf32, #tpu.memory_space<vmem_shared>>)
        %dma_wait3A_479 = arith.constant 1 : i32
        %dma_wait3A_480 = arith.constant 0 : i32
        %dma_wait3A_481 = arith.constant 0 : i32
        %dma_wait3A_482 = tpu.memref_slice %arg31[%dma_wait3A_479, %dma_wait3A_480, %dma_wait3A_481] : memref<2x125x16xf32, #tpu.memory_space<vmem>> -> memref<1x125x16xf32, #tpu.memory_space<vmem>>
        %dma_wait3A_483 = tpu.memref_squeeze %dma_wait3A_482 : memref<1x125x16xf32, #tpu.memory_space<vmem>> -> memref<125x16xf32, #tpu.memory_space<vmem>>
        %dma_wait3A_484 = arith.constant 0 : i32
        %dma_wait3A_485 = tpu.memref_slice %arg23[%add3A_467, %dma_wait3A_484] : memref<160000x16xf32, #tpu.memory_space<hbm>> -> memref<125x16xf32, #tpu.memory_space<hbm>>
        %dma_wait3A_486 = arith.constant 0 : i32
        %dma_wait3A_487 = tpu.memref_slice %arg23[%add3A_467, %dma_wait3A_486] : memref<160000x16xf32, #tpu.memory_space<hbm>> -> memref<125x16xf32, #tpu.memory_space<hbm>>
        %dma_wait3A_488 = arith.constant 0 : i32
        %dma_wait3A_489 = arith.constant 0 : i32
        %dma_wait3A_490 = tpu.memref_slice %arg31[%dma_wait3A_479, %dma_wait3A_488, %dma_wait3A_489] : memref<2x125x16xf32, #tpu.memory_space<vmem>> -> memref<1x125x16xf32, #tpu.memory_space<vmem>>
        %dma_wait3A_491 = tpu.memref_squeeze %dma_wait3A_490 : memref<1x125x16xf32, #tpu.memory_space<vmem>> -> memref<125x16xf32, #tpu.memory_space<vmem>>
        tpu.wait_dma2 semaphore(%arg37 : memref<!tpu.dma_semaphore, #tpu.memory_space<semaphore_mem>>) src(%dma_wait3A_491 : memref<125x16xf32, #tpu.memory_space<vmem>>) dst(%dma_wait3A_487 : memref<125x16xf32, #tpu.memory_space<hbm>>)
        %dma_wait3A_492 = arith.constant 1 : i32
        %dma_wait3A_493 = arith.constant 0 : i32
        %dma_wait3A_494 = arith.constant 0 : i32
        %dma_wait3A_495 = tpu.memref_slice %arg32[%dma_wait3A_492, %dma_wait3A_493, %dma_wait3A_494] : memref<2x125x16xf32, #tpu.memory_space<vmem>> -> memref<1x125x16xf32, #tpu.memory_space<vmem>>
        %dma_wait3A_496 = tpu.memref_squeeze %dma_wait3A_495 : memref<1x125x16xf32, #tpu.memory_space<vmem>> -> memref<125x16xf32, #tpu.memory_space<vmem>>
        %dma_wait3A_497 = arith.constant 0 : i32
        %dma_wait3A_498 = tpu.memref_slice %arg24[%add3A_467, %dma_wait3A_497] : memref<160000x16xf32, #tpu.memory_space<hbm>> -> memref<125x16xf32, #tpu.memory_space<hbm>>
        %dma_wait3A_499 = arith.constant 0 : i32
        %dma_wait3A_500 = tpu.memref_slice %arg24[%add3A_467, %dma_wait3A_499] : memref<160000x16xf32, #tpu.memory_space<hbm>> -> memref<125x16xf32, #tpu.memory_space<hbm>>
        %dma_wait3A_501 = arith.constant 0 : i32
        %dma_wait3A_502 = arith.constant 0 : i32
        %dma_wait3A_503 = tpu.memref_slice %arg32[%dma_wait3A_492, %dma_wait3A_501, %dma_wait3A_502] : memref<2x125x16xf32, #tpu.memory_space<vmem>> -> memref<1x125x16xf32, #tpu.memory_space<vmem>>
        %dma_wait3A_504 = tpu.memref_squeeze %dma_wait3A_503 : memref<1x125x16xf32, #tpu.memory_space<vmem>> -> memref<125x16xf32, #tpu.memory_space<vmem>>
        tpu.wait_dma2 semaphore(%arg38 : memref<!tpu.dma_semaphore, #tpu.memory_space<semaphore_mem>>) src(%dma_wait3A_504 : memref<125x16xf32, #tpu.memory_space<vmem>>) dst(%dma_wait3A_500 : memref<125x16xf32, #tpu.memory_space<hbm>>)
      } else {
      }
      %mul3A_318 = arith.constant 5000 : i32
      %mul3A_319 = arith.muli %add3A, %mul3A_318 : i32
      %mul3A_320 = arith.constant 125 : i32
      %mul3A_321 = arith.muli %add3A_275, %mul3A_320 : i32
      %add3A_322 = arith.addi %mul3A_319, %mul3A_321 : i32
      %dma_start3A_323 = arith.constant 0 : i32
      %dma_start3A_324 = arith.constant 0 : i32
      %dma_start3A_325 = arith.constant 0 : i32
      %dma_start3A_326 = tpu.memref_slice %arg30[%dma_start3A_323, %dma_start3A_324, %dma_start3A_325] : memref<2x125x16xf32, #tpu.memory_space<vmem>> -> memref<1x125x16xf32, #tpu.memory_space<vmem>>
      %dma_start3A_327 = tpu.memref_squeeze %dma_start3A_326 : memref<1x125x16xf32, #tpu.memory_space<vmem>> -> memref<125x16xf32, #tpu.memory_space<vmem>>
      %dma_start3A_328 = arith.constant 0 : i32
      %dma_start3A_329 = tpu.memref_slice %arg29[%add3A_275, %dma_start3A_328] : memref<40x125xi32, #tpu.memory_space<vmem>> -> memref<1x125xi32, #tpu.memory_space<vmem>>
      %dma_start3A_330 = tpu.memref_squeeze %dma_start3A_329 : memref<1x125xi32, #tpu.memory_space<vmem>> -> memref<125xi32, #tpu.memory_space<vmem>>
      %dma_start3A_331 = arith.constant 0 : i32
      %dma_start3A_332 = arith.constant 0 : i32
      %dma_start3A_333 = tpu.memref_slice %arg27[%dma_start3A_331, %dma_start3A_332] : memref<10112x16xf32, #tpu.memory_space<vmem_shared>> -> memref<10112x16xf32, #tpu.memory_space<vmem_shared>>
      tpu.enqueue_indirect_dma source(%dma_start3A_327 : memref<125x16xf32, #tpu.memory_space<vmem>>) target(%dma_start3A_333 : memref<10112x16xf32, #tpu.memory_space<vmem_shared>>) offsets(%dma_start3A_330 : memref<125xi32, #tpu.memory_space<vmem>>) semaphore(%arg36 : memref<!tpu.dma_semaphore, #tpu.memory_space<semaphore_mem>>) {add = true}
      %dma_start3A_334 = arith.constant 0 : i32
      %dma_start3A_335 = arith.constant 0 : i32
      %dma_start3A_336 = arith.constant 0 : i32
      %dma_start3A_337 = tpu.memref_slice %arg31[%dma_start3A_334, %dma_start3A_335, %dma_start3A_336] : memref<2x125x16xf32, #tpu.memory_space<vmem>> -> memref<1x125x16xf32, #tpu.memory_space<vmem>>
      %dma_start3A_338 = tpu.memref_squeeze %dma_start3A_337 : memref<1x125x16xf32, #tpu.memory_space<vmem>> -> memref<125x16xf32, #tpu.memory_space<vmem>>
      %dma_start3A_339 = arith.constant 0 : i32
      %dma_start3A_340 = tpu.memref_slice %arg23[%add3A_322, %dma_start3A_339] : memref<160000x16xf32, #tpu.memory_space<hbm>> -> memref<125x16xf32, #tpu.memory_space<hbm>>
      %dma_start3A_341 = arith.constant 0 : i32
      %dma_start3A_342 = tpu.memref_slice %arg23[%add3A_322, %dma_start3A_341] : memref<160000x16xf32, #tpu.memory_space<hbm>> -> memref<125x16xf32, #tpu.memory_space<hbm>>
      %dma_start3A_343 = arith.constant 0 : i32
      %dma_start3A_344 = arith.constant 0 : i32
      %dma_start3A_345 = tpu.memref_slice %arg31[%dma_start3A_334, %dma_start3A_343, %dma_start3A_344] : memref<2x125x16xf32, #tpu.memory_space<vmem>> -> memref<1x125x16xf32, #tpu.memory_space<vmem>>
      %dma_start3A_346 = tpu.memref_squeeze %dma_start3A_345 : memref<1x125x16xf32, #tpu.memory_space<vmem>> -> memref<125x16xf32, #tpu.memory_space<vmem>>
      tpu.enqueue_dma source(%dma_start3A_346 : memref<125x16xf32, #tpu.memory_space<vmem>>) target(%dma_start3A_342 : memref<125x16xf32, #tpu.memory_space<hbm>>) target_semaphore(%arg37 : memref<!tpu.dma_semaphore, #tpu.memory_space<semaphore_mem>>)
      %dma_start3A_347 = arith.constant 0 : i32
      %dma_start3A_348 = arith.constant 0 : i32
      %dma_start3A_349 = arith.constant 0 : i32
      %dma_start3A_350 = tpu.memref_slice %arg32[%dma_start3A_347, %dma_start3A_348, %dma_start3A_349] : memref<2x125x16xf32, #tpu.memory_space<vmem>> -> memref<1x125x16xf32, #tpu.memory_space<vmem>>
      %dma_start3A_351 = tpu.memref_squeeze %dma_start3A_350 : memref<1x125x16xf32, #tpu.memory_space<vmem>> -> memref<125x16xf32, #tpu.memory_space<vmem>>
      %dma_start3A_352 = arith.constant 0 : i32
      %dma_start3A_353 = tpu.memref_slice %arg24[%add3A_322, %dma_start3A_352] : memref<160000x16xf32, #tpu.memory_space<hbm>> -> memref<125x16xf32, #tpu.memory_space<hbm>>
      %dma_start3A_354 = arith.constant 0 : i32
      %dma_start3A_355 = tpu.memref_slice %arg24[%add3A_322, %dma_start3A_354] : memref<160000x16xf32, #tpu.memory_space<hbm>> -> memref<125x16xf32, #tpu.memory_space<hbm>>
      %dma_start3A_356 = arith.constant 0 : i32
      %dma_start3A_357 = arith.constant 0 : i32
      %dma_start3A_358 = tpu.memref_slice %arg32[%dma_start3A_347, %dma_start3A_356, %dma_start3A_357] : memref<2x125x16xf32, #tpu.memory_space<vmem>> -> memref<1x125x16xf32, #tpu.memory_space<vmem>>
      %dma_start3A_359 = tpu.memref_squeeze %dma_start3A_358 : memref<1x125x16xf32, #tpu.memory_space<vmem>> -> memref<125x16xf32, #tpu.memory_space<vmem>>
      tpu.enqueue_dma source(%dma_start3A_359 : memref<125x16xf32, #tpu.memory_space<vmem>>) target(%dma_start3A_355 : memref<125x16xf32, #tpu.memory_space<hbm>>) target_semaphore(%arg38 : memref<!tpu.dma_semaphore, #tpu.memory_space<semaphore_mem>>)
      %add3A_360 = arith.constant 1 : i32
      %add3A_361 = arith.addi %add3A_275, %add3A_360 : i32
      %lt3A = arith.constant 40 : i32
      %lt3A_362 = arith.cmpi slt, %add3A_361, %lt3A : i32
      %convert_element_type3A_363 = arith.extui %lt3A_362 : i1 to i32
      %cond3A_364 = arith.constant 0 : i32
      %cond3A_365 = arith.cmpi ne, %convert_element_type3A_363, %cond3A_364 : i32
      scf.if %cond3A_365 {
        %add3A_462 = arith.constant 1 : i32
        %add3A_463 = arith.addi %add3A_275, %add3A_462 : i32
        %mul3A_464 = arith.constant 5000 : i32
        %mul3A_465 = arith.muli %add3A, %mul3A_464 : i32
        %mul3A_466 = arith.constant 125 : i32
        %mul3A_467 = arith.muli %add3A_463, %mul3A_466 : i32
        %add3A_468 = arith.addi %mul3A_465, %mul3A_467 : i32
        %dma_start3A_469 = arith.constant 1 : i32
        %dma_start3A_470 = arith.constant 0 : i32
        %dma_start3A_471 = arith.constant 0 : i32
        %dma_start3A_472 = tpu.memref_slice %arg30[%dma_start3A_469, %dma_start3A_470, %dma_start3A_471] : memref<2x125x16xf32, #tpu.memory_space<vmem>> -> memref<1x125x16xf32, #tpu.memory_space<vmem>>
        %dma_start3A_473 = tpu.memref_squeeze %dma_start3A_472 : memref<1x125x16xf32, #tpu.memory_space<vmem>> -> memref<125x16xf32, #tpu.memory_space<vmem>>
        %dma_start3A_474 = arith.constant 0 : i32
        %dma_start3A_475 = tpu.memref_slice %arg7[%add3A_468, %dma_start3A_474] : memref<160000x16xf32, #tpu.memory_space<hbm>> -> memref<125x16xf32, #tpu.memory_space<hbm>>
        %dma_start3A_476 = arith.constant 0 : i32
        %dma_start3A_477 = arith.constant 0 : i32
        %dma_start3A_478 = tpu.memref_slice %arg30[%dma_start3A_469, %dma_start3A_476, %dma_start3A_477] : memref<2x125x16xf32, #tpu.memory_space<vmem>> -> memref<1x125x16xf32, #tpu.memory_space<vmem>>
        %dma_start3A_479 = tpu.memref_squeeze %dma_start3A_478 : memref<1x125x16xf32, #tpu.memory_space<vmem>> -> memref<125x16xf32, #tpu.memory_space<vmem>>
        %dma_start3A_480 = arith.constant 0 : i32
        %dma_start3A_481 = tpu.memref_slice %arg7[%add3A_468, %dma_start3A_480] : memref<160000x16xf32, #tpu.memory_space<hbm>> -> memref<125x16xf32, #tpu.memory_space<hbm>>
        tpu.enqueue_dma source(%dma_start3A_481 : memref<125x16xf32, #tpu.memory_space<hbm>>) target(%dma_start3A_479 : memref<125x16xf32, #tpu.memory_space<vmem>>) target_semaphore(%arg33 : memref<!tpu.dma_semaphore, #tpu.memory_space<semaphore_mem>>)
        %dma_start3A_482 = arith.constant 1 : i32
        %dma_start3A_483 = arith.constant 0 : i32
        %dma_start3A_484 = arith.constant 0 : i32
        %dma_start3A_485 = tpu.memref_slice %arg31[%dma_start3A_482, %dma_start3A_483, %dma_start3A_484] : memref<2x125x16xf32, #tpu.memory_space<vmem>> -> memref<1x125x16xf32, #tpu.memory_space<vmem>>
        %dma_start3A_486 = tpu.memref_squeeze %dma_start3A_485 : memref<1x125x16xf32, #tpu.memory_space<vmem>> -> memref<125x16xf32, #tpu.memory_space<vmem>>
        %dma_start3A_487 = arith.constant 0 : i32
        %dma_start3A_488 = tpu.memref_slice %arg28[%add3A_463, %dma_start3A_487] : memref<40x125xi32, #tpu.memory_space<vmem>> -> memref<1x125xi32, #tpu.memory_space<vmem>>
        %dma_start3A_489 = tpu.memref_squeeze %dma_start3A_488 : memref<1x125xi32, #tpu.memory_space<vmem>> -> memref<125xi32, #tpu.memory_space<vmem>>
        %dma_start3A_490 = arith.constant 0 : i32
        %dma_start3A_491 = arith.constant 0 : i32
        %dma_start3A_492 = tpu.memref_slice %arg5[%dma_start3A_490, %dma_start3A_491] : memref<10000x16xf32, #tpu.memory_space<hbm>> -> memref<10000x16xf32, #tpu.memory_space<hbm>>
        tpu.enqueue_indirect_dma source(%dma_start3A_492 : memref<10000x16xf32, #tpu.memory_space<hbm>>) target(%dma_start3A_486 : memref<125x16xf32, #tpu.memory_space<vmem>>) offsets(%dma_start3A_489 : memref<125xi32, #tpu.memory_space<vmem>>) semaphore(%arg34 : memref<!tpu.dma_semaphore, #tpu.memory_space<semaphore_mem>>)
        %dma_start3A_493 = arith.constant 1 : i32
        %dma_start3A_494 = arith.constant 0 : i32
        %dma_start3A_495 = arith.constant 0 : i32
        %dma_start3A_496 = tpu.memref_slice %arg32[%dma_start3A_493, %dma_start3A_494, %dma_start3A_495] : memref<2x125x16xf32, #tpu.memory_space<vmem>> -> memref<1x125x16xf32, #tpu.memory_space<vmem>>
        %dma_start3A_497 = tpu.memref_squeeze %dma_start3A_496 : memref<1x125x16xf32, #tpu.memory_space<vmem>> -> memref<125x16xf32, #tpu.memory_space<vmem>>
        %dma_start3A_498 = arith.constant 0 : i32
        %dma_start3A_499 = tpu.memref_slice %arg29[%add3A_463, %dma_start3A_498] : memref<40x125xi32, #tpu.memory_space<vmem>> -> memref<1x125xi32, #tpu.memory_space<vmem>>
        %dma_start3A_500 = tpu.memref_squeeze %dma_start3A_499 : memref<1x125xi32, #tpu.memory_space<vmem>> -> memref<125xi32, #tpu.memory_space<vmem>>
        %dma_start3A_501 = arith.constant 0 : i32
        %dma_start3A_502 = arith.constant 0 : i32
        %dma_start3A_503 = tpu.memref_slice %arg6[%dma_start3A_501, %dma_start3A_502] : memref<10000x16xf32, #tpu.memory_space<hbm>> -> memref<10000x16xf32, #tpu.memory_space<hbm>>
        tpu.enqueue_indirect_dma source(%dma_start3A_503 : memref<10000x16xf32, #tpu.memory_space<hbm>>) target(%dma_start3A_497 : memref<125x16xf32, #tpu.memory_space<vmem>>) offsets(%dma_start3A_500 : memref<125xi32, #tpu.memory_space<vmem>>) semaphore(%arg35 : memref<!tpu.dma_semaphore, #tpu.memory_space<semaphore_mem>>)
      } else {
      }
      %add3A_366 = arith.constant 1 : i32
      %add3A_367 = arith.addi %add3A_273, %add3A_366 : i32
      %mul3A_368 = arith.constant 5000 : i32
      %mul3A_369 = arith.muli %add3A, %mul3A_368 : i32
      %mul3A_370 = arith.constant 125 : i32
      %mul3A_371 = arith.muli %add3A_367, %mul3A_370 : i32
      %add3A_372 = arith.addi %mul3A_369, %mul3A_371 : i32
      %dma_wait3A_373 = arith.constant 1 : i32
      %dma_wait3A_374 = arith.constant 0 : i32
      %dma_wait3A_375 = arith.constant 0 : i32
      %dma_wait3A_376 = tpu.memref_slice %arg30[%dma_wait3A_373, %dma_wait3A_374, %dma_wait3A_375] : memref<2x125x16xf32, #tpu.memory_space<vmem>> -> memref<1x125x16xf32, #tpu.memory_space<vmem>>
      %dma_wait3A_377 = tpu.memref_squeeze %dma_wait3A_376 : memref<1x125x16xf32, #tpu.memory_space<vmem>> -> memref<125x16xf32, #tpu.memory_space<vmem>>
      %dma_wait3A_378 = arith.constant 0 : i32
      %dma_wait3A_379 = tpu.memref_slice %arg7[%add3A_372, %dma_wait3A_378] : memref<160000x16xf32, #tpu.memory_space<hbm>> -> memref<125x16xf32, #tpu.memory_space<hbm>>
      %dma_wait3A_380 = arith.constant 0 : i32
      %dma_wait3A_381 = arith.constant 0 : i32
      %dma_wait3A_382 = tpu.memref_slice %arg30[%dma_wait3A_373, %dma_wait3A_380, %dma_wait3A_381] : memref<2x125x16xf32, #tpu.memory_space<vmem>> -> memref<1x125x16xf32, #tpu.memory_space<vmem>>
      %dma_wait3A_383 = tpu.memref_squeeze %dma_wait3A_382 : memref<1x125x16xf32, #tpu.memory_space<vmem>> -> memref<125x16xf32, #tpu.memory_space<vmem>>
      %dma_wait3A_384 = arith.constant 0 : i32
      %dma_wait3A_385 = tpu.memref_slice %arg7[%add3A_372, %dma_wait3A_384] : memref<160000x16xf32, #tpu.memory_space<hbm>> -> memref<125x16xf32, #tpu.memory_space<hbm>>
      tpu.wait_dma2 semaphore(%arg33 : memref<!tpu.dma_semaphore, #tpu.memory_space<semaphore_mem>>) src(%dma_wait3A_385 : memref<125x16xf32, #tpu.memory_space<hbm>>) dst(%dma_wait3A_383 : memref<125x16xf32, #tpu.memory_space<vmem>>)
      %dma_wait3A_386 = arith.constant 1 : i32
      %dma_wait3A_387 = arith.constant 0 : i32
      %dma_wait3A_388 = arith.constant 0 : i32
      %dma_wait3A_389 = tpu.memref_slice %arg31[%dma_wait3A_386, %dma_wait3A_387, %dma_wait3A_388] : memref<2x125x16xf32, #tpu.memory_space<vmem>> -> memref<1x125x16xf32, #tpu.memory_space<vmem>>
      %dma_wait3A_390 = tpu.memref_squeeze %dma_wait3A_389 : memref<1x125x16xf32, #tpu.memory_space<vmem>> -> memref<125x16xf32, #tpu.memory_space<vmem>>
      %dma_wait3A_391 = arith.constant 0 : i32
      %dma_wait3A_392 = tpu.memref_slice %arg28[%add3A_367, %dma_wait3A_391] : memref<40x125xi32, #tpu.memory_space<vmem>> -> memref<1x125xi32, #tpu.memory_space<vmem>>
      %dma_wait3A_393 = tpu.memref_squeeze %dma_wait3A_392 : memref<1x125xi32, #tpu.memory_space<vmem>> -> memref<125xi32, #tpu.memory_space<vmem>>
      %dma_wait3A_394 = arith.constant 0 : i32
      %dma_wait3A_395 = arith.constant 0 : i32
      %dma_wait3A_396 = tpu.memref_slice %arg5[%dma_wait3A_394, %dma_wait3A_395] : memref<10000x16xf32, #tpu.memory_space<hbm>> -> memref<10000x16xf32, #tpu.memory_space<hbm>>
      tpu.wait_indirect_dma semaphore(%arg34 : memref<!tpu.dma_semaphore, #tpu.memory_space<semaphore_mem>>) src(%dma_wait3A_396 : memref<10000x16xf32, #tpu.memory_space<hbm>>) dst(%dma_wait3A_390 : memref<125x16xf32, #tpu.memory_space<vmem>>)
      %dma_wait3A_397 = arith.constant 1 : i32
      %dma_wait3A_398 = arith.constant 0 : i32
      %dma_wait3A_399 = arith.constant 0 : i32
      %dma_wait3A_400 = tpu.memref_slice %arg32[%dma_wait3A_397, %dma_wait3A_398, %dma_wait3A_399] : memref<2x125x16xf32, #tpu.memory_space<vmem>> -> memref<1x125x16xf32, #tpu.memory_space<vmem>>
      %dma_wait3A_401 = tpu.memref_squeeze %dma_wait3A_400 : memref<1x125x16xf32, #tpu.memory_space<vmem>> -> memref<125x16xf32, #tpu.memory_space<vmem>>
      %dma_wait3A_402 = arith.constant 0 : i32
      %dma_wait3A_403 = tpu.memref_slice %arg29[%add3A_367, %dma_wait3A_402] : memref<40x125xi32, #tpu.memory_space<vmem>> -> memref<1x125xi32, #tpu.memory_space<vmem>>
      %dma_wait3A_404 = tpu.memref_squeeze %dma_wait3A_403 : memref<1x125xi32, #tpu.memory_space<vmem>> -> memref<125xi32, #tpu.memory_space<vmem>>
      %dma_wait3A_405 = arith.constant 0 : i32
      %dma_wait3A_406 = arith.constant 0 : i32
      %dma_wait3A_407 = tpu.memref_slice %arg6[%dma_wait3A_405, %dma_wait3A_406] : memref<10000x16xf32, #tpu.memory_space<hbm>> -> memref<10000x16xf32, #tpu.memory_space<hbm>>
      tpu.wait_indirect_dma semaphore(%arg35 : memref<!tpu.dma_semaphore, #tpu.memory_space<semaphore_mem>>) src(%dma_wait3A_407 : memref<10000x16xf32, #tpu.memory_space<hbm>>) dst(%dma_wait3A_401 : memref<125x16xf32, #tpu.memory_space<vmem>>)
      %gt3A_408 = arith.constant 0 : i32
      %gt3A_409 = arith.cmpi sgt, %add3A_367, %gt3A_408 : i32
      %convert_element_type3A_410 = arith.extui %gt3A_409 : i1 to i32
      %cond3A_411 = arith.constant 0 : i32
      %cond3A_412 = arith.cmpi ne, %convert_element_type3A_410, %cond3A_411 : i32
      scf.if %cond3A_412 {
        %sub3A = arith.constant 1 : i32
        %sub3A_462 = arith.subi %add3A_367, %sub3A : i32
        %mul3A_463 = arith.constant 5000 : i32
        %mul3A_464 = arith.muli %add3A, %mul3A_463 : i32
        %mul3A_465 = arith.constant 125 : i32
        %mul3A_466 = arith.muli %sub3A_462, %mul3A_465 : i32
        %add3A_467 = arith.addi %mul3A_464, %mul3A_466 : i32
        %dma_wait3A_468 = arith.constant 0 : i32
        %dma_wait3A_469 = arith.constant 0 : i32
        %dma_wait3A_470 = arith.constant 0 : i32
        %dma_wait3A_471 = tpu.memref_slice %arg30[%dma_wait3A_468, %dma_wait3A_469, %dma_wait3A_470] : memref<2x125x16xf32, #tpu.memory_space<vmem>> -> memref<1x125x16xf32, #tpu.memory_space<vmem>>
        %dma_wait3A_472 = tpu.memref_squeeze %dma_wait3A_471 : memref<1x125x16xf32, #tpu.memory_space<vmem>> -> memref<125x16xf32, #tpu.memory_space<vmem>>
        %dma_wait3A_473 = arith.constant 0 : i32
        %dma_wait3A_474 = tpu.memref_slice %arg29[%sub3A_462, %dma_wait3A_473] : memref<40x125xi32, #tpu.memory_space<vmem>> -> memref<1x125xi32, #tpu.memory_space<vmem>>
        %dma_wait3A_475 = tpu.memref_squeeze %dma_wait3A_474 : memref<1x125xi32, #tpu.memory_space<vmem>> -> memref<125xi32, #tpu.memory_space<vmem>>
        %dma_wait3A_476 = arith.constant 0 : i32
        %dma_wait3A_477 = arith.constant 0 : i32
        %dma_wait3A_478 = tpu.memref_slice %arg27[%dma_wait3A_476, %dma_wait3A_477] : memref<10112x16xf32, #tpu.memory_space<vmem_shared>> -> memref<10112x16xf32, #tpu.memory_space<vmem_shared>>
        tpu.wait_indirect_dma semaphore(%arg36 : memref<!tpu.dma_semaphore, #tpu.memory_space<semaphore_mem>>) src(%dma_wait3A_472 : memref<125x16xf32, #tpu.memory_space<vmem>>) dst(%dma_wait3A_478 : memref<10112x16xf32, #tpu.memory_space<vmem_shared>>)
        %dma_wait3A_479 = arith.constant 0 : i32
        %dma_wait3A_480 = arith.constant 0 : i32
        %dma_wait3A_481 = arith.constant 0 : i32
        %dma_wait3A_482 = tpu.memref_slice %arg31[%dma_wait3A_479, %dma_wait3A_480, %dma_wait3A_481] : memref<2x125x16xf32, #tpu.memory_space<vmem>> -> memref<1x125x16xf32, #tpu.memory_space<vmem>>
        %dma_wait3A_483 = tpu.memref_squeeze %dma_wait3A_482 : memref<1x125x16xf32, #tpu.memory_space<vmem>> -> memref<125x16xf32, #tpu.memory_space<vmem>>
        %dma_wait3A_484 = arith.constant 0 : i32
        %dma_wait3A_485 = tpu.memref_slice %arg23[%add3A_467, %dma_wait3A_484] : memref<160000x16xf32, #tpu.memory_space<hbm>> -> memref<125x16xf32, #tpu.memory_space<hbm>>
        %dma_wait3A_486 = arith.constant 0 : i32
        %dma_wait3A_487 = tpu.memref_slice %arg23[%add3A_467, %dma_wait3A_486] : memref<160000x16xf32, #tpu.memory_space<hbm>> -> memref<125x16xf32, #tpu.memory_space<hbm>>
        %dma_wait3A_488 = arith.constant 0 : i32
        %dma_wait3A_489 = arith.constant 0 : i32
        %dma_wait3A_490 = tpu.memref_slice %arg31[%dma_wait3A_479, %dma_wait3A_488, %dma_wait3A_489] : memref<2x125x16xf32, #tpu.memory_space<vmem>> -> memref<1x125x16xf32, #tpu.memory_space<vmem>>
        %dma_wait3A_491 = tpu.memref_squeeze %dma_wait3A_490 : memref<1x125x16xf32, #tpu.memory_space<vmem>> -> memref<125x16xf32, #tpu.memory_space<vmem>>
        tpu.wait_dma2 semaphore(%arg37 : memref<!tpu.dma_semaphore, #tpu.memory_space<semaphore_mem>>) src(%dma_wait3A_491 : memref<125x16xf32, #tpu.memory_space<vmem>>) dst(%dma_wait3A_487 : memref<125x16xf32, #tpu.memory_space<hbm>>)
        %dma_wait3A_492 = arith.constant 0 : i32
        %dma_wait3A_493 = arith.constant 0 : i32
        %dma_wait3A_494 = arith.constant 0 : i32
        %dma_wait3A_495 = tpu.memref_slice %arg32[%dma_wait3A_492, %dma_wait3A_493, %dma_wait3A_494] : memref<2x125x16xf32, #tpu.memory_space<vmem>> -> memref<1x125x16xf32, #tpu.memory_space<vmem>>
        %dma_wait3A_496 = tpu.memref_squeeze %dma_wait3A_495 : memref<1x125x16xf32, #tpu.memory_space<vmem>> -> memref<125x16xf32, #tpu.memory_space<vmem>>
        %dma_wait3A_497 = arith.constant 0 : i32
        %dma_wait3A_498 = tpu.memref_slice %arg24[%add3A_467, %dma_wait3A_497] : memref<160000x16xf32, #tpu.memory_space<hbm>> -> memref<125x16xf32, #tpu.memory_space<hbm>>
        %dma_wait3A_499 = arith.constant 0 : i32
        %dma_wait3A_500 = tpu.memref_slice %arg24[%add3A_467, %dma_wait3A_499] : memref<160000x16xf32, #tpu.memory_space<hbm>> -> memref<125x16xf32, #tpu.memory_space<hbm>>
        %dma_wait3A_501 = arith.constant 0 : i32
        %dma_wait3A_502 = arith.constant 0 : i32
        %dma_wait3A_503 = tpu.memref_slice %arg32[%dma_wait3A_492, %dma_wait3A_501, %dma_wait3A_502] : memref<2x125x16xf32, #tpu.memory_space<vmem>> -> memref<1x125x16xf32, #tpu.memory_space<vmem>>
        %dma_wait3A_504 = tpu.memref_squeeze %dma_wait3A_503 : memref<1x125x16xf32, #tpu.memory_space<vmem>> -> memref<125x16xf32, #tpu.memory_space<vmem>>
        tpu.wait_dma2 semaphore(%arg38 : memref<!tpu.dma_semaphore, #tpu.memory_space<semaphore_mem>>) src(%dma_wait3A_504 : memref<125x16xf32, #tpu.memory_space<vmem>>) dst(%dma_wait3A_500 : memref<125x16xf32, #tpu.memory_space<hbm>>)
      } else {
      }
      %mul3A_413 = arith.constant 5000 : i32
      %mul3A_414 = arith.muli %add3A, %mul3A_413 : i32
      %mul3A_415 = arith.constant 125 : i32
      %mul3A_416 = arith.muli %add3A_367, %mul3A_415 : i32
      %add3A_417 = arith.addi %mul3A_414, %mul3A_416 : i32
      %dma_start3A_418 = arith.constant 1 : i32
      %dma_start3A_419 = arith.constant 0 : i32
      %dma_start3A_420 = arith.constant 0 : i32
      %dma_start3A_421 = tpu.memref_slice %arg30[%dma_start3A_418, %dma_start3A_419, %dma_start3A_420] : memref<2x125x16xf32, #tpu.memory_space<vmem>> -> memref<1x125x16xf32, #tpu.memory_space<vmem>>
      %dma_start3A_422 = tpu.memref_squeeze %dma_start3A_421 : memref<1x125x16xf32, #tpu.memory_space<vmem>> -> memref<125x16xf32, #tpu.memory_space<vmem>>
      %dma_start3A_423 = arith.constant 0 : i32
      %dma_start3A_424 = tpu.memref_slice %arg29[%add3A_367, %dma_start3A_423] : memref<40x125xi32, #tpu.memory_space<vmem>> -> memref<1x125xi32, #tpu.memory_space<vmem>>
      %dma_start3A_425 = tpu.memref_squeeze %dma_start3A_424 : memref<1x125xi32, #tpu.memory_space<vmem>> -> memref<125xi32, #tpu.memory_space<vmem>>
      %dma_start3A_426 = arith.constant 0 : i32
      %dma_start3A_427 = arith.constant 0 : i32
      %dma_start3A_428 = tpu.memref_slice %arg27[%dma_start3A_426, %dma_start3A_427] : memref<10112x16xf32, #tpu.memory_space<vmem_shared>> -> memref<10112x16xf32, #tpu.memory_space<vmem_shared>>
      tpu.enqueue_indirect_dma source(%dma_start3A_422 : memref<125x16xf32, #tpu.memory_space<vmem>>) target(%dma_start3A_428 : memref<10112x16xf32, #tpu.memory_space<vmem_shared>>) offsets(%dma_start3A_425 : memref<125xi32, #tpu.memory_space<vmem>>) semaphore(%arg36 : memref<!tpu.dma_semaphore, #tpu.memory_space<semaphore_mem>>) {add = true}
      %dma_start3A_429 = arith.constant 1 : i32
      %dma_start3A_430 = arith.constant 0 : i32
      %dma_start3A_431 = arith.constant 0 : i32
      %dma_start3A_432 = tpu.memref_slice %arg31[%dma_start3A_429, %dma_start3A_430, %dma_start3A_431] : memref<2x125x16xf32, #tpu.memory_space<vmem>> -> memref<1x125x16xf32, #tpu.memory_space<vmem>>
      %dma_start3A_433 = tpu.memref_squeeze %dma_start3A_432 : memref<1x125x16xf32, #tpu.memory_space<vmem>> -> memref<125x16xf32, #tpu.memory_space<vmem>>
      %dma_start3A_434 = arith.constant 0 : i32
      %dma_start3A_435 = tpu.memref_slice %arg23[%add3A_417, %dma_start3A_434] : memref<160000x16xf32, #tpu.memory_space<hbm>> -> memref<125x16xf32, #tpu.memory_space<hbm>>
      %dma_start3A_436 = arith.constant 0 : i32
      %dma_start3A_437 = tpu.memref_slice %arg23[%add3A_417, %dma_start3A_436] : memref<160000x16xf32, #tpu.memory_space<hbm>> -> memref<125x16xf32, #tpu.memory_space<hbm>>
      %dma_start3A_438 = arith.constant 0 : i32
      %dma_start3A_439 = arith.constant 0 : i32
      %dma_start3A_440 = tpu.memref_slice %arg31[%dma_start3A_429, %dma_start3A_438, %dma_start3A_439] : memref<2x125x16xf32, #tpu.memory_space<vmem>> -> memref<1x125x16xf32, #tpu.memory_space<vmem>>
      %dma_start3A_441 = tpu.memref_squeeze %dma_start3A_440 : memref<1x125x16xf32, #tpu.memory_space<vmem>> -> memref<125x16xf32, #tpu.memory_space<vmem>>
      tpu.enqueue_dma source(%dma_start3A_441 : memref<125x16xf32, #tpu.memory_space<vmem>>) target(%dma_start3A_437 : memref<125x16xf32, #tpu.memory_space<hbm>>) target_semaphore(%arg37 : memref<!tpu.dma_semaphore, #tpu.memory_space<semaphore_mem>>)
      %dma_start3A_442 = arith.constant 1 : i32
      %dma_start3A_443 = arith.constant 0 : i32
      %dma_start3A_444 = arith.constant 0 : i32
      %dma_start3A_445 = tpu.memref_slice %arg32[%dma_start3A_442, %dma_start3A_443, %dma_start3A_444] : memref<2x125x16xf32, #tpu.memory_space<vmem>> -> memref<1x125x16xf32, #tpu.memory_space<vmem>>
      %dma_start3A_446 = tpu.memref_squeeze %dma_start3A_445 : memref<1x125x16xf32, #tpu.memory_space<vmem>> -> memref<125x16xf32, #tpu.memory_space<vmem>>
      %dma_start3A_447 = arith.constant 0 : i32
      %dma_start3A_448 = tpu.memref_slice %arg24[%add3A_417, %dma_start3A_447] : memref<160000x16xf32, #tpu.memory_space<hbm>> -> memref<125x16xf32, #tpu.memory_space<hbm>>
      %dma_start3A_449 = arith.constant 0 : i32
      %dma_start3A_450 = tpu.memref_slice %arg24[%add3A_417, %dma_start3A_449] : memref<160000x16xf32, #tpu.memory_space<hbm>> -> memref<125x16xf32, #tpu.memory_space<hbm>>
      %dma_start3A_451 = arith.constant 0 : i32
      %dma_start3A_452 = arith.constant 0 : i32
      %dma_start3A_453 = tpu.memref_slice %arg32[%dma_start3A_442, %dma_start3A_451, %dma_start3A_452] : memref<2x125x16xf32, #tpu.memory_space<vmem>> -> memref<1x125x16xf32, #tpu.memory_space<vmem>>
      %dma_start3A_454 = tpu.memref_squeeze %dma_start3A_453 : memref<1x125x16xf32, #tpu.memory_space<vmem>> -> memref<125x16xf32, #tpu.memory_space<vmem>>
      tpu.enqueue_dma source(%dma_start3A_454 : memref<125x16xf32, #tpu.memory_space<vmem>>) target(%dma_start3A_450 : memref<125x16xf32, #tpu.memory_space<hbm>>) target_semaphore(%arg38 : memref<!tpu.dma_semaphore, #tpu.memory_space<semaphore_mem>>)
      %add3A_455 = arith.constant 1 : i32
      %add3A_456 = arith.addi %add3A_367, %add3A_455 : i32
      %lt3A_457 = arith.constant 40 : i32
      %lt3A_458 = arith.cmpi slt, %add3A_456, %lt3A_457 : i32
      %convert_element_type3A_459 = arith.extui %lt3A_458 : i1 to i32
      %cond3A_460 = arith.constant 0 : i32
      %cond3A_461 = arith.cmpi ne, %convert_element_type3A_459, %cond3A_460 : i32
      scf.if %cond3A_461 {
        %add3A_462 = arith.constant 1 : i32
        %add3A_463 = arith.addi %add3A_367, %add3A_462 : i32
        %mul3A_464 = arith.constant 5000 : i32
        %mul3A_465 = arith.muli %add3A, %mul3A_464 : i32
        %mul3A_466 = arith.constant 125 : i32
        %mul3A_467 = arith.muli %add3A_463, %mul3A_466 : i32
        %add3A_468 = arith.addi %mul3A_465, %mul3A_467 : i32
        %dma_start3A_469 = arith.constant 0 : i32
        %dma_start3A_470 = arith.constant 0 : i32
        %dma_start3A_471 = arith.constant 0 : i32
        %dma_start3A_472 = tpu.memref_slice %arg30[%dma_start3A_469, %dma_start3A_470, %dma_start3A_471] : memref<2x125x16xf32, #tpu.memory_space<vmem>> -> memref<1x125x16xf32, #tpu.memory_space<vmem>>
        %dma_start3A_473 = tpu.memref_squeeze %dma_start3A_472 : memref<1x125x16xf32, #tpu.memory_space<vmem>> -> memref<125x16xf32, #tpu.memory_space<vmem>>
        %dma_start3A_474 = arith.constant 0 : i32
        %dma_start3A_475 = tpu.memref_slice %arg7[%add3A_468, %dma_start3A_474] : memref<160000x16xf32, #tpu.memory_space<hbm>> -> memref<125x16xf32, #tpu.memory_space<hbm>>
        %dma_start3A_476 = arith.constant 0 : i32
        %dma_start3A_477 = arith.constant 0 : i32
        %dma_start3A_478 = tpu.memref_slice %arg30[%dma_start3A_469, %dma_start3A_476, %dma_start3A_477] : memref<2x125x16xf32, #tpu.memory_space<vmem>> -> memref<1x125x16xf32, #tpu.memory_space<vmem>>
        %dma_start3A_479 = tpu.memref_squeeze %dma_start3A_478 : memref<1x125x16xf32, #tpu.memory_space<vmem>> -> memref<125x16xf32, #tpu.memory_space<vmem>>
        %dma_start3A_480 = arith.constant 0 : i32
        %dma_start3A_481 = tpu.memref_slice %arg7[%add3A_468, %dma_start3A_480] : memref<160000x16xf32, #tpu.memory_space<hbm>> -> memref<125x16xf32, #tpu.memory_space<hbm>>
        tpu.enqueue_dma source(%dma_start3A_481 : memref<125x16xf32, #tpu.memory_space<hbm>>) target(%dma_start3A_479 : memref<125x16xf32, #tpu.memory_space<vmem>>) target_semaphore(%arg33 : memref<!tpu.dma_semaphore, #tpu.memory_space<semaphore_mem>>)
        %dma_start3A_482 = arith.constant 0 : i32
        %dma_start3A_483 = arith.constant 0 : i32
        %dma_start3A_484 = arith.constant 0 : i32
        %dma_start3A_485 = tpu.memref_slice %arg31[%dma_start3A_482, %dma_start3A_483, %dma_start3A_484] : memref<2x125x16xf32, #tpu.memory_space<vmem>> -> memref<1x125x16xf32, #tpu.memory_space<vmem>>
        %dma_start3A_486 = tpu.memref_squeeze %dma_start3A_485 : memref<1x125x16xf32, #tpu.memory_space<vmem>> -> memref<125x16xf32, #tpu.memory_space<vmem>>
        %dma_start3A_487 = arith.constant 0 : i32
        %dma_start3A_488 = tpu.memref_slice %arg28[%add3A_463, %dma_start3A_487] : memref<40x125xi32, #tpu.memory_space<vmem>> -> memref<1x125xi32, #tpu.memory_space<vmem>>
        %dma_start3A_489 = tpu.memref_squeeze %dma_start3A_488 : memref<1x125xi32, #tpu.memory_space<vmem>> -> memref<125xi32, #tpu.memory_space<vmem>>
        %dma_start3A_490 = arith.constant 0 : i32
        %dma_start3A_491 = arith.constant 0 : i32
        %dma_start3A_492 = tpu.memref_slice %arg5[%dma_start3A_490, %dma_start3A_491] : memref<10000x16xf32, #tpu.memory_space<hbm>> -> memref<10000x16xf32, #tpu.memory_space<hbm>>
        tpu.enqueue_indirect_dma source(%dma_start3A_492 : memref<10000x16xf32, #tpu.memory_space<hbm>>) target(%dma_start3A_486 : memref<125x16xf32, #tpu.memory_space<vmem>>) offsets(%dma_start3A_489 : memref<125xi32, #tpu.memory_space<vmem>>) semaphore(%arg34 : memref<!tpu.dma_semaphore, #tpu.memory_space<semaphore_mem>>)
        %dma_start3A_493 = arith.constant 0 : i32
        %dma_start3A_494 = arith.constant 0 : i32
        %dma_start3A_495 = arith.constant 0 : i32
        %dma_start3A_496 = tpu.memref_slice %arg32[%dma_start3A_493, %dma_start3A_494, %dma_start3A_495] : memref<2x125x16xf32, #tpu.memory_space<vmem>> -> memref<1x125x16xf32, #tpu.memory_space<vmem>>
        %dma_start3A_497 = tpu.memref_squeeze %dma_start3A_496 : memref<1x125x16xf32, #tpu.memory_space<vmem>> -> memref<125x16xf32, #tpu.memory_space<vmem>>
        %dma_start3A_498 = arith.constant 0 : i32
        %dma_start3A_499 = tpu.memref_slice %arg29[%add3A_463, %dma_start3A_498] : memref<40x125xi32, #tpu.memory_space<vmem>> -> memref<1x125xi32, #tpu.memory_space<vmem>>
        %dma_start3A_500 = tpu.memref_squeeze %dma_start3A_499 : memref<1x125xi32, #tpu.memory_space<vmem>> -> memref<125xi32, #tpu.memory_space<vmem>>
        %dma_start3A_501 = arith.constant 0 : i32
        %dma_start3A_502 = arith.constant 0 : i32
        %dma_start3A_503 = tpu.memref_slice %arg6[%dma_start3A_501, %dma_start3A_502] : memref<10000x16xf32, #tpu.memory_space<hbm>> -> memref<10000x16xf32, #tpu.memory_space<hbm>>
        tpu.enqueue_indirect_dma source(%dma_start3A_503 : memref<10000x16xf32, #tpu.memory_space<hbm>>) target(%dma_start3A_497 : memref<125x16xf32, #tpu.memory_space<vmem>>) offsets(%dma_start3A_500 : memref<125xi32, #tpu.memory_space<vmem>>) semaphore(%arg35 : memref<!tpu.dma_semaphore, #tpu.memory_space<semaphore_mem>>)
      } else {
      }
    }
    %scan3A_135 = arith.constant 20 : i32
    %mul3A_136 = arith.constant 5000 : i32
    %mul3A_137 = arith.muli %add3A, %mul3A_136 : i32
    %add3A_138 = arith.constant 4875 : i32
    %add3A_139 = arith.addi %mul3A_137, %add3A_138 : i32
    %dma_wait3A_140 = arith.constant 1 : i32
    %dma_wait3A_141 = arith.constant 39 : i32
    %dma_wait3A_142 = arith.constant 0 : i32
    %dma_wait3A_143 = arith.constant 0 : i32
    %dma_wait3A_144 = tpu.memref_slice %arg30[%dma_wait3A_140, %dma_wait3A_142, %dma_wait3A_143] : memref<2x125x16xf32, #tpu.memory_space<vmem>> -> memref<1x125x16xf32, #tpu.memory_space<vmem>>
    %dma_wait3A_145 = tpu.memref_squeeze %dma_wait3A_144 : memref<1x125x16xf32, #tpu.memory_space<vmem>> -> memref<125x16xf32, #tpu.memory_space<vmem>>
    %dma_wait3A_146 = arith.constant 0 : i32
    %dma_wait3A_147 = tpu.memref_slice %arg29[%dma_wait3A_141, %dma_wait3A_146] : memref<40x125xi32, #tpu.memory_space<vmem>> -> memref<1x125xi32, #tpu.memory_space<vmem>>
    %dma_wait3A_148 = tpu.memref_squeeze %dma_wait3A_147 : memref<1x125xi32, #tpu.memory_space<vmem>> -> memref<125xi32, #tpu.memory_space<vmem>>
    %dma_wait3A_149 = arith.constant 0 : i32
    %dma_wait3A_150 = arith.constant 0 : i32
    %dma_wait3A_151 = tpu.memref_slice %arg27[%dma_wait3A_149, %dma_wait3A_150] : memref<10112x16xf32, #tpu.memory_space<vmem_shared>> -> memref<10112x16xf32, #tpu.memory_space<vmem_shared>>
    tpu.wait_indirect_dma semaphore(%arg36 : memref<!tpu.dma_semaphore, #tpu.memory_space<semaphore_mem>>) src(%dma_wait3A_145 : memref<125x16xf32, #tpu.memory_space<vmem>>) dst(%dma_wait3A_151 : memref<10112x16xf32, #tpu.memory_space<vmem_shared>>)
    %dma_wait3A_152 = arith.constant 1 : i32
    %dma_wait3A_153 = arith.constant 0 : i32
    %dma_wait3A_154 = arith.constant 0 : i32
    %dma_wait3A_155 = tpu.memref_slice %arg31[%dma_wait3A_152, %dma_wait3A_153, %dma_wait3A_154] : memref<2x125x16xf32, #tpu.memory_space<vmem>> -> memref<1x125x16xf32, #tpu.memory_space<vmem>>
    %dma_wait3A_156 = tpu.memref_squeeze %dma_wait3A_155 : memref<1x125x16xf32, #tpu.memory_space<vmem>> -> memref<125x16xf32, #tpu.memory_space<vmem>>
    %dma_wait3A_157 = arith.constant 0 : i32
    %dma_wait3A_158 = tpu.memref_slice %arg23[%add3A_139, %dma_wait3A_157] : memref<160000x16xf32, #tpu.memory_space<hbm>> -> memref<125x16xf32, #tpu.memory_space<hbm>>
    %dma_wait3A_159 = arith.constant 0 : i32
    %dma_wait3A_160 = tpu.memref_slice %arg23[%add3A_139, %dma_wait3A_159] : memref<160000x16xf32, #tpu.memory_space<hbm>> -> memref<125x16xf32, #tpu.memory_space<hbm>>
    %dma_wait3A_161 = arith.constant 0 : i32
    %dma_wait3A_162 = arith.constant 0 : i32
    %dma_wait3A_163 = tpu.memref_slice %arg31[%dma_wait3A_152, %dma_wait3A_161, %dma_wait3A_162] : memref<2x125x16xf32, #tpu.memory_space<vmem>> -> memref<1x125x16xf32, #tpu.memory_space<vmem>>
    %dma_wait3A_164 = tpu.memref_squeeze %dma_wait3A_163 : memref<1x125x16xf32, #tpu.memory_space<vmem>> -> memref<125x16xf32, #tpu.memory_space<vmem>>
    tpu.wait_dma2 semaphore(%arg37 : memref<!tpu.dma_semaphore, #tpu.memory_space<semaphore_mem>>) src(%dma_wait3A_164 : memref<125x16xf32, #tpu.memory_space<vmem>>) dst(%dma_wait3A_160 : memref<125x16xf32, #tpu.memory_space<hbm>>)
    %dma_wait3A_165 = arith.constant 1 : i32
    %dma_wait3A_166 = arith.constant 0 : i32
    %dma_wait3A_167 = arith.constant 0 : i32
    %dma_wait3A_168 = tpu.memref_slice %arg32[%dma_wait3A_165, %dma_wait3A_166, %dma_wait3A_167] : memref<2x125x16xf32, #tpu.memory_space<vmem>> -> memref<1x125x16xf32, #tpu.memory_space<vmem>>
    %dma_wait3A_169 = tpu.memref_squeeze %dma_wait3A_168 : memref<1x125x16xf32, #tpu.memory_space<vmem>> -> memref<125x16xf32, #tpu.memory_space<vmem>>
    %dma_wait3A_170 = arith.constant 0 : i32
    %dma_wait3A_171 = tpu.memref_slice %arg24[%add3A_139, %dma_wait3A_170] : memref<160000x16xf32, #tpu.memory_space<hbm>> -> memref<125x16xf32, #tpu.memory_space<hbm>>
    %dma_wait3A_172 = arith.constant 0 : i32
    %dma_wait3A_173 = tpu.memref_slice %arg24[%add3A_139, %dma_wait3A_172] : memref<160000x16xf32, #tpu.memory_space<hbm>> -> memref<125x16xf32, #tpu.memory_space<hbm>>
    %dma_wait3A_174 = arith.constant 0 : i32
    %dma_wait3A_175 = arith.constant 0 : i32
    %dma_wait3A_176 = tpu.memref_slice %arg32[%dma_wait3A_165, %dma_wait3A_174, %dma_wait3A_175] : memref<2x125x16xf32, #tpu.memory_space<vmem>> -> memref<1x125x16xf32, #tpu.memory_space<vmem>>
    %dma_wait3A_177 = tpu.memref_squeeze %dma_wait3A_176 : memref<1x125x16xf32, #tpu.memory_space<vmem>> -> memref<125x16xf32, #tpu.memory_space<vmem>>
    tpu.wait_dma2 semaphore(%arg38 : memref<!tpu.dma_semaphore, #tpu.memory_space<semaphore_mem>>) src(%dma_wait3A_177 : memref<125x16xf32, #tpu.memory_space<vmem>>) dst(%dma_wait3A_173 : memref<125x16xf32, #tpu.memory_space<hbm>>)
    %barrier3A_178 = arith.constant 0 : index
    tpu.barrier barrier_id(%barrier3A_178)
    "tpu.region"() ({
      %run_scoped3A = tpu.sem_alloc : memref<!tpu.dma_semaphore, #tpu.memory_space<semaphore_mem>>
      %dma_start3A_269 = arith.constant 0 : i32
      %dma_start3A_270 = tpu.memref_slice %arg19[%arg0, %mul3A_2, %dma_start3A_269] : memref<2x10112x16xf32, #tpu.memory_space<hbm>> -> memref<1x632x16xf32, #tpu.memory_space<hbm>>
      %dma_start3A_271 = tpu.memref_squeeze %dma_start3A_270 : memref<1x632x16xf32, #tpu.memory_space<hbm>> -> memref<632x16xf32, #tpu.memory_space<hbm>>
      %dma_start3A_272 = arith.constant 0 : i32
      %dma_start3A_273 = tpu.memref_slice %arg27[%mul3A_2, %dma_start3A_272] : memref<10112x16xf32, #tpu.memory_space<vmem_shared>> -> memref<632x16xf32, #tpu.memory_space<vmem_shared>>
      tpu.enqueue_dma source(%dma_start3A_273 : memref<632x16xf32, #tpu.memory_space<vmem_shared>>) target(%dma_start3A_271 : memref<632x16xf32, #tpu.memory_space<hbm>>) target_semaphore(%run_scoped3A : memref<!tpu.dma_semaphore, #tpu.memory_space<semaphore_mem>>)
      %dma_wait3A_274 = arith.constant 0 : i32
      %dma_wait3A_275 = tpu.memref_slice %arg19[%arg0, %mul3A_2, %dma_wait3A_274] : memref<2x10112x16xf32, #tpu.memory_space<hbm>> -> memref<1x632x16xf32, #tpu.memory_space<hbm>>
      %dma_wait3A_276 = tpu.memref_squeeze %dma_wait3A_275 : memref<1x632x16xf32, #tpu.memory_space<hbm>> -> memref<632x16xf32, #tpu.memory_space<hbm>>
      %dma_wait3A_277 = arith.constant 0 : i32
      %dma_wait3A_278 = tpu.memref_slice %arg27[%mul3A_2, %dma_wait3A_277] : memref<10112x16xf32, #tpu.memory_space<vmem_shared>> -> memref<632x16xf32, #tpu.memory_space<vmem_shared>>
      tpu.wait_dma2 semaphore(%run_scoped3A : memref<!tpu.dma_semaphore, #tpu.memory_space<semaphore_mem>>) src(%dma_wait3A_278 : memref<632x16xf32, #tpu.memory_space<vmem_shared>>) dst(%dma_wait3A_276 : memref<632x16xf32, #tpu.memory_space<hbm>>)
      tpu.yield
    }) : () -> ()
    "tpu.region"() ({
      %run_scoped3A = tpu.sem_alloc : memref<!tpu.dma_semaphore, #tpu.memory_space<semaphore_mem>>
      %dma_start3A_269 = arith.constant 0 : i32
      %dma_start3A_270 = arith.constant 0 : i32
      %dma_start3A_271 = tpu.memref_slice %arg15[%add3A, %dma_start3A_269, %dma_start3A_270] : memref<32x40x125xi32, #tpu.memory_space<hbm>> -> memref<1x40x125xi32, #tpu.memory_space<hbm>>
      %dma_start3A_272 = tpu.memref_squeeze %dma_start3A_271 : memref<1x40x125xi32, #tpu.memory_space<hbm>> -> memref<40x125xi32, #tpu.memory_space<hbm>>
      %dma_start3A_273 = arith.constant 0 : i32
      %dma_start3A_274 = arith.constant 0 : i32
      %dma_start3A_275 = tpu.memref_slice %arg15[%add3A, %dma_start3A_273, %dma_start3A_274] : memref<32x40x125xi32, #tpu.memory_space<hbm>> -> memref<1x40x125xi32, #tpu.memory_space<hbm>>
      %dma_start3A_276 = tpu.memref_squeeze %dma_start3A_275 : memref<1x40x125xi32, #tpu.memory_space<hbm>> -> memref<40x125xi32, #tpu.memory_space<hbm>>
      tpu.enqueue_dma source(%dma_start3A_276 : memref<40x125xi32, #tpu.memory_space<hbm>>) target(%arg28 : memref<40x125xi32, #tpu.memory_space<vmem>>) target_semaphore(%run_scoped3A : memref<!tpu.dma_semaphore, #tpu.memory_space<semaphore_mem>>)
      %dma_wait3A_277 = arith.constant 0 : i32
      %dma_wait3A_278 = arith.constant 0 : i32
      %dma_wait3A_279 = tpu.memref_slice %arg15[%add3A, %dma_wait3A_277, %dma_wait3A_278] : memref<32x40x125xi32, #tpu.memory_space<hbm>> -> memref<1x40x125xi32, #tpu.memory_space<hbm>>
      %dma_wait3A_280 = tpu.memref_squeeze %dma_wait3A_279 : memref<1x40x125xi32, #tpu.memory_space<hbm>> -> memref<40x125xi32, #tpu.memory_space<hbm>>
      %dma_wait3A_281 = arith.constant 0 : i32
      %dma_wait3A_282 = arith.constant 0 : i32
      %dma_wait3A_283 = tpu.memref_slice %arg15[%add3A, %dma_wait3A_281, %dma_wait3A_282] : memref<32x40x125xi32, #tpu.memory_space<hbm>> -> memref<1x40x125xi32, #tpu.memory_space<hbm>>
      %dma_wait3A_284 = tpu.memref_squeeze %dma_wait3A_283 : memref<1x40x125xi32, #tpu.memory_space<hbm>> -> memref<40x125xi32, #tpu.memory_space<hbm>>
      tpu.wait_dma2 semaphore(%run_scoped3A : memref<!tpu.dma_semaphore, #tpu.memory_space<semaphore_mem>>) src(%dma_wait3A_284 : memref<40x125xi32, #tpu.memory_space<hbm>>) dst(%arg28 : memref<40x125xi32, #tpu.memory_space<vmem>>)
      tpu.yield
    }) : () -> ()
    "tpu.region"() ({
      %run_scoped3A = tpu.sem_alloc : memref<!tpu.dma_semaphore, #tpu.memory_space<semaphore_mem>>
      %dma_start3A_269 = arith.constant 0 : i32
      %dma_start3A_270 = arith.constant 0 : i32
      %dma_start3A_271 = tpu.memref_slice %arg16[%add3A, %dma_start3A_269, %dma_start3A_270] : memref<32x40x125xi32, #tpu.memory_space<hbm>> -> memref<1x40x125xi32, #tpu.memory_space<hbm>>
      %dma_start3A_272 = tpu.memref_squeeze %dma_start3A_271 : memref<1x40x125xi32, #tpu.memory_space<hbm>> -> memref<40x125xi32, #tpu.memory_space<hbm>>
      %dma_start3A_273 = arith.constant 0 : i32
      %dma_start3A_274 = arith.constant 0 : i32
      %dma_start3A_275 = tpu.memref_slice %arg16[%add3A, %dma_start3A_273, %dma_start3A_274] : memref<32x40x125xi32, #tpu.memory_space<hbm>> -> memref<1x40x125xi32, #tpu.memory_space<hbm>>
      %dma_start3A_276 = tpu.memref_squeeze %dma_start3A_275 : memref<1x40x125xi32, #tpu.memory_space<hbm>> -> memref<40x125xi32, #tpu.memory_space<hbm>>
      tpu.enqueue_dma source(%dma_start3A_276 : memref<40x125xi32, #tpu.memory_space<hbm>>) target(%arg29 : memref<40x125xi32, #tpu.memory_space<vmem>>) target_semaphore(%run_scoped3A : memref<!tpu.dma_semaphore, #tpu.memory_space<semaphore_mem>>)
      %dma_wait3A_277 = arith.constant 0 : i32
      %dma_wait3A_278 = arith.constant 0 : i32
      %dma_wait3A_279 = tpu.memref_slice %arg16[%add3A, %dma_wait3A_277, %dma_wait3A_278] : memref<32x40x125xi32, #tpu.memory_space<hbm>> -> memref<1x40x125xi32, #tpu.memory_space<hbm>>
      %dma_wait3A_280 = tpu.memref_squeeze %dma_wait3A_279 : memref<1x40x125xi32, #tpu.memory_space<hbm>> -> memref<40x125xi32, #tpu.memory_space<hbm>>
      %dma_wait3A_281 = arith.constant 0 : i32
      %dma_wait3A_282 = arith.constant 0 : i32
      %dma_wait3A_283 = tpu.memref_slice %arg16[%add3A, %dma_wait3A_281, %dma_wait3A_282] : memref<32x40x125xi32, #tpu.memory_space<hbm>> -> memref<1x40x125xi32, #tpu.memory_space<hbm>>
      %dma_wait3A_284 = tpu.memref_squeeze %dma_wait3A_283 : memref<1x40x125xi32, #tpu.memory_space<hbm>> -> memref<40x125xi32, #tpu.memory_space<hbm>>
      tpu.wait_dma2 semaphore(%run_scoped3A : memref<!tpu.dma_semaphore, #tpu.memory_space<semaphore_mem>>) src(%dma_wait3A_284 : memref<40x125xi32, #tpu.memory_space<hbm>>) dst(%arg29 : memref<40x125xi32, #tpu.memory_space<vmem>>)
      tpu.yield
    }) : () -> ()
    "tpu.region"() ({
      %run_scoped3A = tpu.sem_alloc : memref<!tpu.dma_semaphore, #tpu.memory_space<semaphore_mem>>
      %dma_start3A_269 = arith.constant 0 : i32
      %dma_start3A_270 = tpu.memref_slice %arg27[%mul3A_2, %dma_start3A_269] : memref<10112x16xf32, #tpu.memory_space<vmem_shared>> -> memref<632x16xf32, #tpu.memory_space<vmem_shared>>
      tpu.enqueue_dma source(%arg17 : memref<632x16xf32, #tpu.memory_space<hbm>>) target(%dma_start3A_270 : memref<632x16xf32, #tpu.memory_space<vmem_shared>>) target_semaphore(%run_scoped3A : memref<!tpu.dma_semaphore, #tpu.memory_space<semaphore_mem>>)
      %dma_wait3A_271 = arith.constant 0 : i32
      %dma_wait3A_272 = tpu.memref_slice %arg27[%mul3A_2, %dma_wait3A_271] : memref<10112x16xf32, #tpu.memory_space<vmem_shared>> -> memref<632x16xf32, #tpu.memory_space<vmem_shared>>
      tpu.wait_dma2 semaphore(%run_scoped3A : memref<!tpu.dma_semaphore, #tpu.memory_space<semaphore_mem>>) src(%arg17 : memref<632x16xf32, #tpu.memory_space<hbm>>) dst(%dma_wait3A_272 : memref<632x16xf32, #tpu.memory_space<vmem_shared>>)
      tpu.yield
    }) : () -> ()
    %barrier3A_179 = arith.constant 0 : index
    tpu.barrier barrier_id(%barrier3A_179)
    %mul3A_180 = arith.constant 5000 : i32
    %mul3A_181 = arith.muli %add3A, %mul3A_180 : i32
    %add3A_182 = arith.constant 0 : i32
    %add3A_183 = arith.addi %mul3A_181, %add3A_182 : i32
    %dma_start3A_184 = arith.constant 0 : i32
    %dma_start3A_185 = arith.constant 0 : i32
    %dma_start3A_186 = arith.constant 0 : i32
    %dma_start3A_187 = tpu.memref_slice %arg30[%dma_start3A_184, %dma_start3A_185, %dma_start3A_186] : memref<2x125x16xf32, #tpu.memory_space<vmem>> -> memref<1x125x16xf32, #tpu.memory_space<vmem>>
    %dma_start3A_188 = tpu.memref_squeeze %dma_start3A_187 : memref<1x125x16xf32, #tpu.memory_space<vmem>> -> memref<125x16xf32, #tpu.memory_space<vmem>>
    %dma_start3A_189 = arith.constant 0 : i32
    %dma_start3A_190 = tpu.memref_slice %arg10[%add3A_183, %dma_start3A_189] : memref<160000x16xf32, #tpu.memory_space<hbm>> -> memref<125x16xf32, #tpu.memory_space<hbm>>
    %dma_start3A_191 = arith.constant 0 : i32
    %dma_start3A_192 = arith.constant 0 : i32
    %dma_start3A_193 = tpu.memref_slice %arg30[%dma_start3A_184, %dma_start3A_191, %dma_start3A_192] : memref<2x125x16xf32, #tpu.memory_space<vmem>> -> memref<1x125x16xf32, #tpu.memory_space<vmem>>
    %dma_start3A_194 = tpu.memref_squeeze %dma_start3A_193 : memref<1x125x16xf32, #tpu.memory_space<vmem>> -> memref<125x16xf32, #tpu.memory_space<vmem>>
    %dma_start3A_195 = arith.constant 0 : i32
    %dma_start3A_196 = tpu.memref_slice %arg10[%add3A_183, %dma_start3A_195] : memref<160000x16xf32, #tpu.memory_space<hbm>> -> memref<125x16xf32, #tpu.memory_space<hbm>>
    tpu.enqueue_dma source(%dma_start3A_196 : memref<125x16xf32, #tpu.memory_space<hbm>>) target(%dma_start3A_194 : memref<125x16xf32, #tpu.memory_space<vmem>>) target_semaphore(%arg33 : memref<!tpu.dma_semaphore, #tpu.memory_space<semaphore_mem>>)
    %dma_start3A_197 = arith.constant 0 : i32
    %dma_start3A_198 = arith.constant 0 : i32
    %dma_start3A_199 = arith.constant 0 : i32
    %dma_start3A_200 = arith.constant 0 : i32
    %dma_start3A_201 = tpu.memref_slice %arg31[%dma_start3A_198, %dma_start3A_199, %dma_start3A_200] : memref<2x125x16xf32, #tpu.memory_space<vmem>> -> memref<1x125x16xf32, #tpu.memory_space<vmem>>
    %dma_start3A_202 = tpu.memref_squeeze %dma_start3A_201 : memref<1x125x16xf32, #tpu.memory_space<vmem>> -> memref<125x16xf32, #tpu.memory_space<vmem>>
    %dma_start3A_203 = arith.constant 0 : i32
    %dma_start3A_204 = tpu.memref_slice %arg28[%dma_start3A_197, %dma_start3A_203] : memref<40x125xi32, #tpu.memory_space<vmem>> -> memref<1x125xi32, #tpu.memory_space<vmem>>
    %dma_start3A_205 = tpu.memref_squeeze %dma_start3A_204 : memref<1x125xi32, #tpu.memory_space<vmem>> -> memref<125xi32, #tpu.memory_space<vmem>>
    %dma_start3A_206 = arith.constant 0 : i32
    %dma_start3A_207 = arith.constant 0 : i32
    %dma_start3A_208 = tpu.memref_slice %arg8[%dma_start3A_206, %dma_start3A_207] : memref<10000x16xf32, #tpu.memory_space<hbm>> -> memref<10000x16xf32, #tpu.memory_space<hbm>>
    tpu.enqueue_indirect_dma source(%dma_start3A_208 : memref<10000x16xf32, #tpu.memory_space<hbm>>) target(%dma_start3A_202 : memref<125x16xf32, #tpu.memory_space<vmem>>) offsets(%dma_start3A_205 : memref<125xi32, #tpu.memory_space<vmem>>) semaphore(%arg34 : memref<!tpu.dma_semaphore, #tpu.memory_space<semaphore_mem>>)
    %dma_start3A_209 = arith.constant 0 : i32
    %dma_start3A_210 = arith.constant 0 : i32
    %dma_start3A_211 = arith.constant 0 : i32
    %dma_start3A_212 = arith.constant 0 : i32
    %dma_start3A_213 = tpu.memref_slice %arg32[%dma_start3A_210, %dma_start3A_211, %dma_start3A_212] : memref<2x125x16xf32, #tpu.memory_space<vmem>> -> memref<1x125x16xf32, #tpu.memory_space<vmem>>
    %dma_start3A_214 = tpu.memref_squeeze %dma_start3A_213 : memref<1x125x16xf32, #tpu.memory_space<vmem>> -> memref<125x16xf32, #tpu.memory_space<vmem>>
    %dma_start3A_215 = arith.constant 0 : i32
    %dma_start3A_216 = tpu.memref_slice %arg29[%dma_start3A_209, %dma_start3A_215] : memref<40x125xi32, #tpu.memory_space<vmem>> -> memref<1x125xi32, #tpu.memory_space<vmem>>
    %dma_start3A_217 = tpu.memref_squeeze %dma_start3A_216 : memref<1x125xi32, #tpu.memory_space<vmem>> -> memref<125xi32, #tpu.memory_space<vmem>>
    %dma_start3A_218 = arith.constant 0 : i32
    %dma_start3A_219 = arith.constant 0 : i32
    %dma_start3A_220 = tpu.memref_slice %arg9[%dma_start3A_218, %dma_start3A_219] : memref<10000x16xf32, #tpu.memory_space<hbm>> -> memref<10000x16xf32, #tpu.memory_space<hbm>>
    tpu.enqueue_indirect_dma source(%dma_start3A_220 : memref<10000x16xf32, #tpu.memory_space<hbm>>) target(%dma_start3A_214 : memref<125x16xf32, #tpu.memory_space<vmem>>) offsets(%dma_start3A_217 : memref<125xi32, #tpu.memory_space<vmem>>) semaphore(%arg35 : memref<!tpu.dma_semaphore, #tpu.memory_space<semaphore_mem>>)
    %scan3A_221 = arith.constant 0 : i32
    %scan3A_222 = arith.constant 20 : i32
    %scan3A_223 = arith.addi %scan3A_221, %scan3A_222 : i32
    %scan3A_224 = arith.constant 1 : i32
    scf.for %scan3A_269 = %scan3A_221 to %scan3A_223 step %scan3A_224  : i32 {
      %mul3A_270 = arith.constant 2 : i32
      %mul3A_271 = arith.muli %scan3A_269, %mul3A_270 : i32
      %add3A_272 = arith.constant 0 : i32
      %add3A_273 = arith.addi %add3A_272, %mul3A_271 : i32
      %add3A_274 = arith.constant 0 : i32
      %add3A_275 = arith.addi %add3A_273, %add3A_274 : i32
      %mul3A_276 = arith.constant 5000 : i32
      %mul3A_277 = arith.muli %add3A, %mul3A_276 : i32
      %mul3A_278 = arith.constant 125 : i32
      %mul3A_279 = arith.muli %add3A_275, %mul3A_278 : i32
      %add3A_280 = arith.addi %mul3A_277, %mul3A_279 : i32
      %dma_wait3A_281 = arith.constant 0 : i32
      %dma_wait3A_282 = arith.constant 0 : i32
      %dma_wait3A_283 = arith.constant 0 : i32
      %dma_wait3A_284 = tpu.memref_slice %arg30[%dma_wait3A_281, %dma_wait3A_282, %dma_wait3A_283] : memref<2x125x16xf32, #tpu.memory_space<vmem>> -> memref<1x125x16xf32, #tpu.memory_space<vmem>>
      %dma_wait3A_285 = tpu.memref_squeeze %dma_wait3A_284 : memref<1x125x16xf32, #tpu.memory_space<vmem>> -> memref<125x16xf32, #tpu.memory_space<vmem>>
      %dma_wait3A_286 = arith.constant 0 : i32
      %dma_wait3A_287 = tpu.memref_slice %arg10[%add3A_280, %dma_wait3A_286] : memref<160000x16xf32, #tpu.memory_space<hbm>> -> memref<125x16xf32, #tpu.memory_space<hbm>>
      %dma_wait3A_288 = arith.constant 0 : i32
      %dma_wait3A_289 = arith.constant 0 : i32
      %dma_wait3A_290 = tpu.memref_slice %arg30[%dma_wait3A_281, %dma_wait3A_288, %dma_wait3A_289] : memref<2x125x16xf32, #tpu.memory_space<vmem>> -> memref<1x125x16xf32, #tpu.memory_space<vmem>>
      %dma_wait3A_291 = tpu.memref_squeeze %dma_wait3A_290 : memref<1x125x16xf32, #tpu.memory_space<vmem>> -> memref<125x16xf32, #tpu.memory_space<vmem>>
      %dma_wait3A_292 = arith.constant 0 : i32
      %dma_wait3A_293 = tpu.memref_slice %arg10[%add3A_280, %dma_wait3A_292] : memref<160000x16xf32, #tpu.memory_space<hbm>> -> memref<125x16xf32, #tpu.memory_space<hbm>>
      tpu.wait_dma2 semaphore(%arg33 : memref<!tpu.dma_semaphore, #tpu.memory_space<semaphore_mem>>) src(%dma_wait3A_293 : memref<125x16xf32, #tpu.memory_space<hbm>>) dst(%dma_wait3A_291 : memref<125x16xf32, #tpu.memory_space<vmem>>)
      %dma_wait3A_294 = arith.constant 0 : i32
      %dma_wait3A_295 = arith.constant 0 : i32
      %dma_wait3A_296 = arith.constant 0 : i32
      %dma_wait3A_297 = tpu.memref_slice %arg31[%dma_wait3A_294, %dma_wait3A_295, %dma_wait3A_296] : memref<2x125x16xf32, #tpu.memory_space<vmem>> -> memref<1x125x16xf32, #tpu.memory_space<vmem>>
      %dma_wait3A_298 = tpu.memref_squeeze %dma_wait3A_297 : memref<1x125x16xf32, #tpu.memory_space<vmem>> -> memref<125x16xf32, #tpu.memory_space<vmem>>
      %dma_wait3A_299 = arith.constant 0 : i32
      %dma_wait3A_300 = tpu.memref_slice %arg28[%add3A_275, %dma_wait3A_299] : memref<40x125xi32, #tpu.memory_space<vmem>> -> memref<1x125xi32, #tpu.memory_space<vmem>>
      %dma_wait3A_301 = tpu.memref_squeeze %dma_wait3A_300 : memref<1x125xi32, #tpu.memory_space<vmem>> -> memref<125xi32, #tpu.memory_space<vmem>>
      %dma_wait3A_302 = arith.constant 0 : i32
      %dma_wait3A_303 = arith.constant 0 : i32
      %dma_wait3A_304 = tpu.memref_slice %arg8[%dma_wait3A_302, %dma_wait3A_303] : memref<10000x16xf32, #tpu.memory_space<hbm>> -> memref<10000x16xf32, #tpu.memory_space<hbm>>
      tpu.wait_indirect_dma semaphore(%arg34 : memref<!tpu.dma_semaphore, #tpu.memory_space<semaphore_mem>>) src(%dma_wait3A_304 : memref<10000x16xf32, #tpu.memory_space<hbm>>) dst(%dma_wait3A_298 : memref<125x16xf32, #tpu.memory_space<vmem>>)
      %dma_wait3A_305 = arith.constant 0 : i32
      %dma_wait3A_306 = arith.constant 0 : i32
      %dma_wait3A_307 = arith.constant 0 : i32
      %dma_wait3A_308 = tpu.memref_slice %arg32[%dma_wait3A_305, %dma_wait3A_306, %dma_wait3A_307] : memref<2x125x16xf32, #tpu.memory_space<vmem>> -> memref<1x125x16xf32, #tpu.memory_space<vmem>>
      %dma_wait3A_309 = tpu.memref_squeeze %dma_wait3A_308 : memref<1x125x16xf32, #tpu.memory_space<vmem>> -> memref<125x16xf32, #tpu.memory_space<vmem>>
      %dma_wait3A_310 = arith.constant 0 : i32
      %dma_wait3A_311 = tpu.memref_slice %arg29[%add3A_275, %dma_wait3A_310] : memref<40x125xi32, #tpu.memory_space<vmem>> -> memref<1x125xi32, #tpu.memory_space<vmem>>
      %dma_wait3A_312 = tpu.memref_squeeze %dma_wait3A_311 : memref<1x125xi32, #tpu.memory_space<vmem>> -> memref<125xi32, #tpu.memory_space<vmem>>
      %dma_wait3A_313 = arith.constant 0 : i32
      %dma_wait3A_314 = arith.constant 0 : i32
      %dma_wait3A_315 = tpu.memref_slice %arg9[%dma_wait3A_313, %dma_wait3A_314] : memref<10000x16xf32, #tpu.memory_space<hbm>> -> memref<10000x16xf32, #tpu.memory_space<hbm>>
      tpu.wait_indirect_dma semaphore(%arg35 : memref<!tpu.dma_semaphore, #tpu.memory_space<semaphore_mem>>) src(%dma_wait3A_315 : memref<10000x16xf32, #tpu.memory_space<hbm>>) dst(%dma_wait3A_309 : memref<125x16xf32, #tpu.memory_space<vmem>>)
      %gt3A = arith.constant 0 : i32
      %gt3A_316 = arith.cmpi sgt, %add3A_275, %gt3A : i32
      %convert_element_type3A = arith.extui %gt3A_316 : i1 to i32
      %cond3A = arith.constant 0 : i32
      %cond3A_317 = arith.cmpi ne, %convert_element_type3A, %cond3A : i32
      scf.if %cond3A_317 {
        %sub3A = arith.constant 1 : i32
        %sub3A_462 = arith.subi %add3A_275, %sub3A : i32
        %mul3A_463 = arith.constant 5000 : i32
        %mul3A_464 = arith.muli %add3A, %mul3A_463 : i32
        %mul3A_465 = arith.constant 125 : i32
        %mul3A_466 = arith.muli %sub3A_462, %mul3A_465 : i32
        %add3A_467 = arith.addi %mul3A_464, %mul3A_466 : i32
        %dma_wait3A_468 = arith.constant 1 : i32
        %dma_wait3A_469 = arith.constant 0 : i32
        %dma_wait3A_470 = arith.constant 0 : i32
        %dma_wait3A_471 = tpu.memref_slice %arg30[%dma_wait3A_468, %dma_wait3A_469, %dma_wait3A_470] : memref<2x125x16xf32, #tpu.memory_space<vmem>> -> memref<1x125x16xf32, #tpu.memory_space<vmem>>
        %dma_wait3A_472 = tpu.memref_squeeze %dma_wait3A_471 : memref<1x125x16xf32, #tpu.memory_space<vmem>> -> memref<125x16xf32, #tpu.memory_space<vmem>>
        %dma_wait3A_473 = arith.constant 0 : i32
        %dma_wait3A_474 = tpu.memref_slice %arg29[%sub3A_462, %dma_wait3A_473] : memref<40x125xi32, #tpu.memory_space<vmem>> -> memref<1x125xi32, #tpu.memory_space<vmem>>
        %dma_wait3A_475 = tpu.memref_squeeze %dma_wait3A_474 : memref<1x125xi32, #tpu.memory_space<vmem>> -> memref<125xi32, #tpu.memory_space<vmem>>
        %dma_wait3A_476 = arith.constant 0 : i32
        %dma_wait3A_477 = arith.constant 0 : i32
        %dma_wait3A_478 = tpu.memref_slice %arg27[%dma_wait3A_476, %dma_wait3A_477] : memref<10112x16xf32, #tpu.memory_space<vmem_shared>> -> memref<10112x16xf32, #tpu.memory_space<vmem_shared>>
        tpu.wait_indirect_dma semaphore(%arg36 : memref<!tpu.dma_semaphore, #tpu.memory_space<semaphore_mem>>) src(%dma_wait3A_472 : memref<125x16xf32, #tpu.memory_space<vmem>>) dst(%dma_wait3A_478 : memref<10112x16xf32, #tpu.memory_space<vmem_shared>>)
        %dma_wait3A_479 = arith.constant 1 : i32
        %dma_wait3A_480 = arith.constant 0 : i32
        %dma_wait3A_481 = arith.constant 0 : i32
        %dma_wait3A_482 = tpu.memref_slice %arg31[%dma_wait3A_479, %dma_wait3A_480, %dma_wait3A_481] : memref<2x125x16xf32, #tpu.memory_space<vmem>> -> memref<1x125x16xf32, #tpu.memory_space<vmem>>
        %dma_wait3A_483 = tpu.memref_squeeze %dma_wait3A_482 : memref<1x125x16xf32, #tpu.memory_space<vmem>> -> memref<125x16xf32, #tpu.memory_space<vmem>>
        %dma_wait3A_484 = arith.constant 0 : i32
        %dma_wait3A_485 = tpu.memref_slice %arg25[%add3A_467, %dma_wait3A_484] : memref<160000x16xf32, #tpu.memory_space<hbm>> -> memref<125x16xf32, #tpu.memory_space<hbm>>
        %dma_wait3A_486 = arith.constant 0 : i32
        %dma_wait3A_487 = tpu.memref_slice %arg25[%add3A_467, %dma_wait3A_486] : memref<160000x16xf32, #tpu.memory_space<hbm>> -> memref<125x16xf32, #tpu.memory_space<hbm>>
        %dma_wait3A_488 = arith.constant 0 : i32
        %dma_wait3A_489 = arith.constant 0 : i32
        %dma_wait3A_490 = tpu.memref_slice %arg31[%dma_wait3A_479, %dma_wait3A_488, %dma_wait3A_489] : memref<2x125x16xf32, #tpu.memory_space<vmem>> -> memref<1x125x16xf32, #tpu.memory_space<vmem>>
        %dma_wait3A_491 = tpu.memref_squeeze %dma_wait3A_490 : memref<1x125x16xf32, #tpu.memory_space<vmem>> -> memref<125x16xf32, #tpu.memory_space<vmem>>
        tpu.wait_dma2 semaphore(%arg37 : memref<!tpu.dma_semaphore, #tpu.memory_space<semaphore_mem>>) src(%dma_wait3A_491 : memref<125x16xf32, #tpu.memory_space<vmem>>) dst(%dma_wait3A_487 : memref<125x16xf32, #tpu.memory_space<hbm>>)
        %dma_wait3A_492 = arith.constant 1 : i32
        %dma_wait3A_493 = arith.constant 0 : i32
        %dma_wait3A_494 = arith.constant 0 : i32
        %dma_wait3A_495 = tpu.memref_slice %arg32[%dma_wait3A_492, %dma_wait3A_493, %dma_wait3A_494] : memref<2x125x16xf32, #tpu.memory_space<vmem>> -> memref<1x125x16xf32, #tpu.memory_space<vmem>>
        %dma_wait3A_496 = tpu.memref_squeeze %dma_wait3A_495 : memref<1x125x16xf32, #tpu.memory_space<vmem>> -> memref<125x16xf32, #tpu.memory_space<vmem>>
        %dma_wait3A_497 = arith.constant 0 : i32
        %dma_wait3A_498 = tpu.memref_slice %arg26[%add3A_467, %dma_wait3A_497] : memref<160000x16xf32, #tpu.memory_space<hbm>> -> memref<125x16xf32, #tpu.memory_space<hbm>>
        %dma_wait3A_499 = arith.constant 0 : i32
        %dma_wait3A_500 = tpu.memref_slice %arg26[%add3A_467, %dma_wait3A_499] : memref<160000x16xf32, #tpu.memory_space<hbm>> -> memref<125x16xf32, #tpu.memory_space<hbm>>
        %dma_wait3A_501 = arith.constant 0 : i32
        %dma_wait3A_502 = arith.constant 0 : i32
        %dma_wait3A_503 = tpu.memref_slice %arg32[%dma_wait3A_492, %dma_wait3A_501, %dma_wait3A_502] : memref<2x125x16xf32, #tpu.memory_space<vmem>> -> memref<1x125x16xf32, #tpu.memory_space<vmem>>
        %dma_wait3A_504 = tpu.memref_squeeze %dma_wait3A_503 : memref<1x125x16xf32, #tpu.memory_space<vmem>> -> memref<125x16xf32, #tpu.memory_space<vmem>>
        tpu.wait_dma2 semaphore(%arg38 : memref<!tpu.dma_semaphore, #tpu.memory_space<semaphore_mem>>) src(%dma_wait3A_504 : memref<125x16xf32, #tpu.memory_space<vmem>>) dst(%dma_wait3A_500 : memref<125x16xf32, #tpu.memory_space<hbm>>)
      } else {
      }
      %mul3A_318 = arith.constant 5000 : i32
      %mul3A_319 = arith.muli %add3A, %mul3A_318 : i32
      %mul3A_320 = arith.constant 125 : i32
      %mul3A_321 = arith.muli %add3A_275, %mul3A_320 : i32
      %add3A_322 = arith.addi %mul3A_319, %mul3A_321 : i32
      %dma_start3A_323 = arith.constant 0 : i32
      %dma_start3A_324 = arith.constant 0 : i32
      %dma_start3A_325 = arith.constant 0 : i32
      %dma_start3A_326 = tpu.memref_slice %arg30[%dma_start3A_323, %dma_start3A_324, %dma_start3A_325] : memref<2x125x16xf32, #tpu.memory_space<vmem>> -> memref<1x125x16xf32, #tpu.memory_space<vmem>>
      %dma_start3A_327 = tpu.memref_squeeze %dma_start3A_326 : memref<1x125x16xf32, #tpu.memory_space<vmem>> -> memref<125x16xf32, #tpu.memory_space<vmem>>
      %dma_start3A_328 = arith.constant 0 : i32
      %dma_start3A_329 = tpu.memref_slice %arg29[%add3A_275, %dma_start3A_328] : memref<40x125xi32, #tpu.memory_space<vmem>> -> memref<1x125xi32, #tpu.memory_space<vmem>>
      %dma_start3A_330 = tpu.memref_squeeze %dma_start3A_329 : memref<1x125xi32, #tpu.memory_space<vmem>> -> memref<125xi32, #tpu.memory_space<vmem>>
      %dma_start3A_331 = arith.constant 0 : i32
      %dma_start3A_332 = arith.constant 0 : i32
      %dma_start3A_333 = tpu.memref_slice %arg27[%dma_start3A_331, %dma_start3A_332] : memref<10112x16xf32, #tpu.memory_space<vmem_shared>> -> memref<10112x16xf32, #tpu.memory_space<vmem_shared>>
      tpu.enqueue_indirect_dma source(%dma_start3A_327 : memref<125x16xf32, #tpu.memory_space<vmem>>) target(%dma_start3A_333 : memref<10112x16xf32, #tpu.memory_space<vmem_shared>>) offsets(%dma_start3A_330 : memref<125xi32, #tpu.memory_space<vmem>>) semaphore(%arg36 : memref<!tpu.dma_semaphore, #tpu.memory_space<semaphore_mem>>) {add = true}
      %dma_start3A_334 = arith.constant 0 : i32
      %dma_start3A_335 = arith.constant 0 : i32
      %dma_start3A_336 = arith.constant 0 : i32
      %dma_start3A_337 = tpu.memref_slice %arg31[%dma_start3A_334, %dma_start3A_335, %dma_start3A_336] : memref<2x125x16xf32, #tpu.memory_space<vmem>> -> memref<1x125x16xf32, #tpu.memory_space<vmem>>
      %dma_start3A_338 = tpu.memref_squeeze %dma_start3A_337 : memref<1x125x16xf32, #tpu.memory_space<vmem>> -> memref<125x16xf32, #tpu.memory_space<vmem>>
      %dma_start3A_339 = arith.constant 0 : i32
      %dma_start3A_340 = tpu.memref_slice %arg25[%add3A_322, %dma_start3A_339] : memref<160000x16xf32, #tpu.memory_space<hbm>> -> memref<125x16xf32, #tpu.memory_space<hbm>>
      %dma_start3A_341 = arith.constant 0 : i32
      %dma_start3A_342 = tpu.memref_slice %arg25[%add3A_322, %dma_start3A_341] : memref<160000x16xf32, #tpu.memory_space<hbm>> -> memref<125x16xf32, #tpu.memory_space<hbm>>
      %dma_start3A_343 = arith.constant 0 : i32
      %dma_start3A_344 = arith.constant 0 : i32
      %dma_start3A_345 = tpu.memref_slice %arg31[%dma_start3A_334, %dma_start3A_343, %dma_start3A_344] : memref<2x125x16xf32, #tpu.memory_space<vmem>> -> memref<1x125x16xf32, #tpu.memory_space<vmem>>
      %dma_start3A_346 = tpu.memref_squeeze %dma_start3A_345 : memref<1x125x16xf32, #tpu.memory_space<vmem>> -> memref<125x16xf32, #tpu.memory_space<vmem>>
      tpu.enqueue_dma source(%dma_start3A_346 : memref<125x16xf32, #tpu.memory_space<vmem>>) target(%dma_start3A_342 : memref<125x16xf32, #tpu.memory_space<hbm>>) target_semaphore(%arg37 : memref<!tpu.dma_semaphore, #tpu.memory_space<semaphore_mem>>)
      %dma_start3A_347 = arith.constant 0 : i32
      %dma_start3A_348 = arith.constant 0 : i32
      %dma_start3A_349 = arith.constant 0 : i32
      %dma_start3A_350 = tpu.memref_slice %arg32[%dma_start3A_347, %dma_start3A_348, %dma_start3A_349] : memref<2x125x16xf32, #tpu.memory_space<vmem>> -> memref<1x125x16xf32, #tpu.memory_space<vmem>>
      %dma_start3A_351 = tpu.memref_squeeze %dma_start3A_350 : memref<1x125x16xf32, #tpu.memory_space<vmem>> -> memref<125x16xf32, #tpu.memory_space<vmem>>
      %dma_start3A_352 = arith.constant 0 : i32
      %dma_start3A_353 = tpu.memref_slice %arg26[%add3A_322, %dma_start3A_352] : memref<160000x16xf32, #tpu.memory_space<hbm>> -> memref<125x16xf32, #tpu.memory_space<hbm>>
      %dma_start3A_354 = arith.constant 0 : i32
      %dma_start3A_355 = tpu.memref_slice %arg26[%add3A_322, %dma_start3A_354] : memref<160000x16xf32, #tpu.memory_space<hbm>> -> memref<125x16xf32, #tpu.memory_space<hbm>>
      %dma_start3A_356 = arith.constant 0 : i32
      %dma_start3A_357 = arith.constant 0 : i32
      %dma_start3A_358 = tpu.memref_slice %arg32[%dma_start3A_347, %dma_start3A_356, %dma_start3A_357] : memref<2x125x16xf32, #tpu.memory_space<vmem>> -> memref<1x125x16xf32, #tpu.memory_space<vmem>>
      %dma_start3A_359 = tpu.memref_squeeze %dma_start3A_358 : memref<1x125x16xf32, #tpu.memory_space<vmem>> -> memref<125x16xf32, #tpu.memory_space<vmem>>
      tpu.enqueue_dma source(%dma_start3A_359 : memref<125x16xf32, #tpu.memory_space<vmem>>) target(%dma_start3A_355 : memref<125x16xf32, #tpu.memory_space<hbm>>) target_semaphore(%arg38 : memref<!tpu.dma_semaphore, #tpu.memory_space<semaphore_mem>>)
      %add3A_360 = arith.constant 1 : i32
      %add3A_361 = arith.addi %add3A_275, %add3A_360 : i32
      %lt3A = arith.constant 40 : i32
      %lt3A_362 = arith.cmpi slt, %add3A_361, %lt3A : i32
      %convert_element_type3A_363 = arith.extui %lt3A_362 : i1 to i32
      %cond3A_364 = arith.constant 0 : i32
      %cond3A_365 = arith.cmpi ne, %convert_element_type3A_363, %cond3A_364 : i32
      scf.if %cond3A_365 {
        %add3A_462 = arith.constant 1 : i32
        %add3A_463 = arith.addi %add3A_275, %add3A_462 : i32
        %mul3A_464 = arith.constant 5000 : i32
        %mul3A_465 = arith.muli %add3A, %mul3A_464 : i32
        %mul3A_466 = arith.constant 125 : i32
        %mul3A_467 = arith.muli %add3A_463, %mul3A_466 : i32
        %add3A_468 = arith.addi %mul3A_465, %mul3A_467 : i32
        %dma_start3A_469 = arith.constant 1 : i32
        %dma_start3A_470 = arith.constant 0 : i32
        %dma_start3A_471 = arith.constant 0 : i32
        %dma_start3A_472 = tpu.memref_slice %arg30[%dma_start3A_469, %dma_start3A_470, %dma_start3A_471] : memref<2x125x16xf32, #tpu.memory_space<vmem>> -> memref<1x125x16xf32, #tpu.memory_space<vmem>>
        %dma_start3A_473 = tpu.memref_squeeze %dma_start3A_472 : memref<1x125x16xf32, #tpu.memory_space<vmem>> -> memref<125x16xf32, #tpu.memory_space<vmem>>
        %dma_start3A_474 = arith.constant 0 : i32
        %dma_start3A_475 = tpu.memref_slice %arg10[%add3A_468, %dma_start3A_474] : memref<160000x16xf32, #tpu.memory_space<hbm>> -> memref<125x16xf32, #tpu.memory_space<hbm>>
        %dma_start3A_476 = arith.constant 0 : i32
        %dma_start3A_477 = arith.constant 0 : i32
        %dma_start3A_478 = tpu.memref_slice %arg30[%dma_start3A_469, %dma_start3A_476, %dma_start3A_477] : memref<2x125x16xf32, #tpu.memory_space<vmem>> -> memref<1x125x16xf32, #tpu.memory_space<vmem>>
        %dma_start3A_479 = tpu.memref_squeeze %dma_start3A_478 : memref<1x125x16xf32, #tpu.memory_space<vmem>> -> memref<125x16xf32, #tpu.memory_space<vmem>>
        %dma_start3A_480 = arith.constant 0 : i32
        %dma_start3A_481 = tpu.memref_slice %arg10[%add3A_468, %dma_start3A_480] : memref<160000x16xf32, #tpu.memory_space<hbm>> -> memref<125x16xf32, #tpu.memory_space<hbm>>
        tpu.enqueue_dma source(%dma_start3A_481 : memref<125x16xf32, #tpu.memory_space<hbm>>) target(%dma_start3A_479 : memref<125x16xf32, #tpu.memory_space<vmem>>) target_semaphore(%arg33 : memref<!tpu.dma_semaphore, #tpu.memory_space<semaphore_mem>>)
        %dma_start3A_482 = arith.constant 1 : i32
        %dma_start3A_483 = arith.constant 0 : i32
        %dma_start3A_484 = arith.constant 0 : i32
        %dma_start3A_485 = tpu.memref_slice %arg31[%dma_start3A_482, %dma_start3A_483, %dma_start3A_484] : memref<2x125x16xf32, #tpu.memory_space<vmem>> -> memref<1x125x16xf32, #tpu.memory_space<vmem>>
        %dma_start3A_486 = tpu.memref_squeeze %dma_start3A_485 : memref<1x125x16xf32, #tpu.memory_space<vmem>> -> memref<125x16xf32, #tpu.memory_space<vmem>>
        %dma_start3A_487 = arith.constant 0 : i32
        %dma_start3A_488 = tpu.memref_slice %arg28[%add3A_463, %dma_start3A_487] : memref<40x125xi32, #tpu.memory_space<vmem>> -> memref<1x125xi32, #tpu.memory_space<vmem>>
        %dma_start3A_489 = tpu.memref_squeeze %dma_start3A_488 : memref<1x125xi32, #tpu.memory_space<vmem>> -> memref<125xi32, #tpu.memory_space<vmem>>
        %dma_start3A_490 = arith.constant 0 : i32
        %dma_start3A_491 = arith.constant 0 : i32
        %dma_start3A_492 = tpu.memref_slice %arg8[%dma_start3A_490, %dma_start3A_491] : memref<10000x16xf32, #tpu.memory_space<hbm>> -> memref<10000x16xf32, #tpu.memory_space<hbm>>
        tpu.enqueue_indirect_dma source(%dma_start3A_492 : memref<10000x16xf32, #tpu.memory_space<hbm>>) target(%dma_start3A_486 : memref<125x16xf32, #tpu.memory_space<vmem>>) offsets(%dma_start3A_489 : memref<125xi32, #tpu.memory_space<vmem>>) semaphore(%arg34 : memref<!tpu.dma_semaphore, #tpu.memory_space<semaphore_mem>>)
        %dma_start3A_493 = arith.constant 1 : i32
        %dma_start3A_494 = arith.constant 0 : i32
        %dma_start3A_495 = arith.constant 0 : i32
        %dma_start3A_496 = tpu.memref_slice %arg32[%dma_start3A_493, %dma_start3A_494, %dma_start3A_495] : memref<2x125x16xf32, #tpu.memory_space<vmem>> -> memref<1x125x16xf32, #tpu.memory_space<vmem>>
        %dma_start3A_497 = tpu.memref_squeeze %dma_start3A_496 : memref<1x125x16xf32, #tpu.memory_space<vmem>> -> memref<125x16xf32, #tpu.memory_space<vmem>>
        %dma_start3A_498 = arith.constant 0 : i32
        %dma_start3A_499 = tpu.memref_slice %arg29[%add3A_463, %dma_start3A_498] : memref<40x125xi32, #tpu.memory_space<vmem>> -> memref<1x125xi32, #tpu.memory_space<vmem>>
        %dma_start3A_500 = tpu.memref_squeeze %dma_start3A_499 : memref<1x125xi32, #tpu.memory_space<vmem>> -> memref<125xi32, #tpu.memory_space<vmem>>
        %dma_start3A_501 = arith.constant 0 : i32
        %dma_start3A_502 = arith.constant 0 : i32
        %dma_start3A_503 = tpu.memref_slice %arg9[%dma_start3A_501, %dma_start3A_502] : memref<10000x16xf32, #tpu.memory_space<hbm>> -> memref<10000x16xf32, #tpu.memory_space<hbm>>
        tpu.enqueue_indirect_dma source(%dma_start3A_503 : memref<10000x16xf32, #tpu.memory_space<hbm>>) target(%dma_start3A_497 : memref<125x16xf32, #tpu.memory_space<vmem>>) offsets(%dma_start3A_500 : memref<125xi32, #tpu.memory_space<vmem>>) semaphore(%arg35 : memref<!tpu.dma_semaphore, #tpu.memory_space<semaphore_mem>>)
      } else {
      }
      %add3A_366 = arith.constant 1 : i32
      %add3A_367 = arith.addi %add3A_273, %add3A_366 : i32
      %mul3A_368 = arith.constant 5000 : i32
      %mul3A_369 = arith.muli %add3A, %mul3A_368 : i32
      %mul3A_370 = arith.constant 125 : i32
      %mul3A_371 = arith.muli %add3A_367, %mul3A_370 : i32
      %add3A_372 = arith.addi %mul3A_369, %mul3A_371 : i32
      %dma_wait3A_373 = arith.constant 1 : i32
      %dma_wait3A_374 = arith.constant 0 : i32
      %dma_wait3A_375 = arith.constant 0 : i32
      %dma_wait3A_376 = tpu.memref_slice %arg30[%dma_wait3A_373, %dma_wait3A_374, %dma_wait3A_375] : memref<2x125x16xf32, #tpu.memory_space<vmem>> -> memref<1x125x16xf32, #tpu.memory_space<vmem>>
      %dma_wait3A_377 = tpu.memref_squeeze %dma_wait3A_376 : memref<1x125x16xf32, #tpu.memory_space<vmem>> -> memref<125x16xf32, #tpu.memory_space<vmem>>
      %dma_wait3A_378 = arith.constant 0 : i32
      %dma_wait3A_379 = tpu.memref_slice %arg10[%add3A_372, %dma_wait3A_378] : memref<160000x16xf32, #tpu.memory_space<hbm>> -> memref<125x16xf32, #tpu.memory_space<hbm>>
      %dma_wait3A_380 = arith.constant 0 : i32
      %dma_wait3A_381 = arith.constant 0 : i32
      %dma_wait3A_382 = tpu.memref_slice %arg30[%dma_wait3A_373, %dma_wait3A_380, %dma_wait3A_381] : memref<2x125x16xf32, #tpu.memory_space<vmem>> -> memref<1x125x16xf32, #tpu.memory_space<vmem>>
      %dma_wait3A_383 = tpu.memref_squeeze %dma_wait3A_382 : memref<1x125x16xf32, #tpu.memory_space<vmem>> -> memref<125x16xf32, #tpu.memory_space<vmem>>
      %dma_wait3A_384 = arith.constant 0 : i32
      %dma_wait3A_385 = tpu.memref_slice %arg10[%add3A_372, %dma_wait3A_384] : memref<160000x16xf32, #tpu.memory_space<hbm>> -> memref<125x16xf32, #tpu.memory_space<hbm>>
      tpu.wait_dma2 semaphore(%arg33 : memref<!tpu.dma_semaphore, #tpu.memory_space<semaphore_mem>>) src(%dma_wait3A_385 : memref<125x16xf32, #tpu.memory_space<hbm>>) dst(%dma_wait3A_383 : memref<125x16xf32, #tpu.memory_space<vmem>>)
      %dma_wait3A_386 = arith.constant 1 : i32
      %dma_wait3A_387 = arith.constant 0 : i32
      %dma_wait3A_388 = arith.constant 0 : i32
      %dma_wait3A_389 = tpu.memref_slice %arg31[%dma_wait3A_386, %dma_wait3A_387, %dma_wait3A_388] : memref<2x125x16xf32, #tpu.memory_space<vmem>> -> memref<1x125x16xf32, #tpu.memory_space<vmem>>
      %dma_wait3A_390 = tpu.memref_squeeze %dma_wait3A_389 : memref<1x125x16xf32, #tpu.memory_space<vmem>> -> memref<125x16xf32, #tpu.memory_space<vmem>>
      %dma_wait3A_391 = arith.constant 0 : i32
      %dma_wait3A_392 = tpu.memref_slice %arg28[%add3A_367, %dma_wait3A_391] : memref<40x125xi32, #tpu.memory_space<vmem>> -> memref<1x125xi32, #tpu.memory_space<vmem>>
      %dma_wait3A_393 = tpu.memref_squeeze %dma_wait3A_392 : memref<1x125xi32, #tpu.memory_space<vmem>> -> memref<125xi32, #tpu.memory_space<vmem>>
      %dma_wait3A_394 = arith.constant 0 : i32
      %dma_wait3A_395 = arith.constant 0 : i32
      %dma_wait3A_396 = tpu.memref_slice %arg8[%dma_wait3A_394, %dma_wait3A_395] : memref<10000x16xf32, #tpu.memory_space<hbm>> -> memref<10000x16xf32, #tpu.memory_space<hbm>>
      tpu.wait_indirect_dma semaphore(%arg34 : memref<!tpu.dma_semaphore, #tpu.memory_space<semaphore_mem>>) src(%dma_wait3A_396 : memref<10000x16xf32, #tpu.memory_space<hbm>>) dst(%dma_wait3A_390 : memref<125x16xf32, #tpu.memory_space<vmem>>)
      %dma_wait3A_397 = arith.constant 1 : i32
      %dma_wait3A_398 = arith.constant 0 : i32
      %dma_wait3A_399 = arith.constant 0 : i32
      %dma_wait3A_400 = tpu.memref_slice %arg32[%dma_wait3A_397, %dma_wait3A_398, %dma_wait3A_399] : memref<2x125x16xf32, #tpu.memory_space<vmem>> -> memref<1x125x16xf32, #tpu.memory_space<vmem>>
      %dma_wait3A_401 = tpu.memref_squeeze %dma_wait3A_400 : memref<1x125x16xf32, #tpu.memory_space<vmem>> -> memref<125x16xf32, #tpu.memory_space<vmem>>
      %dma_wait3A_402 = arith.constant 0 : i32
      %dma_wait3A_403 = tpu.memref_slice %arg29[%add3A_367, %dma_wait3A_402] : memref<40x125xi32, #tpu.memory_space<vmem>> -> memref<1x125xi32, #tpu.memory_space<vmem>>
      %dma_wait3A_404 = tpu.memref_squeeze %dma_wait3A_403 : memref<1x125xi32, #tpu.memory_space<vmem>> -> memref<125xi32, #tpu.memory_space<vmem>>
      %dma_wait3A_405 = arith.constant 0 : i32
      %dma_wait3A_406 = arith.constant 0 : i32
      %dma_wait3A_407 = tpu.memref_slice %arg9[%dma_wait3A_405, %dma_wait3A_406] : memref<10000x16xf32, #tpu.memory_space<hbm>> -> memref<10000x16xf32, #tpu.memory_space<hbm>>
      tpu.wait_indirect_dma semaphore(%arg35 : memref<!tpu.dma_semaphore, #tpu.memory_space<semaphore_mem>>) src(%dma_wait3A_407 : memref<10000x16xf32, #tpu.memory_space<hbm>>) dst(%dma_wait3A_401 : memref<125x16xf32, #tpu.memory_space<vmem>>)
      %gt3A_408 = arith.constant 0 : i32
      %gt3A_409 = arith.cmpi sgt, %add3A_367, %gt3A_408 : i32
      %convert_element_type3A_410 = arith.extui %gt3A_409 : i1 to i32
      %cond3A_411 = arith.constant 0 : i32
      %cond3A_412 = arith.cmpi ne, %convert_element_type3A_410, %cond3A_411 : i32
      scf.if %cond3A_412 {
        %sub3A = arith.constant 1 : i32
        %sub3A_462 = arith.subi %add3A_367, %sub3A : i32
        %mul3A_463 = arith.constant 5000 : i32
        %mul3A_464 = arith.muli %add3A, %mul3A_463 : i32
        %mul3A_465 = arith.constant 125 : i32
        %mul3A_466 = arith.muli %sub3A_462, %mul3A_465 : i32
        %add3A_467 = arith.addi %mul3A_464, %mul3A_466 : i32
        %dma_wait3A_468 = arith.constant 0 : i32
        %dma_wait3A_469 = arith.constant 0 : i32
        %dma_wait3A_470 = arith.constant 0 : i32
        %dma_wait3A_471 = tpu.memref_slice %arg30[%dma_wait3A_468, %dma_wait3A_469, %dma_wait3A_470] : memref<2x125x16xf32, #tpu.memory_space<vmem>> -> memref<1x125x16xf32, #tpu.memory_space<vmem>>
        %dma_wait3A_472 = tpu.memref_squeeze %dma_wait3A_471 : memref<1x125x16xf32, #tpu.memory_space<vmem>> -> memref<125x16xf32, #tpu.memory_space<vmem>>
        %dma_wait3A_473 = arith.constant 0 : i32
        %dma_wait3A_474 = tpu.memref_slice %arg29[%sub3A_462, %dma_wait3A_473] : memref<40x125xi32, #tpu.memory_space<vmem>> -> memref<1x125xi32, #tpu.memory_space<vmem>>
        %dma_wait3A_475 = tpu.memref_squeeze %dma_wait3A_474 : memref<1x125xi32, #tpu.memory_space<vmem>> -> memref<125xi32, #tpu.memory_space<vmem>>
        %dma_wait3A_476 = arith.constant 0 : i32
        %dma_wait3A_477 = arith.constant 0 : i32
        %dma_wait3A_478 = tpu.memref_slice %arg27[%dma_wait3A_476, %dma_wait3A_477] : memref<10112x16xf32, #tpu.memory_space<vmem_shared>> -> memref<10112x16xf32, #tpu.memory_space<vmem_shared>>
        tpu.wait_indirect_dma semaphore(%arg36 : memref<!tpu.dma_semaphore, #tpu.memory_space<semaphore_mem>>) src(%dma_wait3A_472 : memref<125x16xf32, #tpu.memory_space<vmem>>) dst(%dma_wait3A_478 : memref<10112x16xf32, #tpu.memory_space<vmem_shared>>)
        %dma_wait3A_479 = arith.constant 0 : i32
        %dma_wait3A_480 = arith.constant 0 : i32
        %dma_wait3A_481 = arith.constant 0 : i32
        %dma_wait3A_482 = tpu.memref_slice %arg31[%dma_wait3A_479, %dma_wait3A_480, %dma_wait3A_481] : memref<2x125x16xf32, #tpu.memory_space<vmem>> -> memref<1x125x16xf32, #tpu.memory_space<vmem>>
        %dma_wait3A_483 = tpu.memref_squeeze %dma_wait3A_482 : memref<1x125x16xf32, #tpu.memory_space<vmem>> -> memref<125x16xf32, #tpu.memory_space<vmem>>
        %dma_wait3A_484 = arith.constant 0 : i32
        %dma_wait3A_485 = tpu.memref_slice %arg25[%add3A_467, %dma_wait3A_484] : memref<160000x16xf32, #tpu.memory_space<hbm>> -> memref<125x16xf32, #tpu.memory_space<hbm>>
        %dma_wait3A_486 = arith.constant 0 : i32
        %dma_wait3A_487 = tpu.memref_slice %arg25[%add3A_467, %dma_wait3A_486] : memref<160000x16xf32, #tpu.memory_space<hbm>> -> memref<125x16xf32, #tpu.memory_space<hbm>>
        %dma_wait3A_488 = arith.constant 0 : i32
        %dma_wait3A_489 = arith.constant 0 : i32
        %dma_wait3A_490 = tpu.memref_slice %arg31[%dma_wait3A_479, %dma_wait3A_488, %dma_wait3A_489] : memref<2x125x16xf32, #tpu.memory_space<vmem>> -> memref<1x125x16xf32, #tpu.memory_space<vmem>>
        %dma_wait3A_491 = tpu.memref_squeeze %dma_wait3A_490 : memref<1x125x16xf32, #tpu.memory_space<vmem>> -> memref<125x16xf32, #tpu.memory_space<vmem>>
        tpu.wait_dma2 semaphore(%arg37 : memref<!tpu.dma_semaphore, #tpu.memory_space<semaphore_mem>>) src(%dma_wait3A_491 : memref<125x16xf32, #tpu.memory_space<vmem>>) dst(%dma_wait3A_487 : memref<125x16xf32, #tpu.memory_space<hbm>>)
        %dma_wait3A_492 = arith.constant 0 : i32
        %dma_wait3A_493 = arith.constant 0 : i32
        %dma_wait3A_494 = arith.constant 0 : i32
        %dma_wait3A_495 = tpu.memref_slice %arg32[%dma_wait3A_492, %dma_wait3A_493, %dma_wait3A_494] : memref<2x125x16xf32, #tpu.memory_space<vmem>> -> memref<1x125x16xf32, #tpu.memory_space<vmem>>
        %dma_wait3A_496 = tpu.memref_squeeze %dma_wait3A_495 : memref<1x125x16xf32, #tpu.memory_space<vmem>> -> memref<125x16xf32, #tpu.memory_space<vmem>>
        %dma_wait3A_497 = arith.constant 0 : i32
        %dma_wait3A_498 = tpu.memref_slice %arg26[%add3A_467, %dma_wait3A_497] : memref<160000x16xf32, #tpu.memory_space<hbm>> -> memref<125x16xf32, #tpu.memory_space<hbm>>
        %dma_wait3A_499 = arith.constant 0 : i32
        %dma_wait3A_500 = tpu.memref_slice %arg26[%add3A_467, %dma_wait3A_499] : memref<160000x16xf32, #tpu.memory_space<hbm>> -> memref<125x16xf32, #tpu.memory_space<hbm>>
        %dma_wait3A_501 = arith.constant 0 : i32
        %dma_wait3A_502 = arith.constant 0 : i32
        %dma_wait3A_503 = tpu.memref_slice %arg32[%dma_wait3A_492, %dma_wait3A_501, %dma_wait3A_502] : memref<2x125x16xf32, #tpu.memory_space<vmem>> -> memref<1x125x16xf32, #tpu.memory_space<vmem>>
        %dma_wait3A_504 = tpu.memref_squeeze %dma_wait3A_503 : memref<1x125x16xf32, #tpu.memory_space<vmem>> -> memref<125x16xf32, #tpu.memory_space<vmem>>
        tpu.wait_dma2 semaphore(%arg38 : memref<!tpu.dma_semaphore, #tpu.memory_space<semaphore_mem>>) src(%dma_wait3A_504 : memref<125x16xf32, #tpu.memory_space<vmem>>) dst(%dma_wait3A_500 : memref<125x16xf32, #tpu.memory_space<hbm>>)
      } else {
      }
      %mul3A_413 = arith.constant 5000 : i32
      %mul3A_414 = arith.muli %add3A, %mul3A_413 : i32
      %mul3A_415 = arith.constant 125 : i32
      %mul3A_416 = arith.muli %add3A_367, %mul3A_415 : i32
      %add3A_417 = arith.addi %mul3A_414, %mul3A_416 : i32
      %dma_start3A_418 = arith.constant 1 : i32
      %dma_start3A_419 = arith.constant 0 : i32
      %dma_start3A_420 = arith.constant 0 : i32
      %dma_start3A_421 = tpu.memref_slice %arg30[%dma_start3A_418, %dma_start3A_419, %dma_start3A_420] : memref<2x125x16xf32, #tpu.memory_space<vmem>> -> memref<1x125x16xf32, #tpu.memory_space<vmem>>
      %dma_start3A_422 = tpu.memref_squeeze %dma_start3A_421 : memref<1x125x16xf32, #tpu.memory_space<vmem>> -> memref<125x16xf32, #tpu.memory_space<vmem>>
      %dma_start3A_423 = arith.constant 0 : i32
      %dma_start3A_424 = tpu.memref_slice %arg29[%add3A_367, %dma_start3A_423] : memref<40x125xi32, #tpu.memory_space<vmem>> -> memref<1x125xi32, #tpu.memory_space<vmem>>
      %dma_start3A_425 = tpu.memref_squeeze %dma_start3A_424 : memref<1x125xi32, #tpu.memory_space<vmem>> -> memref<125xi32, #tpu.memory_space<vmem>>
      %dma_start3A_426 = arith.constant 0 : i32
      %dma_start3A_427 = arith.constant 0 : i32
      %dma_start3A_428 = tpu.memref_slice %arg27[%dma_start3A_426, %dma_start3A_427] : memref<10112x16xf32, #tpu.memory_space<vmem_shared>> -> memref<10112x16xf32, #tpu.memory_space<vmem_shared>>
      tpu.enqueue_indirect_dma source(%dma_start3A_422 : memref<125x16xf32, #tpu.memory_space<vmem>>) target(%dma_start3A_428 : memref<10112x16xf32, #tpu.memory_space<vmem_shared>>) offsets(%dma_start3A_425 : memref<125xi32, #tpu.memory_space<vmem>>) semaphore(%arg36 : memref<!tpu.dma_semaphore, #tpu.memory_space<semaphore_mem>>) {add = true}
      %dma_start3A_429 = arith.constant 1 : i32
      %dma_start3A_430 = arith.constant 0 : i32
      %dma_start3A_431 = arith.constant 0 : i32
      %dma_start3A_432 = tpu.memref_slice %arg31[%dma_start3A_429, %dma_start3A_430, %dma_start3A_431] : memref<2x125x16xf32, #tpu.memory_space<vmem>> -> memref<1x125x16xf32, #tpu.memory_space<vmem>>
      %dma_start3A_433 = tpu.memref_squeeze %dma_start3A_432 : memref<1x125x16xf32, #tpu.memory_space<vmem>> -> memref<125x16xf32, #tpu.memory_space<vmem>>
      %dma_start3A_434 = arith.constant 0 : i32
      %dma_start3A_435 = tpu.memref_slice %arg25[%add3A_417, %dma_start3A_434] : memref<160000x16xf32, #tpu.memory_space<hbm>> -> memref<125x16xf32, #tpu.memory_space<hbm>>
      %dma_start3A_436 = arith.constant 0 : i32
      %dma_start3A_437 = tpu.memref_slice %arg25[%add3A_417, %dma_start3A_436] : memref<160000x16xf32, #tpu.memory_space<hbm>> -> memref<125x16xf32, #tpu.memory_space<hbm>>
      %dma_start3A_438 = arith.constant 0 : i32
      %dma_start3A_439 = arith.constant 0 : i32
      %dma_start3A_440 = tpu.memref_slice %arg31[%dma_start3A_429, %dma_start3A_438, %dma_start3A_439] : memref<2x125x16xf32, #tpu.memory_space<vmem>> -> memref<1x125x16xf32, #tpu.memory_space<vmem>>
      %dma_start3A_441 = tpu.memref_squeeze %dma_start3A_440 : memref<1x125x16xf32, #tpu.memory_space<vmem>> -> memref<125x16xf32, #tpu.memory_space<vmem>>
      tpu.enqueue_dma source(%dma_start3A_441 : memref<125x16xf32, #tpu.memory_space<vmem>>) target(%dma_start3A_437 : memref<125x16xf32, #tpu.memory_space<hbm>>) target_semaphore(%arg37 : memref<!tpu.dma_semaphore, #tpu.memory_space<semaphore_mem>>)
      %dma_start3A_442 = arith.constant 1 : i32
      %dma_start3A_443 = arith.constant 0 : i32
      %dma_start3A_444 = arith.constant 0 : i32
      %dma_start3A_445 = tpu.memref_slice %arg32[%dma_start3A_442, %dma_start3A_443, %dma_start3A_444] : memref<2x125x16xf32, #tpu.memory_space<vmem>> -> memref<1x125x16xf32, #tpu.memory_space<vmem>>
      %dma_start3A_446 = tpu.memref_squeeze %dma_start3A_445 : memref<1x125x16xf32, #tpu.memory_space<vmem>> -> memref<125x16xf32, #tpu.memory_space<vmem>>
      %dma_start3A_447 = arith.constant 0 : i32
      %dma_start3A_448 = tpu.memref_slice %arg26[%add3A_417, %dma_start3A_447] : memref<160000x16xf32, #tpu.memory_space<hbm>> -> memref<125x16xf32, #tpu.memory_space<hbm>>
      %dma_start3A_449 = arith.constant 0 : i32
      %dma_start3A_450 = tpu.memref_slice %arg26[%add3A_417, %dma_start3A_449] : memref<160000x16xf32, #tpu.memory_space<hbm>> -> memref<125x16xf32, #tpu.memory_space<hbm>>
      %dma_start3A_451 = arith.constant 0 : i32
      %dma_start3A_452 = arith.constant 0 : i32
      %dma_start3A_453 = tpu.memref_slice %arg32[%dma_start3A_442, %dma_start3A_451, %dma_start3A_452] : memref<2x125x16xf32, #tpu.memory_space<vmem>> -> memref<1x125x16xf32, #tpu.memory_space<vmem>>
      %dma_start3A_454 = tpu.memref_squeeze %dma_start3A_453 : memref<1x125x16xf32, #tpu.memory_space<vmem>> -> memref<125x16xf32, #tpu.memory_space<vmem>>
      tpu.enqueue_dma source(%dma_start3A_454 : memref<125x16xf32, #tpu.memory_space<vmem>>) target(%dma_start3A_450 : memref<125x16xf32, #tpu.memory_space<hbm>>) target_semaphore(%arg38 : memref<!tpu.dma_semaphore, #tpu.memory_space<semaphore_mem>>)
      %add3A_455 = arith.constant 1 : i32
      %add3A_456 = arith.addi %add3A_367, %add3A_455 : i32
      %lt3A_457 = arith.constant 40 : i32
      %lt3A_458 = arith.cmpi slt, %add3A_456, %lt3A_457 : i32
      %convert_element_type3A_459 = arith.extui %lt3A_458 : i1 to i32
      %cond3A_460 = arith.constant 0 : i32
      %cond3A_461 = arith.cmpi ne, %convert_element_type3A_459, %cond3A_460 : i32
      scf.if %cond3A_461 {
        %add3A_462 = arith.constant 1 : i32
        %add3A_463 = arith.addi %add3A_367, %add3A_462 : i32
        %mul3A_464 = arith.constant 5000 : i32
        %mul3A_465 = arith.muli %add3A, %mul3A_464 : i32
        %mul3A_466 = arith.constant 125 : i32
        %mul3A_467 = arith.muli %add3A_463, %mul3A_466 : i32
        %add3A_468 = arith.addi %mul3A_465, %mul3A_467 : i32
        %dma_start3A_469 = arith.constant 0 : i32
        %dma_start3A_470 = arith.constant 0 : i32
        %dma_start3A_471 = arith.constant 0 : i32
        %dma_start3A_472 = tpu.memref_slice %arg30[%dma_start3A_469, %dma_start3A_470, %dma_start3A_471] : memref<2x125x16xf32, #tpu.memory_space<vmem>> -> memref<1x125x16xf32, #tpu.memory_space<vmem>>
        %dma_start3A_473 = tpu.memref_squeeze %dma_start3A_472 : memref<1x125x16xf32, #tpu.memory_space<vmem>> -> memref<125x16xf32, #tpu.memory_space<vmem>>
        %dma_start3A_474 = arith.constant 0 : i32
        %dma_start3A_475 = tpu.memref_slice %arg10[%add3A_468, %dma_start3A_474] : memref<160000x16xf32, #tpu.memory_space<hbm>> -> memref<125x16xf32, #tpu.memory_space<hbm>>
        %dma_start3A_476 = arith.constant 0 : i32
        %dma_start3A_477 = arith.constant 0 : i32
        %dma_start3A_478 = tpu.memref_slice %arg30[%dma_start3A_469, %dma_start3A_476, %dma_start3A_477] : memref<2x125x16xf32, #tpu.memory_space<vmem>> -> memref<1x125x16xf32, #tpu.memory_space<vmem>>
        %dma_start3A_479 = tpu.memref_squeeze %dma_start3A_478 : memref<1x125x16xf32, #tpu.memory_space<vmem>> -> memref<125x16xf32, #tpu.memory_space<vmem>>
        %dma_start3A_480 = arith.constant 0 : i32
        %dma_start3A_481 = tpu.memref_slice %arg10[%add3A_468, %dma_start3A_480] : memref<160000x16xf32, #tpu.memory_space<hbm>> -> memref<125x16xf32, #tpu.memory_space<hbm>>
        tpu.enqueue_dma source(%dma_start3A_481 : memref<125x16xf32, #tpu.memory_space<hbm>>) target(%dma_start3A_479 : memref<125x16xf32, #tpu.memory_space<vmem>>) target_semaphore(%arg33 : memref<!tpu.dma_semaphore, #tpu.memory_space<semaphore_mem>>)
        %dma_start3A_482 = arith.constant 0 : i32
        %dma_start3A_483 = arith.constant 0 : i32
        %dma_start3A_484 = arith.constant 0 : i32
        %dma_start3A_485 = tpu.memref_slice %arg31[%dma_start3A_482, %dma_start3A_483, %dma_start3A_484] : memref<2x125x16xf32, #tpu.memory_space<vmem>> -> memref<1x125x16xf32, #tpu.memory_space<vmem>>
        %dma_start3A_486 = tpu.memref_squeeze %dma_start3A_485 : memref<1x125x16xf32, #tpu.memory_space<vmem>> -> memref<125x16xf32, #tpu.memory_space<vmem>>
        %dma_start3A_487 = arith.constant 0 : i32
        %dma_start3A_488 = tpu.memref_slice %arg28[%add3A_463, %dma_start3A_487] : memref<40x125xi32, #tpu.memory_space<vmem>> -> memref<1x125xi32, #tpu.memory_space<vmem>>
        %dma_start3A_489 = tpu.memref_squeeze %dma_start3A_488 : memref<1x125xi32, #tpu.memory_space<vmem>> -> memref<125xi32, #tpu.memory_space<vmem>>
        %dma_start3A_490 = arith.constant 0 : i32
        %dma_start3A_491 = arith.constant 0 : i32
        %dma_start3A_492 = tpu.memref_slice %arg8[%dma_start3A_490, %dma_start3A_491] : memref<10000x16xf32, #tpu.memory_space<hbm>> -> memref<10000x16xf32, #tpu.memory_space<hbm>>
        tpu.enqueue_indirect_dma source(%dma_start3A_492 : memref<10000x16xf32, #tpu.memory_space<hbm>>) target(%dma_start3A_486 : memref<125x16xf32, #tpu.memory_space<vmem>>) offsets(%dma_start3A_489 : memref<125xi32, #tpu.memory_space<vmem>>) semaphore(%arg34 : memref<!tpu.dma_semaphore, #tpu.memory_space<semaphore_mem>>)
        %dma_start3A_493 = arith.constant 0 : i32
        %dma_start3A_494 = arith.constant 0 : i32
        %dma_start3A_495 = arith.constant 0 : i32
        %dma_start3A_496 = tpu.memref_slice %arg32[%dma_start3A_493, %dma_start3A_494, %dma_start3A_495] : memref<2x125x16xf32, #tpu.memory_space<vmem>> -> memref<1x125x16xf32, #tpu.memory_space<vmem>>
        %dma_start3A_497 = tpu.memref_squeeze %dma_start3A_496 : memref<1x125x16xf32, #tpu.memory_space<vmem>> -> memref<125x16xf32, #tpu.memory_space<vmem>>
        %dma_start3A_498 = arith.constant 0 : i32
        %dma_start3A_499 = tpu.memref_slice %arg29[%add3A_463, %dma_start3A_498] : memref<40x125xi32, #tpu.memory_space<vmem>> -> memref<1x125xi32, #tpu.memory_space<vmem>>
        %dma_start3A_500 = tpu.memref_squeeze %dma_start3A_499 : memref<1x125xi32, #tpu.memory_space<vmem>> -> memref<125xi32, #tpu.memory_space<vmem>>
        %dma_start3A_501 = arith.constant 0 : i32
        %dma_start3A_502 = arith.constant 0 : i32
        %dma_start3A_503 = tpu.memref_slice %arg9[%dma_start3A_501, %dma_start3A_502] : memref<10000x16xf32, #tpu.memory_space<hbm>> -> memref<10000x16xf32, #tpu.memory_space<hbm>>
        tpu.enqueue_indirect_dma source(%dma_start3A_503 : memref<10000x16xf32, #tpu.memory_space<hbm>>) target(%dma_start3A_497 : memref<125x16xf32, #tpu.memory_space<vmem>>) offsets(%dma_start3A_500 : memref<125xi32, #tpu.memory_space<vmem>>) semaphore(%arg35 : memref<!tpu.dma_semaphore, #tpu.memory_space<semaphore_mem>>)
      } else {
      }
    }
    %scan3A_225 = arith.constant 20 : i32
    %mul3A_226 = arith.constant 5000 : i32
    %mul3A_227 = arith.muli %add3A, %mul3A_226 : i32
    %add3A_228 = arith.constant 4875 : i32
    %add3A_229 = arith.addi %mul3A_227, %add3A_228 : i32
    %dma_wait3A_230 = arith.constant 1 : i32
    %dma_wait3A_231 = arith.constant 39 : i32
    %dma_wait3A_232 = arith.constant 0 : i32
    %dma_wait3A_233 = arith.constant 0 : i32
    %dma_wait3A_234 = tpu.memref_slice %arg30[%dma_wait3A_230, %dma_wait3A_232, %dma_wait3A_233] : memref<2x125x16xf32, #tpu.memory_space<vmem>> -> memref<1x125x16xf32, #tpu.memory_space<vmem>>
    %dma_wait3A_235 = tpu.memref_squeeze %dma_wait3A_234 : memref<1x125x16xf32, #tpu.memory_space<vmem>> -> memref<125x16xf32, #tpu.memory_space<vmem>>
    %dma_wait3A_236 = arith.constant 0 : i32
    %dma_wait3A_237 = tpu.memref_slice %arg29[%dma_wait3A_231, %dma_wait3A_236] : memref<40x125xi32, #tpu.memory_space<vmem>> -> memref<1x125xi32, #tpu.memory_space<vmem>>
    %dma_wait3A_238 = tpu.memref_squeeze %dma_wait3A_237 : memref<1x125xi32, #tpu.memory_space<vmem>> -> memref<125xi32, #tpu.memory_space<vmem>>
    %dma_wait3A_239 = arith.constant 0 : i32
    %dma_wait3A_240 = arith.constant 0 : i32
    %dma_wait3A_241 = tpu.memref_slice %arg27[%dma_wait3A_239, %dma_wait3A_240] : memref<10112x16xf32, #tpu.memory_space<vmem_shared>> -> memref<10112x16xf32, #tpu.memory_space<vmem_shared>>
    tpu.wait_indirect_dma semaphore(%arg36 : memref<!tpu.dma_semaphore, #tpu.memory_space<semaphore_mem>>) src(%dma_wait3A_235 : memref<125x16xf32, #tpu.memory_space<vmem>>) dst(%dma_wait3A_241 : memref<10112x16xf32, #tpu.memory_space<vmem_shared>>)
    %dma_wait3A_242 = arith.constant 1 : i32
    %dma_wait3A_243 = arith.constant 0 : i32
    %dma_wait3A_244 = arith.constant 0 : i32
    %dma_wait3A_245 = tpu.memref_slice %arg31[%dma_wait3A_242, %dma_wait3A_243, %dma_wait3A_244] : memref<2x125x16xf32, #tpu.memory_space<vmem>> -> memref<1x125x16xf32, #tpu.memory_space<vmem>>
    %dma_wait3A_246 = tpu.memref_squeeze %dma_wait3A_245 : memref<1x125x16xf32, #tpu.memory_space<vmem>> -> memref<125x16xf32, #tpu.memory_space<vmem>>
    %dma_wait3A_247 = arith.constant 0 : i32
    %dma_wait3A_248 = tpu.memref_slice %arg25[%add3A_229, %dma_wait3A_247] : memref<160000x16xf32, #tpu.memory_space<hbm>> -> memref<125x16xf32, #tpu.memory_space<hbm>>
    %dma_wait3A_249 = arith.constant 0 : i32
    %dma_wait3A_250 = tpu.memref_slice %arg25[%add3A_229, %dma_wait3A_249] : memref<160000x16xf32, #tpu.memory_space<hbm>> -> memref<125x16xf32, #tpu.memory_space<hbm>>
    %dma_wait3A_251 = arith.constant 0 : i32
    %dma_wait3A_252 = arith.constant 0 : i32
    %dma_wait3A_253 = tpu.memref_slice %arg31[%dma_wait3A_242, %dma_wait3A_251, %dma_wait3A_252] : memref<2x125x16xf32, #tpu.memory_space<vmem>> -> memref<1x125x16xf32, #tpu.memory_space<vmem>>
    %dma_wait3A_254 = tpu.memref_squeeze %dma_wait3A_253 : memref<1x125x16xf32, #tpu.memory_space<vmem>> -> memref<125x16xf32, #tpu.memory_space<vmem>>
    tpu.wait_dma2 semaphore(%arg37 : memref<!tpu.dma_semaphore, #tpu.memory_space<semaphore_mem>>) src(%dma_wait3A_254 : memref<125x16xf32, #tpu.memory_space<vmem>>) dst(%dma_wait3A_250 : memref<125x16xf32, #tpu.memory_space<hbm>>)
    %dma_wait3A_255 = arith.constant 1 : i32
    %dma_wait3A_256 = arith.constant 0 : i32
    %dma_wait3A_257 = arith.constant 0 : i32
    %dma_wait3A_258 = tpu.memref_slice %arg32[%dma_wait3A_255, %dma_wait3A_256, %dma_wait3A_257] : memref<2x125x16xf32, #tpu.memory_space<vmem>> -> memref<1x125x16xf32, #tpu.memory_space<vmem>>
    %dma_wait3A_259 = tpu.memref_squeeze %dma_wait3A_258 : memref<1x125x16xf32, #tpu.memory_space<vmem>> -> memref<125x16xf32, #tpu.memory_space<vmem>>
    %dma_wait3A_260 = arith.constant 0 : i32
    %dma_wait3A_261 = tpu.memref_slice %arg26[%add3A_229, %dma_wait3A_260] : memref<160000x16xf32, #tpu.memory_space<hbm>> -> memref<125x16xf32, #tpu.memory_space<hbm>>
    %dma_wait3A_262 = arith.constant 0 : i32
    %dma_wait3A_263 = tpu.memref_slice %arg26[%add3A_229, %dma_wait3A_262] : memref<160000x16xf32, #tpu.memory_space<hbm>> -> memref<125x16xf32, #tpu.memory_space<hbm>>
    %dma_wait3A_264 = arith.constant 0 : i32
    %dma_wait3A_265 = arith.constant 0 : i32
    %dma_wait3A_266 = tpu.memref_slice %arg32[%dma_wait3A_255, %dma_wait3A_264, %dma_wait3A_265] : memref<2x125x16xf32, #tpu.memory_space<vmem>> -> memref<1x125x16xf32, #tpu.memory_space<vmem>>
    %dma_wait3A_267 = tpu.memref_squeeze %dma_wait3A_266 : memref<1x125x16xf32, #tpu.memory_space<vmem>> -> memref<125x16xf32, #tpu.memory_space<vmem>>
    tpu.wait_dma2 semaphore(%arg38 : memref<!tpu.dma_semaphore, #tpu.memory_space<semaphore_mem>>) src(%dma_wait3A_267 : memref<125x16xf32, #tpu.memory_space<vmem>>) dst(%dma_wait3A_263 : memref<125x16xf32, #tpu.memory_space<hbm>>)
    %barrier3A_268 = arith.constant 0 : index
    tpu.barrier barrier_id(%barrier3A_268)
    "tpu.region"() ({
      %run_scoped3A = tpu.sem_alloc : memref<!tpu.dma_semaphore, #tpu.memory_space<semaphore_mem>>
      %dma_start3A_269 = arith.constant 0 : i32
      %dma_start3A_270 = tpu.memref_slice %arg20[%arg0, %mul3A_2, %dma_start3A_269] : memref<2x10112x16xf32, #tpu.memory_space<hbm>> -> memref<1x632x16xf32, #tpu.memory_space<hbm>>
      %dma_start3A_271 = tpu.memref_squeeze %dma_start3A_270 : memref<1x632x16xf32, #tpu.memory_space<hbm>> -> memref<632x16xf32, #tpu.memory_space<hbm>>
      %dma_start3A_272 = arith.constant 0 : i32
      %dma_start3A_273 = tpu.memref_slice %arg27[%mul3A_2, %dma_start3A_272] : memref<10112x16xf32, #tpu.memory_space<vmem_shared>> -> memref<632x16xf32, #tpu.memory_space<vmem_shared>>
      tpu.enqueue_dma source(%dma_start3A_273 : memref<632x16xf32, #tpu.memory_space<vmem_shared>>) target(%dma_start3A_271 : memref<632x16xf32, #tpu.memory_space<hbm>>) target_semaphore(%run_scoped3A : memref<!tpu.dma_semaphore, #tpu.memory_space<semaphore_mem>>)
      %dma_wait3A_274 = arith.constant 0 : i32
      %dma_wait3A_275 = tpu.memref_slice %arg20[%arg0, %mul3A_2, %dma_wait3A_274] : memref<2x10112x16xf32, #tpu.memory_space<hbm>> -> memref<1x632x16xf32, #tpu.memory_space<hbm>>
      %dma_wait3A_276 = tpu.memref_squeeze %dma_wait3A_275 : memref<1x632x16xf32, #tpu.memory_space<hbm>> -> memref<632x16xf32, #tpu.memory_space<hbm>>
      %dma_wait3A_277 = arith.constant 0 : i32
      %dma_wait3A_278 = tpu.memref_slice %arg27[%mul3A_2, %dma_wait3A_277] : memref<10112x16xf32, #tpu.memory_space<vmem_shared>> -> memref<632x16xf32, #tpu.memory_space<vmem_shared>>
      tpu.wait_dma2 semaphore(%run_scoped3A : memref<!tpu.dma_semaphore, #tpu.memory_space<semaphore_mem>>) src(%dma_wait3A_278 : memref<632x16xf32, #tpu.memory_space<vmem_shared>>) dst(%dma_wait3A_276 : memref<632x16xf32, #tpu.memory_space<hbm>>)
      tpu.yield
    }) : () -> ()
    return
  }
}

module attributes {stable_mosaic.version = 14 : i64} {
  func.func @_tc1_body(%arg0: i32, %arg1: memref<1000x128xf32, #tpu.memory_space<vmem>>, %arg2: memref<1000x128xf32, #tpu.memory_space<vmem>>, %arg3: memref<128x16xf32, #tpu.memory_space<vmem>>, %arg4: memref<128x16xf32, #tpu.memory_space<vmem>>, %arg5: memref<128x16xf32, #tpu.memory_space<vmem>>, %arg6: memref<128x16xf32, #tpu.memory_space<vmem>>, %arg7: memref<128x16xf32, #tpu.memory_space<vmem>>, %arg8: memref<128x16xf32, #tpu.memory_space<vmem>>, %arg9: memref<1000x16xf32, #tpu.memory_space<vmem>>, %arg10: memref<1000x16xf32, #tpu.memory_space<vmem>>, %arg11: memref<1000x16xf32, #tpu.memory_space<vmem>>, %arg12: memref<1000x16xf32, #tpu.memory_space<vmem>>, %arg13: memref<1000x16xf32, #tpu.memory_space<vmem>>, %arg14: memref<1000x16xf32, #tpu.memory_space<vmem>>) attributes {dimension_semantics = [#tpu.dimension_semantics<arbitrary>], iteration_bounds = array<i64: 10>, scalar_prefetch = 0 : i64, scratch_operands = 0 : i64, tpu.core_type = #tpu.core_type<tc>, window_params = [{transform_indices = @transform_0, window_bounds = array<i64: 1000, 128>}, {transform_indices = @transform_1, window_bounds = array<i64: 1000, 128>}, {pipeline_mode = #tpu.pipeline_mode<synchronous>, transform_indices = @transform_2, window_bounds = array<i64: 128, 16>}, {pipeline_mode = #tpu.pipeline_mode<synchronous>, transform_indices = @transform_3, window_bounds = array<i64: 128, 16>}, {pipeline_mode = #tpu.pipeline_mode<synchronous>, transform_indices = @transform_4, window_bounds = array<i64: 128, 16>}, {pipeline_mode = #tpu.pipeline_mode<synchronous>, transform_indices = @transform_5, window_bounds = array<i64: 128, 16>}, {pipeline_mode = #tpu.pipeline_mode<synchronous>, transform_indices = @transform_6, window_bounds = array<i64: 128, 16>}, {pipeline_mode = #tpu.pipeline_mode<synchronous>, transform_indices = @transform_7, window_bounds = array<i64: 128, 16>}, {transform_indices = @transform_8, window_bounds = array<i64: 1000, 16>}, {transform_indices = @transform_9, window_bounds = array<i64: 1000, 16>}, {transform_indices = @transform_10, window_bounds = array<i64: 1000, 16>}, {transform_indices = @transform_11, window_bounds = array<i64: 1000, 16>}, {transform_indices = @transform_12, window_bounds = array<i64: 1000, 16>}, {transform_indices = @transform_13, window_bounds = array<i64: 1000, 16>}]} {
    %get3A = arith.constant 0 : index
    %get3A_0 = arith.constant 0 : index
    %get3A_1 = vector.load %arg1[%get3A, %get3A_0] : memref<1000x128xf32, #tpu.memory_space<vmem>>, vector<1000x128xf32>
    %get3A_2 = arith.constant 0 : index
    %get3A_3 = arith.constant 0 : index
    %get3A_4 = vector.load %arg2[%get3A_2, %get3A_3] : memref<1000x128xf32, #tpu.memory_space<vmem>>, vector<1000x128xf32>
    %get3A_5 = arith.constant 0 : index
    %get3A_6 = arith.constant 0 : index
    %get3A_7 = vector.load %arg3[%get3A_5, %get3A_6] : memref<128x16xf32, #tpu.memory_space<vmem>>, vector<128x16xf32>
    %dot_general3A = arith.constant dense<0.000000e+00> : vector<1000x16xf32>
    %dot_general3A_8 = tpu.matmul %get3A_1, %get3A_7, %dot_general3A {dimension_numbers = #tpu.dot_dimension_numbers<[1], [0], [0], [1], [0, 0, 1, 1], [], []>, transpose_lhs_hint = false} : vector<1000x128xf32>, vector<128x16xf32>, vector<1000x16xf32> -> vector<1000x16xf32>
    %swap3A = arith.constant 0 : index
    %swap3A_9 = arith.constant 0 : index
    %swap3A_10 = vector.load %arg9[%swap3A, %swap3A_9] : memref<1000x16xf32, #tpu.memory_space<vmem>>, vector<1000x16xf32>
    tpu.vector_store %arg9[%swap3A, %swap3A_9], %dot_general3A_8 {strides = array<i32>} : memref<1000x16xf32, #tpu.memory_space<vmem>>, vector<1000x16xf32>,
    %get3A_11 = arith.constant 0 : index
    %get3A_12 = arith.constant 0 : index
    %get3A_13 = vector.load %arg4[%get3A_11, %get3A_12] : memref<128x16xf32, #tpu.memory_space<vmem>>, vector<128x16xf32>
    %dot_general3A_14 = arith.constant dense<0.000000e+00> : vector<1000x16xf32>
    %dot_general3A_15 = tpu.matmul %get3A_1, %get3A_13, %dot_general3A_14 {dimension_numbers = #tpu.dot_dimension_numbers<[1], [0], [0], [1], [0, 0, 1, 1], [], []>, transpose_lhs_hint = false} : vector<1000x128xf32>, vector<128x16xf32>, vector<1000x16xf32> -> vector<1000x16xf32>
    %swap3A_16 = arith.constant 0 : index
    %swap3A_17 = arith.constant 0 : index
    %swap3A_18 = vector.load %arg10[%swap3A_16, %swap3A_17] : memref<1000x16xf32, #tpu.memory_space<vmem>>, vector<1000x16xf32>
    tpu.vector_store %arg10[%swap3A_16, %swap3A_17], %dot_general3A_15 {strides = array<i32>} : memref<1000x16xf32, #tpu.memory_space<vmem>>, vector<1000x16xf32>,
    %get3A_19 = arith.constant 0 : index
    %get3A_20 = arith.constant 0 : index
    %get3A_21 = vector.load %arg5[%get3A_19, %get3A_20] : memref<128x16xf32, #tpu.memory_space<vmem>>, vector<128x16xf32>
    %dot_general3A_22 = arith.constant dense<0.000000e+00> : vector<1000x16xf32>
    %dot_general3A_23 = tpu.matmul %get3A_1, %get3A_21, %dot_general3A_22 {dimension_numbers = #tpu.dot_dimension_numbers<[1], [0], [0], [1], [0, 0, 1, 1], [], []>, transpose_lhs_hint = false} : vector<1000x128xf32>, vector<128x16xf32>, vector<1000x16xf32> -> vector<1000x16xf32>
    %swap3A_24 = arith.constant 0 : index
    %swap3A_25 = arith.constant 0 : index
    %swap3A_26 = vector.load %arg11[%swap3A_24, %swap3A_25] : memref<1000x16xf32, #tpu.memory_space<vmem>>, vector<1000x16xf32>
    tpu.vector_store %arg11[%swap3A_24, %swap3A_25], %dot_general3A_23 {strides = array<i32>} : memref<1000x16xf32, #tpu.memory_space<vmem>>, vector<1000x16xf32>,
    %get3A_27 = arith.constant 0 : index
    %get3A_28 = arith.constant 0 : index
    %get3A_29 = vector.load %arg6[%get3A_27, %get3A_28] : memref<128x16xf32, #tpu.memory_space<vmem>>, vector<128x16xf32>
    %dot_general3A_30 = arith.constant dense<0.000000e+00> : vector<1000x16xf32>
    %dot_general3A_31 = tpu.matmul %get3A_4, %get3A_29, %dot_general3A_30 {dimension_numbers = #tpu.dot_dimension_numbers<[1], [0], [0], [1], [0, 0, 1, 1], [], []>, transpose_lhs_hint = false} : vector<1000x128xf32>, vector<128x16xf32>, vector<1000x16xf32> -> vector<1000x16xf32>
    %swap3A_32 = arith.constant 0 : index
    %swap3A_33 = arith.constant 0 : index
    %swap3A_34 = vector.load %arg12[%swap3A_32, %swap3A_33] : memref<1000x16xf32, #tpu.memory_space<vmem>>, vector<1000x16xf32>
    tpu.vector_store %arg12[%swap3A_32, %swap3A_33], %dot_general3A_31 {strides = array<i32>} : memref<1000x16xf32, #tpu.memory_space<vmem>>, vector<1000x16xf32>,
    %get3A_35 = arith.constant 0 : index
    %get3A_36 = arith.constant 0 : index
    %get3A_37 = vector.load %arg7[%get3A_35, %get3A_36] : memref<128x16xf32, #tpu.memory_space<vmem>>, vector<128x16xf32>
    %dot_general3A_38 = arith.constant dense<0.000000e+00> : vector<1000x16xf32>
    %dot_general3A_39 = tpu.matmul %get3A_4, %get3A_37, %dot_general3A_38 {dimension_numbers = #tpu.dot_dimension_numbers<[1], [0], [0], [1], [0, 0, 1, 1], [], []>, transpose_lhs_hint = false} : vector<1000x128xf32>, vector<128x16xf32>, vector<1000x16xf32> -> vector<1000x16xf32>
    %swap3A_40 = arith.constant 0 : index
    %swap3A_41 = arith.constant 0 : index
    %swap3A_42 = vector.load %arg13[%swap3A_40, %swap3A_41] : memref<1000x16xf32, #tpu.memory_space<vmem>>, vector<1000x16xf32>
    tpu.vector_store %arg13[%swap3A_40, %swap3A_41], %dot_general3A_39 {strides = array<i32>} : memref<1000x16xf32, #tpu.memory_space<vmem>>, vector<1000x16xf32>,
    %get3A_43 = arith.constant 0 : index
    %get3A_44 = arith.constant 0 : index
    %get3A_45 = vector.load %arg8[%get3A_43, %get3A_44] : memref<128x16xf32, #tpu.memory_space<vmem>>, vector<128x16xf32>
    %dot_general3A_46 = arith.constant dense<0.000000e+00> : vector<1000x16xf32>
    %dot_general3A_47 = tpu.matmul %get3A_1, %get3A_45, %dot_general3A_46 {dimension_numbers = #tpu.dot_dimension_numbers<[1], [0], [0], [1], [0, 0, 1, 1], [], []>, transpose_lhs_hint = false} : vector<1000x128xf32>, vector<128x16xf32>, vector<1000x16xf32> -> vector<1000x16xf32>
    %swap3A_48 = arith.constant 0 : index
    %swap3A_49 = arith.constant 0 : index
    %swap3A_50 = vector.load %arg14[%swap3A_48, %swap3A_49] : memref<1000x16xf32, #tpu.memory_space<vmem>>, vector<1000x16xf32>
    tpu.vector_store %arg14[%swap3A_48, %swap3A_49], %dot_general3A_47 {strides = array<i32>} : memref<1000x16xf32, #tpu.memory_space<vmem>>, vector<1000x16xf32>,
    return
  }
  func.func @transform_0(%arg0: i32) -> (i32, i32) {
    %c0_i32 = arith.constant 0 : i32
    %c0_i32_0 = arith.constant 0 : i32
    return %arg0, %c0_i32 : i32, i32
  }
  func.func @transform_1(%arg0: i32) -> (i32, i32) {
    %c0_i32 = arith.constant 0 : i32
    %c0_i32_0 = arith.constant 0 : i32
    return %arg0, %c0_i32 : i32, i32
  }
  func.func @transform_2(%arg0: i32) -> (i32, i32) {
    %c0_i32 = arith.constant 0 : i32
    %c0_i32_0 = arith.constant 0 : i32
    %c0_i32_1 = arith.constant 0 : i32
    return %c0_i32, %c0_i32_0 : i32, i32
  }
  func.func @transform_3(%arg0: i32) -> (i32, i32) {
    %c0_i32 = arith.constant 0 : i32
    %c0_i32_0 = arith.constant 0 : i32
    %c0_i32_1 = arith.constant 0 : i32
    return %c0_i32, %c0_i32_0 : i32, i32
  }
  func.func @transform_4(%arg0: i32) -> (i32, i32) {
    %c0_i32 = arith.constant 0 : i32
    %c0_i32_0 = arith.constant 0 : i32
    %c0_i32_1 = arith.constant 0 : i32
    return %c0_i32, %c0_i32_0 : i32, i32
  }
  func.func @transform_5(%arg0: i32) -> (i32, i32) {
    %c0_i32 = arith.constant 0 : i32
    %c0_i32_0 = arith.constant 0 : i32
    %c0_i32_1 = arith.constant 0 : i32
    return %c0_i32, %c0_i32_0 : i32, i32
  }
  func.func @transform_6(%arg0: i32) -> (i32, i32) {
    %c0_i32 = arith.constant 0 : i32
    %c0_i32_0 = arith.constant 0 : i32
    %c0_i32_1 = arith.constant 0 : i32
    return %c0_i32, %c0_i32_0 : i32, i32
  }
  func.func @transform_7(%arg0: i32) -> (i32, i32) {
    %c0_i32 = arith.constant 0 : i32
    %c0_i32_0 = arith.constant 0 : i32
    %c0_i32_1 = arith.constant 0 : i32
    return %c0_i32, %c0_i32_0 : i32, i32
  }
  func.func @transform_8(%arg0: i32) -> (i32, i32) {
    %c0_i32 = arith.constant 0 : i32
    %c0_i32_0 = arith.constant 0 : i32
    return %arg0, %c0_i32 : i32, i32
  }
  func.func @transform_9(%arg0: i32) -> (i32, i32) {
    %c0_i32 = arith.constant 0 : i32
    %c0_i32_0 = arith.constant 0 : i32
    return %arg0, %c0_i32 : i32, i32
  }
  func.func @transform_10(%arg0: i32) -> (i32, i32) {
    %c0_i32 = arith.constant 0 : i32
    %c0_i32_0 = arith.constant 0 : i32
    return %arg0, %c0_i32 : i32, i32
  }
  func.func @transform_11(%arg0: i32) -> (i32, i32) {
    %c0_i32 = arith.constant 0 : i32
    %c0_i32_0 = arith.constant 0 : i32
    return %arg0, %c0_i32 : i32, i32
  }
  func.func @transform_12(%arg0: i32) -> (i32, i32) {
    %c0_i32 = arith.constant 0 : i32
    %c0_i32_0 = arith.constant 0 : i32
    return %arg0, %c0_i32 : i32, i32
  }
  func.func @transform_13(%arg0: i32) -> (i32, i32) {
    %c0_i32 = arith.constant 0 : i32
    %c0_i32_0 = arith.constant 0 : i32
    return %arg0, %c0_i32 : i32, i32
  }
}

module attributes {stable_mosaic.version = 14 : i64} {
  func.func @_tc3_body(%arg0: i32, %arg1: memref<2000x128xf32, #tpu.memory_space<vmem>>, %arg2: memref<2000x128xf32, #tpu.memory_space<vmem>>, %arg3: memref<2000x128xf32, #tpu.memory_space<vmem>>, %arg4: memref<2000x128xf32, #tpu.memory_space<vmem>>, %arg5: memref<2000x128xf32, #tpu.memory_space<vmem>>, %arg6: memref<2000x128xf32, #tpu.memory_space<vmem>>, %arg7: memref<2000x128xf32, #tpu.memory_space<vmem>>, %arg8: memref<2000x128xf32, #tpu.memory_space<vmem>>, %arg9: memref<2000x128xf32, #tpu.memory_space<vmem>>, %arg10: memref<128x128xf32, #tpu.memory_space<vmem>>, %arg11: memref<128x128xf32, #tpu.memory_space<vmem>>, %arg12: memref<128x128xf32, #tpu.memory_space<vmem>>, %arg13: memref<2000x128xf32, #tpu.memory_space<vmem>>, %arg14: memref<2000x128xf32, #tpu.memory_space<vmem>>, %arg15: memref<2000x128xf32, #tpu.memory_space<vmem>>) attributes {dimension_semantics = [#tpu.dimension_semantics<arbitrary>], iteration_bounds = array<i64: 10>, scalar_prefetch = 0 : i64, scratch_operands = 0 : i64, tpu.core_type = #tpu.core_type<tc>, window_params = [{transform_indices = @transform_0, window_bounds = array<i64: 2000, 128>}, {transform_indices = @transform_1, window_bounds = array<i64: 2000, 128>}, {transform_indices = @transform_2, window_bounds = array<i64: 2000, 128>}, {transform_indices = @transform_3, window_bounds = array<i64: 2000, 128>}, {transform_indices = @transform_4, window_bounds = array<i64: 2000, 128>}, {transform_indices = @transform_5, window_bounds = array<i64: 2000, 128>}, {transform_indices = @transform_6, window_bounds = array<i64: 2000, 128>}, {transform_indices = @transform_7, window_bounds = array<i64: 2000, 128>}, {transform_indices = @transform_8, window_bounds = array<i64: 2000, 128>}, {pipeline_mode = #tpu.pipeline_mode<synchronous>, transform_indices = @transform_9, window_bounds = array<i64: 128, 128>}, {pipeline_mode = #tpu.pipeline_mode<synchronous>, transform_indices = @transform_10, window_bounds = array<i64: 128, 128>}, {pipeline_mode = #tpu.pipeline_mode<synchronous>, transform_indices = @transform_11, window_bounds = array<i64: 128, 128>}, {transform_indices = @transform_12, window_bounds = array<i64: 2000, 128>}, {transform_indices = @transform_13, window_bounds = array<i64: 2000, 128>}, {transform_indices = @transform_14, window_bounds = array<i64: 2000, 128>}]} {
    %get3A = arith.constant 0 : index
    %get3A_0 = arith.constant 0 : index
    %get3A_1 = vector.load %arg1[%get3A, %get3A_0] : memref<2000x128xf32, #tpu.memory_space<vmem>>, vector<2000x128xf32>
    %get3A_2 = arith.constant 0 : index
    %get3A_3 = arith.constant 0 : index
    %get3A_4 = vector.load %arg2[%get3A_2, %get3A_3] : memref<2000x128xf32, #tpu.memory_space<vmem>>, vector<2000x128xf32>
    %add3A = arith.addf %get3A_1, %get3A_4 : vector<2000x128xf32>
    %get3A_5 = arith.constant 0 : index
    %get3A_6 = arith.constant 0 : index
    %get3A_7 = vector.load %arg3[%get3A_5, %get3A_6] : memref<2000x128xf32, #tpu.memory_space<vmem>>, vector<2000x128xf32>
    %get3A_8 = arith.constant 0 : index
    %get3A_9 = arith.constant 0 : index
    %get3A_10 = vector.load %arg10[%get3A_8, %get3A_9] : memref<128x128xf32, #tpu.memory_space<vmem>>, vector<128x128xf32>
    %dot_general3A = arith.constant dense<0.000000e+00> : vector<2000x128xf32>
    %dot_general3A_11 = tpu.matmul %get3A_7, %get3A_10, %dot_general3A {dimension_numbers = #tpu.dot_dimension_numbers<[1], [0], [0], [1], [0, 0, 1, 1], [], []>, transpose_lhs_hint = false} : vector<2000x128xf32>, vector<128x128xf32>, vector<2000x128xf32> -> vector<2000x128xf32>
    %add3A_12 = arith.addf %add3A, %dot_general3A_11 : vector<2000x128xf32>
    %max3A = arith.constant 0.000000e+00 : f32
    %max3A_13 = vector.broadcast %max3A : f32 to vector<2000x128xf32>
    %max3A_14 = arith.maximumf %add3A_12, %max3A_13 : vector<2000x128xf32>
    %swap3A = arith.constant 0 : index
    %swap3A_15 = arith.constant 0 : index
    %swap3A_16 = vector.load %arg13[%swap3A, %swap3A_15] : memref<2000x128xf32, #tpu.memory_space<vmem>>, vector<2000x128xf32>
    tpu.vector_store %arg13[%swap3A, %swap3A_15], %max3A_14 {strides = array<i32>} : memref<2000x128xf32, #tpu.memory_space<vmem>>, vector<2000x128xf32>,
    %get3A_17 = arith.constant 0 : index
    %get3A_18 = arith.constant 0 : index
    %get3A_19 = vector.load %arg4[%get3A_17, %get3A_18] : memref<2000x128xf32, #tpu.memory_space<vmem>>, vector<2000x128xf32>
    %get3A_20 = arith.constant 0 : index
    %get3A_21 = arith.constant 0 : index
    %get3A_22 = vector.load %arg5[%get3A_20, %get3A_21] : memref<2000x128xf32, #tpu.memory_space<vmem>>, vector<2000x128xf32>
    %add3A_23 = arith.addf %get3A_19, %get3A_22 : vector<2000x128xf32>
    %get3A_24 = arith.constant 0 : index
    %get3A_25 = arith.constant 0 : index
    %get3A_26 = vector.load %arg6[%get3A_24, %get3A_25] : memref<2000x128xf32, #tpu.memory_space<vmem>>, vector<2000x128xf32>
    %get3A_27 = arith.constant 0 : index
    %get3A_28 = arith.constant 0 : index
    %get3A_29 = vector.load %arg11[%get3A_27, %get3A_28] : memref<128x128xf32, #tpu.memory_space<vmem>>, vector<128x128xf32>
    %dot_general3A_30 = arith.constant dense<0.000000e+00> : vector<2000x128xf32>
    %dot_general3A_31 = tpu.matmul %get3A_26, %get3A_29, %dot_general3A_30 {dimension_numbers = #tpu.dot_dimension_numbers<[1], [0], [0], [1], [0, 0, 1, 1], [], []>, transpose_lhs_hint = false} : vector<2000x128xf32>, vector<128x128xf32>, vector<2000x128xf32> -> vector<2000x128xf32>
    %add3A_32 = arith.addf %add3A_23, %dot_general3A_31 : vector<2000x128xf32>
    %max3A_33 = arith.constant 0.000000e+00 : f32
    %max3A_34 = vector.broadcast %max3A_33 : f32 to vector<2000x128xf32>
    %max3A_35 = arith.maximumf %add3A_32, %max3A_34 : vector<2000x128xf32>
    %swap3A_36 = arith.constant 0 : index
    %swap3A_37 = arith.constant 0 : index
    %swap3A_38 = vector.load %arg14[%swap3A_36, %swap3A_37] : memref<2000x128xf32, #tpu.memory_space<vmem>>, vector<2000x128xf32>
    tpu.vector_store %arg14[%swap3A_36, %swap3A_37], %max3A_35 {strides = array<i32>} : memref<2000x128xf32, #tpu.memory_space<vmem>>, vector<2000x128xf32>,
    %get3A_39 = arith.constant 0 : index
    %get3A_40 = arith.constant 0 : index
    %get3A_41 = vector.load %arg7[%get3A_39, %get3A_40] : memref<2000x128xf32, #tpu.memory_space<vmem>>, vector<2000x128xf32>
    %get3A_42 = arith.constant 0 : index
    %get3A_43 = arith.constant 0 : index
    %get3A_44 = vector.load %arg8[%get3A_42, %get3A_43] : memref<2000x128xf32, #tpu.memory_space<vmem>>, vector<2000x128xf32>
    %add3A_45 = arith.addf %get3A_41, %get3A_44 : vector<2000x128xf32>
    %get3A_46 = arith.constant 0 : index
    %get3A_47 = arith.constant 0 : index
    %get3A_48 = vector.load %arg9[%get3A_46, %get3A_47] : memref<2000x128xf32, #tpu.memory_space<vmem>>, vector<2000x128xf32>
    %get3A_49 = arith.constant 0 : index
    %get3A_50 = arith.constant 0 : index
    %get3A_51 = vector.load %arg12[%get3A_49, %get3A_50] : memref<128x128xf32, #tpu.memory_space<vmem>>, vector<128x128xf32>
    %dot_general3A_52 = arith.constant dense<0.000000e+00> : vector<2000x128xf32>
    %dot_general3A_53 = tpu.matmul %get3A_48, %get3A_51, %dot_general3A_52 {dimension_numbers = #tpu.dot_dimension_numbers<[1], [0], [0], [1], [0, 0, 1, 1], [], []>, transpose_lhs_hint = false} : vector<2000x128xf32>, vector<128x128xf32>, vector<2000x128xf32> -> vector<2000x128xf32>
    %add3A_54 = arith.addf %add3A_45, %dot_general3A_53 : vector<2000x128xf32>
    %max3A_55 = arith.constant 0.000000e+00 : f32
    %max3A_56 = vector.broadcast %max3A_55 : f32 to vector<2000x128xf32>
    %max3A_57 = arith.maximumf %add3A_54, %max3A_56 : vector<2000x128xf32>
    %swap3A_58 = arith.constant 0 : index
    %swap3A_59 = arith.constant 0 : index
    %swap3A_60 = vector.load %arg15[%swap3A_58, %swap3A_59] : memref<2000x128xf32, #tpu.memory_space<vmem>>, vector<2000x128xf32>
    tpu.vector_store %arg15[%swap3A_58, %swap3A_59], %max3A_57 {strides = array<i32>} : memref<2000x128xf32, #tpu.memory_space<vmem>>, vector<2000x128xf32>,
    return
  }
  func.func @transform_0(%arg0: i32) -> (i32, i32) {
    %c0_i32 = arith.constant 0 : i32
    %c0_i32_0 = arith.constant 0 : i32
    return %arg0, %c0_i32 : i32, i32
  }
  func.func @transform_1(%arg0: i32) -> (i32, i32) {
    %c0_i32 = arith.constant 0 : i32
    %c0_i32_0 = arith.constant 0 : i32
    return %arg0, %c0_i32 : i32, i32
  }
  func.func @transform_2(%arg0: i32) -> (i32, i32) {
    %c0_i32 = arith.constant 0 : i32
    %c0_i32_0 = arith.constant 0 : i32
    return %arg0, %c0_i32 : i32, i32
  }
  func.func @transform_3(%arg0: i32) -> (i32, i32) {
    %c0_i32 = arith.constant 0 : i32
    %c0_i32_0 = arith.constant 0 : i32
    return %arg0, %c0_i32 : i32, i32
  }
  func.func @transform_4(%arg0: i32) -> (i32, i32) {
    %c0_i32 = arith.constant 0 : i32
    %c0_i32_0 = arith.constant 0 : i32
    return %arg0, %c0_i32 : i32, i32
  }
  func.func @transform_5(%arg0: i32) -> (i32, i32) {
    %c0_i32 = arith.constant 0 : i32
    %c0_i32_0 = arith.constant 0 : i32
    return %arg0, %c0_i32 : i32, i32
  }
  func.func @transform_6(%arg0: i32) -> (i32, i32) {
    %c0_i32 = arith.constant 0 : i32
    %c0_i32_0 = arith.constant 0 : i32
    return %arg0, %c0_i32 : i32, i32
  }
  func.func @transform_7(%arg0: i32) -> (i32, i32) {
    %c0_i32 = arith.constant 0 : i32
    %c0_i32_0 = arith.constant 0 : i32
    return %arg0, %c0_i32 : i32, i32
  }
  func.func @transform_8(%arg0: i32) -> (i32, i32) {
    %c0_i32 = arith.constant 0 : i32
    %c0_i32_0 = arith.constant 0 : i32
    return %arg0, %c0_i32 : i32, i32
  }
  func.func @transform_9(%arg0: i32) -> (i32, i32) {
    %c0_i32 = arith.constant 0 : i32
    %c0_i32_0 = arith.constant 0 : i32
    %c0_i32_1 = arith.constant 0 : i32
    return %c0_i32, %c0_i32_0 : i32, i32
  }
  func.func @transform_10(%arg0: i32) -> (i32, i32) {
    %c0_i32 = arith.constant 0 : i32
    %c0_i32_0 = arith.constant 0 : i32
    %c0_i32_1 = arith.constant 0 : i32
    return %c0_i32, %c0_i32_0 : i32, i32
  }
  func.func @transform_11(%arg0: i32) -> (i32, i32) {
    %c0_i32 = arith.constant 0 : i32
    %c0_i32_0 = arith.constant 0 : i32
    %c0_i32_1 = arith.constant 0 : i32
    return %c0_i32, %c0_i32_0 : i32, i32
  }
  func.func @transform_12(%arg0: i32) -> (i32, i32) {
    %c0_i32 = arith.constant 0 : i32
    %c0_i32_0 = arith.constant 0 : i32
    return %arg0, %c0_i32 : i32, i32
  }
  func.func @transform_13(%arg0: i32) -> (i32, i32) {
    %c0_i32 = arith.constant 0 : i32
    %c0_i32_0 = arith.constant 0 : i32
    return %arg0, %c0_i32 : i32, i32
  }
  func.func @transform_14(%arg0: i32) -> (i32, i32) {
    %c0_i32 = arith.constant 0 : i32
    %c0_i32_0 = arith.constant 0 : i32
    return %arg0, %c0_i32 : i32, i32
  }
}

module attributes {stable_mosaic.version = 14 : i64} {
  func.func @_tc2_body(%arg0: i32, %arg1: memref<2x1000x128xbf16, #tpu.memory_space<vmem>>, %arg2: memref<2x1000x16xf32, #tpu.memory_space<vmem>>, %arg3: memref<2x1000x128xbf16, #tpu.memory_space<vmem>>, %arg4: memref<2x1000x16xf32, #tpu.memory_space<vmem>>, %arg5: memref<2x1000x128xbf16, #tpu.memory_space<vmem>>, %arg6: memref<2x1000x16xf32, #tpu.memory_space<vmem>>, %arg7: memref<1000x128xf32, #tpu.memory_space<vmem>>, %arg8: memref<1000x128xf32, #tpu.memory_space<vmem>>, %arg9: memref<128x128xf32, #tpu.memory_space<vmem>>, %arg10: memref<16x128xf32, #tpu.memory_space<vmem>>, %arg11: memref<128x128xf32, #tpu.memory_space<vmem>>, %arg12: memref<128x128xf32, #tpu.memory_space<vmem>>, %arg13: memref<16x128xf32, #tpu.memory_space<vmem>>, %arg14: memref<128x128xf32, #tpu.memory_space<vmem>>, %arg15: memref<128x128xf32, #tpu.memory_space<vmem>>, %arg16: memref<16x128xf32, #tpu.memory_space<vmem>>, %arg17: memref<128x128xf32, #tpu.memory_space<vmem>>, %arg18: memref<1000x128xf32, #tpu.memory_space<vmem>>, %arg19: memref<1000x128xf32, #tpu.memory_space<vmem>>) attributes {dimension_semantics = [#tpu.dimension_semantics<arbitrary>], iteration_bounds = array<i64: 10>, scalar_prefetch = 0 : i64, scratch_operands = 0 : i64, tpu.core_type = #tpu.core_type<tc>, window_params = [{transform_indices = @transform_0, window_bounds = array<i64: 2, 1000, 128>}, {transform_indices = @transform_1, window_bounds = array<i64: 2, 1000, 16>}, {transform_indices = @transform_2, window_bounds = array<i64: 2, 1000, 128>}, {transform_indices = @transform_3, window_bounds = array<i64: 2, 1000, 16>}, {transform_indices = @transform_4, window_bounds = array<i64: 2, 1000, 128>}, {transform_indices = @transform_5, window_bounds = array<i64: 2, 1000, 16>}, {transform_indices = @transform_6, window_bounds = array<i64: 1000, 128>}, {transform_indices = @transform_7, window_bounds = array<i64: 1000, 128>}, {pipeline_mode = #tpu.pipeline_mode<synchronous>, transform_indices = @transform_8, window_bounds = array<i64: 128, 128>}, {pipeline_mode = #tpu.pipeline_mode<synchronous>, transform_indices = @transform_9, window_bounds = array<i64: 16, 128>}, {pipeline_mode = #tpu.pipeline_mode<synchronous>, transform_indices = @transform_10, window_bounds = array<i64: 128, 128>}, {pipeline_mode = #tpu.pipeline_mode<synchronous>, transform_indices = @transform_11, window_bounds = array<i64: 128, 128>}, {pipeline_mode = #tpu.pipeline_mode<synchronous>, transform_indices = @transform_12, window_bounds = array<i64: 16, 128>}, {pipeline_mode = #tpu.pipeline_mode<synchronous>, transform_indices = @transform_13, window_bounds = array<i64: 128, 128>}, {pipeline_mode = #tpu.pipeline_mode<synchronous>, transform_indices = @transform_14, window_bounds = array<i64: 128, 128>}, {pipeline_mode = #tpu.pipeline_mode<synchronous>, transform_indices = @transform_15, window_bounds = array<i64: 16, 128>}, {pipeline_mode = #tpu.pipeline_mode<synchronous>, transform_indices = @transform_16, window_bounds = array<i64: 128, 128>}, {transform_indices = @transform_17, window_bounds = array<i64: 1000, 128>}, {transform_indices = @transform_18, window_bounds = array<i64: 1000, 128>}]} {
    %get3A = arith.constant 0 : index
    %get3A_0 = arith.constant 0 : index
    %get3A_1 = vector.load %arg7[%get3A, %get3A_0] : memref<1000x128xf32, #tpu.memory_space<vmem>>, vector<1000x128xf32>
    %get3A_2 = arith.constant 0 : index
    %get3A_3 = arith.constant 0 : index
    %get3A_4 = vector.load %arg8[%get3A_2, %get3A_3] : memref<1000x128xf32, #tpu.memory_space<vmem>>, vector<1000x128xf32>
    %get3A_5 = arith.constant 0 : index
    %get3A_6 = arith.constant 0 : index
    %get3A_7 = arith.constant 0 : index
    %get3A_8 = vector.load %arg1[%get3A_5, %get3A_6, %get3A_7] : memref<2x1000x128xbf16, #tpu.memory_space<vmem>>, vector<2x1000x128xbf16>
    %get3A_9 = arith.constant 0 : index
    %get3A_10 = arith.constant 0 : index
    %get3A_11 = arith.constant 0 : index
    %get3A_12 = vector.load %arg2[%get3A_9, %get3A_10, %get3A_11] : memref<2x1000x16xf32, #tpu.memory_space<vmem>>, vector<2x1000x16xf32>
    %slice3A = vector.extract_strided_slice %get3A_8 {offsets = [0, 0, 0], sizes = [1, 1000, 128], strides = [1, 1, 1]} : vector<2x1000x128xbf16> to vector<1x1000x128xbf16>
    %squeeze3A = vector.shape_cast %slice3A : vector<1x1000x128xbf16> to vector<1000x128xbf16>
    %convert_element_type3A = arith.extf %squeeze3A : vector<1000x128xbf16> to vector<1000x128xf32>
    %slice3A_13 = vector.extract_strided_slice %get3A_8 {offsets = [1, 0, 0], sizes = [1, 1000, 128], strides = [1, 1, 1]} : vector<2x1000x128xbf16> to vector<1x1000x128xbf16>
    %squeeze3A_14 = vector.shape_cast %slice3A_13 : vector<1x1000x128xbf16> to vector<1000x128xbf16>
    %convert_element_type3A_15 = arith.extf %squeeze3A_14 : vector<1000x128xbf16> to vector<1000x128xf32>
    %add3A = arith.addf %convert_element_type3A, %convert_element_type3A_15 : vector<1000x128xf32>
    %get3A_16 = arith.constant 0 : index
    %get3A_17 = arith.constant 0 : index
    %get3A_18 = vector.load %arg9[%get3A_16, %get3A_17] : memref<128x128xf32, #tpu.memory_space<vmem>>, vector<128x128xf32>
    %dot_general3A = arith.constant dense<0.000000e+00> : vector<1000x128xf32>
    %dot_general3A_19 = tpu.matmul %add3A, %get3A_18, %dot_general3A {dimension_numbers = #tpu.dot_dimension_numbers<[1], [0], [0], [1], [0, 0, 1, 1], [], []>, transpose_lhs_hint = false} : vector<1000x128xf32>, vector<128x128xf32>, vector<1000x128xf32> -> vector<1000x128xf32>
    %slice3A_20 = vector.extract_strided_slice %get3A_12 {offsets = [0, 0, 0], sizes = [1, 1000, 16], strides = [1, 1, 1]} : vector<2x1000x16xf32> to vector<1x1000x16xf32>
    %squeeze3A_21 = vector.shape_cast %slice3A_20 : vector<1x1000x16xf32> to vector<1000x16xf32>
    %slice3A_22 = vector.extract_strided_slice %get3A_12 {offsets = [1, 0, 0], sizes = [1, 1000, 16], strides = [1, 1, 1]} : vector<2x1000x16xf32> to vector<1x1000x16xf32>
    %squeeze3A_23 = vector.shape_cast %slice3A_22 : vector<1x1000x16xf32> to vector<1000x16xf32>
    %add3A_24 = arith.addf %squeeze3A_21, %squeeze3A_23 : vector<1000x16xf32>
    %get3A_25 = arith.constant 0 : index
    %get3A_26 = arith.constant 0 : index
    %get3A_27 = vector.load %arg10[%get3A_25, %get3A_26] : memref<16x128xf32, #tpu.memory_space<vmem>>, vector<16x128xf32>
    %dot_general3A_28 = arith.constant dense<0.000000e+00> : vector<1000x128xf32>
    %dot_general3A_29 = tpu.matmul %add3A_24, %get3A_27, %dot_general3A_28 {dimension_numbers = #tpu.dot_dimension_numbers<[1], [0], [0], [1], [0, 0, 1, 1], [], []>, transpose_lhs_hint = false} : vector<1000x16xf32>, vector<16x128xf32>, vector<1000x128xf32> -> vector<1000x128xf32>
    %add3A_30 = arith.addf %dot_general3A_19, %dot_general3A_29 : vector<1000x128xf32>
    %get3A_31 = arith.constant 0 : index
    %get3A_32 = arith.constant 0 : index
    %get3A_33 = vector.load %arg11[%get3A_31, %get3A_32] : memref<128x128xf32, #tpu.memory_space<vmem>>, vector<128x128xf32>
    %dot_general3A_34 = arith.constant dense<0.000000e+00> : vector<1000x128xf32>
    %dot_general3A_35 = tpu.matmul %get3A_1, %get3A_33, %dot_general3A_34 {dimension_numbers = #tpu.dot_dimension_numbers<[1], [0], [0], [1], [0, 0, 1, 1], [], []>, transpose_lhs_hint = false} : vector<1000x128xf32>, vector<128x128xf32>, vector<1000x128xf32> -> vector<1000x128xf32>
    %add3A_36 = arith.addf %add3A_30, %dot_general3A_35 : vector<1000x128xf32>
    %max3A = arith.constant 0.000000e+00 : f32
    %max3A_37 = vector.broadcast %max3A : f32 to vector<1000x128xf32>
    %max3A_38 = arith.maximumf %add3A_36, %max3A_37 : vector<1000x128xf32>
    %get3A_39 = arith.constant 0 : index
    %get3A_40 = arith.constant 0 : index
    %get3A_41 = arith.constant 0 : index
    %get3A_42 = vector.load %arg3[%get3A_39, %get3A_40, %get3A_41] : memref<2x1000x128xbf16, #tpu.memory_space<vmem>>, vector<2x1000x128xbf16>
    %get3A_43 = arith.constant 0 : index
    %get3A_44 = arith.constant 0 : index
    %get3A_45 = arith.constant 0 : index
    %get3A_46 = vector.load %arg4[%get3A_43, %get3A_44, %get3A_45] : memref<2x1000x16xf32, #tpu.memory_space<vmem>>, vector<2x1000x16xf32>
    %slice3A_47 = vector.extract_strided_slice %get3A_42 {offsets = [0, 0, 0], sizes = [1, 1000, 128], strides = [1, 1, 1]} : vector<2x1000x128xbf16> to vector<1x1000x128xbf16>
    %squeeze3A_48 = vector.shape_cast %slice3A_47 : vector<1x1000x128xbf16> to vector<1000x128xbf16>
    %convert_element_type3A_49 = arith.extf %squeeze3A_48 : vector<1000x128xbf16> to vector<1000x128xf32>
    %slice3A_50 = vector.extract_strided_slice %get3A_42 {offsets = [1, 0, 0], sizes = [1, 1000, 128], strides = [1, 1, 1]} : vector<2x1000x128xbf16> to vector<1x1000x128xbf16>
    %squeeze3A_51 = vector.shape_cast %slice3A_50 : vector<1x1000x128xbf16> to vector<1000x128xbf16>
    %convert_element_type3A_52 = arith.extf %squeeze3A_51 : vector<1000x128xbf16> to vector<1000x128xf32>
    %add3A_53 = arith.addf %convert_element_type3A_49, %convert_element_type3A_52 : vector<1000x128xf32>
    %get3A_54 = arith.constant 0 : index
    %get3A_55 = arith.constant 0 : index
    %get3A_56 = vector.load %arg12[%get3A_54, %get3A_55] : memref<128x128xf32, #tpu.memory_space<vmem>>, vector<128x128xf32>
    %dot_general3A_57 = arith.constant dense<0.000000e+00> : vector<1000x128xf32>
    %dot_general3A_58 = tpu.matmul %add3A_53, %get3A_56, %dot_general3A_57 {dimension_numbers = #tpu.dot_dimension_numbers<[1], [0], [0], [1], [0, 0, 1, 1], [], []>, transpose_lhs_hint = false} : vector<1000x128xf32>, vector<128x128xf32>, vector<1000x128xf32> -> vector<1000x128xf32>
    %slice3A_59 = vector.extract_strided_slice %get3A_46 {offsets = [0, 0, 0], sizes = [1, 1000, 16], strides = [1, 1, 1]} : vector<2x1000x16xf32> to vector<1x1000x16xf32>
    %squeeze3A_60 = vector.shape_cast %slice3A_59 : vector<1x1000x16xf32> to vector<1000x16xf32>
    %slice3A_61 = vector.extract_strided_slice %get3A_46 {offsets = [1, 0, 0], sizes = [1, 1000, 16], strides = [1, 1, 1]} : vector<2x1000x16xf32> to vector<1x1000x16xf32>
    %squeeze3A_62 = vector.shape_cast %slice3A_61 : vector<1x1000x16xf32> to vector<1000x16xf32>
    %add3A_63 = arith.addf %squeeze3A_60, %squeeze3A_62 : vector<1000x16xf32>
    %get3A_64 = arith.constant 0 : index
    %get3A_65 = arith.constant 0 : index
    %get3A_66 = vector.load %arg13[%get3A_64, %get3A_65] : memref<16x128xf32, #tpu.memory_space<vmem>>, vector<16x128xf32>
    %dot_general3A_67 = arith.constant dense<0.000000e+00> : vector<1000x128xf32>
    %dot_general3A_68 = tpu.matmul %add3A_63, %get3A_66, %dot_general3A_67 {dimension_numbers = #tpu.dot_dimension_numbers<[1], [0], [0], [1], [0, 0, 1, 1], [], []>, transpose_lhs_hint = false} : vector<1000x16xf32>, vector<16x128xf32>, vector<1000x128xf32> -> vector<1000x128xf32>
    %add3A_69 = arith.addf %dot_general3A_58, %dot_general3A_68 : vector<1000x128xf32>
    %get3A_70 = arith.constant 0 : index
    %get3A_71 = arith.constant 0 : index
    %get3A_72 = vector.load %arg14[%get3A_70, %get3A_71] : memref<128x128xf32, #tpu.memory_space<vmem>>, vector<128x128xf32>
    %dot_general3A_73 = arith.constant dense<0.000000e+00> : vector<1000x128xf32>
    %dot_general3A_74 = tpu.matmul %get3A_4, %get3A_72, %dot_general3A_73 {dimension_numbers = #tpu.dot_dimension_numbers<[1], [0], [0], [1], [0, 0, 1, 1], [], []>, transpose_lhs_hint = false} : vector<1000x128xf32>, vector<128x128xf32>, vector<1000x128xf32> -> vector<1000x128xf32>
    %add3A_75 = arith.addf %add3A_69, %dot_general3A_74 : vector<1000x128xf32>
    %max3A_76 = arith.constant 0.000000e+00 : f32
    %max3A_77 = vector.broadcast %max3A_76 : f32 to vector<1000x128xf32>
    %max3A_78 = arith.maximumf %add3A_75, %max3A_77 : vector<1000x128xf32>
    %get3A_79 = arith.constant 0 : index
    %get3A_80 = arith.constant 0 : index
    %get3A_81 = arith.constant 0 : index
    %get3A_82 = vector.load %arg5[%get3A_79, %get3A_80, %get3A_81] : memref<2x1000x128xbf16, #tpu.memory_space<vmem>>, vector<2x1000x128xbf16>
    %get3A_83 = arith.constant 0 : index
    %get3A_84 = arith.constant 0 : index
    %get3A_85 = arith.constant 0 : index
    %get3A_86 = vector.load %arg6[%get3A_83, %get3A_84, %get3A_85] : memref<2x1000x16xf32, #tpu.memory_space<vmem>>, vector<2x1000x16xf32>
    %slice3A_87 = vector.extract_strided_slice %get3A_82 {offsets = [0, 0, 0], sizes = [1, 1000, 128], strides = [1, 1, 1]} : vector<2x1000x128xbf16> to vector<1x1000x128xbf16>
    %squeeze3A_88 = vector.shape_cast %slice3A_87 : vector<1x1000x128xbf16> to vector<1000x128xbf16>
    %convert_element_type3A_89 = arith.extf %squeeze3A_88 : vector<1000x128xbf16> to vector<1000x128xf32>
    %slice3A_90 = vector.extract_strided_slice %get3A_82 {offsets = [1, 0, 0], sizes = [1, 1000, 128], strides = [1, 1, 1]} : vector<2x1000x128xbf16> to vector<1x1000x128xbf16>
    %squeeze3A_91 = vector.shape_cast %slice3A_90 : vector<1x1000x128xbf16> to vector<1000x128xbf16>
    %convert_element_type3A_92 = arith.extf %squeeze3A_91 : vector<1000x128xbf16> to vector<1000x128xf32>
    %add3A_93 = arith.addf %convert_element_type3A_89, %convert_element_type3A_92 : vector<1000x128xf32>
    %get3A_94 = arith.constant 0 : index
    %get3A_95 = arith.constant 0 : index
    %get3A_96 = vector.load %arg15[%get3A_94, %get3A_95] : memref<128x128xf32, #tpu.memory_space<vmem>>, vector<128x128xf32>
    %dot_general3A_97 = arith.constant dense<0.000000e+00> : vector<1000x128xf32>
    %dot_general3A_98 = tpu.matmul %add3A_93, %get3A_96, %dot_general3A_97 {dimension_numbers = #tpu.dot_dimension_numbers<[1], [0], [0], [1], [0, 0, 1, 1], [], []>, transpose_lhs_hint = false} : vector<1000x128xf32>, vector<128x128xf32>, vector<1000x128xf32> -> vector<1000x128xf32>
    %slice3A_99 = vector.extract_strided_slice %get3A_86 {offsets = [0, 0, 0], sizes = [1, 1000, 16], strides = [1, 1, 1]} : vector<2x1000x16xf32> to vector<1x1000x16xf32>
    %squeeze3A_100 = vector.shape_cast %slice3A_99 : vector<1x1000x16xf32> to vector<1000x16xf32>
    %slice3A_101 = vector.extract_strided_slice %get3A_86 {offsets = [1, 0, 0], sizes = [1, 1000, 16], strides = [1, 1, 1]} : vector<2x1000x16xf32> to vector<1x1000x16xf32>
    %squeeze3A_102 = vector.shape_cast %slice3A_101 : vector<1x1000x16xf32> to vector<1000x16xf32>
    %add3A_103 = arith.addf %squeeze3A_100, %squeeze3A_102 : vector<1000x16xf32>
    %get3A_104 = arith.constant 0 : index
    %get3A_105 = arith.constant 0 : index
    %get3A_106 = vector.load %arg16[%get3A_104, %get3A_105] : memref<16x128xf32, #tpu.memory_space<vmem>>, vector<16x128xf32>
    %dot_general3A_107 = arith.constant dense<0.000000e+00> : vector<1000x128xf32>
    %dot_general3A_108 = tpu.matmul %add3A_103, %get3A_106, %dot_general3A_107 {dimension_numbers = #tpu.dot_dimension_numbers<[1], [0], [0], [1], [0, 0, 1, 1], [], []>, transpose_lhs_hint = false} : vector<1000x16xf32>, vector<16x128xf32>, vector<1000x128xf32> -> vector<1000x128xf32>
    %add3A_109 = arith.addf %dot_general3A_98, %dot_general3A_108 : vector<1000x128xf32>
    %get3A_110 = arith.constant 0 : index
    %get3A_111 = arith.constant 0 : index
    %get3A_112 = vector.load %arg17[%get3A_110, %get3A_111] : memref<128x128xf32, #tpu.memory_space<vmem>>, vector<128x128xf32>
    %dot_general3A_113 = arith.constant dense<0.000000e+00> : vector<1000x128xf32>
    %dot_general3A_114 = tpu.matmul %get3A_1, %get3A_112, %dot_general3A_113 {dimension_numbers = #tpu.dot_dimension_numbers<[1], [0], [0], [1], [0, 0, 1, 1], [], []>, transpose_lhs_hint = false} : vector<1000x128xf32>, vector<128x128xf32>, vector<1000x128xf32> -> vector<1000x128xf32>
    %add3A_115 = arith.addf %add3A_109, %dot_general3A_114 : vector<1000x128xf32>
    %max3A_116 = arith.constant 0.000000e+00 : f32
    %max3A_117 = vector.broadcast %max3A_116 : f32 to vector<1000x128xf32>
    %max3A_118 = arith.maximumf %add3A_115, %max3A_117 : vector<1000x128xf32>
    %add3A_119 = arith.addf %max3A_38, %max3A_118 : vector<1000x128xf32>
    %mul3A = arith.constant 5.000000e-01 : f32
    %mul3A_120 = vector.broadcast %mul3A : f32 to vector<1000x128xf32>
    %mul3A_121 = arith.mulf %mul3A_120, %add3A_119 : vector<1000x128xf32>
    %swap3A = arith.constant 0 : index
    %swap3A_122 = arith.constant 0 : index
    %swap3A_123 = vector.load %arg18[%swap3A, %swap3A_122] : memref<1000x128xf32, #tpu.memory_space<vmem>>, vector<1000x128xf32>
    tpu.vector_store %arg18[%swap3A, %swap3A_122], %mul3A_121 {strides = array<i32>} : memref<1000x128xf32, #tpu.memory_space<vmem>>, vector<1000x128xf32>,
    %swap3A_124 = arith.constant 0 : index
    %swap3A_125 = arith.constant 0 : index
    %swap3A_126 = vector.load %arg19[%swap3A_124, %swap3A_125] : memref<1000x128xf32, #tpu.memory_space<vmem>>, vector<1000x128xf32>
    tpu.vector_store %arg19[%swap3A_124, %swap3A_125], %max3A_78 {strides = array<i32>} : memref<1000x128xf32, #tpu.memory_space<vmem>>, vector<1000x128xf32>,
    return
  }
  func.func @transform_0(%arg0: i32) -> (i32, i32, i32) {
    %c0_i32 = arith.constant 0 : i32
    %c0_i32_0 = arith.constant 0 : i32
    %c0_i32_1 = arith.constant 0 : i32
    return %c0_i32, %arg0, %c0_i32_0 : i32, i32, i32
  }
  func.func @transform_1(%arg0: i32) -> (i32, i32, i32) {
    %c0_i32 = arith.constant 0 : i32
    %c0_i32_0 = arith.constant 0 : i32
    %c0_i32_1 = arith.constant 0 : i32
    return %c0_i32, %arg0, %c0_i32_0 : i32, i32, i32
  }
  func.func @transform_2(%arg0: i32) -> (i32, i32, i32) {
    %c0_i32 = arith.constant 0 : i32
    %c0_i32_0 = arith.constant 0 : i32
    %c0_i32_1 = arith.constant 0 : i32
    return %c0_i32, %arg0, %c0_i32_0 : i32, i32, i32
  }
  func.func @transform_3(%arg0: i32) -> (i32, i32, i32) {
    %c0_i32 = arith.constant 0 : i32
    %c0_i32_0 = arith.constant 0 : i32
    %c0_i32_1 = arith.constant 0 : i32
    return %c0_i32, %arg0, %c0_i32_0 : i32, i32, i32
  }
  func.func @transform_4(%arg0: i32) -> (i32, i32, i32) {
    %c0_i32 = arith.constant 0 : i32
    %c0_i32_0 = arith.constant 0 : i32
    %c0_i32_1 = arith.constant 0 : i32
    return %c0_i32, %arg0, %c0_i32_0 : i32, i32, i32
  }
  func.func @transform_5(%arg0: i32) -> (i32, i32, i32) {
    %c0_i32 = arith.constant 0 : i32
    %c0_i32_0 = arith.constant 0 : i32
    %c0_i32_1 = arith.constant 0 : i32
    return %c0_i32, %arg0, %c0_i32_0 : i32, i32, i32
  }
  func.func @transform_6(%arg0: i32) -> (i32, i32) {
    %c0_i32 = arith.constant 0 : i32
    %c0_i32_0 = arith.constant 0 : i32
    return %arg0, %c0_i32 : i32, i32
  }
  func.func @transform_7(%arg0: i32) -> (i32, i32) {
    %c0_i32 = arith.constant 0 : i32
    %c0_i32_0 = arith.constant 0 : i32
    return %arg0, %c0_i32 : i32, i32
  }
  func.func @transform_8(%arg0: i32) -> (i32, i32) {
    %c0_i32 = arith.constant 0 : i32
    %c0_i32_0 = arith.constant 0 : i32
    %c0_i32_1 = arith.constant 0 : i32
    return %c0_i32, %c0_i32_0 : i32, i32
  }
  func.func @transform_9(%arg0: i32) -> (i32, i32) {
    %c0_i32 = arith.constant 0 : i32
    %c0_i32_0 = arith.constant 0 : i32
    %c0_i32_1 = arith.constant 0 : i32
    return %c0_i32, %c0_i32_0 : i32, i32
  }
  func.func @transform_10(%arg0: i32) -> (i32, i32) {
    %c0_i32 = arith.constant 0 : i32
    %c0_i32_0 = arith.constant 0 : i32
    %c0_i32_1 = arith.constant 0 : i32
    return %c0_i32, %c0_i32_0 : i32, i32
  }
  func.func @transform_11(%arg0: i32) -> (i32, i32) {
    %c0_i32 = arith.constant 0 : i32
    %c0_i32_0 = arith.constant 0 : i32
    %c0_i32_1 = arith.constant 0 : i32
    return %c0_i32, %c0_i32_0 : i32, i32
  }
  func.func @transform_12(%arg0: i32) -> (i32, i32) {
    %c0_i32 = arith.constant 0 : i32
    %c0_i32_0 = arith.constant 0 : i32
    %c0_i32_1 = arith.constant 0 : i32
    return %c0_i32, %c0_i32_0 : i32, i32
  }
  func.func @transform_13(%arg0: i32) -> (i32, i32) {
    %c0_i32 = arith.constant 0 : i32
    %c0_i32_0 = arith.constant 0 : i32
    %c0_i32_1 = arith.constant 0 : i32
    return %c0_i32, %c0_i32_0 : i32, i32
  }
  func.func @transform_14(%arg0: i32) -> (i32, i32) {
    %c0_i32 = arith.constant 0 : i32
    %c0_i32_0 = arith.constant 0 : i32
    %c0_i32_1 = arith.constant 0 : i32
    return %c0_i32, %c0_i32_0 : i32, i32
  }
  func.func @transform_15(%arg0: i32) -> (i32, i32) {
    %c0_i32 = arith.constant 0 : i32
    %c0_i32_0 = arith.constant 0 : i32
    %c0_i32_1 = arith.constant 0 : i32
    return %c0_i32, %c0_i32_0 : i32, i32
  }
  func.func @transform_16(%arg0: i32) -> (i32, i32) {
    %c0_i32 = arith.constant 0 : i32
    %c0_i32_0 = arith.constant 0 : i32
    %c0_i32_1 = arith.constant 0 : i32
    return %c0_i32, %c0_i32_0 : i32, i32
  }
  func.func @transform_17(%arg0: i32) -> (i32, i32) {
    %c0_i32 = arith.constant 0 : i32
    %c0_i32_0 = arith.constant 0 : i32
    return %arg0, %c0_i32 : i32, i32
  }
  func.func @transform_18(%arg0: i32) -> (i32, i32) {
    %c0_i32 = arith.constant 0 : i32
    %c0_i32_0 = arith.constant 0 : i32
    return %arg0, %c0_i32 : i32, i32
  }
}

</mosaic_0001>

<sc_bundles>
// kernel: kernel.10.cloned.1.call-start
scs
__scs_entry_jumppad:
0x0: {  	(pc) =	sbr.rel $0x88, $3  }
0x1: {  	(tag) =	ssettag $0x0;
	lr =	simm.s32 $0x1  }
0x2: {  	[smem:$0x3F87] =	sst lr;
	_ =	strace $0xD0000000  }
0x3: {  	_ = 	snop  }
0x4: {  	_ = 	snop  }
0x5: {  	_ = 	snop  }
0x6: {  	_ = 	snop  }
0x7: {  	_ = 	snop  }
__scs_overlays_trampoline_lowered:
0x8: {  	[smem:$0x3F96] =	sst s0  }
0x9: {  	[smem:$0x3F97] =	sst s1  }
0xa: {  	[smem:$0x3F98] =	sst s2  }
0xb: {  	[smem:$0x3F99] =	sst s3  }
0xc: {  	[smem:$0x3F9A] =	sst s4  }
0xd: {  	[smem:$0x3F9B] =	sst s5  }
0xe: {  	[smem:$0x3F9C] =	sst s6  }
0xf: {  	[smem:$0x3F9D] =	sst s7  }
0x10: {  	[smem:$0x3F9E] =	sst s8  }
0x11: {  	[smem:$0x3F9F] =	sst s9;
	s0 =	simm.s32 @!p0 $0x0  }
0x12: {  	s1 =	sld [smem:$0x3F85];
	s0 =	simm.s32 @p0 $0x1  }
0x13: {  	[smem:$0x3FA0] =	sst s0;
	s0 =	simm.s32 @!p1 $0x0  }
0x14: {  	s2 =	sld [smem:$0x3F84];
	s0 =	simm.s32 @p1 $0x1  }
0x15: {  	[smem:$0x3FA1] =	sst s0;
	s0 =	simm.s32 @!p2 $0x0  }
0x16: {  	s3 =	sld [smem:$0x3FDB];
	s0 =	simm.s32 @p2 $0x1  }
0x17: {  	s4 =	simm.s32 $0x1BF5;
	[smem:$0x3FA3] =	sst s0  }
0x18: {  	s0 =	sld [smem:$0x3F86];
	_ =	swait.ge [sflag:s4], $0x0  }
0x19: {  	s7 =	sld [smem:$0x3F87]  }
0x1a: {  	s8 =	sadd.s32 $0xFFFFE003, lr  }
0x1b: {  	s9 =	sadd.s32 $0xFFFFFEF7, lr;
	s5 =	simm.s32 $0xFFFFFFFF;
	p2 =	slt.u32 s8, $0xFFFFF086  }
0x1c: {  	p1 =	slt.u32 s9, $0xF7A;
	s5 =	simm.s32 @!p2 $0x0  }
0x1d: {  	s5 =	simm.s32 @p1 $0x1;
	p0 =	seq.s32 s7, s2  }
0x1e: {  	s7 =	smul.u32 @!p0 $0xF7A, s2;
	p2 =	seq.s32 @!p0 s5, $0x0  }
0x1f: {  	s9 =	smul.u32 $0xF7A, s1;
	s8 =	simm.s32 @!p0 $0x1BF5;
	p2 =	por !p2, p0  }
0x20: {  	[sflag:s8] =	ssyncset.s32 @!p0 $0xFFFFF086;
	s6 =	sadd.s32 @!p0 s3, s7;
	s7 =	simm.s32 @!p0 $0x108  }
0x21: {  	s3 =	sadd.s32 s3, s9;
	s6 =	sadd.s32 @!p0 $0x88, s6;
	s7 =	simm.s32 @p2 $0x1082  }
0x22: {  	[simem:s7], [sflag:s8] =	dma.local @!p0 [hbm:s6], $0xF7A  }
0x23: {  	s9 =	sor.u32 $0xD0000000, s2;
	s6 =	simm.s32 $0x108;
	_ =	swait.ge @!p0 [sflag:s8], $0x0  }
0x24: {  	s3 =	sadd.s32 $0x88, s3;
	s6 =	simm.s32 @!p1 $0x1082;
	[sflag:s4] =	ssyncset.s32 $0xFFFFF086  }
0x25: {  	[simem:s6], [sflag:s4] =	dma.local [hbm:s3], $0xF7A  }
0x26: {  	[smem:$0x3F87] =	sst s1;
	(tag) =	ssettag s2;
	_ =	strace s9  }
0x27: {  	s1 =	sld [smem:$0x3F97]  }
0x28: {  	s2 =	sld [smem:$0x3F98]  }
0x29: {  	s4 =	sld [smem:$0x3F9A]  }
0x2a: {  	p0 =	seq.s32 s5, $0x0;
	s5 =	sld [smem:$0x3F9B]  }
0x2b: {  	s6 =	sld [smem:$0x3F9C]  }
0x2c: {  	s7 =	sld [smem:$0x3F9D]  }
0x2d: {  	s3 =	simm.s32 $0x108;
	s8 =	sld [smem:$0x3F9E]  }
0x2e: {  	s3 =	simm.s32 @!p0 $0x1082;
	s9 =	sld [smem:$0x3F9F]  }
0x2f: {  	lr =	sadd.s32 s0, s3;
	s0 =	sld [smem:$0x3F96]  }
0x30: {  	s3 =	sld [smem:$0x3F99]  }
0x31: {  	[smem:$0x3FA2] =	sst s10  }
0x32: {  	s10 =	sld [smem:$0x3FA0];
	_ =	sdelay $0x3  }
0x33: {  	p0 =	seq.s32 s10, $0x1;
	s10 =	sld [smem:$0x3FA2];
	_ =	sdelay $0x3  }
0x34: {  	[smem:$0x3FA2] =	sst s10  }
0x35: {  	s10 =	sld [smem:$0x3FA1];
	_ =	sdelay $0x3  }
0x36: {  	p1 =	seq.s32 s10, $0x1;
	s10 =	sld [smem:$0x3FA2];
	_ =	sdelay $0x3  }
0x37: {  	[smem:$0x3FA2] =	sst s10  }
0x38: {  	s10 =	sld [smem:$0x3FA3]  }
0x39: {  	_ = 	snop;
	(pc) =	sbr.ind lr, $3  }
0x3a: {  	_ = 	snop  }
0x3b: {  	_ = 	snop  }
0x3c: {  	p2 =	seq.s32 s10, $0x1;
	s10 =	sld [smem:$0x3FA2]  }
0x3d: {  	_ =	shalt  }
0x3e: {  	_ =	shalt  }
0x3f: {  	_ =	shalt  }
0x40: {  	_ =	shalt  }
0x41: {  	_ =	shalt  }
0x42: {  	_ =	shalt  }
0x43: {  	_ =	shalt  }
0x44: {  	_ =	shalt  }
0x45: {  	_ =	shalt  }
0x46: {  	_ =	shalt  }
0x47: {  	_ =	shalt  }
0x48: {  	_ =	shalt  }
0x49: {  	_ =	shalt  }
0x4a: {  	_ =	shalt  }
0x4b: {  	_ =	shalt  }
0x4c: {  	_ =	shalt  }
0x4d: {  	_ =	shalt  }
0x4e: {  	_ =	shalt  }
0x4f: {  	_ =	shalt  }
0x50: {  	_ =	shalt  }
0x51: {  	_ =	shalt  }
0x52: {  	_ =	shalt  }
0x53: {  	_ =	shalt  }
0x54: {  	_ =	shalt  }
0x55: {  	_ =	shalt  }
0x56: {  	_ =	shalt  }
0x57: {  	_ =	shalt  }
0x58: {  	_ =	shalt  }
0x59: {  	_ =	shalt  }
0x5a: {  	_ =	shalt  }
0x5b: {  	_ =	shalt  }
0x5c: {  	_ =	shalt  }
0x5d: {  	_ =	shalt  }
0x5e: {  	_ =	shalt  }
0x5f: {  	_ =	shalt  }
0x60: {  	_ =	shalt  }
0x61: {  	_ =	shalt  }
0x62: {  	_ =	shalt  }
0x63: {  	_ =	shalt  }
0x64: {  	_ =	shalt  }
0x65: {  	_ =	shalt  }
0x66: {  	_ =	shalt  }
0x67: {  	_ =	shalt  }
0x68: {  	_ =	shalt  }
0x69: {  	_ =	shalt  }
0x6a: {  	_ =	shalt  }
0x6b: {  	_ =	shalt  }
0x6c: {  	_ =	shalt  }
0x6d: {  	_ =	shalt  }
0x6e: {  	_ =	shalt  }
0x6f: {  	_ =	shalt  }
0x70: {  	_ =	shalt  }
0x71: {  	_ =	shalt  }
0x72: {  	_ =	shalt  }
0x73: {  	_ =	shalt  }
0x74: {  	_ =	shalt  }
0x75: {  	_ =	shalt  }
0x76: {  	_ =	shalt  }
0x77: {  	_ =	shalt  }
0x78: {  	_ =	shalt  }
0x79: {  	_ =	shalt  }
0x7a: {  	_ =	shalt  }
0x7b: {  	_ =	shalt  }
0x7c: {  	_ =	shalt  }
0x7d: {  	_ =	shalt  }
0x7e: {  	_ =	shalt  }
0x7f: {  	_ =	shalt  }
0x80: {  	_ =	shalt  }
0x81: {  	_ =	shalt  }
0x82: {  	_ =	shalt  }
0x83: {  	_ =	shalt  }
0x84: {  	_ =	shalt  }
0x85: {  	_ =	shalt  }
0x86: {  	_ =	shalt  }
0x87: {  	_ =	shalt  }
.Lfunc_end0:
.L_simem_size_0:
called_computation.1_lowered:
.L_overlay_start_0:
0x88: {  	s2 =	sld [smem:$0x3FD9]  }
0x89: {  	s3 =	sld [smem:$0x3FFE];
	_ =	sdelay $0x1  }
0x8a: {  	s1 =	srdreg.scid  }
0x8b: {  	s0 =	sand.u32 $0x1, s1  }
0x8c: {  	s15 =	sshll.u32 s0, $0xA;
	s2 =	sadd.s32 s3, s2  }
0x8d: {  	s2 =	sadd.s32 s2, s15  }
0x8e: {  	[smem:$0x3FAE] =	sst s2  }
0x8f: {  	_ = 	snop  }
0x90: {  	s2 =	sld [smem:$0x3FD0];
	_ =	sdelay $0x2  }
0x91: {  	s16 =	simm.s32 $0xB;
	s4 =	simm.s32 $0x10  }
0x92: {  	[smem:s4], [sflag:s16] =	dma.local [hbm:s2], $0x1  }
0x93: {  	_ =	swait.eq [sflag:s16], $0x1  }
0x94: {  	s17 =	sld [smem:$0x10]  }
0x95: {  	s18 =	sld [smem:$0x11]  }
0x96: {  	s5 =	sld [smem:$0x12];
	[sflag:s16] =	ssyncset.done $0x0  }
0x97: {  	s6 =	sld [smem:$0x13];
	[sflag:s16] =	ssyncadd.s32 $0xFFFFFFFF  }
0x98: {  	s7 =	sld [smem:$0x14];
	(tm) =	ssettm $0x1  }
0x99: {  	s19 =	sld [smem:$0x3FFB];
	_ =	sdelay $0x3  }
0x9a: {  	_ =	strace s19  }
0x9b: {  	s3 =	sld [smem:$0x3FFC];
	_ =	sdelay $0x3  }
0x9c: {  	_ =	strace s3  }
0x9d: {  	s3 =	sld [smem:$0x3FFD];
	_ =	sdelay $0x3  }
0x9e: {  	_ =	strace s3  }
0x9f: {  	_ =	strace $0x8FFFFFFF  }
0xa0: {  	s20 =	sld [smem:$0x3FDB];
	_ =	sdelay $0x1  }
0xa1: {  	s8 =	simm.s32 $_scs_section_size  }
0xa2: {  	s9 =	simm.s32 $_size__tile_overlayer_lowered;
	s10 =	simm.s32 $_tile_overlayer_lowered  }
0xa3: {  	s11 =	simm.s32 $0x1BFF;
	s21 =	sshll.u32 s10, $0x1;
	s8 =	sadd.s32 s8, s20  }
0xa4: {  	s22 =	simm.s32 $0x0;
	s9 =	sshll.u32 s9, $0x1;
	s10 =	sadd.s32 s21, s8  }
0xa5: {  	[timem:s22], [sflag:s11] =	dma.local [hbm:s10], s9  }
0xa6: {  	_ =	swait.ge [sflag:s11], s9  }
0xa7: {  	s9 =	ssub.s32 $0x0, s9;
	[sflag:s11] =	ssyncset.done $0x0  }
0xa8: {  	[sflag:s11] =	ssyncadd.s32 s9;
	_ =	sdelay $0x1  }
0xa9: {  	s23 =	simm.s32 $0x1B8B  }
0xaa: {  	_ =	swait.ge [sflag:s23], $0x1  }
0xab: {  	[sflag:s23] =	ssyncset.done $0x0  }
0xac: {  	[sflag:s23] =	ssyncadd.s32 $0xFFFFFFFF  }
0xad: {  	s9 =	sld [smem:$0x0]  }
0xae: {  	s10 =	sand.u32 $0xFFFFFFFE, s1  }
0xaf: {  	p0 =	sne.s32 s1, s10  }
0xb0: {  	s10 =	sshll.u32 @p0 s10, $0xE  }
0xb1: {  	s10 =	sadd.s32 @p0 $0x11B8D, s10;
	s11 =	sshll.u32 @p0 s9, $0x11  }
0xb2: {  	s10 =	sor.u32 @p0 s11, s10  }
0xb3: {  	[sflag:s10] =	ssyncadd.remote.s32 @p0 $0x1;
	_ =	sdelay $0x1  }
0xb4: {  	s10 =	simm.s32 @p0 $0x1B8D  }
0xb5: {  	_ =	swait.eq @p0 [sflag:s10], $0x1  }
0xb6: {  	[sflag:s10] =	ssyncadd.s32 @p0 $0xFFFFFFFF  }
0xb7: {  	s11 =	sshll.u32 @!p0 s1, $0xE  }
0xb8: {  	s11 =	sor.u32 @!p0 $0x4000, s11;
	s10 =	simm.s32 @!p0 $0x1B8D  }
0xb9: {  	s9 =	sshll.u32 @!p0 s9, $0x11;
	s11 =	sadd.s32 @!p0 $0x11B8D, s11;
	_ =	swait.eq @!p0 [sflag:s10], $0x1  }
0xba: {  	s9 =	sor.u32 @!p0 s9, s11;
	[sflag:s10] =	ssyncadd.s32 @!p0 $0xFFFFFFFF  }
0xbb: {  	s25 =	simm.s32 $0x1B8E;
	s24 =	sld [smem:$0x3FFE];
	[sflag:s9] =	ssyncadd.remote.s32 @!p0 $0x1  }
0xbc: {  	s26 =	simm.s32 $execute0_lowered;
	[smem:$0x3FD2] =	sst s25  }
0xbd: {  	s10 =	sshll.u32 s26, $0x1;
	_ =	strace $0x80000049;
	[dreg:$0x1] =	wrdreg $0xFFFFFFFF  }
0xbe: {  	s28 =	simm.s32 $_size_execute0_lowered;
	s8 =	sadd.s32 s8, s10;
	[dreg:$0x0] =	wrdreg $0x0  }
0xbf: {  	s10 =	sshll.u32 s28, $0x1;
	[dreg:$0x2] =	wrdreg s8  }
0xc0: {  	[dreg:$0x3] =	wrdreg s10  }
0xc1: {  	[dreg:$0x4] =	wrdreg $0xC0  }
0xc2: {  	_ =	task [dreg:s22], $0x5FFFF  }
0xc3: {  	[dreg:$0x1] =	wrdreg $0xFFFFFFFF  }
0xc4: {  	[dreg:$0x0] =	wrdreg $0x60  }
0xc5: {  	[dreg:$0x2] =	wrdreg s24  }
0xc6: {  	[dreg:$0x3] =	wrdreg s7  }
0xc7: {  	[dreg:$0x4] =	wrdreg s6  }
0xc8: {  	[dreg:$0x5] =	wrdreg s5  }
0xc9: {  	[dreg:$0x6] =	wrdreg s18  }
0xca: {  	[dreg:$0x7] =	wrdreg s17  }
0xcb: {  	[dreg:$0x8] =	wrdreg $0x0  }
0xcc: {  	[dreg:$0x9] =	wrdreg $0xA  }
0xcd: {  	_ =	task.clear_ibuf [dreg:s22], $0xAFFFF;
	_ =	strace $0x90000049  }
0xce: {  	s29 =	simm.s32 $0xA;
	_ =	strace $0x8000004B  }
0xcf: {  	_ =	swait.ge [sflag:s29], $0x1  }
0xd0: {  	[sflag:s29] =	ssyncadd.s32 $0xFFFFFFFF  }
0xd1: {  	_ =	strace $0x9000004B  }
0xd2: {  	_ =	sfence  }
0xd3: {  	s30 =	sld [smem:$0x0];
	_ =	sdelay $0x2  }
0xd4: {  	s31 =	sshll.u32 s1, $0xD;
	s1 =	sshrl.u32 s1, $0x2  }
0xd5: {  	s4 =	sand.u32 $0x4000, s31;
	s1 =	sadd.s32 s1, s30  }
0xd6: {  	s0 =	sor.u32 s4, s0;
	s1 =	sshll.u32 s1, $0x11  }
0xd7: {  	s0 =	sor.u32 s1, s0  }
0xd8: {  	s0 =	sadd.s32 $0x8F2B, s0  }
0xd9: {  	[sflag:s0] =	ssyncadd.remote.s32 $0x1  }
0xda: {  	_ =	sfence.sel $0xFFFF  }
0xdb: {  	[dreg:$0x0] =	wrdreg $0xFFFFFFFF;
	(pc) =	sbr.abs _section_cstart, $3  }
0xdc: {  	[dreg:$0x1] =	wrdreg $0xFFFFFFFF  }
0xdd: {  	_ =	task.clear_ibuf [dreg:s22], $0x2FFFF;
	_ =	strace $0x9FFFFFFF  }
0xde: {  	(tm) =	ssettm $0x7FFFFFFF  }
0xdf: {  	_ =	shalt  }
tec
execute0_lowered:
.L_overlay_start_1:
0x0: {  	(tag) =	ssettag $0x1  }
0x1: {  	s0 =	rddreg [dreg:$0x0]  }
0x2: {  	s3 =	rddreg [dreg:$0x1];
	s1 =	srdreg.scid  }
0x3: {  	s4 =	rddreg [dreg:$0x2];
	s20 =	stileid.u32  }
0x4: {  	s6 =	rddreg [dreg:$0x3];
	s2 =	smul.u32 $0x2780, s20;
	s10 =	sadd.s32 $0x8AE200, s0  }
0x5: {  	s5 =	sand.u32 $0x1, s1;
	s11 =	sadd.s32 $0x8FC400, s0;
	s13 =	sadd.s32 $0x94A600, s0  }
0x6: {  	s1 =	simm.s32 $0x0;
	s15 =	sadd.s32 $0x998800, s0;
	s17 =	smul.u32 $0x2710, s20  }
0x7: {  	s12 =	sadd.s32 $0x860000, s0;
	s18 =	sadd.s32 $0x9E6A00, s0;
	s8 =	smul.u32 $0x27800, s5  }
0x8: {  	s7 =	sshll.u32 s5, $0x4;
	s14 =	smul.u32 $0x27100, s5;
	s16 =	ssub.s32 $0x2, s5  }
0x9: {  	[smem:$0x7FF] =	sst s1;
	s7 =	sor.u32 s20, s7;
	s19 =	sshrl.u32 s16, $0x1  }
0xa: {  	s16 =	ssub.s32 s16, s19;
	s22 =	sadd.s32 s14, s10;
	s23 =	sadd.s32 s14, s12  }
0xb: {  	s24 =	sadd.s32 s14, s13;
	s25 =	sadd.s32 s14, s11;
	s26 =	sadd.s32 s14, s18  }
0xc: {  	s14 =	sadd.s32 s14, s15;
	s19 =	sadd.s32 s17, s22;
	s22 =	rddreg [dreg:$0x4]  }
0xd: {  	s9 =	smul.u32 $0x280, s7;
	s14 =	sadd.s32 s17, s14;
	[dreg:$0x9] =	wrdreg s19  }
0xe: {  	s7 =	smul.u32 $0x2710, s7;
	[dreg:$0xe] =	wrdreg s14  }
0xf: {  	s5 =	smul.u32 $0x13880, s5;
	s19 =	sadd.s32 s17, s23;
	s23 =	rddreg [dreg:$0x5]  }
0x10: {  	s20 =	smul.u32 $0x1388, s20;
	s21 =	sadd.s32 s3, s7;
	s14 =	rddreg [dreg:$0x6]  }
0x11: {  	s8 =	sadd.s32 s2, s8;
	[dreg:$0x8] =	wrdreg s21  }
0x12: {  	s5 =	sadd.s32 s20, s5;
	[dreg:$0xa] =	wrdreg s19;
	s19 =	sadd.s32 s17, s24  }
0x13: {  	s5 =	sshll.u32 s5, $0x1;
	s21 =	sadd.s32 s4, s7;
	[dreg:$0xb] =	wrdreg s19  }
0x14: {  	s20 =	sadd.s32 $0xF0, s5;
	s7 =	sadd.s32 s6, s7;
	[dreg:$0xf] =	wrdreg s21  }
0x15: {  	s5 =	sadd.s32 $0x1F4, s5;
	s19 =	sadd.s32 s17, s25;
	[dreg:$0x10] =	wrdreg s7  }
0x16: {  	s7 =	sadd.s32 s20, s10;
	s10 =	sadd.s32 s20, s12;
	s12 =	sadd.s32 s20, s3  }
0x17: {  	s3 =	sadd.s32 s5, s3;
	s11 =	sadd.s32 s20, s11;
	s24 =	sadd.s32 s20, s4  }
0x18: {  	s4 =	sadd.s32 s5, s4;
	s15 =	sadd.s32 s20, s15;
	s30 =	sadd.s32 s20, s6  }
0x19: {  	s5 =	sadd.s32 s5, s6;
	s25 =	sshrl.u32 s8, $0x3;
	[dreg:$0xc] =	wrdreg s19  }
0x1a: {  	s6 =	sadd.s32 s9, s0;
	s21 =	sadd.s32 $0xF3C00, s0;
	[dreg:$0x11] =	wrdreg s3  }
0x1b: {  	s19 =	sadd.s32 s17, s26;
	s3 =	sadd.s32 s20, s13;
	[dreg:$0x12] =	wrdreg s4  }
0x1c: {  	s4 =	sadd.s32 s20, s18;
	[dreg:$0x13] =	wrdreg s5;
	s8 =	sadd.s32 s22, s25  }
0x1d: {  	s26 =	sadd.s32 s23, s25;
	s5 =	sadd.s32 s25, s0;
	s18 =	sadd.s32 $0xE4C00, s0  }
0x1e: {  	s20 =	sadd.s32 $0xEEC00, s0;
	s22 =	sadd.s32 $0xF8C00, s0;
	[dreg:$0xd] =	wrdreg s19  }
0x1f: {  	s23 =	sadd.s32 $0xFDC00, s0;
	_ =	strace $0x8000004A;
	[dreg:$0x14] =	wrdreg s8  }
0x20: {  	s19 =	sadd.s32 $0xE9C00, s0;
	s0 =	sadd.s32 $0x855C00, s0;
	[dreg:$0x15] =	wrdreg s26  }
0x21: {  	s9 =	sadd.s32 s2, s14;
	[dreg:$0x16] =	wrdreg s0  }
0x22: {  	s31 =	simm.s32 $0x6EC0;
	s13 =	sadd.s32 $0xCBC00, s6;
	[dreg:$0x17] =	wrdreg s9  }
0x23: {  	s17 =	sadd.s32 $0xC6C00, s6;
	s25 =	sadd.s32 $0xD5C00, s6;
	[dreg:$0x18] =	wrdreg s13  }
0x24: {  	s2 =	sadd.s32 $0xDFC00, s6;
	s29 =	sadd.s32 $0xA, s15;
	[dreg:$0x19] =	wrdreg s17  }
0x25: {  	s30 =	sadd.s32 $0xA, s30;
	s28 =	sadd.s32 $0xA, s4;
	[dreg:$0x1a] =	wrdreg s25  }
0x26: {  	s4 =	simm.s32 $0x3;
	s26 =	sadd.s32 $0xD0C00, s6;
	[dreg:$0x1c] =	wrdreg s2  }
0x27: {  	s8 =	sadd.s32 $0xDAC00, s6;
	s9 =	sadd.s32 $0x856200, s5;
	[dreg:$0x1b] =	wrdreg s26  }
0x28: {  	s13 =	smax.u32 s16, $0x1;
	s16 =	sadd.s32 $0xA, s7;
	[dreg:$0x1d] =	wrdreg s8  }
0x29: {  	s17 =	sadd.s32 $0xA, s10;
	s25 =	sadd.s32 $0xA, s12;
	[dreg:$0x1e] =	wrdreg s9  }
0x2a: {  	s0 =	simm.s32 $0x4F80;
	s2 =	simm.s32 $0x7D;
	[dreg:$0x1f] =	wrdreg s13  }
0x2b: {  	s12 =	simm.s32 $0x1;
	s5 =	simm.s32 $0x5750;
	[smem:$0x7F8] =	sst s16  }
0x2c: {  	s6 =	simm.s32 $0x7690;
	s7 =	simm.s32 $0x4;
	[smem:$0x7F9] =	sst s17  }
.Ltmp0:
0x2d: {  	s10 =	simm.s32 $0x0;
	[smem:$0x7FA] =	sst s25;
	(pc) =	sbr.rel .LBB2_1-.Ltmp0, $4  }
0x2e: {  	s26 =	sadd.s32 $0xA, s3;
	s25 =	sadd.s32 $0xA, s11;
	s16 =	simm.s32 $0x7  }
0x2f: {  	s3 =	simm.s32 $0x2;
	s11 =	simm.s32 $0x66F0;
	[smem:$0x7FB] =	sst s26  }
0x30: {  	s8 =	simm.s32 $0x5;
	s26 =	sadd.s32 $0xA, s24;
	[smem:$0x7FC] =	sst s25  }
0x31: {  	s13 =	simm.s32 $0x6;
	s24 =	simm.s32 $0x5F20;
	[smem:$0x7FD] =	sst s26  }
.LBB2_10:
0x32: {  	_ =	swait.ge [sflag:s7], $0x7D0  }
0x33: {  	[sflag:s7] =	ssyncset.done $0x0  }
0x34: {  	[sflag:s7] =	ssyncadd.s32 $0xFFFFF830  }
0x35: {  	_ =	swait.ge [sflag:s8], $0x7D0  }
0x36: {  	[sflag:s8] =	ssyncset.done $0x0  }
0x37: {  	[sflag:s8] =	ssyncadd.s32 $0xFFFFF830  }
0x38: {  	_ =	swait.ge [sflag:s13], $0x7D0  }
0x39: {  	[sflag:s13] =	ssyncset.done $0x0  }
0x3a: {  	[sflag:s13] =	ssyncadd.s32 $0xFFFFF830  }
0x3b: {  	[bflag:$0x0] =	sbarrier.arrive $0xFFFF  }
0x3c: {  	s10 =	sld [smem:$0x7F6]  }
0x3d: {  	s15 =	sld [smem:$0x7F7];
	_ =	sdelay $0x1  }
0x3e: {  	s16 =	simm.s32 $0x7;
	s9 =	rddreg [dreg:$0x1e]  }
0x3f: {  	[hbm:s9], [sflag:s10] =	dma.local [spmem:s15], $0x4F0  }
0x40: {  	_ =	swait.ge [sflag:s16], $0x4F0  }
0x41: {  	s25 =	sld [smem:$0x7F5];
	_ =	sdelay $0x2  }
0x42: {  	s26 =	rddreg [dreg:$0x1f];
	s10 =	sadd.s32 $0x1, s25  }
0x43: {  	p0 =	sne.s32 s10, s26  }
.Ltmp1:
0x44: {  	_ = 	snop;
	(pc) =	sbr.rel @!p0 .LBB2_11-.Ltmp1, $3  }
0x45: {  	_ =	sdelay $0x1  }
0x46: {  	[sflag:s16] =	ssyncset.done $0x0  }
0x47: {  	[sflag:s16] =	ssyncadd.s32 $0xFFFFFB10;
	s26 =	sld [smem:$0x7FD]  }
.LBB2_1:
0x48: {  	[smem:$0x7F5] =	sst s10  }
0x49: {  	s9 =	rddreg [dreg:$0x18];
	s17 =	simm.s32 $0x2780  }
0x4a: {  	[tilespmem:s17], [sflag:$0x7] =	stream.linear.gather [hbm4b:s9+s1], $0x1400, $0x38;
	[tilespmem:$0x7E60] =	vst v63  }
0x4b: {  	_ =	swait.ge [sflag:s16], $0x1400  }
0x4c: {  	[sflag:s16] =	ssyncset.done $0x0  }
0x4d: {  	s15 =	simm.s32 $0x3B80;
	s25 =	rddreg [dreg:$0x19];
	[sflag:s16] =	ssyncadd.s32 $0xFFFFEC00  }
0x4e: {  	[tilespmem:s15], [sflag:$0x7] =	stream.linear.gather [hbm4b:s25+s1], $0x1400, $0x38;
	[tilespmem:$0x7E60] =	vst v63  }
0x4f: {  	s10 =	stileid.u32;
	_ =	swait.ge [sflag:s16], $0x1400  }
0x50: {  	s9 =	sshll.u32 s10, $0x6;
	s17 =	rddreg [dreg:$0x17]  }
0x51: {  	s10 =	sor.u32 $0x1C07, s9;
	s25 =	rddreg [dreg:$0x16]  }
0x52: {  	[sflag:s16] =	ssyncset.done $0x0;
	[smem:$0x7F6] =	sst s10;
	s17 =	sshrl.u32 s17, $0x3  }
0x53: {  	[sflag:s16] =	ssyncadd.s32 $0xFFFFEC00;
	[smem:$0x7F7] =	sst s17  }
0x54: {  	[spmem:s17], [sflag:s10] =	dma.local [hbm:s25], $0x4F0  }
0x55: {  	_ =	swait.ge [sflag:s16], $0x4F0  }
0x56: {  	[sflag:s16] =	ssyncset.done $0x0  }
0x57: {  	[sflag:s16] =	ssyncadd.s32 $0xFFFFFB10  }
0x58: {  	[bflag:$0x0] =	sbarrier.arrive $0xFFFF  }
0x59: {  	s17 =	rddreg [dreg:$0x8]  }
0x5a: {  	[tilespmem:s0], [sflag:$0x1] =	stream.linear.gather [hbm4b:s17+s1], $0x7D0, $0x38;
	[tilespmem:$0x7E60] =	vst v63  }
0x5b: {  	s25 =	simm.s32 $0x2780  }
0x5c: {  	[tilespmem:s24], [sflag:$0x2] =	stream.indirect.gather [hbm4b:s18+s2], $0x10, s25, s2, $0xb8;
	[tilespmem:$0x7E60] =	vst v63  }
0x5d: {  	s9 =	simm.s32 $0x2800;
	s10 =	simm.s32 $0x0  }
0x5e: {  	[tilespmem:s31], [sflag:$0x3] =	stream.indirect.gather [hbm4b:s19+s2], $0x10, s15, s2, $0xb8;
	[tilespmem:$0x7E60] =	vst v63  }
.LBB2_2:
0x5f: {  	_ =	swait.ge [sflag:s12], $0x7D0  }
0x60: {  	[sflag:s12] =	ssyncset.done $0x0  }
0x61: {  	[sflag:s12] =	ssyncadd.s32 $0xFFFFF830  }
0x62: {  	_ =	swait.ge [sflag:s3], $0x7D0  }
0x63: {  	[sflag:s3] =	ssyncset.done $0x0  }
0x64: {  	[sflag:s3] =	ssyncadd.s32 $0xFFFFF830  }
0x65: {  	_ =	swait.ge [sflag:s4], $0x7D0  }
0x66: {  	p0 =	seq.s32 s10, $0x0;
	[sflag:s4] =	ssyncset.done $0x0  }
0x67: {  	s16 =	simm.s32 @!p0 $0x4;
	[sflag:s4] =	ssyncadd.s32 $0xFFFFF830  }
0x68: {  	_ =	swait.ge @!p0 [sflag:s16], $0x7D0  }
0x69: {  	[sflag:s16] =	ssyncset.done @!p0 $0x0  }
0x6a: {  	[sflag:s16] =	ssyncadd.s32 @!p0 $0xFFFFF830;
	s16 =	simm.s32 @!p0 $0x5  }
0x6b: {  	_ =	swait.ge @!p0 [sflag:s16], $0x7D0  }
0x6c: {  	[sflag:s16] =	ssyncset.done @!p0 $0x0  }
0x6d: {  	[sflag:s16] =	ssyncadd.s32 @!p0 $0xFFFFF830;
	s16 =	simm.s32 @!p0 $0x6  }
0x6e: {  	_ =	swait.ge @!p0 [sflag:s16], $0x7D0  }
0x6f: {  	[sflag:s16] =	ssyncset.done @!p0 $0x0;
	s17 =	rddreg [dreg:$0xa]  }
0x70: {  	s25 =	rddreg [dreg:$0x9];
	[sflag:s16] =	ssyncadd.s32 @!p0 $0xFFFFF830  }
0x71: {  	[spmem:s14] =	stream.indirect.scatter.add.f32 [tilespmem:s0], [sflag:$0x4], $0x10, s15, s2, $0xb8;
	[tilespmem:$0x7E60] =	vst v63  }
0x72: {  	s16 =	sadd.s32 s10, s17;
	s17 =	sld [smem:$0x7FA]  }
0x73: {  	[hbm4b:s16+s1] =	stream.linear.scatter [tilespmem:s24], [sflag:$0x5], $0x7D0, $0x38;
	[tilespmem:$0x7E60] =	vst v63  }
0x74: {  	s16 =	sadd.s32 s10, s25  }
0x75: {  	[hbm4b:s16+s1] =	stream.linear.scatter [tilespmem:s31], [sflag:$0x6], $0x7D0, $0x38;
	[tilespmem:$0x7E60] =	vst v63  }
0x76: {  	s16 =	sadd.s32 s10, s17  }
0x77: {  	[tilespmem:s5], [sflag:$0x1] =	stream.linear.gather [hbm4b:s16+s1], $0x7D0, $0x38;
	[tilespmem:$0x7E60] =	vst v63  }
0x78: {  	_ = 	snop  }
0x79: {  	[tilespmem:s11], [sflag:$0x2] =	stream.indirect.gather [hbm4b:s18+s2], $0x10, s9, s2, $0xb8;
	[tilespmem:$0x7E60] =	vst v63  }
0x7a: {  	s25 =	sadd.s32 $0x80, s15  }
0x7b: {  	[tilespmem:s6], [sflag:$0x3] =	stream.indirect.gather [hbm4b:s19+s2], $0x10, s25, s2, $0xb8;
	[tilespmem:$0x7E60] =	vst v63  }
0x7c: {  	_ =	swait.ge [sflag:s12], $0x7D0  }
0x7d: {  	[sflag:s12] =	ssyncset.done $0x0  }
0x7e: {  	[sflag:s12] =	ssyncadd.s32 $0xFFFFF830  }
0x7f: {  	_ =	swait.ge [sflag:s3], $0x7D0  }
0x80: {  	[sflag:s3] =	ssyncset.done $0x0  }
0x81: {  	[sflag:s3] =	ssyncadd.s32 $0xFFFFF830  }
0x82: {  	_ =	swait.ge [sflag:s4], $0x7D0  }
0x83: {  	[sflag:s4] =	ssyncset.done $0x0  }
0x84: {  	[sflag:s4] =	ssyncadd.s32 $0xFFFFF830  }
0x85: {  	_ =	swait.ge [sflag:s7], $0x7D0  }
0x86: {  	[sflag:s7] =	ssyncset.done $0x0  }
0x87: {  	[sflag:s7] =	ssyncadd.s32 $0xFFFFF830  }
0x88: {  	_ =	swait.ge [sflag:s8], $0x7D0  }
0x89: {  	[sflag:s8] =	ssyncset.done $0x0  }
0x8a: {  	[sflag:s8] =	ssyncadd.s32 $0xFFFFF830  }
0x8b: {  	_ =	swait.ge [sflag:s13], $0x7D0  }
0x8c: {  	[sflag:s13] =	ssyncset.done $0x0  }
0x8d: {  	p0 =	seq.s32 s10, $0x251C;
	s17 =	sld [smem:$0x7F9];
	[sflag:s13] =	ssyncadd.s32 $0xFFFFF830  }
0x8e: {  	[spmem:s14] =	stream.indirect.scatter.add.f32 [tilespmem:s5], [sflag:$0x4], $0x10, s25, s2, $0xb8;
	[tilespmem:$0x7E60] =	vst v63  }
.Ltmp2:
0x8f: {  	s25 =	sld [smem:$0x7F8];
	(pc) =	sbr.rel @p0 .LBB2_4-.Ltmp2, $4  }
0x90: {  	s16 =	sadd.s32 s10, s17  }
0x91: {  	[hbm4b:s16+s1] =	stream.linear.scatter [tilespmem:s11], [sflag:$0x5], $0x7D0, $0x38;
	[tilespmem:$0x7E60] =	vst v63  }
0x92: {  	s16 =	sadd.s32 s10, s25  }
0x93: {  	[hbm4b:s16+s1] =	stream.linear.scatter [tilespmem:s6], [sflag:$0x6], $0x7D0, $0x38;
	[tilespmem:$0x7E60] =	vst v63  }
0x94: {  	s16 =	rddreg [dreg:$0x11]  }
0x95: {  	s16 =	sadd.s32 s10, s16  }
0x96: {  	[tilespmem:s0], [sflag:$0x1] =	stream.linear.gather [hbm4b:s16+s1], $0x7D0, $0x38;
	[tilespmem:$0x7E60] =	vst v63  }
.Ltmp3:
0x97: {  	_ = 	snop;
	(pc) =	sbr.rel .LBB2_2-.Ltmp3, $4  }
0x98: {  	s25 =	sadd.s32 $0x80, s9  }
0x99: {  	[tilespmem:s24], [sflag:$0x2] =	stream.indirect.gather [hbm4b:s18+s2], $0x10, s25, s2, $0xb8;
	[tilespmem:$0x7E60] =	vst v63  }
0x9a: {  	s15 =	sadd.s32 $0x100, s15;
	s9 =	sadd.s32 $0x100, s9;
	s10 =	sadd.s32 $0x1F4, s10  }
0x9b: {  	[tilespmem:s31], [sflag:$0x3] =	stream.indirect.gather [hbm4b:s19+s2], $0x10, s15, s2, $0xb8;
	[tilespmem:$0x7E60] =	vst v63  }
.LBB2_4:
0x9c: {  	_ =	swait.ge [sflag:s7], $0x7D0  }
0x9d: {  	[sflag:s7] =	ssyncset.done $0x0  }
0x9e: {  	[sflag:s7] =	ssyncadd.s32 $0xFFFFF830  }
0x9f: {  	_ =	swait.ge [sflag:s8], $0x7D0  }
0xa0: {  	[sflag:s8] =	ssyncset.done $0x0  }
0xa1: {  	[sflag:s8] =	ssyncadd.s32 $0xFFFFF830  }
0xa2: {  	_ =	swait.ge [sflag:s13], $0x7D0  }
0xa3: {  	[sflag:s13] =	ssyncset.done $0x0  }
0xa4: {  	[sflag:s13] =	ssyncadd.s32 $0xFFFFF830  }
0xa5: {  	[bflag:$0x0] =	sbarrier.arrive $0xFFFF  }
0xa6: {  	s10 =	sld [smem:$0x7F6]  }
0xa7: {  	s15 =	sld [smem:$0x7F7];
	_ =	sdelay $0x1  }
0xa8: {  	s16 =	simm.s32 $0x7;
	s9 =	rddreg [dreg:$0x14]  }
0xa9: {  	[hbm:s9], [sflag:s10] =	dma.local [spmem:s15], $0x4F0  }
0xaa: {  	_ =	swait.ge [sflag:s16], $0x4F0  }
0xab: {  	s17 =	simm.s32 $0x2780;
	[sflag:s16] =	ssyncset.done $0x0  }
0xac: {  	s15 =	simm.s32 $0x0;
	s10 =	rddreg [dreg:$0x1a];
	[sflag:s16] =	ssyncadd.s32 $0xFFFFFB10  }
0xad: {  	[tilespmem:s17], [sflag:$0x7] =	stream.linear.gather [hbm4b:s10+s15], $0x1400, $0x38;
	[tilespmem:$0x7E60] =	vst v63  }
0xae: {  	_ =	swait.ge [sflag:s16], $0x1400  }
0xaf: {  	[sflag:s16] =	ssyncset.done $0x0  }
0xb0: {  	s9 =	simm.s32 $0x3B80;
	s25 =	rddreg [dreg:$0x1b];
	[sflag:s16] =	ssyncadd.s32 $0xFFFFEC00  }
0xb1: {  	[tilespmem:s9], [sflag:$0x7] =	stream.linear.gather [hbm4b:s25+s15], $0x1400, $0x38;
	[tilespmem:$0x7E60] =	vst v63  }
0xb2: {  	_ =	swait.ge [sflag:s16], $0x1400  }
0xb3: {  	s17 =	sld [smem:$0x7F6]  }
0xb4: {  	s25 =	sld [smem:$0x7F7]  }
0xb5: {  	[sflag:s16] =	ssyncset.done $0x0  }
0xb6: {  	s10 =	rddreg [dreg:$0x16];
	[sflag:s16] =	ssyncadd.s32 $0xFFFFEC00  }
0xb7: {  	[spmem:s25], [sflag:s17] =	dma.local [hbm:s10], $0x4F0  }
0xb8: {  	s25 =	sld [smem:$0x7FC];
	_ =	swait.ge [sflag:s16], $0x4F0  }
0xb9: {  	[sflag:s16] =	ssyncset.done $0x0  }
0xba: {  	[sflag:s16] =	ssyncadd.s32 $0xFFFFFB10  }
0xbb: {  	[bflag:$0x0] =	sbarrier.arrive $0xFFFF  }
0xbc: {  	s16 =	rddreg [dreg:$0xf]  }
0xbd: {  	[tilespmem:s0], [sflag:$0x1] =	stream.linear.gather [hbm4b:s16+s15], $0x7D0, $0x38;
	[tilespmem:$0x7E60] =	vst v63  }
0xbe: {  	s17 =	simm.s32 $0x2780  }
0xbf: {  	[tilespmem:s24], [sflag:$0x2] =	stream.indirect.gather [hbm4b:s20+s2], $0x10, s17, s2, $0xb8;
	[tilespmem:$0x7E60] =	vst v63  }
0xc0: {  	s10 =	simm.s32 $0x2800;
	s17 =	sld [smem:$0x7FB]  }
0xc1: {  	[tilespmem:s31], [sflag:$0x3] =	stream.indirect.gather [hbm4b:s21+s2], $0x10, s9, s2, $0xb8;
	[tilespmem:$0x7E60] =	vst v63  }
.LBB2_5:
0xc2: {  	_ =	swait.ge [sflag:s12], $0x7D0  }
0xc3: {  	[sflag:s12] =	ssyncset.done $0x0  }
0xc4: {  	[sflag:s12] =	ssyncadd.s32 $0xFFFFF830  }
0xc5: {  	_ =	swait.ge [sflag:s3], $0x7D0  }
0xc6: {  	[sflag:s3] =	ssyncset.done $0x0  }
0xc7: {  	[sflag:s3] =	ssyncadd.s32 $0xFFFFF830  }
0xc8: {  	_ =	swait.ge [sflag:s4], $0x7D0  }
0xc9: {  	p0 =	seq.s32 s15, $0x0;
	[sflag:s4] =	ssyncset.done $0x0  }
0xca: {  	s16 =	simm.s32 @!p0 $0x4;
	[sflag:s4] =	ssyncadd.s32 $0xFFFFF830  }
0xcb: {  	_ =	swait.ge @!p0 [sflag:s16], $0x7D0  }
0xcc: {  	[sflag:s16] =	ssyncset.done @!p0 $0x0  }
0xcd: {  	[sflag:s16] =	ssyncadd.s32 @!p0 $0xFFFFF830;
	s16 =	simm.s32 @!p0 $0x5  }
0xce: {  	_ =	swait.ge @!p0 [sflag:s16], $0x7D0  }
0xcf: {  	[sflag:s16] =	ssyncset.done @!p0 $0x0  }
0xd0: {  	[sflag:s16] =	ssyncadd.s32 @!p0 $0xFFFFF830;
	s16 =	simm.s32 @!p0 $0x6  }
0xd1: {  	_ =	swait.ge @!p0 [sflag:s16], $0x7D0  }
0xd2: {  	[sflag:s16] =	ssyncset.done @!p0 $0x0  }
0xd3: {  	[sflag:s16] =	ssyncadd.s32 @!p0 $0xFFFFF830;
	s16 =	rddreg [dreg:$0xc]  }
0xd4: {  	[spmem:s14] =	stream.indirect.scatter.add.f32 [tilespmem:s0], [sflag:$0x4], $0x10, s9, s2, $0xb8;
	[tilespmem:$0x7E60] =	vst v63  }
0xd5: {  	s16 =	sadd.s32 s15, s16  }
0xd6: {  	[hbm4b:s16+s1] =	stream.linear.scatter [tilespmem:s24], [sflag:$0x5], $0x7D0, $0x38;
	[tilespmem:$0x7E60] =	vst v63  }
0xd7: {  	s16 =	rddreg [dreg:$0xb]  }
0xd8: {  	s16 =	sadd.s32 s15, s16  }
0xd9: {  	[hbm4b:s16+s1] =	stream.linear.scatter [tilespmem:s31], [sflag:$0x6], $0x7D0, $0x38;
	[tilespmem:$0x7E60] =	vst v63  }
0xda: {  	s16 =	sadd.s32 s15, s26  }
0xdb: {  	[tilespmem:s5], [sflag:$0x1] =	stream.linear.gather [hbm4b:s16+s1], $0x7D0, $0x38;
	[tilespmem:$0x7E60] =	vst v63  }
0xdc: {  	_ = 	snop  }
0xdd: {  	[tilespmem:s11], [sflag:$0x2] =	stream.indirect.gather [hbm4b:s20+s2], $0x10, s10, s2, $0xb8;
	[tilespmem:$0x7E60] =	vst v63  }
0xde: {  	s16 =	sadd.s32 $0x80, s9  }
0xdf: {  	[tilespmem:s6], [sflag:$0x3] =	stream.indirect.gather [hbm4b:s21+s2], $0x10, s16, s2, $0xb8;
	[tilespmem:$0x7E60] =	vst v63  }
0xe0: {  	_ =	swait.ge [sflag:s12], $0x7D0  }
0xe1: {  	[sflag:s12] =	ssyncset.done $0x0  }
0xe2: {  	[sflag:s12] =	ssyncadd.s32 $0xFFFFF830  }
0xe3: {  	_ =	swait.ge [sflag:s3], $0x7D0  }
0xe4: {  	[sflag:s3] =	ssyncset.done $0x0  }
0xe5: {  	[sflag:s3] =	ssyncadd.s32 $0xFFFFF830  }
0xe6: {  	_ =	swait.ge [sflag:s4], $0x7D0  }
0xe7: {  	[sflag:s4] =	ssyncset.done $0x0  }
0xe8: {  	[sflag:s4] =	ssyncadd.s32 $0xFFFFF830  }
0xe9: {  	_ =	swait.ge [sflag:s7], $0x7D0  }
0xea: {  	[sflag:s7] =	ssyncset.done $0x0  }
0xeb: {  	[sflag:s7] =	ssyncadd.s32 $0xFFFFF830  }
0xec: {  	_ =	swait.ge [sflag:s8], $0x7D0  }
0xed: {  	[sflag:s8] =	ssyncset.done $0x0  }
0xee: {  	[sflag:s8] =	ssyncadd.s32 $0xFFFFF830  }
0xef: {  	_ =	swait.ge [sflag:s13], $0x7D0  }
0xf0: {  	[sflag:s13] =	ssyncset.done $0x0  }
0xf1: {  	p0 =	seq.s32 s15, $0x251C;
	[sflag:s13] =	ssyncadd.s32 $0xFFFFF830  }
0xf2: {  	[spmem:s14] =	stream.indirect.scatter.add.f32 [tilespmem:s5], [sflag:$0x4], $0x10, s16, s2, $0xb8;
	[tilespmem:$0x7E60] =	vst v63  }
.Ltmp4:
0xf3: {  	_ = 	snop;
	(pc) =	sbr.rel @p0 .LBB2_7-.Ltmp4, $4  }
0xf4: {  	s16 =	sadd.s32 s15, s25  }
0xf5: {  	[hbm4b:s16+s1] =	stream.linear.scatter [tilespmem:s11], [sflag:$0x5], $0x7D0, $0x38;
	[tilespmem:$0x7E60] =	vst v63  }
0xf6: {  	s16 =	sadd.s32 s15, s17  }
0xf7: {  	[hbm4b:s16+s1] =	stream.linear.scatter [tilespmem:s6], [sflag:$0x6], $0x7D0, $0x38;
	[tilespmem:$0x7E60] =	vst v63  }
0xf8: {  	s16 =	rddreg [dreg:$0x12]  }
0xf9: {  	s16 =	sadd.s32 s15, s16  }
0xfa: {  	[tilespmem:s0], [sflag:$0x1] =	stream.linear.gather [hbm4b:s16+s1], $0x7D0, $0x38;
	[tilespmem:$0x7E60] =	vst v63  }
.Ltmp5:
0xfb: {  	_ = 	snop;
	(pc) =	sbr.rel .LBB2_5-.Ltmp5, $4  }
0xfc: {  	s16 =	sadd.s32 $0x80, s10  }
0xfd: {  	[tilespmem:s24], [sflag:$0x2] =	stream.indirect.gather [hbm4b:s20+s2], $0x10, s16, s2, $0xb8;
	[tilespmem:$0x7E60] =	vst v63  }
0xfe: {  	s9 =	sadd.s32 $0x100, s9;
	s15 =	sadd.s32 $0x1F4, s15;
	s10 =	sadd.s32 $0x100, s10  }
0xff: {  	[tilespmem:s31], [sflag:$0x3] =	stream.indirect.gather [hbm4b:s21+s2], $0x10, s9, s2, $0xb8;
	[tilespmem:$0x7E60] =	vst v63  }
.LBB2_7:
0x100: {  	_ =	swait.ge [sflag:s7], $0x7D0  }
0x101: {  	[sflag:s7] =	ssyncset.done $0x0  }
0x102: {  	[sflag:s7] =	ssyncadd.s32 $0xFFFFF830  }
0x103: {  	_ =	swait.ge [sflag:s8], $0x7D0  }
0x104: {  	[sflag:s8] =	ssyncset.done $0x0  }
0x105: {  	[sflag:s8] =	ssyncadd.s32 $0xFFFFF830  }
0x106: {  	_ =	swait.ge [sflag:s13], $0x7D0  }
0x107: {  	[sflag:s13] =	ssyncset.done $0x0  }
0x108: {  	[sflag:s13] =	ssyncadd.s32 $0xFFFFF830  }
0x109: {  	[bflag:$0x0] =	sbarrier.arrive $0xFFFF  }
0x10a: {  	s10 =	sld [smem:$0x7F6]  }
0x10b: {  	s15 =	sld [smem:$0x7F7];
	_ =	sdelay $0x1  }
0x10c: {  	s16 =	simm.s32 $0x7;
	s9 =	rddreg [dreg:$0x15]  }
0x10d: {  	[hbm:s9], [sflag:s10] =	dma.local [spmem:s15], $0x4F0  }
0x10e: {  	_ =	swait.ge [sflag:s16], $0x4F0  }
0x10f: {  	s26 =	simm.s32 $0x2780;
	[sflag:s16] =	ssyncset.done $0x0  }
0x110: {  	s15 =	simm.s32 $0x0;
	s25 =	rddreg [dreg:$0x1c];
	[sflag:s16] =	ssyncadd.s32 $0xFFFFFB10  }
0x111: {  	[tilespmem:s26], [sflag:$0x7] =	stream.linear.gather [hbm4b:s25+s15], $0x1400, $0x38;
	[tilespmem:$0x7E60] =	vst v63  }
0x112: {  	_ =	swait.ge [sflag:s16], $0x1400  }
0x113: {  	[sflag:s16] =	ssyncset.done $0x0  }
0x114: {  	s9 =	simm.s32 $0x3B80;
	s17 =	rddreg [dreg:$0x1d];
	[sflag:s16] =	ssyncadd.s32 $0xFFFFEC00  }
0x115: {  	[tilespmem:s9], [sflag:$0x7] =	stream.linear.gather [hbm4b:s17+s15], $0x1400, $0x38;
	[tilespmem:$0x7E60] =	vst v63  }
0x116: {  	_ =	swait.ge [sflag:s16], $0x1400  }
0x117: {  	s17 =	sld [smem:$0x7F6]  }
0x118: {  	s26 =	sld [smem:$0x7F7]  }
0x119: {  	[sflag:s16] =	ssyncset.done $0x0  }
0x11a: {  	s25 =	rddreg [dreg:$0x16];
	[sflag:s16] =	ssyncadd.s32 $0xFFFFEC00  }
0x11b: {  	[spmem:s26], [sflag:s17] =	dma.local [hbm:s25], $0x4F0  }
0x11c: {  	_ =	swait.ge [sflag:s16], $0x4F0  }
0x11d: {  	[sflag:s16] =	ssyncset.done $0x0  }
0x11e: {  	[sflag:s16] =	ssyncadd.s32 $0xFFFFFB10  }
0x11f: {  	[bflag:$0x0] =	sbarrier.arrive $0xFFFF  }
0x120: {  	s25 =	rddreg [dreg:$0x10]  }
0x121: {  	[tilespmem:s0], [sflag:$0x1] =	stream.linear.gather [hbm4b:s25+s15], $0x7D0, $0x38;
	[tilespmem:$0x7E60] =	vst v63  }
0x122: {  	s26 =	simm.s32 $0x2780  }
0x123: {  	[tilespmem:s24], [sflag:$0x2] =	stream.indirect.gather [hbm4b:s22+s2], $0x10, s26, s2, $0xb8;
	[tilespmem:$0x7E60] =	vst v63  }
0x124: {  	s10 =	simm.s32 $0x2800  }
0x125: {  	[tilespmem:s31], [sflag:$0x3] =	stream.indirect.gather [hbm4b:s23+s2], $0x10, s9, s2, $0xb8;
	[tilespmem:$0x7E60] =	vst v63  }
.LBB2_8:
0x126: {  	_ =	swait.ge [sflag:s12], $0x7D0  }
0x127: {  	[sflag:s12] =	ssyncset.done $0x0  }
0x128: {  	[sflag:s12] =	ssyncadd.s32 $0xFFFFF830  }
0x129: {  	_ =	swait.ge [sflag:s3], $0x7D0  }
0x12a: {  	[sflag:s3] =	ssyncset.done $0x0  }
0x12b: {  	[sflag:s3] =	ssyncadd.s32 $0xFFFFF830  }
0x12c: {  	_ =	swait.ge [sflag:s4], $0x7D0  }
0x12d: {  	p0 =	seq.s32 s15, $0x0;
	[sflag:s4] =	ssyncset.done $0x0  }
0x12e: {  	s16 =	simm.s32 @!p0 $0x4;
	[sflag:s4] =	ssyncadd.s32 $0xFFFFF830  }
0x12f: {  	_ =	swait.ge @!p0 [sflag:s16], $0x7D0  }
0x130: {  	[sflag:s16] =	ssyncset.done @!p0 $0x0  }
0x131: {  	[sflag:s16] =	ssyncadd.s32 @!p0 $0xFFFFF830;
	s16 =	simm.s32 @!p0 $0x5  }
0x132: {  	_ =	swait.ge @!p0 [sflag:s16], $0x7D0  }
0x133: {  	[sflag:s16] =	ssyncset.done @!p0 $0x0  }
0x134: {  	[sflag:s16] =	ssyncadd.s32 @!p0 $0xFFFFF830;
	s16 =	simm.s32 @!p0 $0x6  }
0x135: {  	_ =	swait.ge @!p0 [sflag:s16], $0x7D0  }
0x136: {  	[sflag:s16] =	ssyncset.done @!p0 $0x0  }
0x137: {  	s17 =	rddreg [dreg:$0xe];
	[sflag:s16] =	ssyncadd.s32 @!p0 $0xFFFFF830  }
0x138: {  	[spmem:s14] =	stream.indirect.scatter.add.f32 [tilespmem:s0], [sflag:$0x4], $0x10, s9, s2, $0xb8;
	[tilespmem:$0x7E60] =	vst v63  }
0x139: {  	s25 =	rddreg [dreg:$0xd];
	s16 =	sadd.s32 s15, s17  }
0x13a: {  	[hbm4b:s16+s1] =	stream.linear.scatter [tilespmem:s24], [sflag:$0x5], $0x7D0, $0x38;
	[tilespmem:$0x7E60] =	vst v63  }
0x13b: {  	s16 =	sadd.s32 s15, s25  }
0x13c: {  	[hbm4b:s16+s1] =	stream.linear.scatter [tilespmem:s31], [sflag:$0x6], $0x7D0, $0x38;
	[tilespmem:$0x7E60] =	vst v63  }
0x13d: {  	s26 =	sadd.s32 s15, s30  }
0x13e: {  	[tilespmem:s5], [sflag:$0x1] =	stream.linear.gather [hbm4b:s26+s1], $0x7D0, $0x38;
	[tilespmem:$0x7E60] =	vst v63  }
0x13f: {  	_ = 	snop  }
0x140: {  	[tilespmem:s11], [sflag:$0x2] =	stream.indirect.gather [hbm4b:s22+s2], $0x10, s10, s2, $0xb8;
	[tilespmem:$0x7E60] =	vst v63  }
0x141: {  	s17 =	sadd.s32 $0x80, s9  }
0x142: {  	[tilespmem:s6], [sflag:$0x3] =	stream.indirect.gather [hbm4b:s23+s2], $0x10, s17, s2, $0xb8;
	[tilespmem:$0x7E60] =	vst v63  }
0x143: {  	_ =	swait.ge [sflag:s12], $0x7D0  }
0x144: {  	[sflag:s12] =	ssyncset.done $0x0  }
0x145: {  	[sflag:s12] =	ssyncadd.s32 $0xFFFFF830  }
0x146: {  	_ =	swait.ge [sflag:s3], $0x7D0  }
0x147: {  	[sflag:s3] =	ssyncset.done $0x0  }
0x148: {  	[sflag:s3] =	ssyncadd.s32 $0xFFFFF830  }
0x149: {  	_ =	swait.ge [sflag:s4], $0x7D0  }
0x14a: {  	[sflag:s4] =	ssyncset.done $0x0  }
0x14b: {  	[sflag:s4] =	ssyncadd.s32 $0xFFFFF830  }
0x14c: {  	_ =	swait.ge [sflag:s7], $0x7D0  }
0x14d: {  	[sflag:s7] =	ssyncset.done $0x0  }
0x14e: {  	[sflag:s7] =	ssyncadd.s32 $0xFFFFF830  }
0x14f: {  	_ =	swait.ge [sflag:s8], $0x7D0  }
0x150: {  	[sflag:s8] =	ssyncset.done $0x0  }
0x151: {  	[sflag:s8] =	ssyncadd.s32 $0xFFFFF830  }
0x152: {  	_ =	swait.ge [sflag:s13], $0x7D0  }
0x153: {  	[sflag:s13] =	ssyncset.done $0x0  }
0x154: {  	p0 =	seq.s32 s15, $0x251C;
	[sflag:s13] =	ssyncadd.s32 $0xFFFFF830  }
0x155: {  	[spmem:s14] =	stream.indirect.scatter.add.f32 [tilespmem:s5], [sflag:$0x4], $0x10, s17, s2, $0xb8;
	[tilespmem:$0x7E60] =	vst v63  }
.Ltmp6:
0x156: {  	_ = 	snop;
	(pc) =	sbr.rel @p0 .LBB2_10-.Ltmp6, $4  }
0x157: {  	s25 =	sadd.s32 s15, s29  }
0x158: {  	[hbm4b:s25+s1] =	stream.linear.scatter [tilespmem:s11], [sflag:$0x5], $0x7D0, $0x38;
	[tilespmem:$0x7E60] =	vst v63  }
0x159: {  	s26 =	sadd.s32 s15, s28  }
0x15a: {  	[hbm4b:s26+s1] =	stream.linear.scatter [tilespmem:s6], [sflag:$0x6], $0x7D0, $0x38;
	[tilespmem:$0x7E60] =	vst v63  }
0x15b: {  	s16 =	rddreg [dreg:$0x13]  }
0x15c: {  	s16 =	sadd.s32 s15, s16  }
0x15d: {  	[tilespmem:s0], [sflag:$0x1] =	stream.linear.gather [hbm4b:s16+s1], $0x7D0, $0x38;
	[tilespmem:$0x7E60] =	vst v63  }
.Ltmp7:
0x15e: {  	_ = 	snop;
	(pc) =	sbr.rel .LBB2_8-.Ltmp7, $4  }
0x15f: {  	s26 =	sadd.s32 $0x80, s10  }
0x160: {  	[tilespmem:s24], [sflag:$0x2] =	stream.indirect.gather [hbm4b:s22+s2], $0x10, s26, s2, $0xb8;
	[tilespmem:$0x7E60] =	vst v63  }
0x161: {  	s9 =	sadd.s32 $0x100, s9;
	s10 =	sadd.s32 $0x100, s10;
	s15 =	sadd.s32 $0x1F4, s15  }
0x162: {  	[tilespmem:s31], [sflag:$0x3] =	stream.indirect.gather [hbm4b:s23+s2], $0x10, s9, s2, $0xb8;
	[tilespmem:$0x7E60] =	vst v63  }
.LBB2_11:
0x163: {  	_ =	sfence.sel $0x180000  }
0x164: {  	[bflag:$0x0] =	sbarrier.arrive $0xFFFF  }
0x165: {  	_ =	strace $0x9000004A  }
0x166: {  	s0 =	stileid.u32;
	[bflag:$0x2] =	sbarrier.arrive $0xFFFF  }
0x167: {  	p0 =	sne.s32 s0, $0x0;
	s0 =	rddreg [dreg:$0x7]  }
0x168: {  	s0 =	sadd.s32 @!p0 $0x100000, s0  }
0x169: {  	[sflag:s0] =	ssyncadd.tile.s32 @!p0 $0x1;
	_ =	shalt  }
.Lfunc_end2:
_tile_overlayer_lowered:
.L_overlay_start_2:
0x16a: {  	(tag) =	ssettag $0x2  }
0x16b: {  	s0 =	rddreg [dreg:$0x0];
	s2 =	stileid.u32  }
0x16c: {  	s1 =	rddreg [dreg:$0x1];
	p0 =	sne.s32 s2, $0x0  }
0x16d: {  	s3 =	rddreg [dreg:$0x2];
	[bflag:$0x3] =	sbarrier.arrive $0xFFFF;
	s2 =	simm.s32 @!p0 $0x1C07  }
0x16e: {  	[timem:s3], [sflag:s2] =	dma.local @!p0 [hbm:s0], s1  }
0x16f: {  	s0 =	simm.s32 @!p0 $0x7  }
0x170: {  	_ =	swait.ge @!p0 [sflag:s0], s1  }
0x171: {  	s1 =	ssub.s32 @!p0 $0x0, s1;
	[sflag:s0] =	ssyncset.done @!p0 $0x0  }
0x172: {  	[sflag:s0] =	ssyncadd.s32 @!p0 s1  }
0x173: {  	[bflag:$0x3] =	sbarrier.arrive $0xFFFF  }
0x174: {  	_ =	shalt  }

// kernel: kernel.7.cloned.1.call-start
scs
__scs_entry_jumppad:
0x0: {  	(pc) =	sbr.rel $0x88, $3  }
0x1: {  	(tag) =	ssettag $0x0;
	lr =	simm.s32 $0x1  }
0x2: {  	[smem:$0x3F87] =	sst lr;
	_ =	strace $0xD0000000  }
0x3: {  	_ = 	snop  }
0x4: {  	_ = 	snop  }
0x5: {  	_ = 	snop  }
0x6: {  	_ = 	snop  }
0x7: {  	_ = 	snop  }
__scs_overlays_trampoline_lowered:
0x8: {  	[smem:$0x3F96] =	sst s0  }
0x9: {  	[smem:$0x3F97] =	sst s1  }
0xa: {  	[smem:$0x3F98] =	sst s2  }
0xb: {  	[smem:$0x3F99] =	sst s3  }
0xc: {  	[smem:$0x3F9A] =	sst s4  }
0xd: {  	[smem:$0x3F9B] =	sst s5  }
0xe: {  	[smem:$0x3F9C] =	sst s6  }
0xf: {  	[smem:$0x3F9D] =	sst s7  }
0x10: {  	[smem:$0x3F9E] =	sst s8  }
0x11: {  	[smem:$0x3F9F] =	sst s9;
	s0 =	simm.s32 @!p0 $0x0  }
0x12: {  	s1 =	sld [smem:$0x3F85];
	s0 =	simm.s32 @p0 $0x1  }
0x13: {  	[smem:$0x3FA0] =	sst s0;
	s0 =	simm.s32 @!p1 $0x0  }
0x14: {  	s2 =	sld [smem:$0x3F84];
	s0 =	simm.s32 @p1 $0x1  }
0x15: {  	[smem:$0x3FA1] =	sst s0;
	s0 =	simm.s32 @!p2 $0x0  }
0x16: {  	s3 =	sld [smem:$0x3FDB];
	s0 =	simm.s32 @p2 $0x1  }
0x17: {  	s4 =	simm.s32 $0x1BF5;
	[smem:$0x3FA3] =	sst s0  }
0x18: {  	s0 =	sld [smem:$0x3F86];
	_ =	swait.ge [sflag:s4], $0x0  }
0x19: {  	s7 =	sld [smem:$0x3F87]  }
0x1a: {  	s8 =	sadd.s32 $0xFFFFE003, lr  }
0x1b: {  	s9 =	sadd.s32 $0xFFFFFEF7, lr;
	s5 =	simm.s32 $0xFFFFFFFF;
	p2 =	slt.u32 s8, $0xFFFFF086  }
0x1c: {  	p1 =	slt.u32 s9, $0xF7A;
	s5 =	simm.s32 @!p2 $0x0  }
0x1d: {  	s5 =	simm.s32 @p1 $0x1;
	p0 =	seq.s32 s7, s2  }
0x1e: {  	s7 =	smul.u32 @!p0 $0xF7A, s2;
	p2 =	seq.s32 @!p0 s5, $0x0  }
0x1f: {  	s9 =	smul.u32 $0xF7A, s1;
	s8 =	simm.s32 @!p0 $0x1BF5;
	p2 =	por !p2, p0  }
0x20: {  	[sflag:s8] =	ssyncset.s32 @!p0 $0xFFFFF086;
	s6 =	sadd.s32 @!p0 s3, s7;
	s7 =	simm.s32 @!p0 $0x108  }
0x21: {  	s3 =	sadd.s32 s3, s9;
	s6 =	sadd.s32 @!p0 $0x88, s6;
	s7 =	simm.s32 @p2 $0x1082  }
0x22: {  	[simem:s7], [sflag:s8] =	dma.local @!p0 [hbm:s6], $0xF7A  }
0x23: {  	s9 =	sor.u32 $0xD0000000, s2;
	s6 =	simm.s32 $0x108;
	_ =	swait.ge @!p0 [sflag:s8], $0x0  }
0x24: {  	s3 =	sadd.s32 $0x88, s3;
	s6 =	simm.s32 @!p1 $0x1082;
	[sflag:s4] =	ssyncset.s32 $0xFFFFF086  }
0x25: {  	[simem:s6], [sflag:s4] =	dma.local [hbm:s3], $0xF7A  }
0x26: {  	[smem:$0x3F87] =	sst s1;
	(tag) =	ssettag s2;
	_ =	strace s9  }
0x27: {  	s1 =	sld [smem:$0x3F97]  }
0x28: {  	s2 =	sld [smem:$0x3F98]  }
0x29: {  	s4 =	sld [smem:$0x3F9A]  }
0x2a: {  	p0 =	seq.s32 s5, $0x0;
	s5 =	sld [smem:$0x3F9B]  }
0x2b: {  	s6 =	sld [smem:$0x3F9C]  }
0x2c: {  	s7 =	sld [smem:$0x3F9D]  }
0x2d: {  	s3 =	simm.s32 $0x108;
	s8 =	sld [smem:$0x3F9E]  }
0x2e: {  	s3 =	simm.s32 @!p0 $0x1082;
	s9 =	sld [smem:$0x3F9F]  }
0x2f: {  	lr =	sadd.s32 s0, s3;
	s0 =	sld [smem:$0x3F96]  }
0x30: {  	s3 =	sld [smem:$0x3F99]  }
0x31: {  	[smem:$0x3FA2] =	sst s10  }
0x32: {  	s10 =	sld [smem:$0x3FA0];
	_ =	sdelay $0x3  }
0x33: {  	p0 =	seq.s32 s10, $0x1;
	s10 =	sld [smem:$0x3FA2];
	_ =	sdelay $0x3  }
0x34: {  	[smem:$0x3FA2] =	sst s10  }
0x35: {  	s10 =	sld [smem:$0x3FA1];
	_ =	sdelay $0x3  }
0x36: {  	p1 =	seq.s32 s10, $0x1;
	s10 =	sld [smem:$0x3FA2];
	_ =	sdelay $0x3  }
0x37: {  	[smem:$0x3FA2] =	sst s10  }
0x38: {  	s10 =	sld [smem:$0x3FA3]  }
0x39: {  	_ = 	snop;
	(pc) =	sbr.ind lr, $3  }
0x3a: {  	_ = 	snop  }
0x3b: {  	_ = 	snop  }
0x3c: {  	p2 =	seq.s32 s10, $0x1;
	s10 =	sld [smem:$0x3FA2]  }
0x3d: {  	_ =	shalt  }
0x3e: {  	_ =	shalt  }
0x3f: {  	_ =	shalt  }
0x40: {  	_ =	shalt  }
0x41: {  	_ =	shalt  }
0x42: {  	_ =	shalt  }
0x43: {  	_ =	shalt  }
0x44: {  	_ =	shalt  }
0x45: {  	_ =	shalt  }
0x46: {  	_ =	shalt  }
0x47: {  	_ =	shalt  }
0x48: {  	_ =	shalt  }
0x49: {  	_ =	shalt  }
0x4a: {  	_ =	shalt  }
0x4b: {  	_ =	shalt  }
0x4c: {  	_ =	shalt  }
0x4d: {  	_ =	shalt  }
0x4e: {  	_ =	shalt  }
0x4f: {  	_ =	shalt  }
0x50: {  	_ =	shalt  }
0x51: {  	_ =	shalt  }
0x52: {  	_ =	shalt  }
0x53: {  	_ =	shalt  }
0x54: {  	_ =	shalt  }
0x55: {  	_ =	shalt  }
0x56: {  	_ =	shalt  }
0x57: {  	_ =	shalt  }
0x58: {  	_ =	shalt  }
0x59: {  	_ =	shalt  }
0x5a: {  	_ =	shalt  }
0x5b: {  	_ =	shalt  }
0x5c: {  	_ =	shalt  }
0x5d: {  	_ =	shalt  }
0x5e: {  	_ =	shalt  }
0x5f: {  	_ =	shalt  }
0x60: {  	_ =	shalt  }
0x61: {  	_ =	shalt  }
0x62: {  	_ =	shalt  }
0x63: {  	_ =	shalt  }
0x64: {  	_ =	shalt  }
0x65: {  	_ =	shalt  }
0x66: {  	_ =	shalt  }
0x67: {  	_ =	shalt  }
0x68: {  	_ =	shalt  }
0x69: {  	_ =	shalt  }
0x6a: {  	_ =	shalt  }
0x6b: {  	_ =	shalt  }
0x6c: {  	_ =	shalt  }
0x6d: {  	_ =	shalt  }
0x6e: {  	_ =	shalt  }
0x6f: {  	_ =	shalt  }
0x70: {  	_ =	shalt  }
0x71: {  	_ =	shalt  }
0x72: {  	_ =	shalt  }
0x73: {  	_ =	shalt  }
0x74: {  	_ =	shalt  }
0x75: {  	_ =	shalt  }
0x76: {  	_ =	shalt  }
0x77: {  	_ =	shalt  }
0x78: {  	_ =	shalt  }
0x79: {  	_ =	shalt  }
0x7a: {  	_ =	shalt  }
0x7b: {  	_ =	shalt  }
0x7c: {  	_ =	shalt  }
0x7d: {  	_ =	shalt  }
0x7e: {  	_ =	shalt  }
0x7f: {  	_ =	shalt  }
0x80: {  	_ =	shalt  }
0x81: {  	_ =	shalt  }
0x82: {  	_ =	shalt  }
0x83: {  	_ =	shalt  }
0x84: {  	_ =	shalt  }
0x85: {  	_ =	shalt  }
0x86: {  	_ =	shalt  }
0x87: {  	_ =	shalt  }
.Lfunc_end0:
.L_simem_size_0:
called_computation_lowered:
.L_overlay_start_0:
0x88: {  	s2 =	sld [smem:$0x3FD9]  }
0x89: {  	s3 =	sld [smem:$0x3FFE];
	_ =	sdelay $0x1  }
0x8a: {  	s1 =	srdreg.scid  }
0x8b: {  	s0 =	sand.u32 $0x1, s1  }
0x8c: {  	s16 =	sshll.u32 s0, $0xA;
	s2 =	sadd.s32 s3, s2  }
0x8d: {  	s2 =	sadd.s32 s2, s16  }
0x8e: {  	[smem:$0x3FAE] =	sst s2  }
0x8f: {  	_ = 	snop  }
0x90: {  	(tm) =	ssettm $0x1  }
0x91: {  	s17 =	sld [smem:$0x3FFB];
	_ =	sdelay $0x3  }
0x92: {  	_ =	strace s17  }
0x93: {  	s2 =	sld [smem:$0x3FFC];
	_ =	sdelay $0x3  }
0x94: {  	_ =	strace s2  }
0x95: {  	s2 =	sld [smem:$0x3FFD];
	_ =	sdelay $0x3  }
0x96: {  	_ =	strace s2  }
0x97: {  	_ =	strace $0x8FFFFFFF  }
0x98: {  	s18 =	sld [smem:$0x3FDB];
	_ =	sdelay $0x1  }
0x99: {  	s19 =	simm.s32 $_scs_section_size  }
0x9a: {  	s4 =	simm.s32 $_size__tile_overlayer_lowered;
	s5 =	simm.s32 $_tile_overlayer_lowered  }
0x9b: {  	s22 =	simm.s32 $0x1BFF;
	s21 =	sshll.u32 s5, $0x1;
	s2 =	sadd.s32 s19, s18  }
0x9c: {  	s6 =	simm.s32 $0x0;
	s20 =	sshll.u32 s4, $0x1;
	s4 =	sadd.s32 s21, s2  }
0x9d: {  	[timem:s6], [sflag:s22] =	dma.local [hbm:s4], s20  }
0x9e: {  	_ =	swait.ge [sflag:s22], s20  }
0x9f: {  	s3 =	ssub.s32 $0x0, s20;
	[sflag:s22] =	ssyncset.done $0x0  }
0xa0: {  	[sflag:s22] =	ssyncadd.s32 s3;
	_ =	sdelay $0x1  }
0xa1: {  	s23 =	simm.s32 $0x1B8B  }
0xa2: {  	_ =	swait.ge [sflag:s23], $0x1  }
0xa3: {  	[sflag:s23] =	ssyncset.done $0x0  }
0xa4: {  	s25 =	simm.s32 $0x1B8E;
	s24 =	sld [smem:$0x3FFE];
	[sflag:s23] =	ssyncadd.s32 $0xFFFFFFFF  }
0xa5: {  	s26 =	simm.s32 $execute0_lowered;
	[smem:$0x3FD2] =	sst s25  }
0xa6: {  	s4 =	sshll.u32 s26, $0x1;
	_ =	strace $0x80000046;
	[dreg:$0x1] =	wrdreg $0xFFFFFFFF  }
0xa7: {  	s28 =	simm.s32 $_size_execute0_lowered;
	s2 =	sadd.s32 s2, s4;
	[dreg:$0x0] =	wrdreg $0x0  }
0xa8: {  	s4 =	sshll.u32 s28, $0x1;
	[dreg:$0x2] =	wrdreg s2  }
0xa9: {  	[dreg:$0x3] =	wrdreg s4  }
0xaa: {  	[dreg:$0x4] =	wrdreg $0xC0  }
0xab: {  	_ =	task [dreg:s6], $0x5FFFF  }
0xac: {  	[dreg:$0x1] =	wrdreg $0xFFFFFFFF  }
0xad: {  	[dreg:$0x0] =	wrdreg $0x60  }
0xae: {  	[dreg:$0x2] =	wrdreg s24  }
0xaf: {  	[dreg:$0x3] =	wrdreg $0x0  }
0xb0: {  	[dreg:$0x4] =	wrdreg $0x9  }
0xb1: {  	_ =	task.clear_ibuf [dreg:s6], $0x5FFFF;
	_ =	strace $0x90000046  }
0xb2: {  	s29 =	simm.s32 $0x9;
	_ =	strace $0x80000048  }
0xb3: {  	_ =	swait.ge [sflag:s29], $0x1  }
0xb4: {  	[sflag:s29] =	ssyncadd.s32 $0xFFFFFFFF  }
0xb5: {  	_ =	strace $0x90000048  }
0xb6: {  	_ =	sfence  }
0xb7: {  	s30 =	sld [smem:$0x0];
	_ =	sdelay $0x2  }
0xb8: {  	s31 =	sshll.u32 s1, $0xD;
	s1 =	sshrl.u32 s1, $0x2  }
0xb9: {  	s3 =	sand.u32 $0x4000, s31;
	s1 =	sadd.s32 s1, s30  }
0xba: {  	s0 =	sor.u32 s3, s0;
	s1 =	sshll.u32 s1, $0x11  }
0xbb: {  	s0 =	sor.u32 s1, s0  }
0xbc: {  	s0 =	sadd.s32 $0x8F2B, s0  }
0xbd: {  	[sflag:s0] =	ssyncadd.remote.s32 $0x1  }
0xbe: {  	_ =	sfence.sel $0xFFFF  }
0xbf: {  	[dreg:$0x0] =	wrdreg $0xFFFFFFFF;
	(pc) =	sbr.abs _section_cstart, $3  }
0xc0: {  	[dreg:$0x1] =	wrdreg $0xFFFFFFFF  }
0xc1: {  	_ =	task.clear_ibuf [dreg:s6], $0x2FFFF;
	_ =	strace $0x9FFFFFFF  }
0xc2: {  	(tm) =	ssettm $0x7FFFFFFF  }
0xc3: {  	_ =	shalt  }
tec
execute0_lowered:
.L_overlay_start_1:
0x0: {  	(tag) =	ssettag $0x1  }
0x1: {  	s0 =	rddreg [dreg:$0x0]  }
0x2: {  	s2 =	rddreg [dreg:$0x1];
	s9 =	stileid.u32;
	s3 =	simm.s32 $0x0  }
0x3: {  	s1 =	srdreg.scid;
	s17 =	simm.s32 $0x9E00;
	s18 =	simm.s32 $0x5  }
0x4: {  	s19 =	simm.s32 $0xB200;
	s28 =	simm.s32 $0x2;
	s29 =	simm.s32 $0x3  }
0x5: {  	s30 =	simm.s32 $0xB280;
	s31 =	simm.s32 $0x9F00;
	s5 =	smul.u32 $0x1400, s9  }
0x6: {  	[smem:$0x7FF] =	sst s3;
	s1 =	sand.u32 $0x1, s1;
	s7 =	smul.u32 $0x13C00, s9  }
0x7: {  	s4 =	sadd.s32 $0xA400, s0;
	s26 =	sshll.u32 s9, $0x6;
	p0 =	seq.s32 s1, $0x0  }
0x8: {  	s8 =	smul.u32 $0x13C000, s1;
	_ =	strace $0x80000047;
	s1 =	ssub.s32 $0x2, s1  }
0x9: {  	s20 =	sor.u32 $0x1C05, s26;
	s26 =	simm.s32 $0xE600;
	s6 =	sadd.s32 $0x14000, s5  }
0xa: {  	s22 =	sshrl.u32 s1, $0x1;
	s6 =	smov.u32 @p0 s5;
	s5 =	sadd.s32 $0x1DE00, s0  }
0xb: {  	s8 =	sadd.s32 s7, s8;
	s1 =	ssub.s32 s1, s22;
	s7 =	sshrl.u32 s7, $0x1  }
0xc: {  	s22 =	simm.s32 $0x80;
	s6 =	sshrl.u32 s6, $0x3;
	s8 =	sshrl.u32 s8, $0x4  }
0xd: {  	s7 =	sadd.s32 s7, s2;
	s16 =	smax.u32 s1, $0x1;
	s1 =	simm.s32 $0x0  }
0xe: {  	s14 =	sadd.s32 s6, s0;
	s6 =	sadd.s32 $0x9000, s0;
	s0 =	sadd.s32 s8, s0  }
0xf: {  	s21 =	sshrl.u32 s7, $0x3;
	s23 =	sadd.s32 $0x3BC00, s14;
	s24 =	sadd.s32 $0x40E00, s14  }
.Ltmp0:
0x10: {  	s25 =	sadd.s32 $0x50400, s0;
	s10 =	sadd.s32 $0x36A00, s14;
	(pc) =	sbr.rel .LBB2_1-.Ltmp0, $4  }
0x11: {  	s11 =	sadd.s32 $0x46000, s14;
	s12 =	sadd.s32 $0x77C00, s0;
	[dreg:$0x3] =	wrdreg s23  }
0x12: {  	s13 =	sadd.s32 $0x31800, s14;
	s14 =	sadd.s32 $0x4B200, s14;
	[dreg:$0x4] =	wrdreg s24  }
0x13: {  	s15 =	sadd.s32 $0x9F400, s0;
	s0 =	simm.s32 $0x4;
	[dreg:$0x5] =	wrdreg s25  }
0x14: {  	s23 =	simm.s32 $0xC600;
	s24 =	simm.s32 $0x1;
	s25 =	simm.s32 $0x9E80  }
.LBB2_10:
0x15: {  	_ =	swait.ge [sflag:s0], $0x2000  }
0x16: {  	s1 =	sadd.s32 $0x1, s1;
	[sflag:s0] =	ssyncset.done $0x0  }
0x17: {  	p0 =	sne.s32 s1, s16;
	[sflag:s0] =	ssyncadd.s32 $0xFFFFE000  }
.Ltmp1:
0x18: {  	[bflag:$0x0] =	sbarrier.arrive $0xFFFF;
	(pc) =	sbr.rel @!p0 .LBB2_11-.Ltmp1, $4  }
0x19: {  	[hbm:s15], [sflag:s20] =	dma.local [spmem:s21], $0x13C0  }
0x1a: {  	_ =	swait.ge [sflag:s18], $0x13C0  }
0x1b: {  	[sflag:s18] =	ssyncset.done $0x0  }
0x1c: {  	[sflag:s18] =	ssyncadd.s32 $0xFFFFEC40  }
.LBB2_1:
0x1d: {  	s7 =	rddreg [dreg:$0x3]  }
0x1e: {  	[tilespmem:s17], [sflag:$0x5] =	stream.linear.gather [hbm4b:s7+s3], $0x1400, $0x38;
	[tilespmem:$0x10600] =	vst v63  }
0x1f: {  	_ =	swait.ge [sflag:s18], $0x1400  }
0x20: {  	[sflag:s18] =	ssyncset.done $0x0  }
0x21: {  	s9 =	rddreg [dreg:$0x4];
	[sflag:s18] =	ssyncadd.s32 $0xFFFFEC00  }
0x22: {  	[tilespmem:s19], [sflag:$0x5] =	stream.linear.gather [hbm4b:s9+s3], $0x1400, $0x38;
	[tilespmem:$0x10600] =	vst v63  }
0x23: {  	_ =	swait.ge [sflag:s18], $0x1400  }
0x24: {  	[sflag:s18] =	ssyncset.done $0x0  }
0x25: {  	[sflag:s18] =	ssyncadd.s32 $0xFFFFEC00  }
0x26: {  	[spmem:s21], [sflag:s20] =	dma.local [hbm:s6], $0x13C0  }
0x27: {  	_ =	swait.ge [sflag:s18], $0x13C0  }
0x28: {  	[sflag:s18] =	ssyncset.done $0x0  }
0x29: {  	[sflag:s18] =	ssyncadd.s32 $0xFFFFEC40  }
0x2a: {  	[bflag:$0x0] =	sbarrier.arrive $0xFFFF  }
0x2b: {  	[tilespmem:s23], [sflag:$0x1] =	stream.indirect.gather [hbm4b:s4+s22], $0x40, s17, s22, $0xb8;
	[tilespmem:$0x10600] =	vst v63  }
0x2c: {  	_ =	swait.ge [sflag:s24], $0x2000  }
0x2d: {  	[sflag:s24] =	ssyncset.done $0x0  }
0x2e: {  	[sflag:s24] =	ssyncadd.s32 $0xFFFFE000  }
0x2f: {  	[spmem:s2] =	stream.indirect.scatter.add.bf16 [tilespmem:s23], [sflag:$0x3], $0x40, s19, s22, $0xb8;
	[tilespmem:$0x10600] =	vst v63  }
0x30: {  	_ = 	snop  }
0x31: {  	[tilespmem:s26], [sflag:$0x2] =	stream.indirect.gather [hbm4b:s4+s22], $0x40, s25, s22, $0xb8;
	[tilespmem:$0x10600] =	vst v63  }
0x32: {  	_ =	swait.ge [sflag:s28], $0x2000  }
0x33: {  	[sflag:s28] =	ssyncset.done $0x0  }
0x34: {  	[sflag:s28] =	ssyncadd.s32 $0xFFFFE000  }
0x35: {  	_ =	swait.ge [sflag:s29], $0x2000  }
0x36: {  	[sflag:s29] =	ssyncset.done $0x0  }
0x37: {  	[sflag:s29] =	ssyncadd.s32 $0xFFFFE000  }
0x38: {  	[spmem:s2] =	stream.indirect.scatter.add.bf16 [tilespmem:s26], [sflag:$0x4], $0x40, s30, s22, $0xb8;
	[tilespmem:$0x10600] =	vst v63  }
0x39: {  	s7 =	simm.s32 $0xFFFFB800  }
0x3a: {  	[tilespmem:s23], [sflag:$0x1] =	stream.indirect.gather [hbm4b:s4+s22], $0x40, s31, s22, $0xb8;
	[tilespmem:$0x10600] =	vst v63  }
.LBB2_2:
0x3b: {  	_ =	swait.ge [sflag:s24], $0x2000  }
0x3c: {  	[sflag:s24] =	ssyncset.done $0x0  }
0x3d: {  	[sflag:s24] =	ssyncadd.s32 $0xFFFFE000  }
0x3e: {  	_ =	swait.ge [sflag:s0], $0x2000  }
0x3f: {  	s8 =	sshra.s32 s7, $0x2;
	[sflag:s0] =	ssyncset.done $0x0  }
0x40: {  	s9 =	sadd.s32 $0xC500, s8;
	[sflag:s0] =	ssyncadd.s32 $0xFFFFE000  }
0x41: {  	[spmem:s2] =	stream.indirect.scatter.add.bf16 [tilespmem:s23], [sflag:$0x3], $0x40, s9, s22, $0xb8;
	[tilespmem:$0x10600] =	vst v63  }
0x42: {  	s9 =	sadd.s32 $0xB180, s8  }
0x43: {  	[tilespmem:s26], [sflag:$0x2] =	stream.indirect.gather [hbm4b:s4+s22], $0x40, s9, s22, $0xb8;
	[tilespmem:$0x10600] =	vst v63  }
0x44: {  	_ =	swait.ge [sflag:s28], $0x2000  }
0x45: {  	p0 =	seq.s32 s7, $0x0;
	[sflag:s28] =	ssyncset.done $0x0  }
.Ltmp2:
0x46: {  	[sflag:s28] =	ssyncadd.s32 $0xFFFFE000;
	(pc) =	sbr.rel @p0 .LBB2_4-.Ltmp2, $4  }
0x47: {  	_ =	swait.ge [sflag:s29], $0x2000  }
0x48: {  	[sflag:s29] =	ssyncset.done $0x0  }
0x49: {  	s9 =	sadd.s32 $0xC580, s8;
	[sflag:s29] =	ssyncadd.s32 $0xFFFFE000  }
0x4a: {  	[spmem:s2] =	stream.indirect.scatter.add.bf16 [tilespmem:s26], [sflag:$0x4], $0x40, s9, s22, $0xb8;
	[tilespmem:$0x10600] =	vst v63  }
.Ltmp3:
0x4b: {  	(pc) =	sbr.rel .LBB2_2-.Ltmp3, $3  }
0x4c: {  	_ =	sdelay $0x1  }
0x4d: {  	s8 =	sadd.s32 $0xB200, s8;
	s7 =	sadd.s32 $0x400, s7  }
0x4e: {  	[tilespmem:s23], [sflag:$0x1] =	stream.indirect.gather [hbm4b:s4+s22], $0x40, s8, s22, $0xb8;
	[tilespmem:$0x10600] =	vst v63  }
.LBB2_4:
0x4f: {  	_ =	swait.ge [sflag:s0], $0x2000  }
0x50: {  	[sflag:s0] =	ssyncset.done $0x0  }
0x51: {  	[sflag:s0] =	ssyncadd.s32 $0xFFFFE000  }
0x52: {  	[bflag:$0x0] =	sbarrier.arrive $0xFFFF  }
0x53: {  	s7 =	rddreg [dreg:$0x5]  }
0x54: {  	[hbm:s7], [sflag:s20] =	dma.local [spmem:s21], $0x13C0  }
0x55: {  	_ =	swait.ge [sflag:s18], $0x13C0  }
0x56: {  	[sflag:s18] =	ssyncset.done $0x0  }
0x57: {  	[sflag:s18] =	ssyncadd.s32 $0xFFFFEC40  }
0x58: {  	[tilespmem:s17], [sflag:$0x5] =	stream.linear.gather [hbm4b:s10+s3], $0x1400, $0x38;
	[tilespmem:$0x10600] =	vst v63  }
0x59: {  	_ =	swait.ge [sflag:s18], $0x1400  }
0x5a: {  	[sflag:s18] =	ssyncset.done $0x0  }
0x5b: {  	[sflag:s18] =	ssyncadd.s32 $0xFFFFEC00  }
0x5c: {  	[tilespmem:s19], [sflag:$0x5] =	stream.linear.gather [hbm4b:s11+s3], $0x1400, $0x38;
	[tilespmem:$0x10600] =	vst v63  }
0x5d: {  	_ =	swait.ge [sflag:s18], $0x1400  }
0x5e: {  	[sflag:s18] =	ssyncset.done $0x0  }
0x5f: {  	[sflag:s18] =	ssyncadd.s32 $0xFFFFEC00  }
0x60: {  	[spmem:s21], [sflag:s20] =	dma.local [hbm:s6], $0x13C0  }
0x61: {  	_ =	swait.ge [sflag:s18], $0x13C0  }
0x62: {  	[sflag:s18] =	ssyncset.done $0x0  }
0x63: {  	[sflag:s18] =	ssyncadd.s32 $0xFFFFEC40  }
0x64: {  	[bflag:$0x0] =	sbarrier.arrive $0xFFFF  }
0x65: {  	[tilespmem:s23], [sflag:$0x1] =	stream.indirect.gather [hbm4b:s4+s22], $0x40, s17, s22, $0xb8;
	[tilespmem:$0x10600] =	vst v63  }
0x66: {  	_ =	swait.ge [sflag:s24], $0x2000  }
0x67: {  	[sflag:s24] =	ssyncset.done $0x0  }
0x68: {  	[sflag:s24] =	ssyncadd.s32 $0xFFFFE000  }
0x69: {  	[spmem:s2] =	stream.indirect.scatter.add.bf16 [tilespmem:s23], [sflag:$0x3], $0x40, s19, s22, $0xb8;
	[tilespmem:$0x10600] =	vst v63  }
0x6a: {  	_ = 	snop  }
0x6b: {  	[tilespmem:s26], [sflag:$0x2] =	stream.indirect.gather [hbm4b:s4+s22], $0x40, s25, s22, $0xb8;
	[tilespmem:$0x10600] =	vst v63  }
0x6c: {  	_ =	swait.ge [sflag:s28], $0x2000  }
0x6d: {  	[sflag:s28] =	ssyncset.done $0x0  }
0x6e: {  	[sflag:s28] =	ssyncadd.s32 $0xFFFFE000  }
0x6f: {  	_ =	swait.ge [sflag:s29], $0x2000  }
0x70: {  	[sflag:s29] =	ssyncset.done $0x0  }
0x71: {  	[sflag:s29] =	ssyncadd.s32 $0xFFFFE000  }
0x72: {  	[spmem:s2] =	stream.indirect.scatter.add.bf16 [tilespmem:s26], [sflag:$0x4], $0x40, s30, s22, $0xb8;
	[tilespmem:$0x10600] =	vst v63  }
0x73: {  	s7 =	simm.s32 $0xFFFFB800  }
0x74: {  	[tilespmem:s23], [sflag:$0x1] =	stream.indirect.gather [hbm4b:s4+s22], $0x40, s31, s22, $0xb8;
	[tilespmem:$0x10600] =	vst v63  }
.LBB2_5:
0x75: {  	_ =	swait.ge [sflag:s24], $0x2000  }
0x76: {  	[sflag:s24] =	ssyncset.done $0x0  }
0x77: {  	[sflag:s24] =	ssyncadd.s32 $0xFFFFE000  }
0x78: {  	_ =	swait.ge [sflag:s0], $0x2000  }
0x79: {  	s8 =	sshra.s32 s7, $0x2;
	[sflag:s0] =	ssyncset.done $0x0  }
0x7a: {  	s9 =	sadd.s32 $0xC500, s8;
	[sflag:s0] =	ssyncadd.s32 $0xFFFFE000  }
0x7b: {  	[spmem:s2] =	stream.indirect.scatter.add.bf16 [tilespmem:s23], [sflag:$0x3], $0x40, s9, s22, $0xb8;
	[tilespmem:$0x10600] =	vst v63  }
0x7c: {  	s9 =	sadd.s32 $0xB180, s8  }
0x7d: {  	[tilespmem:s26], [sflag:$0x2] =	stream.indirect.gather [hbm4b:s4+s22], $0x40, s9, s22, $0xb8;
	[tilespmem:$0x10600] =	vst v63  }
0x7e: {  	_ =	swait.ge [sflag:s28], $0x2000  }
0x7f: {  	p0 =	seq.s32 s7, $0x0;
	[sflag:s28] =	ssyncset.done $0x0  }
.Ltmp4:
0x80: {  	[sflag:s28] =	ssyncadd.s32 $0xFFFFE000;
	(pc) =	sbr.rel @p0 .LBB2_7-.Ltmp4, $4  }
0x81: {  	_ =	swait.ge [sflag:s29], $0x2000  }
0x82: {  	[sflag:s29] =	ssyncset.done $0x0  }
0x83: {  	s9 =	sadd.s32 $0xC580, s8;
	[sflag:s29] =	ssyncadd.s32 $0xFFFFE000  }
0x84: {  	[spmem:s2] =	stream.indirect.scatter.add.bf16 [tilespmem:s26], [sflag:$0x4], $0x40, s9, s22, $0xb8;
	[tilespmem:$0x10600] =	vst v63  }
.Ltmp5:
0x85: {  	(pc) =	sbr.rel .LBB2_5-.Ltmp5, $3  }
0x86: {  	_ =	sdelay $0x1  }
0x87: {  	s8 =	sadd.s32 $0xB200, s8;
	s7 =	sadd.s32 $0x400, s7  }
0x88: {  	[tilespmem:s23], [sflag:$0x1] =	stream.indirect.gather [hbm4b:s4+s22], $0x40, s8, s22, $0xb8;
	[tilespmem:$0x10600] =	vst v63  }
.LBB2_7:
0x89: {  	_ =	swait.ge [sflag:s0], $0x2000  }
0x8a: {  	[sflag:s0] =	ssyncset.done $0x0  }
0x8b: {  	[sflag:s0] =	ssyncadd.s32 $0xFFFFE000  }
0x8c: {  	[bflag:$0x0] =	sbarrier.arrive $0xFFFF  }
0x8d: {  	[hbm:s12], [sflag:s20] =	dma.local [spmem:s21], $0x13C0  }
0x8e: {  	_ =	swait.ge [sflag:s18], $0x13C0  }
0x8f: {  	[sflag:s18] =	ssyncset.done $0x0  }
0x90: {  	[sflag:s18] =	ssyncadd.s32 $0xFFFFEC40  }
0x91: {  	[tilespmem:s17], [sflag:$0x5] =	stream.linear.gather [hbm4b:s13+s3], $0x1400, $0x38;
	[tilespmem:$0x10600] =	vst v63  }
0x92: {  	_ =	swait.ge [sflag:s18], $0x1400  }
0x93: {  	[sflag:s18] =	ssyncset.done $0x0  }
0x94: {  	[sflag:s18] =	ssyncadd.s32 $0xFFFFEC00  }
0x95: {  	[tilespmem:s19], [sflag:$0x5] =	stream.linear.gather [hbm4b:s14+s3], $0x1400, $0x38;
	[tilespmem:$0x10600] =	vst v63  }
0x96: {  	_ =	swait.ge [sflag:s18], $0x1400  }
0x97: {  	[sflag:s18] =	ssyncset.done $0x0  }
0x98: {  	[sflag:s18] =	ssyncadd.s32 $0xFFFFEC00  }
0x99: {  	[spmem:s21], [sflag:s20] =	dma.local [hbm:s6], $0x13C0  }
0x9a: {  	_ =	swait.ge [sflag:s18], $0x13C0  }
0x9b: {  	[sflag:s18] =	ssyncset.done $0x0  }
0x9c: {  	[sflag:s18] =	ssyncadd.s32 $0xFFFFEC40  }
0x9d: {  	[bflag:$0x0] =	sbarrier.arrive $0xFFFF  }
0x9e: {  	[tilespmem:s23], [sflag:$0x1] =	stream.indirect.gather [hbm4b:s5+s22], $0x40, s17, s22, $0xb8;
	[tilespmem:$0x10600] =	vst v63  }
0x9f: {  	_ =	swait.ge [sflag:s24], $0x2000  }
0xa0: {  	[sflag:s24] =	ssyncset.done $0x0  }
0xa1: {  	[sflag:s24] =	ssyncadd.s32 $0xFFFFE000  }
0xa2: {  	[spmem:s2] =	stream.indirect.scatter.add.bf16 [tilespmem:s23], [sflag:$0x3], $0x40, s19, s22, $0xb8;
	[tilespmem:$0x10600] =	vst v63  }
0xa3: {  	_ = 	snop  }
0xa4: {  	[tilespmem:s26], [sflag:$0x2] =	stream.indirect.gather [hbm4b:s5+s22], $0x40, s25, s22, $0xb8;
	[tilespmem:$0x10600] =	vst v63  }
0xa5: {  	_ =	swait.ge [sflag:s28], $0x2000  }
0xa6: {  	[sflag:s28] =	ssyncset.done $0x0  }
0xa7: {  	[sflag:s28] =	ssyncadd.s32 $0xFFFFE000  }
0xa8: {  	_ =	swait.ge [sflag:s29], $0x2000  }
0xa9: {  	[sflag:s29] =	ssyncset.done $0x0  }
0xaa: {  	[sflag:s29] =	ssyncadd.s32 $0xFFFFE000  }
0xab: {  	[spmem:s2] =	stream.indirect.scatter.add.bf16 [tilespmem:s26], [sflag:$0x4], $0x40, s30, s22, $0xb8;
	[tilespmem:$0x10600] =	vst v63  }
0xac: {  	s7 =	simm.s32 $0xFFFFB800  }
0xad: {  	[tilespmem:s23], [sflag:$0x1] =	stream.indirect.gather [hbm4b:s5+s22], $0x40, s31, s22, $0xb8;
	[tilespmem:$0x10600] =	vst v63  }
.LBB2_8:
0xae: {  	_ =	swait.ge [sflag:s24], $0x2000  }
0xaf: {  	[sflag:s24] =	ssyncset.done $0x0  }
0xb0: {  	[sflag:s24] =	ssyncadd.s32 $0xFFFFE000  }
0xb1: {  	_ =	swait.ge [sflag:s0], $0x2000  }
0xb2: {  	s8 =	sshra.s32 s7, $0x2;
	[sflag:s0] =	ssyncset.done $0x0  }
0xb3: {  	s9 =	sadd.s32 $0xC500, s8;
	[sflag:s0] =	ssyncadd.s32 $0xFFFFE000  }
0xb4: {  	[spmem:s2] =	stream.indirect.scatter.add.bf16 [tilespmem:s23], [sflag:$0x3], $0x40, s9, s22, $0xb8;
	[tilespmem:$0x10600] =	vst v63  }
0xb5: {  	s9 =	sadd.s32 $0xB180, s8  }
0xb6: {  	[tilespmem:s26], [sflag:$0x2] =	stream.indirect.gather [hbm4b:s5+s22], $0x40, s9, s22, $0xb8;
	[tilespmem:$0x10600] =	vst v63  }
0xb7: {  	_ =	swait.ge [sflag:s28], $0x2000  }
0xb8: {  	p0 =	seq.s32 s7, $0x0;
	[sflag:s28] =	ssyncset.done $0x0  }
.Ltmp6:
0xb9: {  	[sflag:s28] =	ssyncadd.s32 $0xFFFFE000;
	(pc) =	sbr.rel @p0 .LBB2_10-.Ltmp6, $4  }
0xba: {  	_ =	swait.ge [sflag:s29], $0x2000  }
0xbb: {  	[sflag:s29] =	ssyncset.done $0x0  }
0xbc: {  	s9 =	sadd.s32 $0xC580, s8;
	[sflag:s29] =	ssyncadd.s32 $0xFFFFE000  }
0xbd: {  	[spmem:s2] =	stream.indirect.scatter.add.bf16 [tilespmem:s26], [sflag:$0x4], $0x40, s9, s22, $0xb8;
	[tilespmem:$0x10600] =	vst v63  }
.Ltmp7:
0xbe: {  	(pc) =	sbr.rel .LBB2_8-.Ltmp7, $3  }
0xbf: {  	_ =	sdelay $0x1  }
0xc0: {  	s8 =	sadd.s32 $0xB200, s8;
	s7 =	sadd.s32 $0x400, s7  }
0xc1: {  	[tilespmem:s23], [sflag:$0x1] =	stream.indirect.gather [hbm4b:s5+s22], $0x40, s8, s22, $0xb8;
	[tilespmem:$0x10600] =	vst v63  }
.LBB2_11:
0xc2: {  	_ =	sfence.sel $0x180000  }
0xc3: {  	[bflag:$0x0] =	sbarrier.arrive $0xFFFF  }
0xc4: {  	_ =	strace $0x90000047  }
0xc5: {  	s0 =	stileid.u32;
	[bflag:$0x2] =	sbarrier.arrive $0xFFFF  }
0xc6: {  	p0 =	sne.s32 s0, $0x0;
	s0 =	rddreg [dreg:$0x2]  }
0xc7: {  	s0 =	sadd.s32 @!p0 $0x100000, s0  }
0xc8: {  	[sflag:s0] =	ssyncadd.tile.s32 @!p0 $0x1;
	_ =	shalt  }
.Lfunc_end2:
_tile_overlayer_lowered:
.L_overlay_start_2:
0xc9: {  	(tag) =	ssettag $0x2  }
0xca: {  	s0 =	rddreg [dreg:$0x0];
	s2 =	stileid.u32  }
0xcb: {  	s1 =	rddreg [dreg:$0x1];
	p0 =	sne.s32 s2, $0x0  }
0xcc: {  	s3 =	rddreg [dreg:$0x2];
	[bflag:$0x3] =	sbarrier.arrive $0xFFFF;
	s2 =	simm.s32 @!p0 $0x1C05  }
0xcd: {  	[timem:s3], [sflag:s2] =	dma.local @!p0 [hbm:s0], s1  }
0xce: {  	s0 =	simm.s32 @!p0 $0x5  }
0xcf: {  	_ =	swait.ge @!p0 [sflag:s0], s1  }
0xd0: {  	s1 =	ssub.s32 @!p0 $0x0, s1;
	[sflag:s0] =	ssyncset.done @!p0 $0x0  }
0xd1: {  	[sflag:s0] =	ssyncadd.s32 @!p0 s1  }
0xd2: {  	[bflag:$0x3] =	sbarrier.arrive $0xFFFF  }
0xd3: {  	_ =	shalt  }

</sc_bundles>
